<compile_context>
chip_gen: v7x
topology: tpu7x:2x2x1
jax: 0.10.2.dev20260603
libtpu: 0.0.44.dev20260713+nightly
codegen_flags: <defaults>
</compile_context>

<pallas_src>
import functools

import jax
import jax.numpy as jnp
from jax import lax
from jax.experimental import pallas as pl
from jax.experimental.pallas import tpu as pltpu
from jax.experimental.pallas import tpu_sc as plsc

N_NODES = 50000
N_EDGES = 800000
IN_FEATS = 1433
HID = 128
OUT = 7

NPAD = 50176
NW = 32
EPW = N_EDGES // NW
SEG = 5000
BATCH = 128
STRIPE = NPAD // 16
EROWS = 6400
E_PAD = EROWS * BATCH
SEGB = 8
NBUF = 4
ROWS1 = EROWS // 16
ROWS2 = EROWS // NW

_sc_mesh = plsc.VectorSubcoreMesh(core_axis_name="c", subcore_axis_name="s")


@functools.partial(
    pl.kernel,
    out_type=[
        jax.ShapeDtypeStruct((NW, NPAD), jnp.float32),
        jax.ShapeDtypeStruct((NW, NPAD), jnp.float32),
    ],
    mesh=_sc_mesh,
    scratch_types=[
        pltpu.VMEM((NPAD,), jnp.float32),
        pltpu.VMEM((NPAD,), jnp.float32),
        pltpu.VMEM((SEG,), jnp.int32),
    ],
    compiler_params=pltpu.CompilerParams(needs_layout_passes=False),
)
def _deg_kernel(src_hbm, dst_hbm, dego_hbm, degi_hbm, acc_o, acc_i, seg_v):
    cid = lax.axis_index("c")
    sid = lax.axis_index("s")
    wid = sid * 2 + cid

    zeros = jnp.zeros((16,), jnp.float32)

    def zbody(i, _):
        acc_o[pl.ds(i * 16, 16)] = zeros
        acc_i[pl.ds(i * 16, 16)] = zeros
        return 0

    lax.fori_loop(0, NPAD // 16, zbody, 0, unroll=8)

    ones = jnp.ones((16,), jnp.float32)
    tail_mask = lax.iota(jnp.int32, 16) >= 8
    base = wid * EPW

    for arr, acc in ((src_hbm, acc_o), (dst_hbm, acc_i)):
        def seg_body(s, _):
            pltpu.sync_copy(arr.at[pl.ds(base + s * SEG, SEG)], seg_v)

            def vbody(i, _):
                iv = seg_v[pl.ds(i * 16, 16)]
                plsc.addupdate_scatter(acc, [iv], ones)
                return 0

            lax.fori_loop(0, SEG // 16, vbody, 0, unroll=8)
            tv = seg_v[pl.ds(SEG - 16, 16)]
            plsc.addupdate_scatter(acc, [tv], ones, mask=tail_mask)
            return 0

        lax.fori_loop(0, EPW // SEG, seg_body, 0)

    pltpu.sync_copy(acc_o, dego_hbm.at[wid])
    pltpu.sync_copy(acc_i, degi_hbm.at[wid])


def _norms_body(po_ref, pi_ref, out_ref):
    do = jnp.sum(po_ref[...], axis=0, keepdims=True)
    di = jnp.sum(pi_ref[...], axis=0, keepdims=True)
    no = jnp.where(do > 0, lax.rsqrt(do), 0.0)
    ni = jnp.where(di > 0, lax.rsqrt(di), 0.0)
    pad = jnp.zeros((6,) + no.shape[1:], jnp.float32)
    out_ref[...] = jnp.concatenate([no, ni, pad], axis=0)


def _norms(dego_p, degi_p):
    blk = 512
    return pl.pallas_call(
        _norms_body,
        grid=(NPAD // blk,),
        in_specs=[
            pl.BlockSpec((NW, blk), lambda i: (0, i)),
            pl.BlockSpec((NW, blk), lambda i: (0, i)),
        ],
        out_specs=pl.BlockSpec((8, blk), lambda i: (0, i)),
        out_shape=jax.ShapeDtypeStruct((8, NPAD), jnp.float32),
    )(dego_p, degi_p)


def _mm1_body(ns_ref, x_ref, w_ref, o_ref):
    h = lax.dot(x_ref[...], w_ref[...], preferred_element_type=jnp.float32)
    h = h * jnp.transpose(ns_ref[0:1, :])
    for p in range(4):
        o_ref[p] = h[:, 32 * p:32 * (p + 1)]


def _mm1(norms, features, W1):
    blk = 256
    k = features.shape[1]
    return pl.pallas_call(
        _mm1_body,
        grid=(NPAD // blk,),
        in_specs=[
            pl.BlockSpec((8, blk), lambda i: (0, i)),
            pl.BlockSpec((blk, k), lambda i: (i, 0)),
            pl.BlockSpec((k, HID), lambda i: (0, 0)),
        ],
        out_specs=pl.BlockSpec((4, blk, 32), lambda i: (0, i, 0)),
        out_shape=jax.ShapeDtypeStruct((4, NPAD, 32), jnp.float32),
    )(norms, features, W1)


@functools.partial(
    pl.kernel,
    out_type=jax.ShapeDtypeStruct((4 * NPAD, 32), jnp.float32),
    mesh=_sc_mesh,
    scratch_types=(
        [
            pltpu.VMEM((SEGB * BATCH,), jnp.int32),
            pltpu.VMEM((SEGB, BATCH), jnp.int32),
            pltpu.VMEM_SHARED((NPAD, 32), jnp.float32),
            pltpu.VMEM((BATCH, 32), jnp.float32),
        ]
        + [pltpu.VMEM((BATCH, 32), jnp.float32) for _ in range(NBUF)]
        + [pltpu.SemaphoreType.DMA for _ in range(NBUF)]
    ),
    compiler_params=pltpu.CompilerParams(needs_layout_passes=False,
                                         use_tc_tiling_on_sc=False),
)
def _agg1_kernel(src_hbm, dst2d_hbm, h4r_hbm, zeros_hbm, agg4_hbm,
                 gidx_v, didx_v, acc_sh, zero_v, *stage_sems):
    stages = stage_sems[:NBUF]
    sems = stage_sems[NBUF:]
    cid = lax.axis_index("c")
    sid = lax.axis_index("s")

    pltpu.sync_copy(zeros_hbm, zero_v)

    for pp in range(2):
        p = cid * 2 + pp
        for t in range(STRIPE // BATCH):
            pltpu.sync_copy(zero_v, acc_sh.at[pl.ds(sid * STRIPE + t * BATCH, BATCH), :])
        pltpu.sync_copy(zero_v.at[pl.ds(0, STRIPE % BATCH), :],
                        acc_sh.at[pl.ds(sid * STRIPE + (STRIPE // BATCH) * BATCH,
                                        STRIPE % BATCH), :])
        plsc.subcore_barrier()

        prow = p * NPAD

        def seg_body(s, _):
            r0 = sid * ROWS1 + s * SEGB
            pltpu.sync_copy(src_hbm.at[pl.ds(r0 * BATCH, SEGB * BATCH)], gidx_v)
            pltpu.sync_copy(dst2d_hbm.at[pl.ds(r0, SEGB), :], didx_v)

            def fix_body(j, _):
                gidx_v[pl.ds(j * 16, 16)] = gidx_v[pl.ds(j * 16, 16)] + prow
                return 0

            lax.fori_loop(0, SEGB * BATCH // 16, fix_body, 0, unroll=8)

            descs = []
            for b in range(NBUF):
                descs.append(pltpu.async_copy(
                    h4r_hbm.at[gidx_v.at[pl.ds(b * BATCH, BATCH)]],
                    stages[b], sems[b]))
            for b in range(SEGB):
                descs[b].wait()
                pltpu.sync_copy(stages[b % NBUF], acc_sh.at[didx_v.at[b]],
                                add=True)
                if b + NBUF < SEGB:
                    descs.append(pltpu.async_copy(
                        h4r_hbm.at[gidx_v.at[pl.ds((b + NBUF) * BATCH, BATCH)]],
                        stages[b % NBUF], sems[b % NBUF]))
            return 0

        lax.fori_loop(0, ROWS1 // SEGB, seg_body, 0)
        plsc.subcore_barrier()

        pltpu.sync_copy(
            acc_sh.at[pl.ds(sid * STRIPE, STRIPE), :],
            agg4_hbm.at[pl.ds(prow + sid * STRIPE, STRIPE), :])
        plsc.subcore_barrier()


def _mm2_body(ns_ref, a_ref, b1_ref, w_ref, o_ref):
    agg = jnp.concatenate([a_ref[0], a_ref[1], a_ref[2], a_ref[3]], axis=1)
    nd = jnp.transpose(ns_ref[1:2, :])
    ns = jnp.transpose(ns_ref[0:1, :])
    x1 = jax.nn.relu(agg * nd + b1_ref[...])
    x1 = x1 * ns
    o_ref[...] = lax.dot(x1, w_ref[...], preferred_element_type=jnp.float32)


def _mm2(norms, agg4, b1r, W2p):
    blk = 256
    return pl.pallas_call(
        _mm2_body,
        grid=(NPAD // blk,),
        in_specs=[
            pl.BlockSpec((8, blk), lambda i: (0, i)),
            pl.BlockSpec((4, blk, 32), lambda i: (0, i, 0)),
            pl.BlockSpec((1, HID), lambda i: (0, 0)),
            pl.BlockSpec((HID, 16), lambda i: (0, 0)),
        ],
        out_specs=pl.BlockSpec((blk, 16), lambda i: (i, 0)),
        out_shape=jax.ShapeDtypeStruct((NPAD, 16), jnp.float32),
    )(norms, agg4, b1r, W2p)


@functools.partial(
    pl.kernel,
    out_type=jax.ShapeDtypeStruct((2 * NPAD, 16), jnp.float32),
    mesh=_sc_mesh,
    scratch_types=(
        [
            pltpu.VMEM((SEGB, BATCH), jnp.int32),
            pltpu.VMEM((SEGB, BATCH), jnp.int32),
            pltpu.VMEM_SHARED((NPAD, 16), jnp.float32),
            pltpu.VMEM((BATCH, 16), jnp.float32),
        ]
        + [pltpu.VMEM((BATCH, 16), jnp.float32) for _ in range(NBUF)]
        + [pltpu.SemaphoreType.DMA for _ in range(NBUF)]
    ),
    compiler_params=pltpu.CompilerParams(needs_layout_passes=False,
                                         use_tc_tiling_on_sc=False),
)
def _agg2_kernel(src2d_hbm, dst2d_hbm, h2_hbm, zeros_hbm, part_hbm,
                 gidx_v, didx_v, acc_sh, zero_v, *stage_sems):
    stages = stage_sems[:NBUF]
    sems = stage_sems[NBUF:]
    cid = lax.axis_index("c")
    sid = lax.axis_index("s")
    wid = sid * 2 + cid

    pltpu.sync_copy(zeros_hbm, zero_v)
    for t in range(STRIPE // BATCH):
        pltpu.sync_copy(zero_v, acc_sh.at[pl.ds(sid * STRIPE + t * BATCH, BATCH), :])
    pltpu.sync_copy(zero_v.at[pl.ds(0, STRIPE % BATCH), :],
                    acc_sh.at[pl.ds(sid * STRIPE + (STRIPE // BATCH) * BATCH,
                                    STRIPE % BATCH), :])
    plsc.subcore_barrier()

    def seg_body(s, _):
        r0 = wid * ROWS2 + s * SEGB
        pltpu.sync_copy(src2d_hbm.at[pl.ds(r0, SEGB), :], gidx_v)
        pltpu.sync_copy(dst2d_hbm.at[pl.ds(r0, SEGB), :], didx_v)

        descs = []
        for b in range(NBUF):
            descs.append(pltpu.async_copy(
                h2_hbm.at[gidx_v.at[b]], stages[b], sems[b]))
        for b in range(SEGB):
            descs[b].wait()
            pltpu.sync_copy(stages[b % NBUF], acc_sh.at[didx_v.at[b]],
                            add=True)
            if b + NBUF < SEGB:
                descs.append(pltpu.async_copy(
                    h2_hbm.at[gidx_v.at[b + NBUF]],
                    stages[b % NBUF], sems[b % NBUF]))
        return 0

    lax.fori_loop(0, ROWS2 // SEGB, seg_body, 0)
    plsc.subcore_barrier()

    pltpu.sync_copy(
        acc_sh.at[pl.ds(sid * STRIPE, STRIPE), :],
        part_hbm.at[pl.ds(cid * NPAD + sid * STRIPE, STRIPE), :])


def _final_body(ns_ref, p_ref, b2_ref, o_ref):
    s = p_ref[0] + p_ref[1]
    nd = jnp.transpose(ns_ref[1:2, :])
    o_ref[...] = s * nd + b2_ref[...]


def _final(norms, parts, b2r):
    blk = 512
    return pl.pallas_call(
        _final_body,
        grid=(NPAD // blk,),
        in_specs=[
            pl.BlockSpec((8, blk), lambda i: (0, i)),
            pl.BlockSpec((2, blk, 16), lambda i: (0, i, 0)),
            pl.BlockSpec((1, 16), lambda i: (0, 0)),
        ],
        out_specs=pl.BlockSpec((blk, 16), lambda i: (i, 0)),
        out_shape=jax.ShapeDtypeStruct((NPAD, 16), jnp.float32),
    )(norms, parts, b2r)


def kernel(features, edge_index, W1, b1, W2, b2):
    src = edge_index[0].astype(jnp.int32)
    dst = edge_index[1].astype(jnp.int32)

    npad_e = E_PAD - N_EDGES
    ar = jnp.arange(npad_e, dtype=jnp.int32)
    src_pad = jnp.concatenate([src, ar % N_NODES])
    dst_pad = jnp.concatenate([dst, NPAD - 16 + (ar % 16)])
    src2d = src_pad.reshape(EROWS, BATCH)
    dst2d = dst_pad.reshape(EROWS, BATCH)

    dego_p, degi_p = _deg_kernel(src, dst)
    norms = _norms(dego_p, degi_p)

    h4 = _mm1(norms, features, W1)
    h4r = h4.reshape(4 * NPAD, 32)

    zeros32 = jnp.zeros((BATCH, 32), jnp.float32)
    agg4 = _agg1_kernel(src_pad, dst2d, h4r, zeros32).reshape(4, NPAD, 32)

    b1r = b1.reshape(1, HID)
    W2p = jnp.zeros((HID, 16), jnp.float32).at[:, :OUT].set(W2)
    h2 = _mm2(norms, agg4, b1r, W2p)

    zeros16 = jnp.zeros((BATCH, 16), jnp.float32)
    parts = _agg2_kernel(src2d, dst2d, h2, zeros16).reshape(2, NPAD, 16)

    b2r = jnp.zeros((1, 16), jnp.float32).at[0, :OUT].set(b2)
    out = _final(norms, parts, b2r)
    return out[:N_NODES, :OUT]

# --- scband reference (transcript-rebuilt; emitter-appended) ---
"""Pipeline reference for scband-net-24232205484470 (READ-ONLY COPY).

The authoritative reference and input builder live on the scoring server;
editing this copy changes nothing except your own understanding.
"""

import jax, jax.numpy as jnp
import numpy as np

N_NODES = 50000
N_EDGES = 800000
IN_FEATS = 1433
HID = 128
OUT = 7


def setup_inputs(seed: int = 0) -> dict:
    key = jax.random.key(seed)
    k1, k2, k3, k4, k5 = jax.random.split(key, 5)
    features = jax.random.normal(k1, (N_NODES, IN_FEATS), dtype=jnp.float32)
    edge_index = jax.random.randint(k2, (2, N_EDGES), 0, N_NODES, dtype=jnp.int64)
    # Glorot-initialized weights as in DGL GraphConv
    W1 = jax.random.normal(k3, (IN_FEATS, HID), dtype=jnp.float32) * (2.0 / (IN_FEATS + HID)) ** 0.5
    b1 = jnp.zeros((HID,), dtype=jnp.float32)
    W2 = jax.random.normal(k4, (HID, OUT), dtype=jnp.float32) * (2.0 / (HID + OUT)) ** 0.5
    b2 = jnp.zeros((OUT,), dtype=jnp.float32)
    return {"features": features, "edge_index": edge_index, "W1": W1, "b1": b1, "W2": W2, "b2": b2}


def _gcn_layer(x, src, dst, W, b, n_nodes):
    # DGL GraphConv with norm='both': symmetric normalization.
    deg_out = jnp.bincount(src, length=n_nodes).astype(x.dtype)
    deg_in = jnp.bincount(dst, length=n_nodes).astype(x.dtype)
    norm_src = jnp.where(deg_out > 0, deg_out ** -0.5, 0.0)
    norm_dst = jnp.where(deg_in > 0, deg_in ** -0.5, 0.0)
    h = x * norm_src[:, None]
    # in_feats > out_feats for both layers -> multiply by W before aggregation (DGL ordering)
    h = h @ W
    msg = jnp.take(h, src, axis=0)
    agg = jax.ops.segment_sum(msg, dst, num_segments=n_nodes)
    return agg * norm_dst[:, None] + b


def reference(features, edge_index, W1, b1, W2, b2):
    n_nodes = features.shape[0]
    src = edge_index[0]
    dst = edge_index[1]
    x1 = jax.nn.relu(_gcn_layer(features, src, dst, W1, b1, n_nodes))
    x2 = _gcn_layer(x1, src, dst, W2, b2, n_nodes)
    return x2

if __name__ == "__main__":
    import jax
    _d = setup_inputs()
    print(jax.jit(kernel)(*tuple(_d.values())))

</pallas_src>

<mosaic_0001>
#map = affine_map<(d0, d1) -> (0)>
#map1 = affine_map<(d0, d1) -> (0, 0)>
module attributes {stable_mosaic.version = 14 : i64} {
  func.func @_deg_kernel(%arg0: i32, %arg1: i32, %arg2: memref<800000xi32, #tpu.memory_space<hbm>>, %arg3: memref<800000xi32, #tpu.memory_space<hbm>>, %arg4: memref<32x50176xf32, #tpu.memory_space<hbm>>, %arg5: memref<32x50176xf32, #tpu.memory_space<hbm>>, %arg6: memref<50176xf32, #tpu.memory_space<vmem>>, %arg7: memref<50176xf32, #tpu.memory_space<vmem>>, %arg8: memref<5000xi32, #tpu.memory_space<vmem>>) attributes {dimension_semantics = [#tpu.dimension_semantics<core_parallel>, #tpu.dimension_semantics<subcore_parallel>], iteration_bounds = array<i64: 2, 16>, scalar_prefetch = 0 : i64, scratch_operands = 3 : i64, tpu.core_type = #tpu.core_type<sc_vector_subcore>, window_params = [{transform_indices = #map}, {transform_indices = #map}, {transform_indices = #map1}, {transform_indices = #map1}]} {
    %mul3A = arith.constant 2 : i32
    %mul3A_0 = arith.muli %arg1, %mul3A : i32
    %add3A = arith.addi %mul3A_0, %arg0 : i32
    %broadcast_in_dim3A = arith.constant 0.000000e+00 : f32
    %broadcast_in_dim3A_1 = vector.broadcast %broadcast_in_dim3A : f32 to vector<16xf32>
    %scan3A = arith.constant 0 : i32
    %scan3A_2 = arith.constant 0 : i32
    %scan3A_3 = arith.constant 3136 : i32
    %scan3A_4 = arith.addi %scan3A_2, %scan3A_3 : i32
    %scan3A_5 = arith.constant 8 : i32
    %scan3A_6 = scf.for %scan3A_28 = %scan3A_2 to %scan3A_4 step %scan3A_5 iter_args(%scan3A_29 = %scan3A) -> (i32)  : i32 {
      %mul3A_30 = arith.constant 16 : i32
      %mul3A_31 = arith.muli %scan3A_28, %mul3A_30 : i32
      %swap3A = arith.index_cast %mul3A_31 : i32 to index
      %swap3A_32 = tpu.vector_load %arg6[%swap3A] {strides = array<i32>} : memref<50176xf32, #tpu.memory_space<vmem>>, vector<16xf32>,
      tpu.vector_store %arg6[%swap3A], %broadcast_in_dim3A_1 {strides = array<i32>} : memref<50176xf32, #tpu.memory_space<vmem>>, vector<16xf32>,
      %mul3A_33 = arith.constant 16 : i32
      %mul3A_34 = arith.muli %scan3A_28, %mul3A_33 : i32
      %swap3A_35 = arith.index_cast %mul3A_34 : i32 to index
      %swap3A_36 = tpu.vector_load %arg7[%swap3A_35] {strides = array<i32>} : memref<50176xf32, #tpu.memory_space<vmem>>, vector<16xf32>,
      tpu.vector_store %arg7[%swap3A_35], %broadcast_in_dim3A_1 {strides = array<i32>} : memref<50176xf32, #tpu.memory_space<vmem>>, vector<16xf32>,
      %scan3A_37 = arith.constant 0 : i32
      %scan3A_38 = arith.constant 1 : i32
      %scan3A_39 = arith.addi %scan3A_28, %scan3A_38 : i32
      %mul3A_40 = arith.constant 16 : i32
      %mul3A_41 = arith.muli %scan3A_39, %mul3A_40 : i32
      %swap3A_42 = arith.index_cast %mul3A_41 : i32 to index
      %swap3A_43 = tpu.vector_load %arg6[%swap3A_42] {strides = array<i32>} : memref<50176xf32, #tpu.memory_space<vmem>>, vector<16xf32>,
      tpu.vector_store %arg6[%swap3A_42], %broadcast_in_dim3A_1 {strides = array<i32>} : memref<50176xf32, #tpu.memory_space<vmem>>, vector<16xf32>,
      %mul3A_44 = arith.constant 16 : i32
      %mul3A_45 = arith.muli %scan3A_39, %mul3A_44 : i32
      %swap3A_46 = arith.index_cast %mul3A_45 : i32 to index
      %swap3A_47 = tpu.vector_load %arg7[%swap3A_46] {strides = array<i32>} : memref<50176xf32, #tpu.memory_space<vmem>>, vector<16xf32>,
      tpu.vector_store %arg7[%swap3A_46], %broadcast_in_dim3A_1 {strides = array<i32>} : memref<50176xf32, #tpu.memory_space<vmem>>, vector<16xf32>,
      %scan3A_48 = arith.constant 0 : i32
      %scan3A_49 = arith.constant 2 : i32
      %scan3A_50 = arith.addi %scan3A_28, %scan3A_49 : i32
      %mul3A_51 = arith.constant 16 : i32
      %mul3A_52 = arith.muli %scan3A_50, %mul3A_51 : i32
      %swap3A_53 = arith.index_cast %mul3A_52 : i32 to index
      %swap3A_54 = tpu.vector_load %arg6[%swap3A_53] {strides = array<i32>} : memref<50176xf32, #tpu.memory_space<vmem>>, vector<16xf32>,
      tpu.vector_store %arg6[%swap3A_53], %broadcast_in_dim3A_1 {strides = array<i32>} : memref<50176xf32, #tpu.memory_space<vmem>>, vector<16xf32>,
      %mul3A_55 = arith.constant 16 : i32
      %mul3A_56 = arith.muli %scan3A_50, %mul3A_55 : i32
      %swap3A_57 = arith.index_cast %mul3A_56 : i32 to index
      %swap3A_58 = tpu.vector_load %arg7[%swap3A_57] {strides = array<i32>} : memref<50176xf32, #tpu.memory_space<vmem>>, vector<16xf32>,
      tpu.vector_store %arg7[%swap3A_57], %broadcast_in_dim3A_1 {strides = array<i32>} : memref<50176xf32, #tpu.memory_space<vmem>>, vector<16xf32>,
      %scan3A_59 = arith.constant 0 : i32
      %scan3A_60 = arith.constant 3 : i32
      %scan3A_61 = arith.addi %scan3A_28, %scan3A_60 : i32
      %mul3A_62 = arith.constant 16 : i32
      %mul3A_63 = arith.muli %scan3A_61, %mul3A_62 : i32
      %swap3A_64 = arith.index_cast %mul3A_63 : i32 to index
      %swap3A_65 = tpu.vector_load %arg6[%swap3A_64] {strides = array<i32>} : memref<50176xf32, #tpu.memory_space<vmem>>, vector<16xf32>,
      tpu.vector_store %arg6[%swap3A_64], %broadcast_in_dim3A_1 {strides = array<i32>} : memref<50176xf32, #tpu.memory_space<vmem>>, vector<16xf32>,
      %mul3A_66 = arith.constant 16 : i32
      %mul3A_67 = arith.muli %scan3A_61, %mul3A_66 : i32
      %swap3A_68 = arith.index_cast %mul3A_67 : i32 to index
      %swap3A_69 = tpu.vector_load %arg7[%swap3A_68] {strides = array<i32>} : memref<50176xf32, #tpu.memory_space<vmem>>, vector<16xf32>,
      tpu.vector_store %arg7[%swap3A_68], %broadcast_in_dim3A_1 {strides = array<i32>} : memref<50176xf32, #tpu.memory_space<vmem>>, vector<16xf32>,
      %scan3A_70 = arith.constant 0 : i32
      %scan3A_71 = arith.constant 4 : i32
      %scan3A_72 = arith.addi %scan3A_28, %scan3A_71 : i32
      %mul3A_73 = arith.constant 16 : i32
      %mul3A_74 = arith.muli %scan3A_72, %mul3A_73 : i32
      %swap3A_75 = arith.index_cast %mul3A_74 : i32 to index
      %swap3A_76 = tpu.vector_load %arg6[%swap3A_75] {strides = array<i32>} : memref<50176xf32, #tpu.memory_space<vmem>>, vector<16xf32>,
      tpu.vector_store %arg6[%swap3A_75], %broadcast_in_dim3A_1 {strides = array<i32>} : memref<50176xf32, #tpu.memory_space<vmem>>, vector<16xf32>,
      %mul3A_77 = arith.constant 16 : i32
      %mul3A_78 = arith.muli %scan3A_72, %mul3A_77 : i32
      %swap3A_79 = arith.index_cast %mul3A_78 : i32 to index
      %swap3A_80 = tpu.vector_load %arg7[%swap3A_79] {strides = array<i32>} : memref<50176xf32, #tpu.memory_space<vmem>>, vector<16xf32>,
      tpu.vector_store %arg7[%swap3A_79], %broadcast_in_dim3A_1 {strides = array<i32>} : memref<50176xf32, #tpu.memory_space<vmem>>, vector<16xf32>,
      %scan3A_81 = arith.constant 0 : i32
      %scan3A_82 = arith.constant 5 : i32
      %scan3A_83 = arith.addi %scan3A_28, %scan3A_82 : i32
      %mul3A_84 = arith.constant 16 : i32
      %mul3A_85 = arith.muli %scan3A_83, %mul3A_84 : i32
      %swap3A_86 = arith.index_cast %mul3A_85 : i32 to index
      %swap3A_87 = tpu.vector_load %arg6[%swap3A_86] {strides = array<i32>} : memref<50176xf32, #tpu.memory_space<vmem>>, vector<16xf32>,
      tpu.vector_store %arg6[%swap3A_86], %broadcast_in_dim3A_1 {strides = array<i32>} : memref<50176xf32, #tpu.memory_space<vmem>>, vector<16xf32>,
      %mul3A_88 = arith.constant 16 : i32
      %mul3A_89 = arith.muli %scan3A_83, %mul3A_88 : i32
      %swap3A_90 = arith.index_cast %mul3A_89 : i32 to index
      %swap3A_91 = tpu.vector_load %arg7[%swap3A_90] {strides = array<i32>} : memref<50176xf32, #tpu.memory_space<vmem>>, vector<16xf32>,
      tpu.vector_store %arg7[%swap3A_90], %broadcast_in_dim3A_1 {strides = array<i32>} : memref<50176xf32, #tpu.memory_space<vmem>>, vector<16xf32>,
      %scan3A_92 = arith.constant 0 : i32
      %scan3A_93 = arith.constant 6 : i32
      %scan3A_94 = arith.addi %scan3A_28, %scan3A_93 : i32
      %mul3A_95 = arith.constant 16 : i32
      %mul3A_96 = arith.muli %scan3A_94, %mul3A_95 : i32
      %swap3A_97 = arith.index_cast %mul3A_96 : i32 to index
      %swap3A_98 = tpu.vector_load %arg6[%swap3A_97] {strides = array<i32>} : memref<50176xf32, #tpu.memory_space<vmem>>, vector<16xf32>,
      tpu.vector_store %arg6[%swap3A_97], %broadcast_in_dim3A_1 {strides = array<i32>} : memref<50176xf32, #tpu.memory_space<vmem>>, vector<16xf32>,
      %mul3A_99 = arith.constant 16 : i32
      %mul3A_100 = arith.muli %scan3A_94, %mul3A_99 : i32
      %swap3A_101 = arith.index_cast %mul3A_100 : i32 to index
      %swap3A_102 = tpu.vector_load %arg7[%swap3A_101] {strides = array<i32>} : memref<50176xf32, #tpu.memory_space<vmem>>, vector<16xf32>,
      tpu.vector_store %arg7[%swap3A_101], %broadcast_in_dim3A_1 {strides = array<i32>} : memref<50176xf32, #tpu.memory_space<vmem>>, vector<16xf32>,
      %scan3A_103 = arith.constant 0 : i32
      %scan3A_104 = arith.constant 7 : i32
      %scan3A_105 = arith.addi %scan3A_28, %scan3A_104 : i32
      %mul3A_106 = arith.constant 16 : i32
      %mul3A_107 = arith.muli %scan3A_105, %mul3A_106 : i32
      %swap3A_108 = arith.index_cast %mul3A_107 : i32 to index
      %swap3A_109 = tpu.vector_load %arg6[%swap3A_108] {strides = array<i32>} : memref<50176xf32, #tpu.memory_space<vmem>>, vector<16xf32>,
      tpu.vector_store %arg6[%swap3A_108], %broadcast_in_dim3A_1 {strides = array<i32>} : memref<50176xf32, #tpu.memory_space<vmem>>, vector<16xf32>,
      %mul3A_110 = arith.constant 16 : i32
      %mul3A_111 = arith.muli %scan3A_105, %mul3A_110 : i32
      %swap3A_112 = arith.index_cast %mul3A_111 : i32 to index
      %swap3A_113 = tpu.vector_load %arg7[%swap3A_112] {strides = array<i32>} : memref<50176xf32, #tpu.memory_space<vmem>>, vector<16xf32>,
      tpu.vector_store %arg7[%swap3A_112], %broadcast_in_dim3A_1 {strides = array<i32>} : memref<50176xf32, #tpu.memory_space<vmem>>, vector<16xf32>,
      %scan3A_114 = arith.constant 0 : i32
      scf.yield %scan3A_114 : i32
    }
    %scan3A_7 = arith.constant 3136 : i32
    %broadcast_in_dim3A_8 = arith.constant 1.000000e+00 : f32
    %broadcast_in_dim3A_9 = vector.broadcast %broadcast_in_dim3A_8 : f32 to vector<16xf32>
    %iota3A = tpu.iota {dimensions = array<i32: 0>} : vector<16xi32>
    %ge3A = arith.constant 8 : i32
    %ge3A_10 = vector.broadcast %ge3A : i32 to vector<16xi32>
    %ge3A_11 = arith.cmpi sge, %iota3A, %ge3A_10 : vector<16xi32>
    %mul3A_12 = arith.constant 25000 : i32
    %mul3A_13 = arith.muli %add3A, %mul3A_12 : i32
    %scan3A_14 = arith.constant 0 : i32
    %scan3A_15 = arith.constant 0 : i32
    %scan3A_16 = arith.constant 5 : i32
    %scan3A_17 = arith.addi %scan3A_15, %scan3A_16 : i32
    %scan3A_18 = arith.constant 1 : i32
    %scan3A_19 = scf.for %scan3A_28 = %scan3A_15 to %scan3A_17 step %scan3A_18 iter_args(%scan3A_29 = %scan3A_14) -> (i32)  : i32 {
      %mul3A_30 = arith.constant 5000 : i32
      %mul3A_31 = arith.muli %scan3A_28, %mul3A_30 : i32
      %add3A_32 = arith.addi %mul3A_13, %mul3A_31 : i32
      "tpu.region"() ({
        %run_scoped3A = tpu.sem_alloc : memref<!tpu.dma_semaphore, #tpu.memory_space<semaphore_mem>>
        %dma_start3A = tpu.memref_slice %arg2[%add3A_32] : memref<800000xi32, #tpu.memory_space<hbm>> -> memref<5000xi32, #tpu.memory_space<hbm>>
        %dma_start3A_42 = tpu.memref_slice %arg2[%add3A_32] : memref<800000xi32, #tpu.memory_space<hbm>> -> memref<5000xi32, #tpu.memory_space<hbm>>
        tpu.enqueue_dma source(%dma_start3A_42 : memref<5000xi32, #tpu.memory_space<hbm>>) target(%arg8 : memref<5000xi32, #tpu.memory_space<vmem>>) target_semaphore(%run_scoped3A : memref<!tpu.dma_semaphore, #tpu.memory_space<semaphore_mem>>)
        %dma_wait3A = tpu.memref_slice %arg2[%add3A_32] : memref<800000xi32, #tpu.memory_space<hbm>> -> memref<5000xi32, #tpu.memory_space<hbm>>
        %dma_wait3A_43 = tpu.memref_slice %arg2[%add3A_32] : memref<800000xi32, #tpu.memory_space<hbm>> -> memref<5000xi32, #tpu.memory_space<hbm>>
        tpu.wait_dma2 semaphore(%run_scoped3A : memref<!tpu.dma_semaphore, #tpu.memory_space<semaphore_mem>>) src(%dma_wait3A_43 : memref<5000xi32, #tpu.memory_space<hbm>>) dst(%arg8 : memref<5000xi32, #tpu.memory_space<vmem>>)
        tpu.yield
      }) : () -> ()
      %scan3A_33 = arith.constant 0 : i32
      %scan3A_34 = arith.constant 0 : i32
      %scan3A_35 = arith.constant 312 : i32
      %scan3A_36 = arith.addi %scan3A_34, %scan3A_35 : i32
      %scan3A_37 = arith.constant 8 : i32
      %scan3A_38 = scf.for %scan3A_42 = %scan3A_34 to %scan3A_36 step %scan3A_37 iter_args(%scan3A_43 = %scan3A_33) -> (i32)  : i32 {
        %mul3A_44 = arith.constant 16 : i32
        %mul3A_45 = arith.muli %scan3A_42, %mul3A_44 : i32
        %get3A_46 = arith.index_cast %mul3A_45 : i32 to index
        %get3A_47 = tpu.vector_load %arg8[%get3A_46] {strides = array<i32>} : memref<5000xi32, #tpu.memory_space<vmem>>, vector<16xi32>,
        tpu.vector_store_idx %arg6[%get3A_47], %broadcast_in_dim3A_9 {add = true} : memref<50176xf32, #tpu.memory_space<vmem>>[vector<16xi32>], vector<16xf32>,
        %scan3A_48 = arith.constant 0 : i32
        %scan3A_49 = arith.constant 1 : i32
        %scan3A_50 = arith.addi %scan3A_42, %scan3A_49 : i32
        %mul3A_51 = arith.constant 16 : i32
        %mul3A_52 = arith.muli %scan3A_50, %mul3A_51 : i32
        %get3A_53 = arith.index_cast %mul3A_52 : i32 to index
        %get3A_54 = tpu.vector_load %arg8[%get3A_53] {strides = array<i32>} : memref<5000xi32, #tpu.memory_space<vmem>>, vector<16xi32>,
        tpu.vector_store_idx %arg6[%get3A_54], %broadcast_in_dim3A_9 {add = true} : memref<50176xf32, #tpu.memory_space<vmem>>[vector<16xi32>], vector<16xf32>,
        %scan3A_55 = arith.constant 0 : i32
        %scan3A_56 = arith.constant 2 : i32
        %scan3A_57 = arith.addi %scan3A_42, %scan3A_56 : i32
        %mul3A_58 = arith.constant 16 : i32
        %mul3A_59 = arith.muli %scan3A_57, %mul3A_58 : i32
        %get3A_60 = arith.index_cast %mul3A_59 : i32 to index
        %get3A_61 = tpu.vector_load %arg8[%get3A_60] {strides = array<i32>} : memref<5000xi32, #tpu.memory_space<vmem>>, vector<16xi32>,
        tpu.vector_store_idx %arg6[%get3A_61], %broadcast_in_dim3A_9 {add = true} : memref<50176xf32, #tpu.memory_space<vmem>>[vector<16xi32>], vector<16xf32>,
        %scan3A_62 = arith.constant 0 : i32
        %scan3A_63 = arith.constant 3 : i32
        %scan3A_64 = arith.addi %scan3A_42, %scan3A_63 : i32
        %mul3A_65 = arith.constant 16 : i32
        %mul3A_66 = arith.muli %scan3A_64, %mul3A_65 : i32
        %get3A_67 = arith.index_cast %mul3A_66 : i32 to index
        %get3A_68 = tpu.vector_load %arg8[%get3A_67] {strides = array<i32>} : memref<5000xi32, #tpu.memory_space<vmem>>, vector<16xi32>,
        tpu.vector_store_idx %arg6[%get3A_68], %broadcast_in_dim3A_9 {add = true} : memref<50176xf32, #tpu.memory_space<vmem>>[vector<16xi32>], vector<16xf32>,
        %scan3A_69 = arith.constant 0 : i32
        %scan3A_70 = arith.constant 4 : i32
        %scan3A_71 = arith.addi %scan3A_42, %scan3A_70 : i32
        %mul3A_72 = arith.constant 16 : i32
        %mul3A_73 = arith.muli %scan3A_71, %mul3A_72 : i32
        %get3A_74 = arith.index_cast %mul3A_73 : i32 to index
        %get3A_75 = tpu.vector_load %arg8[%get3A_74] {strides = array<i32>} : memref<5000xi32, #tpu.memory_space<vmem>>, vector<16xi32>,
        tpu.vector_store_idx %arg6[%get3A_75], %broadcast_in_dim3A_9 {add = true} : memref<50176xf32, #tpu.memory_space<vmem>>[vector<16xi32>], vector<16xf32>,
        %scan3A_76 = arith.constant 0 : i32
        %scan3A_77 = arith.constant 5 : i32
        %scan3A_78 = arith.addi %scan3A_42, %scan3A_77 : i32
        %mul3A_79 = arith.constant 16 : i32
        %mul3A_80 = arith.muli %scan3A_78, %mul3A_79 : i32
        %get3A_81 = arith.index_cast %mul3A_80 : i32 to index
        %get3A_82 = tpu.vector_load %arg8[%get3A_81] {strides = array<i32>} : memref<5000xi32, #tpu.memory_space<vmem>>, vector<16xi32>,
        tpu.vector_store_idx %arg6[%get3A_82], %broadcast_in_dim3A_9 {add = true} : memref<50176xf32, #tpu.memory_space<vmem>>[vector<16xi32>], vector<16xf32>,
        %scan3A_83 = arith.constant 0 : i32
        %scan3A_84 = arith.constant 6 : i32
        %scan3A_85 = arith.addi %scan3A_42, %scan3A_84 : i32
        %mul3A_86 = arith.constant 16 : i32
        %mul3A_87 = arith.muli %scan3A_85, %mul3A_86 : i32
        %get3A_88 = arith.index_cast %mul3A_87 : i32 to index
        %get3A_89 = tpu.vector_load %arg8[%get3A_88] {strides = array<i32>} : memref<5000xi32, #tpu.memory_space<vmem>>, vector<16xi32>,
        tpu.vector_store_idx %arg6[%get3A_89], %broadcast_in_dim3A_9 {add = true} : memref<50176xf32, #tpu.memory_space<vmem>>[vector<16xi32>], vector<16xf32>,
        %scan3A_90 = arith.constant 0 : i32
        %scan3A_91 = arith.constant 7 : i32
        %scan3A_92 = arith.addi %scan3A_42, %scan3A_91 : i32
        %mul3A_93 = arith.constant 16 : i32
        %mul3A_94 = arith.muli %scan3A_92, %mul3A_93 : i32
        %get3A_95 = arith.index_cast %mul3A_94 : i32 to index
        %get3A_96 = tpu.vector_load %arg8[%get3A_95] {strides = array<i32>} : memref<5000xi32, #tpu.memory_space<vmem>>, vector<16xi32>,
        tpu.vector_store_idx %arg6[%get3A_96], %broadcast_in_dim3A_9 {add = true} : memref<50176xf32, #tpu.memory_space<vmem>>[vector<16xi32>], vector<16xf32>,
        %scan3A_97 = arith.constant 0 : i32
        scf.yield %scan3A_97 : i32
      }
      %scan3A_39 = arith.constant 312 : i32
      %get3A = arith.constant 4984 : index
      %get3A_40 = tpu.vector_load %arg8[%get3A] {strides = array<i32>} : memref<5000xi32, #tpu.memory_space<vmem>>, vector<16xi32>,
      tpu.vector_store_idx %arg6[%get3A_40], %broadcast_in_dim3A_9 masked %ge3A_11 {add = true} : memref<50176xf32, #tpu.memory_space<vmem>>[vector<16xi32>], vector<16xf32>, vector<16xi1>
      %scan3A_41 = arith.constant 0 : i32
      scf.yield %scan3A_41 : i32
    }
    %scan3A_20 = arith.constant 5 : i32
    %scan3A_21 = arith.constant 0 : i32
    %scan3A_22 = arith.constant 0 : i32
    %scan3A_23 = arith.constant 5 : i32
    %scan3A_24 = arith.addi %scan3A_22, %scan3A_23 : i32
    %scan3A_25 = arith.constant 1 : i32
    %scan3A_26 = scf.for %scan3A_28 = %scan3A_22 to %scan3A_24 step %scan3A_25 iter_args(%scan3A_29 = %scan3A_21) -> (i32)  : i32 {
      %mul3A_30 = arith.constant 5000 : i32
      %mul3A_31 = arith.muli %scan3A_28, %mul3A_30 : i32
      %add3A_32 = arith.addi %mul3A_13, %mul3A_31 : i32
      "tpu.region"() ({
        %run_scoped3A = tpu.sem_alloc : memref<!tpu.dma_semaphore, #tpu.memory_space<semaphore_mem>>
        %dma_start3A = tpu.memref_slice %arg3[%add3A_32] : memref<800000xi32, #tpu.memory_space<hbm>> -> memref<5000xi32, #tpu.memory_space<hbm>>
        %dma_start3A_42 = tpu.memref_slice %arg3[%add3A_32] : memref<800000xi32, #tpu.memory_space<hbm>> -> memref<5000xi32, #tpu.memory_space<hbm>>
        tpu.enqueue_dma source(%dma_start3A_42 : memref<5000xi32, #tpu.memory_space<hbm>>) target(%arg8 : memref<5000xi32, #tpu.memory_space<vmem>>) target_semaphore(%run_scoped3A : memref<!tpu.dma_semaphore, #tpu.memory_space<semaphore_mem>>)
        %dma_wait3A = tpu.memref_slice %arg3[%add3A_32] : memref<800000xi32, #tpu.memory_space<hbm>> -> memref<5000xi32, #tpu.memory_space<hbm>>
        %dma_wait3A_43 = tpu.memref_slice %arg3[%add3A_32] : memref<800000xi32, #tpu.memory_space<hbm>> -> memref<5000xi32, #tpu.memory_space<hbm>>
        tpu.wait_dma2 semaphore(%run_scoped3A : memref<!tpu.dma_semaphore, #tpu.memory_space<semaphore_mem>>) src(%dma_wait3A_43 : memref<5000xi32, #tpu.memory_space<hbm>>) dst(%arg8 : memref<5000xi32, #tpu.memory_space<vmem>>)
        tpu.yield
      }) : () -> ()
      %scan3A_33 = arith.constant 0 : i32
      %scan3A_34 = arith.constant 0 : i32
      %scan3A_35 = arith.constant 312 : i32
      %scan3A_36 = arith.addi %scan3A_34, %scan3A_35 : i32
      %scan3A_37 = arith.constant 8 : i32
      %scan3A_38 = scf.for %scan3A_42 = %scan3A_34 to %scan3A_36 step %scan3A_37 iter_args(%scan3A_43 = %scan3A_33) -> (i32)  : i32 {
        %mul3A_44 = arith.constant 16 : i32
        %mul3A_45 = arith.muli %scan3A_42, %mul3A_44 : i32
        %get3A_46 = arith.index_cast %mul3A_45 : i32 to index
        %get3A_47 = tpu.vector_load %arg8[%get3A_46] {strides = array<i32>} : memref<5000xi32, #tpu.memory_space<vmem>>, vector<16xi32>,
        tpu.vector_store_idx %arg7[%get3A_47], %broadcast_in_dim3A_9 {add = true} : memref<50176xf32, #tpu.memory_space<vmem>>[vector<16xi32>], vector<16xf32>,
        %scan3A_48 = arith.constant 0 : i32
        %scan3A_49 = arith.constant 1 : i32
        %scan3A_50 = arith.addi %scan3A_42, %scan3A_49 : i32
        %mul3A_51 = arith.constant 16 : i32
        %mul3A_52 = arith.muli %scan3A_50, %mul3A_51 : i32
        %get3A_53 = arith.index_cast %mul3A_52 : i32 to index
        %get3A_54 = tpu.vector_load %arg8[%get3A_53] {strides = array<i32>} : memref<5000xi32, #tpu.memory_space<vmem>>, vector<16xi32>,
        tpu.vector_store_idx %arg7[%get3A_54], %broadcast_in_dim3A_9 {add = true} : memref<50176xf32, #tpu.memory_space<vmem>>[vector<16xi32>], vector<16xf32>,
        %scan3A_55 = arith.constant 0 : i32
        %scan3A_56 = arith.constant 2 : i32
        %scan3A_57 = arith.addi %scan3A_42, %scan3A_56 : i32
        %mul3A_58 = arith.constant 16 : i32
        %mul3A_59 = arith.muli %scan3A_57, %mul3A_58 : i32
        %get3A_60 = arith.index_cast %mul3A_59 : i32 to index
        %get3A_61 = tpu.vector_load %arg8[%get3A_60] {strides = array<i32>} : memref<5000xi32, #tpu.memory_space<vmem>>, vector<16xi32>,
        tpu.vector_store_idx %arg7[%get3A_61], %broadcast_in_dim3A_9 {add = true} : memref<50176xf32, #tpu.memory_space<vmem>>[vector<16xi32>], vector<16xf32>,
        %scan3A_62 = arith.constant 0 : i32
        %scan3A_63 = arith.constant 3 : i32
        %scan3A_64 = arith.addi %scan3A_42, %scan3A_63 : i32
        %mul3A_65 = arith.constant 16 : i32
        %mul3A_66 = arith.muli %scan3A_64, %mul3A_65 : i32
        %get3A_67 = arith.index_cast %mul3A_66 : i32 to index
        %get3A_68 = tpu.vector_load %arg8[%get3A_67] {strides = array<i32>} : memref<5000xi32, #tpu.memory_space<vmem>>, vector<16xi32>,
        tpu.vector_store_idx %arg7[%get3A_68], %broadcast_in_dim3A_9 {add = true} : memref<50176xf32, #tpu.memory_space<vmem>>[vector<16xi32>], vector<16xf32>,
        %scan3A_69 = arith.constant 0 : i32
        %scan3A_70 = arith.constant 4 : i32
        %scan3A_71 = arith.addi %scan3A_42, %scan3A_70 : i32
        %mul3A_72 = arith.constant 16 : i32
        %mul3A_73 = arith.muli %scan3A_71, %mul3A_72 : i32
        %get3A_74 = arith.index_cast %mul3A_73 : i32 to index
        %get3A_75 = tpu.vector_load %arg8[%get3A_74] {strides = array<i32>} : memref<5000xi32, #tpu.memory_space<vmem>>, vector<16xi32>,
        tpu.vector_store_idx %arg7[%get3A_75], %broadcast_in_dim3A_9 {add = true} : memref<50176xf32, #tpu.memory_space<vmem>>[vector<16xi32>], vector<16xf32>,
        %scan3A_76 = arith.constant 0 : i32
        %scan3A_77 = arith.constant 5 : i32
        %scan3A_78 = arith.addi %scan3A_42, %scan3A_77 : i32
        %mul3A_79 = arith.constant 16 : i32
        %mul3A_80 = arith.muli %scan3A_78, %mul3A_79 : i32
        %get3A_81 = arith.index_cast %mul3A_80 : i32 to index
        %get3A_82 = tpu.vector_load %arg8[%get3A_81] {strides = array<i32>} : memref<5000xi32, #tpu.memory_space<vmem>>, vector<16xi32>,
        tpu.vector_store_idx %arg7[%get3A_82], %broadcast_in_dim3A_9 {add = true} : memref<50176xf32, #tpu.memory_space<vmem>>[vector<16xi32>], vector<16xf32>,
        %scan3A_83 = arith.constant 0 : i32
        %scan3A_84 = arith.constant 6 : i32
        %scan3A_85 = arith.addi %scan3A_42, %scan3A_84 : i32
        %mul3A_86 = arith.constant 16 : i32
        %mul3A_87 = arith.muli %scan3A_85, %mul3A_86 : i32
        %get3A_88 = arith.index_cast %mul3A_87 : i32 to index
        %get3A_89 = tpu.vector_load %arg8[%get3A_88] {strides = array<i32>} : memref<5000xi32, #tpu.memory_space<vmem>>, vector<16xi32>,
        tpu.vector_store_idx %arg7[%get3A_89], %broadcast_in_dim3A_9 {add = true} : memref<50176xf32, #tpu.memory_space<vmem>>[vector<16xi32>], vector<16xf32>,
        %scan3A_90 = arith.constant 0 : i32
        %scan3A_91 = arith.constant 7 : i32
        %scan3A_92 = arith.addi %scan3A_42, %scan3A_91 : i32
        %mul3A_93 = arith.constant 16 : i32
        %mul3A_94 = arith.muli %scan3A_92, %mul3A_93 : i32
        %get3A_95 = arith.index_cast %mul3A_94 : i32 to index
        %get3A_96 = tpu.vector_load %arg8[%get3A_95] {strides = array<i32>} : memref<5000xi32, #tpu.memory_space<vmem>>, vector<16xi32>,
        tpu.vector_store_idx %arg7[%get3A_96], %broadcast_in_dim3A_9 {add = true} : memref<50176xf32, #tpu.memory_space<vmem>>[vector<16xi32>], vector<16xf32>,
        %scan3A_97 = arith.constant 0 : i32
        scf.yield %scan3A_97 : i32
      }
      %scan3A_39 = arith.constant 312 : i32
      %get3A = arith.constant 4984 : index
      %get3A_40 = tpu.vector_load %arg8[%get3A] {strides = array<i32>} : memref<5000xi32, #tpu.memory_space<vmem>>, vector<16xi32>,
      tpu.vector_store_idx %arg7[%get3A_40], %broadcast_in_dim3A_9 masked %ge3A_11 {add = true} : memref<50176xf32, #tpu.memory_space<vmem>>[vector<16xi32>], vector<16xf32>, vector<16xi1>
      %scan3A_41 = arith.constant 0 : i32
      scf.yield %scan3A_41 : i32
    }
    %scan3A_27 = arith.constant 5 : i32
    "tpu.region"() ({
      %run_scoped3A = tpu.sem_alloc : memref<!tpu.dma_semaphore, #tpu.memory_space<semaphore_mem>>
      %dma_start3A = arith.constant 0 : i32
      %dma_start3A_28 = tpu.memref_slice %arg4[%add3A, %dma_start3A] : memref<32x50176xf32, #tpu.memory_space<hbm>> -> memref<1x50176xf32, #tpu.memory_space<hbm>>
      %dma_start3A_29 = tpu.memref_squeeze %dma_start3A_28 : memref<1x50176xf32, #tpu.memory_space<hbm>> -> memref<50176xf32, #tpu.memory_space<hbm>>
      %dma_start3A_30 = arith.constant 0 : i32
      %dma_start3A_31 = tpu.memref_slice %arg4[%add3A, %dma_start3A_30] : memref<32x50176xf32, #tpu.memory_space<hbm>> -> memref<1x50176xf32, #tpu.memory_space<hbm>>
      %dma_start3A_32 = tpu.memref_squeeze %dma_start3A_31 : memref<1x50176xf32, #tpu.memory_space<hbm>> -> memref<50176xf32, #tpu.memory_space<hbm>>
      tpu.enqueue_dma source(%arg6 : memref<50176xf32, #tpu.memory_space<vmem>>) target(%dma_start3A_32 : memref<50176xf32, #tpu.memory_space<hbm>>) target_semaphore(%run_scoped3A : memref<!tpu.dma_semaphore, #tpu.memory_space<semaphore_mem>>)
      %dma_wait3A = arith.constant 0 : i32
      %dma_wait3A_33 = tpu.memref_slice %arg4[%add3A, %dma_wait3A] : memref<32x50176xf32, #tpu.memory_space<hbm>> -> memref<1x50176xf32, #tpu.memory_space<hbm>>
      %dma_wait3A_34 = tpu.memref_squeeze %dma_wait3A_33 : memref<1x50176xf32, #tpu.memory_space<hbm>> -> memref<50176xf32, #tpu.memory_space<hbm>>
      %dma_wait3A_35 = arith.constant 0 : i32
      %dma_wait3A_36 = tpu.memref_slice %arg4[%add3A, %dma_wait3A_35] : memref<32x50176xf32, #tpu.memory_space<hbm>> -> memref<1x50176xf32, #tpu.memory_space<hbm>>
      %dma_wait3A_37 = tpu.memref_squeeze %dma_wait3A_36 : memref<1x50176xf32, #tpu.memory_space<hbm>> -> memref<50176xf32, #tpu.memory_space<hbm>>
      tpu.wait_dma2 semaphore(%run_scoped3A : memref<!tpu.dma_semaphore, #tpu.memory_space<semaphore_mem>>) src(%arg6 : memref<50176xf32, #tpu.memory_space<vmem>>) dst(%dma_wait3A_37 : memref<50176xf32, #tpu.memory_space<hbm>>)
      tpu.yield
    }) : () -> ()
    "tpu.region"() ({
      %run_scoped3A = tpu.sem_alloc : memref<!tpu.dma_semaphore, #tpu.memory_space<semaphore_mem>>
      %dma_start3A = arith.constant 0 : i32
      %dma_start3A_28 = tpu.memref_slice %arg5[%add3A, %dma_start3A] : memref<32x50176xf32, #tpu.memory_space<hbm>> -> memref<1x50176xf32, #tpu.memory_space<hbm>>
      %dma_start3A_29 = tpu.memref_squeeze %dma_start3A_28 : memref<1x50176xf32, #tpu.memory_space<hbm>> -> memref<50176xf32, #tpu.memory_space<hbm>>
      %dma_start3A_30 = arith.constant 0 : i32
      %dma_start3A_31 = tpu.memref_slice %arg5[%add3A, %dma_start3A_30] : memref<32x50176xf32, #tpu.memory_space<hbm>> -> memref<1x50176xf32, #tpu.memory_space<hbm>>
      %dma_start3A_32 = tpu.memref_squeeze %dma_start3A_31 : memref<1x50176xf32, #tpu.memory_space<hbm>> -> memref<50176xf32, #tpu.memory_space<hbm>>
      tpu.enqueue_dma source(%arg7 : memref<50176xf32, #tpu.memory_space<vmem>>) target(%dma_start3A_32 : memref<50176xf32, #tpu.memory_space<hbm>>) target_semaphore(%run_scoped3A : memref<!tpu.dma_semaphore, #tpu.memory_space<semaphore_mem>>)
      %dma_wait3A = arith.constant 0 : i32
      %dma_wait3A_33 = tpu.memref_slice %arg5[%add3A, %dma_wait3A] : memref<32x50176xf32, #tpu.memory_space<hbm>> -> memref<1x50176xf32, #tpu.memory_space<hbm>>
      %dma_wait3A_34 = tpu.memref_squeeze %dma_wait3A_33 : memref<1x50176xf32, #tpu.memory_space<hbm>> -> memref<50176xf32, #tpu.memory_space<hbm>>
      %dma_wait3A_35 = arith.constant 0 : i32
      %dma_wait3A_36 = tpu.memref_slice %arg5[%add3A, %dma_wait3A_35] : memref<32x50176xf32, #tpu.memory_space<hbm>> -> memref<1x50176xf32, #tpu.memory_space<hbm>>
      %dma_wait3A_37 = tpu.memref_squeeze %dma_wait3A_36 : memref<1x50176xf32, #tpu.memory_space<hbm>> -> memref<50176xf32, #tpu.memory_space<hbm>>
      tpu.wait_dma2 semaphore(%run_scoped3A : memref<!tpu.dma_semaphore, #tpu.memory_space<semaphore_mem>>) src(%arg7 : memref<50176xf32, #tpu.memory_space<vmem>>) dst(%dma_wait3A_37 : memref<50176xf32, #tpu.memory_space<hbm>>)
      tpu.yield
    }) : () -> ()
    return
  }
}

#map = affine_map<(d0, d1) -> (0, 0)>
module attributes {stable_mosaic.version = 14 : i64} {
  func.func @_agg2_kernel(%arg0: i32, %arg1: i32, %arg2: memref<6400x128xi32, #tpu.memory_space<hbm>>, %arg3: memref<6400x128xi32, #tpu.memory_space<hbm>>, %arg4: memref<50176x16xf32, #tpu.memory_space<hbm>>, %arg5: memref<128x16xf32, #tpu.memory_space<hbm>>, %arg6: memref<100352x16xf32, #tpu.memory_space<hbm>>, %arg7: memref<8x128xi32, #tpu.memory_space<vmem>>, %arg8: memref<8x128xi32, #tpu.memory_space<vmem>>, %arg9: memref<50176x16xf32, #tpu.memory_space<vmem_shared>>, %arg10: memref<128x16xf32, #tpu.memory_space<vmem>>, %arg11: memref<128x16xf32, #tpu.memory_space<vmem>>, %arg12: memref<128x16xf32, #tpu.memory_space<vmem>>, %arg13: memref<128x16xf32, #tpu.memory_space<vmem>>, %arg14: memref<128x16xf32, #tpu.memory_space<vmem>>, %arg15: memref<!tpu.dma_semaphore, #tpu.memory_space<semaphore_mem>>, %arg16: memref<!tpu.dma_semaphore, #tpu.memory_space<semaphore_mem>>, %arg17: memref<!tpu.dma_semaphore, #tpu.memory_space<semaphore_mem>>, %arg18: memref<!tpu.dma_semaphore, #tpu.memory_space<semaphore_mem>>) attributes {dimension_semantics = [#tpu.dimension_semantics<core_parallel>, #tpu.dimension_semantics<subcore_parallel>], iteration_bounds = array<i64: 2, 16>, scalar_prefetch = 0 : i64, scratch_operands = 12 : i64, tpu.core_type = #tpu.core_type<sc_vector_subcore>, window_params = [{transform_indices = #map}, {transform_indices = #map}, {transform_indices = #map}, {transform_indices = #map}, {transform_indices = #map}]} {
    %mul3A = arith.constant 2 : i32
    %mul3A_0 = arith.muli %arg1, %mul3A : i32
    %add3A = arith.addi %mul3A_0, %arg0 : i32
    "tpu.region"() ({
      %run_scoped3A = tpu.sem_alloc : memref<!tpu.dma_semaphore, #tpu.memory_space<semaphore_mem>>
      tpu.enqueue_dma source(%arg5 : memref<128x16xf32, #tpu.memory_space<hbm>>) target(%arg10 : memref<128x16xf32, #tpu.memory_space<vmem>>) target_semaphore(%run_scoped3A : memref<!tpu.dma_semaphore, #tpu.memory_space<semaphore_mem>>)
      tpu.wait_dma2 semaphore(%run_scoped3A : memref<!tpu.dma_semaphore, #tpu.memory_space<semaphore_mem>>) src(%arg5 : memref<128x16xf32, #tpu.memory_space<hbm>>) dst(%arg10 : memref<128x16xf32, #tpu.memory_space<vmem>>)
      tpu.yield
    }) : () -> ()
    %mul3A_1 = arith.constant 3136 : i32
    %mul3A_2 = arith.muli %arg1, %mul3A_1 : i32
    %add3A_3 = arith.constant 0 : i32
    %add3A_4 = arith.addi %mul3A_2, %add3A_3 : i32
    "tpu.region"() ({
      %run_scoped3A = tpu.sem_alloc : memref<!tpu.dma_semaphore, #tpu.memory_space<semaphore_mem>>
      %dma_start3A = arith.constant 0 : i32
      %dma_start3A_115 = tpu.memref_slice %arg9[%add3A_4, %dma_start3A] : memref<50176x16xf32, #tpu.memory_space<vmem_shared>> -> memref<128x16xf32, #tpu.memory_space<vmem_shared>>
      %dma_start3A_116 = arith.constant 0 : i32
      %dma_start3A_117 = tpu.memref_slice %arg9[%add3A_4, %dma_start3A_116] : memref<50176x16xf32, #tpu.memory_space<vmem_shared>> -> memref<128x16xf32, #tpu.memory_space<vmem_shared>>
      tpu.enqueue_dma source(%arg10 : memref<128x16xf32, #tpu.memory_space<vmem>>) target(%dma_start3A_117 : memref<128x16xf32, #tpu.memory_space<vmem_shared>>) target_semaphore(%run_scoped3A : memref<!tpu.dma_semaphore, #tpu.memory_space<semaphore_mem>>)
      %dma_wait3A = arith.constant 0 : i32
      %dma_wait3A_118 = tpu.memref_slice %arg9[%add3A_4, %dma_wait3A] : memref<50176x16xf32, #tpu.memory_space<vmem_shared>> -> memref<128x16xf32, #tpu.memory_space<vmem_shared>>
      %dma_wait3A_119 = arith.constant 0 : i32
      %dma_wait3A_120 = tpu.memref_slice %arg9[%add3A_4, %dma_wait3A_119] : memref<50176x16xf32, #tpu.memory_space<vmem_shared>> -> memref<128x16xf32, #tpu.memory_space<vmem_shared>>
      tpu.wait_dma2 semaphore(%run_scoped3A : memref<!tpu.dma_semaphore, #tpu.memory_space<semaphore_mem>>) src(%arg10 : memref<128x16xf32, #tpu.memory_space<vmem>>) dst(%dma_wait3A_120 : memref<128x16xf32, #tpu.memory_space<vmem_shared>>)
      tpu.yield
    }) : () -> ()
    %mul3A_5 = arith.constant 3136 : i32
    %mul3A_6 = arith.muli %arg1, %mul3A_5 : i32
    %add3A_7 = arith.constant 128 : i32
    %add3A_8 = arith.addi %mul3A_6, %add3A_7 : i32
    "tpu.region"() ({
      %run_scoped3A = tpu.sem_alloc : memref<!tpu.dma_semaphore, #tpu.memory_space<semaphore_mem>>
      %dma_start3A = arith.constant 0 : i32
      %dma_start3A_115 = tpu.memref_slice %arg9[%add3A_8, %dma_start3A] : memref<50176x16xf32, #tpu.memory_space<vmem_shared>> -> memref<128x16xf32, #tpu.memory_space<vmem_shared>>
      %dma_start3A_116 = arith.constant 0 : i32
      %dma_start3A_117 = tpu.memref_slice %arg9[%add3A_8, %dma_start3A_116] : memref<50176x16xf32, #tpu.memory_space<vmem_shared>> -> memref<128x16xf32, #tpu.memory_space<vmem_shared>>
      tpu.enqueue_dma source(%arg10 : memref<128x16xf32, #tpu.memory_space<vmem>>) target(%dma_start3A_117 : memref<128x16xf32, #tpu.memory_space<vmem_shared>>) target_semaphore(%run_scoped3A : memref<!tpu.dma_semaphore, #tpu.memory_space<semaphore_mem>>)
      %dma_wait3A = arith.constant 0 : i32
      %dma_wait3A_118 = tpu.memref_slice %arg9[%add3A_8, %dma_wait3A] : memref<50176x16xf32, #tpu.memory_space<vmem_shared>> -> memref<128x16xf32, #tpu.memory_space<vmem_shared>>
      %dma_wait3A_119 = arith.constant 0 : i32
      %dma_wait3A_120 = tpu.memref_slice %arg9[%add3A_8, %dma_wait3A_119] : memref<50176x16xf32, #tpu.memory_space<vmem_shared>> -> memref<128x16xf32, #tpu.memory_space<vmem_shared>>
      tpu.wait_dma2 semaphore(%run_scoped3A : memref<!tpu.dma_semaphore, #tpu.memory_space<semaphore_mem>>) src(%arg10 : memref<128x16xf32, #tpu.memory_space<vmem>>) dst(%dma_wait3A_120 : memref<128x16xf32, #tpu.memory_space<vmem_shared>>)
      tpu.yield
    }) : () -> ()
    %mul3A_9 = arith.constant 3136 : i32
    %mul3A_10 = arith.muli %arg1, %mul3A_9 : i32
    %add3A_11 = arith.constant 256 : i32
    %add3A_12 = arith.addi %mul3A_10, %add3A_11 : i32
    "tpu.region"() ({
      %run_scoped3A = tpu.sem_alloc : memref<!tpu.dma_semaphore, #tpu.memory_space<semaphore_mem>>
      %dma_start3A = arith.constant 0 : i32
      %dma_start3A_115 = tpu.memref_slice %arg9[%add3A_12, %dma_start3A] : memref<50176x16xf32, #tpu.memory_space<vmem_shared>> -> memref<128x16xf32, #tpu.memory_space<vmem_shared>>
      %dma_start3A_116 = arith.constant 0 : i32
      %dma_start3A_117 = tpu.memref_slice %arg9[%add3A_12, %dma_start3A_116] : memref<50176x16xf32, #tpu.memory_space<vmem_shared>> -> memref<128x16xf32, #tpu.memory_space<vmem_shared>>
      tpu.enqueue_dma source(%arg10 : memref<128x16xf32, #tpu.memory_space<vmem>>) target(%dma_start3A_117 : memref<128x16xf32, #tpu.memory_space<vmem_shared>>) target_semaphore(%run_scoped3A : memref<!tpu.dma_semaphore, #tpu.memory_space<semaphore_mem>>)
      %dma_wait3A = arith.constant 0 : i32
      %dma_wait3A_118 = tpu.memref_slice %arg9[%add3A_12, %dma_wait3A] : memref<50176x16xf32, #tpu.memory_space<vmem_shared>> -> memref<128x16xf32, #tpu.memory_space<vmem_shared>>
      %dma_wait3A_119 = arith.constant 0 : i32
      %dma_wait3A_120 = tpu.memref_slice %arg9[%add3A_12, %dma_wait3A_119] : memref<50176x16xf32, #tpu.memory_space<vmem_shared>> -> memref<128x16xf32, #tpu.memory_space<vmem_shared>>
      tpu.wait_dma2 semaphore(%run_scoped3A : memref<!tpu.dma_semaphore, #tpu.memory_space<semaphore_mem>>) src(%arg10 : memref<128x16xf32, #tpu.memory_space<vmem>>) dst(%dma_wait3A_120 : memref<128x16xf32, #tpu.memory_space<vmem_shared>>)
      tpu.yield
    }) : () -> ()
    %mul3A_13 = arith.constant 3136 : i32
    %mul3A_14 = arith.muli %arg1, %mul3A_13 : i32
    %add3A_15 = arith.constant 384 : i32
    %add3A_16 = arith.addi %mul3A_14, %add3A_15 : i32
    "tpu.region"() ({
      %run_scoped3A = tpu.sem_alloc : memref<!tpu.dma_semaphore, #tpu.memory_space<semaphore_mem>>
      %dma_start3A = arith.constant 0 : i32
      %dma_start3A_115 = tpu.memref_slice %arg9[%add3A_16, %dma_start3A] : memref<50176x16xf32, #tpu.memory_space<vmem_shared>> -> memref<128x16xf32, #tpu.memory_space<vmem_shared>>
      %dma_start3A_116 = arith.constant 0 : i32
      %dma_start3A_117 = tpu.memref_slice %arg9[%add3A_16, %dma_start3A_116] : memref<50176x16xf32, #tpu.memory_space<vmem_shared>> -> memref<128x16xf32, #tpu.memory_space<vmem_shared>>
      tpu.enqueue_dma source(%arg10 : memref<128x16xf32, #tpu.memory_space<vmem>>) target(%dma_start3A_117 : memref<128x16xf32, #tpu.memory_space<vmem_shared>>) target_semaphore(%run_scoped3A : memref<!tpu.dma_semaphore, #tpu.memory_space<semaphore_mem>>)
      %dma_wait3A = arith.constant 0 : i32
      %dma_wait3A_118 = tpu.memref_slice %arg9[%add3A_16, %dma_wait3A] : memref<50176x16xf32, #tpu.memory_space<vmem_shared>> -> memref<128x16xf32, #tpu.memory_space<vmem_shared>>
      %dma_wait3A_119 = arith.constant 0 : i32
      %dma_wait3A_120 = tpu.memref_slice %arg9[%add3A_16, %dma_wait3A_119] : memref<50176x16xf32, #tpu.memory_space<vmem_shared>> -> memref<128x16xf32, #tpu.memory_space<vmem_shared>>
      tpu.wait_dma2 semaphore(%run_scoped3A : memref<!tpu.dma_semaphore, #tpu.memory_space<semaphore_mem>>) src(%arg10 : memref<128x16xf32, #tpu.memory_space<vmem>>) dst(%dma_wait3A_120 : memref<128x16xf32, #tpu.memory_space<vmem_shared>>)
      tpu.yield
    }) : () -> ()
    %mul3A_17 = arith.constant 3136 : i32
    %mul3A_18 = arith.muli %arg1, %mul3A_17 : i32
    %add3A_19 = arith.constant 512 : i32
    %add3A_20 = arith.addi %mul3A_18, %add3A_19 : i32
    "tpu.region"() ({
      %run_scoped3A = tpu.sem_alloc : memref<!tpu.dma_semaphore, #tpu.memory_space<semaphore_mem>>
      %dma_start3A = arith.constant 0 : i32
      %dma_start3A_115 = tpu.memref_slice %arg9[%add3A_20, %dma_start3A] : memref<50176x16xf32, #tpu.memory_space<vmem_shared>> -> memref<128x16xf32, #tpu.memory_space<vmem_shared>>
      %dma_start3A_116 = arith.constant 0 : i32
      %dma_start3A_117 = tpu.memref_slice %arg9[%add3A_20, %dma_start3A_116] : memref<50176x16xf32, #tpu.memory_space<vmem_shared>> -> memref<128x16xf32, #tpu.memory_space<vmem_shared>>
      tpu.enqueue_dma source(%arg10 : memref<128x16xf32, #tpu.memory_space<vmem>>) target(%dma_start3A_117 : memref<128x16xf32, #tpu.memory_space<vmem_shared>>) target_semaphore(%run_scoped3A : memref<!tpu.dma_semaphore, #tpu.memory_space<semaphore_mem>>)
      %dma_wait3A = arith.constant 0 : i32
      %dma_wait3A_118 = tpu.memref_slice %arg9[%add3A_20, %dma_wait3A] : memref<50176x16xf32, #tpu.memory_space<vmem_shared>> -> memref<128x16xf32, #tpu.memory_space<vmem_shared>>
      %dma_wait3A_119 = arith.constant 0 : i32
      %dma_wait3A_120 = tpu.memref_slice %arg9[%add3A_20, %dma_wait3A_119] : memref<50176x16xf32, #tpu.memory_space<vmem_shared>> -> memref<128x16xf32, #tpu.memory_space<vmem_shared>>
      tpu.wait_dma2 semaphore(%run_scoped3A : memref<!tpu.dma_semaphore, #tpu.memory_space<semaphore_mem>>) src(%arg10 : memref<128x16xf32, #tpu.memory_space<vmem>>) dst(%dma_wait3A_120 : memref<128x16xf32, #tpu.memory_space<vmem_shared>>)
      tpu.yield
    }) : () -> ()
    %mul3A_21 = arith.constant 3136 : i32
    %mul3A_22 = arith.muli %arg1, %mul3A_21 : i32
    %add3A_23 = arith.constant 640 : i32
    %add3A_24 = arith.addi %mul3A_22, %add3A_23 : i32
    "tpu.region"() ({
      %run_scoped3A = tpu.sem_alloc : memref<!tpu.dma_semaphore, #tpu.memory_space<semaphore_mem>>
      %dma_start3A = arith.constant 0 : i32
      %dma_start3A_115 = tpu.memref_slice %arg9[%add3A_24, %dma_start3A] : memref<50176x16xf32, #tpu.memory_space<vmem_shared>> -> memref<128x16xf32, #tpu.memory_space<vmem_shared>>
      %dma_start3A_116 = arith.constant 0 : i32
      %dma_start3A_117 = tpu.memref_slice %arg9[%add3A_24, %dma_start3A_116] : memref<50176x16xf32, #tpu.memory_space<vmem_shared>> -> memref<128x16xf32, #tpu.memory_space<vmem_shared>>
      tpu.enqueue_dma source(%arg10 : memref<128x16xf32, #tpu.memory_space<vmem>>) target(%dma_start3A_117 : memref<128x16xf32, #tpu.memory_space<vmem_shared>>) target_semaphore(%run_scoped3A : memref<!tpu.dma_semaphore, #tpu.memory_space<semaphore_mem>>)
      %dma_wait3A = arith.constant 0 : i32
      %dma_wait3A_118 = tpu.memref_slice %arg9[%add3A_24, %dma_wait3A] : memref<50176x16xf32, #tpu.memory_space<vmem_shared>> -> memref<128x16xf32, #tpu.memory_space<vmem_shared>>
      %dma_wait3A_119 = arith.constant 0 : i32
      %dma_wait3A_120 = tpu.memref_slice %arg9[%add3A_24, %dma_wait3A_119] : memref<50176x16xf32, #tpu.memory_space<vmem_shared>> -> memref<128x16xf32, #tpu.memory_space<vmem_shared>>
      tpu.wait_dma2 semaphore(%run_scoped3A : memref<!tpu.dma_semaphore, #tpu.memory_space<semaphore_mem>>) src(%arg10 : memref<128x16xf32, #tpu.memory_space<vmem>>) dst(%dma_wait3A_120 : memref<128x16xf32, #tpu.memory_space<vmem_shared>>)
      tpu.yield
    }) : () -> ()
    %mul3A_25 = arith.constant 3136 : i32
    %mul3A_26 = arith.muli %arg1, %mul3A_25 : i32
    %add3A_27 = arith.constant 768 : i32
    %add3A_28 = arith.addi %mul3A_26, %add3A_27 : i32
    "tpu.region"() ({
      %run_scoped3A = tpu.sem_alloc : memref<!tpu.dma_semaphore, #tpu.memory_space<semaphore_mem>>
      %dma_start3A = arith.constant 0 : i32
      %dma_start3A_115 = tpu.memref_slice %arg9[%add3A_28, %dma_start3A] : memref<50176x16xf32, #tpu.memory_space<vmem_shared>> -> memref<128x16xf32, #tpu.memory_space<vmem_shared>>
      %dma_start3A_116 = arith.constant 0 : i32
      %dma_start3A_117 = tpu.memref_slice %arg9[%add3A_28, %dma_start3A_116] : memref<50176x16xf32, #tpu.memory_space<vmem_shared>> -> memref<128x16xf32, #tpu.memory_space<vmem_shared>>
      tpu.enqueue_dma source(%arg10 : memref<128x16xf32, #tpu.memory_space<vmem>>) target(%dma_start3A_117 : memref<128x16xf32, #tpu.memory_space<vmem_shared>>) target_semaphore(%run_scoped3A : memref<!tpu.dma_semaphore, #tpu.memory_space<semaphore_mem>>)
      %dma_wait3A = arith.constant 0 : i32
      %dma_wait3A_118 = tpu.memref_slice %arg9[%add3A_28, %dma_wait3A] : memref<50176x16xf32, #tpu.memory_space<vmem_shared>> -> memref<128x16xf32, #tpu.memory_space<vmem_shared>>
      %dma_wait3A_119 = arith.constant 0 : i32
      %dma_wait3A_120 = tpu.memref_slice %arg9[%add3A_28, %dma_wait3A_119] : memref<50176x16xf32, #tpu.memory_space<vmem_shared>> -> memref<128x16xf32, #tpu.memory_space<vmem_shared>>
      tpu.wait_dma2 semaphore(%run_scoped3A : memref<!tpu.dma_semaphore, #tpu.memory_space<semaphore_mem>>) src(%arg10 : memref<128x16xf32, #tpu.memory_space<vmem>>) dst(%dma_wait3A_120 : memref<128x16xf32, #tpu.memory_space<vmem_shared>>)
      tpu.yield
    }) : () -> ()
    %mul3A_29 = arith.constant 3136 : i32
    %mul3A_30 = arith.muli %arg1, %mul3A_29 : i32
    %add3A_31 = arith.constant 896 : i32
    %add3A_32 = arith.addi %mul3A_30, %add3A_31 : i32
    "tpu.region"() ({
      %run_scoped3A = tpu.sem_alloc : memref<!tpu.dma_semaphore, #tpu.memory_space<semaphore_mem>>
      %dma_start3A = arith.constant 0 : i32
      %dma_start3A_115 = tpu.memref_slice %arg9[%add3A_32, %dma_start3A] : memref<50176x16xf32, #tpu.memory_space<vmem_shared>> -> memref<128x16xf32, #tpu.memory_space<vmem_shared>>
      %dma_start3A_116 = arith.constant 0 : i32
      %dma_start3A_117 = tpu.memref_slice %arg9[%add3A_32, %dma_start3A_116] : memref<50176x16xf32, #tpu.memory_space<vmem_shared>> -> memref<128x16xf32, #tpu.memory_space<vmem_shared>>
      tpu.enqueue_dma source(%arg10 : memref<128x16xf32, #tpu.memory_space<vmem>>) target(%dma_start3A_117 : memref<128x16xf32, #tpu.memory_space<vmem_shared>>) target_semaphore(%run_scoped3A : memref<!tpu.dma_semaphore, #tpu.memory_space<semaphore_mem>>)
      %dma_wait3A = arith.constant 0 : i32
      %dma_wait3A_118 = tpu.memref_slice %arg9[%add3A_32, %dma_wait3A] : memref<50176x16xf32, #tpu.memory_space<vmem_shared>> -> memref<128x16xf32, #tpu.memory_space<vmem_shared>>
      %dma_wait3A_119 = arith.constant 0 : i32
      %dma_wait3A_120 = tpu.memref_slice %arg9[%add3A_32, %dma_wait3A_119] : memref<50176x16xf32, #tpu.memory_space<vmem_shared>> -> memref<128x16xf32, #tpu.memory_space<vmem_shared>>
      tpu.wait_dma2 semaphore(%run_scoped3A : memref<!tpu.dma_semaphore, #tpu.memory_space<semaphore_mem>>) src(%arg10 : memref<128x16xf32, #tpu.memory_space<vmem>>) dst(%dma_wait3A_120 : memref<128x16xf32, #tpu.memory_space<vmem_shared>>)
      tpu.yield
    }) : () -> ()
    %mul3A_33 = arith.constant 3136 : i32
    %mul3A_34 = arith.muli %arg1, %mul3A_33 : i32
    %add3A_35 = arith.constant 1024 : i32
    %add3A_36 = arith.addi %mul3A_34, %add3A_35 : i32
    "tpu.region"() ({
      %run_scoped3A = tpu.sem_alloc : memref<!tpu.dma_semaphore, #tpu.memory_space<semaphore_mem>>
      %dma_start3A = arith.constant 0 : i32
      %dma_start3A_115 = tpu.memref_slice %arg9[%add3A_36, %dma_start3A] : memref<50176x16xf32, #tpu.memory_space<vmem_shared>> -> memref<128x16xf32, #tpu.memory_space<vmem_shared>>
      %dma_start3A_116 = arith.constant 0 : i32
      %dma_start3A_117 = tpu.memref_slice %arg9[%add3A_36, %dma_start3A_116] : memref<50176x16xf32, #tpu.memory_space<vmem_shared>> -> memref<128x16xf32, #tpu.memory_space<vmem_shared>>
      tpu.enqueue_dma source(%arg10 : memref<128x16xf32, #tpu.memory_space<vmem>>) target(%dma_start3A_117 : memref<128x16xf32, #tpu.memory_space<vmem_shared>>) target_semaphore(%run_scoped3A : memref<!tpu.dma_semaphore, #tpu.memory_space<semaphore_mem>>)
      %dma_wait3A = arith.constant 0 : i32
      %dma_wait3A_118 = tpu.memref_slice %arg9[%add3A_36, %dma_wait3A] : memref<50176x16xf32, #tpu.memory_space<vmem_shared>> -> memref<128x16xf32, #tpu.memory_space<vmem_shared>>
      %dma_wait3A_119 = arith.constant 0 : i32
      %dma_wait3A_120 = tpu.memref_slice %arg9[%add3A_36, %dma_wait3A_119] : memref<50176x16xf32, #tpu.memory_space<vmem_shared>> -> memref<128x16xf32, #tpu.memory_space<vmem_shared>>
      tpu.wait_dma2 semaphore(%run_scoped3A : memref<!tpu.dma_semaphore, #tpu.memory_space<semaphore_mem>>) src(%arg10 : memref<128x16xf32, #tpu.memory_space<vmem>>) dst(%dma_wait3A_120 : memref<128x16xf32, #tpu.memory_space<vmem_shared>>)
      tpu.yield
    }) : () -> ()
    %mul3A_37 = arith.constant 3136 : i32
    %mul3A_38 = arith.muli %arg1, %mul3A_37 : i32
    %add3A_39 = arith.constant 1152 : i32
    %add3A_40 = arith.addi %mul3A_38, %add3A_39 : i32
    "tpu.region"() ({
      %run_scoped3A = tpu.sem_alloc : memref<!tpu.dma_semaphore, #tpu.memory_space<semaphore_mem>>
      %dma_start3A = arith.constant 0 : i32
      %dma_start3A_115 = tpu.memref_slice %arg9[%add3A_40, %dma_start3A] : memref<50176x16xf32, #tpu.memory_space<vmem_shared>> -> memref<128x16xf32, #tpu.memory_space<vmem_shared>>
      %dma_start3A_116 = arith.constant 0 : i32
      %dma_start3A_117 = tpu.memref_slice %arg9[%add3A_40, %dma_start3A_116] : memref<50176x16xf32, #tpu.memory_space<vmem_shared>> -> memref<128x16xf32, #tpu.memory_space<vmem_shared>>
      tpu.enqueue_dma source(%arg10 : memref<128x16xf32, #tpu.memory_space<vmem>>) target(%dma_start3A_117 : memref<128x16xf32, #tpu.memory_space<vmem_shared>>) target_semaphore(%run_scoped3A : memref<!tpu.dma_semaphore, #tpu.memory_space<semaphore_mem>>)
      %dma_wait3A = arith.constant 0 : i32
      %dma_wait3A_118 = tpu.memref_slice %arg9[%add3A_40, %dma_wait3A] : memref<50176x16xf32, #tpu.memory_space<vmem_shared>> -> memref<128x16xf32, #tpu.memory_space<vmem_shared>>
      %dma_wait3A_119 = arith.constant 0 : i32
      %dma_wait3A_120 = tpu.memref_slice %arg9[%add3A_40, %dma_wait3A_119] : memref<50176x16xf32, #tpu.memory_space<vmem_shared>> -> memref<128x16xf32, #tpu.memory_space<vmem_shared>>
      tpu.wait_dma2 semaphore(%run_scoped3A : memref<!tpu.dma_semaphore, #tpu.memory_space<semaphore_mem>>) src(%arg10 : memref<128x16xf32, #tpu.memory_space<vmem>>) dst(%dma_wait3A_120 : memref<128x16xf32, #tpu.memory_space<vmem_shared>>)
      tpu.yield
    }) : () -> ()
    %mul3A_41 = arith.constant 3136 : i32
    %mul3A_42 = arith.muli %arg1, %mul3A_41 : i32
    %add3A_43 = arith.constant 1280 : i32
    %add3A_44 = arith.addi %mul3A_42, %add3A_43 : i32
    "tpu.region"() ({
      %run_scoped3A = tpu.sem_alloc : memref<!tpu.dma_semaphore, #tpu.memory_space<semaphore_mem>>
      %dma_start3A = arith.constant 0 : i32
      %dma_start3A_115 = tpu.memref_slice %arg9[%add3A_44, %dma_start3A] : memref<50176x16xf32, #tpu.memory_space<vmem_shared>> -> memref<128x16xf32, #tpu.memory_space<vmem_shared>>
      %dma_start3A_116 = arith.constant 0 : i32
      %dma_start3A_117 = tpu.memref_slice %arg9[%add3A_44, %dma_start3A_116] : memref<50176x16xf32, #tpu.memory_space<vmem_shared>> -> memref<128x16xf32, #tpu.memory_space<vmem_shared>>
      tpu.enqueue_dma source(%arg10 : memref<128x16xf32, #tpu.memory_space<vmem>>) target(%dma_start3A_117 : memref<128x16xf32, #tpu.memory_space<vmem_shared>>) target_semaphore(%run_scoped3A : memref<!tpu.dma_semaphore, #tpu.memory_space<semaphore_mem>>)
      %dma_wait3A = arith.constant 0 : i32
      %dma_wait3A_118 = tpu.memref_slice %arg9[%add3A_44, %dma_wait3A] : memref<50176x16xf32, #tpu.memory_space<vmem_shared>> -> memref<128x16xf32, #tpu.memory_space<vmem_shared>>
      %dma_wait3A_119 = arith.constant 0 : i32
      %dma_wait3A_120 = tpu.memref_slice %arg9[%add3A_44, %dma_wait3A_119] : memref<50176x16xf32, #tpu.memory_space<vmem_shared>> -> memref<128x16xf32, #tpu.memory_space<vmem_shared>>
      tpu.wait_dma2 semaphore(%run_scoped3A : memref<!tpu.dma_semaphore, #tpu.memory_space<semaphore_mem>>) src(%arg10 : memref<128x16xf32, #tpu.memory_space<vmem>>) dst(%dma_wait3A_120 : memref<128x16xf32, #tpu.memory_space<vmem_shared>>)
      tpu.yield
    }) : () -> ()
    %mul3A_45 = arith.constant 3136 : i32
    %mul3A_46 = arith.muli %arg1, %mul3A_45 : i32
    %add3A_47 = arith.constant 1408 : i32
    %add3A_48 = arith.addi %mul3A_46, %add3A_47 : i32
    "tpu.region"() ({
      %run_scoped3A = tpu.sem_alloc : memref<!tpu.dma_semaphore, #tpu.memory_space<semaphore_mem>>
      %dma_start3A = arith.constant 0 : i32
      %dma_start3A_115 = tpu.memref_slice %arg9[%add3A_48, %dma_start3A] : memref<50176x16xf32, #tpu.memory_space<vmem_shared>> -> memref<128x16xf32, #tpu.memory_space<vmem_shared>>
      %dma_start3A_116 = arith.constant 0 : i32
      %dma_start3A_117 = tpu.memref_slice %arg9[%add3A_48, %dma_start3A_116] : memref<50176x16xf32, #tpu.memory_space<vmem_shared>> -> memref<128x16xf32, #tpu.memory_space<vmem_shared>>
      tpu.enqueue_dma source(%arg10 : memref<128x16xf32, #tpu.memory_space<vmem>>) target(%dma_start3A_117 : memref<128x16xf32, #tpu.memory_space<vmem_shared>>) target_semaphore(%run_scoped3A : memref<!tpu.dma_semaphore, #tpu.memory_space<semaphore_mem>>)
      %dma_wait3A = arith.constant 0 : i32
      %dma_wait3A_118 = tpu.memref_slice %arg9[%add3A_48, %dma_wait3A] : memref<50176x16xf32, #tpu.memory_space<vmem_shared>> -> memref<128x16xf32, #tpu.memory_space<vmem_shared>>
      %dma_wait3A_119 = arith.constant 0 : i32
      %dma_wait3A_120 = tpu.memref_slice %arg9[%add3A_48, %dma_wait3A_119] : memref<50176x16xf32, #tpu.memory_space<vmem_shared>> -> memref<128x16xf32, #tpu.memory_space<vmem_shared>>
      tpu.wait_dma2 semaphore(%run_scoped3A : memref<!tpu.dma_semaphore, #tpu.memory_space<semaphore_mem>>) src(%arg10 : memref<128x16xf32, #tpu.memory_space<vmem>>) dst(%dma_wait3A_120 : memref<128x16xf32, #tpu.memory_space<vmem_shared>>)
      tpu.yield
    }) : () -> ()
    %mul3A_49 = arith.constant 3136 : i32
    %mul3A_50 = arith.muli %arg1, %mul3A_49 : i32
    %add3A_51 = arith.constant 1536 : i32
    %add3A_52 = arith.addi %mul3A_50, %add3A_51 : i32
    "tpu.region"() ({
      %run_scoped3A = tpu.sem_alloc : memref<!tpu.dma_semaphore, #tpu.memory_space<semaphore_mem>>
      %dma_start3A = arith.constant 0 : i32
      %dma_start3A_115 = tpu.memref_slice %arg9[%add3A_52, %dma_start3A] : memref<50176x16xf32, #tpu.memory_space<vmem_shared>> -> memref<128x16xf32, #tpu.memory_space<vmem_shared>>
      %dma_start3A_116 = arith.constant 0 : i32
      %dma_start3A_117 = tpu.memref_slice %arg9[%add3A_52, %dma_start3A_116] : memref<50176x16xf32, #tpu.memory_space<vmem_shared>> -> memref<128x16xf32, #tpu.memory_space<vmem_shared>>
      tpu.enqueue_dma source(%arg10 : memref<128x16xf32, #tpu.memory_space<vmem>>) target(%dma_start3A_117 : memref<128x16xf32, #tpu.memory_space<vmem_shared>>) target_semaphore(%run_scoped3A : memref<!tpu.dma_semaphore, #tpu.memory_space<semaphore_mem>>)
      %dma_wait3A = arith.constant 0 : i32
      %dma_wait3A_118 = tpu.memref_slice %arg9[%add3A_52, %dma_wait3A] : memref<50176x16xf32, #tpu.memory_space<vmem_shared>> -> memref<128x16xf32, #tpu.memory_space<vmem_shared>>
      %dma_wait3A_119 = arith.constant 0 : i32
      %dma_wait3A_120 = tpu.memref_slice %arg9[%add3A_52, %dma_wait3A_119] : memref<50176x16xf32, #tpu.memory_space<vmem_shared>> -> memref<128x16xf32, #tpu.memory_space<vmem_shared>>
      tpu.wait_dma2 semaphore(%run_scoped3A : memref<!tpu.dma_semaphore, #tpu.memory_space<semaphore_mem>>) src(%arg10 : memref<128x16xf32, #tpu.memory_space<vmem>>) dst(%dma_wait3A_120 : memref<128x16xf32, #tpu.memory_space<vmem_shared>>)
      tpu.yield
    }) : () -> ()
    %mul3A_53 = arith.constant 3136 : i32
    %mul3A_54 = arith.muli %arg1, %mul3A_53 : i32
    %add3A_55 = arith.constant 1664 : i32
    %add3A_56 = arith.addi %mul3A_54, %add3A_55 : i32
    "tpu.region"() ({
      %run_scoped3A = tpu.sem_alloc : memref<!tpu.dma_semaphore, #tpu.memory_space<semaphore_mem>>
      %dma_start3A = arith.constant 0 : i32
      %dma_start3A_115 = tpu.memref_slice %arg9[%add3A_56, %dma_start3A] : memref<50176x16xf32, #tpu.memory_space<vmem_shared>> -> memref<128x16xf32, #tpu.memory_space<vmem_shared>>
      %dma_start3A_116 = arith.constant 0 : i32
      %dma_start3A_117 = tpu.memref_slice %arg9[%add3A_56, %dma_start3A_116] : memref<50176x16xf32, #tpu.memory_space<vmem_shared>> -> memref<128x16xf32, #tpu.memory_space<vmem_shared>>
      tpu.enqueue_dma source(%arg10 : memref<128x16xf32, #tpu.memory_space<vmem>>) target(%dma_start3A_117 : memref<128x16xf32, #tpu.memory_space<vmem_shared>>) target_semaphore(%run_scoped3A : memref<!tpu.dma_semaphore, #tpu.memory_space<semaphore_mem>>)
      %dma_wait3A = arith.constant 0 : i32
      %dma_wait3A_118 = tpu.memref_slice %arg9[%add3A_56, %dma_wait3A] : memref<50176x16xf32, #tpu.memory_space<vmem_shared>> -> memref<128x16xf32, #tpu.memory_space<vmem_shared>>
      %dma_wait3A_119 = arith.constant 0 : i32
      %dma_wait3A_120 = tpu.memref_slice %arg9[%add3A_56, %dma_wait3A_119] : memref<50176x16xf32, #tpu.memory_space<vmem_shared>> -> memref<128x16xf32, #tpu.memory_space<vmem_shared>>
      tpu.wait_dma2 semaphore(%run_scoped3A : memref<!tpu.dma_semaphore, #tpu.memory_space<semaphore_mem>>) src(%arg10 : memref<128x16xf32, #tpu.memory_space<vmem>>) dst(%dma_wait3A_120 : memref<128x16xf32, #tpu.memory_space<vmem_shared>>)
      tpu.yield
    }) : () -> ()
    %mul3A_57 = arith.constant 3136 : i32
    %mul3A_58 = arith.muli %arg1, %mul3A_57 : i32
    %add3A_59 = arith.constant 1792 : i32
    %add3A_60 = arith.addi %mul3A_58, %add3A_59 : i32
    "tpu.region"() ({
      %run_scoped3A = tpu.sem_alloc : memref<!tpu.dma_semaphore, #tpu.memory_space<semaphore_mem>>
      %dma_start3A = arith.constant 0 : i32
      %dma_start3A_115 = tpu.memref_slice %arg9[%add3A_60, %dma_start3A] : memref<50176x16xf32, #tpu.memory_space<vmem_shared>> -> memref<128x16xf32, #tpu.memory_space<vmem_shared>>
      %dma_start3A_116 = arith.constant 0 : i32
      %dma_start3A_117 = tpu.memref_slice %arg9[%add3A_60, %dma_start3A_116] : memref<50176x16xf32, #tpu.memory_space<vmem_shared>> -> memref<128x16xf32, #tpu.memory_space<vmem_shared>>
      tpu.enqueue_dma source(%arg10 : memref<128x16xf32, #tpu.memory_space<vmem>>) target(%dma_start3A_117 : memref<128x16xf32, #tpu.memory_space<vmem_shared>>) target_semaphore(%run_scoped3A : memref<!tpu.dma_semaphore, #tpu.memory_space<semaphore_mem>>)
      %dma_wait3A = arith.constant 0 : i32
      %dma_wait3A_118 = tpu.memref_slice %arg9[%add3A_60, %dma_wait3A] : memref<50176x16xf32, #tpu.memory_space<vmem_shared>> -> memref<128x16xf32, #tpu.memory_space<vmem_shared>>
      %dma_wait3A_119 = arith.constant 0 : i32
      %dma_wait3A_120 = tpu.memref_slice %arg9[%add3A_60, %dma_wait3A_119] : memref<50176x16xf32, #tpu.memory_space<vmem_shared>> -> memref<128x16xf32, #tpu.memory_space<vmem_shared>>
      tpu.wait_dma2 semaphore(%run_scoped3A : memref<!tpu.dma_semaphore, #tpu.memory_space<semaphore_mem>>) src(%arg10 : memref<128x16xf32, #tpu.memory_space<vmem>>) dst(%dma_wait3A_120 : memref<128x16xf32, #tpu.memory_space<vmem_shared>>)
      tpu.yield
    }) : () -> ()
    %mul3A_61 = arith.constant 3136 : i32
    %mul3A_62 = arith.muli %arg1, %mul3A_61 : i32
    %add3A_63 = arith.constant 1920 : i32
    %add3A_64 = arith.addi %mul3A_62, %add3A_63 : i32
    "tpu.region"() ({
      %run_scoped3A = tpu.sem_alloc : memref<!tpu.dma_semaphore, #tpu.memory_space<semaphore_mem>>
      %dma_start3A = arith.constant 0 : i32
      %dma_start3A_115 = tpu.memref_slice %arg9[%add3A_64, %dma_start3A] : memref<50176x16xf32, #tpu.memory_space<vmem_shared>> -> memref<128x16xf32, #tpu.memory_space<vmem_shared>>
      %dma_start3A_116 = arith.constant 0 : i32
      %dma_start3A_117 = tpu.memref_slice %arg9[%add3A_64, %dma_start3A_116] : memref<50176x16xf32, #tpu.memory_space<vmem_shared>> -> memref<128x16xf32, #tpu.memory_space<vmem_shared>>
      tpu.enqueue_dma source(%arg10 : memref<128x16xf32, #tpu.memory_space<vmem>>) target(%dma_start3A_117 : memref<128x16xf32, #tpu.memory_space<vmem_shared>>) target_semaphore(%run_scoped3A : memref<!tpu.dma_semaphore, #tpu.memory_space<semaphore_mem>>)
      %dma_wait3A = arith.constant 0 : i32
      %dma_wait3A_118 = tpu.memref_slice %arg9[%add3A_64, %dma_wait3A] : memref<50176x16xf32, #tpu.memory_space<vmem_shared>> -> memref<128x16xf32, #tpu.memory_space<vmem_shared>>
      %dma_wait3A_119 = arith.constant 0 : i32
      %dma_wait3A_120 = tpu.memref_slice %arg9[%add3A_64, %dma_wait3A_119] : memref<50176x16xf32, #tpu.memory_space<vmem_shared>> -> memref<128x16xf32, #tpu.memory_space<vmem_shared>>
      tpu.wait_dma2 semaphore(%run_scoped3A : memref<!tpu.dma_semaphore, #tpu.memory_space<semaphore_mem>>) src(%arg10 : memref<128x16xf32, #tpu.memory_space<vmem>>) dst(%dma_wait3A_120 : memref<128x16xf32, #tpu.memory_space<vmem_shared>>)
      tpu.yield
    }) : () -> ()
    %mul3A_65 = arith.constant 3136 : i32
    %mul3A_66 = arith.muli %arg1, %mul3A_65 : i32
    %add3A_67 = arith.constant 2048 : i32
    %add3A_68 = arith.addi %mul3A_66, %add3A_67 : i32
    "tpu.region"() ({
      %run_scoped3A = tpu.sem_alloc : memref<!tpu.dma_semaphore, #tpu.memory_space<semaphore_mem>>
      %dma_start3A = arith.constant 0 : i32
      %dma_start3A_115 = tpu.memref_slice %arg9[%add3A_68, %dma_start3A] : memref<50176x16xf32, #tpu.memory_space<vmem_shared>> -> memref<128x16xf32, #tpu.memory_space<vmem_shared>>
      %dma_start3A_116 = arith.constant 0 : i32
      %dma_start3A_117 = tpu.memref_slice %arg9[%add3A_68, %dma_start3A_116] : memref<50176x16xf32, #tpu.memory_space<vmem_shared>> -> memref<128x16xf32, #tpu.memory_space<vmem_shared>>
      tpu.enqueue_dma source(%arg10 : memref<128x16xf32, #tpu.memory_space<vmem>>) target(%dma_start3A_117 : memref<128x16xf32, #tpu.memory_space<vmem_shared>>) target_semaphore(%run_scoped3A : memref<!tpu.dma_semaphore, #tpu.memory_space<semaphore_mem>>)
      %dma_wait3A = arith.constant 0 : i32
      %dma_wait3A_118 = tpu.memref_slice %arg9[%add3A_68, %dma_wait3A] : memref<50176x16xf32, #tpu.memory_space<vmem_shared>> -> memref<128x16xf32, #tpu.memory_space<vmem_shared>>
      %dma_wait3A_119 = arith.constant 0 : i32
      %dma_wait3A_120 = tpu.memref_slice %arg9[%add3A_68, %dma_wait3A_119] : memref<50176x16xf32, #tpu.memory_space<vmem_shared>> -> memref<128x16xf32, #tpu.memory_space<vmem_shared>>
      tpu.wait_dma2 semaphore(%run_scoped3A : memref<!tpu.dma_semaphore, #tpu.memory_space<semaphore_mem>>) src(%arg10 : memref<128x16xf32, #tpu.memory_space<vmem>>) dst(%dma_wait3A_120 : memref<128x16xf32, #tpu.memory_space<vmem_shared>>)
      tpu.yield
    }) : () -> ()
    %mul3A_69 = arith.constant 3136 : i32
    %mul3A_70 = arith.muli %arg1, %mul3A_69 : i32
    %add3A_71 = arith.constant 2176 : i32
    %add3A_72 = arith.addi %mul3A_70, %add3A_71 : i32
    "tpu.region"() ({
      %run_scoped3A = tpu.sem_alloc : memref<!tpu.dma_semaphore, #tpu.memory_space<semaphore_mem>>
      %dma_start3A = arith.constant 0 : i32
      %dma_start3A_115 = tpu.memref_slice %arg9[%add3A_72, %dma_start3A] : memref<50176x16xf32, #tpu.memory_space<vmem_shared>> -> memref<128x16xf32, #tpu.memory_space<vmem_shared>>
      %dma_start3A_116 = arith.constant 0 : i32
      %dma_start3A_117 = tpu.memref_slice %arg9[%add3A_72, %dma_start3A_116] : memref<50176x16xf32, #tpu.memory_space<vmem_shared>> -> memref<128x16xf32, #tpu.memory_space<vmem_shared>>
      tpu.enqueue_dma source(%arg10 : memref<128x16xf32, #tpu.memory_space<vmem>>) target(%dma_start3A_117 : memref<128x16xf32, #tpu.memory_space<vmem_shared>>) target_semaphore(%run_scoped3A : memref<!tpu.dma_semaphore, #tpu.memory_space<semaphore_mem>>)
      %dma_wait3A = arith.constant 0 : i32
      %dma_wait3A_118 = tpu.memref_slice %arg9[%add3A_72, %dma_wait3A] : memref<50176x16xf32, #tpu.memory_space<vmem_shared>> -> memref<128x16xf32, #tpu.memory_space<vmem_shared>>
      %dma_wait3A_119 = arith.constant 0 : i32
      %dma_wait3A_120 = tpu.memref_slice %arg9[%add3A_72, %dma_wait3A_119] : memref<50176x16xf32, #tpu.memory_space<vmem_shared>> -> memref<128x16xf32, #tpu.memory_space<vmem_shared>>
      tpu.wait_dma2 semaphore(%run_scoped3A : memref<!tpu.dma_semaphore, #tpu.memory_space<semaphore_mem>>) src(%arg10 : memref<128x16xf32, #tpu.memory_space<vmem>>) dst(%dma_wait3A_120 : memref<128x16xf32, #tpu.memory_space<vmem_shared>>)
      tpu.yield
    }) : () -> ()
    %mul3A_73 = arith.constant 3136 : i32
    %mul3A_74 = arith.muli %arg1, %mul3A_73 : i32
    %add3A_75 = arith.constant 2304 : i32
    %add3A_76 = arith.addi %mul3A_74, %add3A_75 : i32
    "tpu.region"() ({
      %run_scoped3A = tpu.sem_alloc : memref<!tpu.dma_semaphore, #tpu.memory_space<semaphore_mem>>
      %dma_start3A = arith.constant 0 : i32
      %dma_start3A_115 = tpu.memref_slice %arg9[%add3A_76, %dma_start3A] : memref<50176x16xf32, #tpu.memory_space<vmem_shared>> -> memref<128x16xf32, #tpu.memory_space<vmem_shared>>
      %dma_start3A_116 = arith.constant 0 : i32
      %dma_start3A_117 = tpu.memref_slice %arg9[%add3A_76, %dma_start3A_116] : memref<50176x16xf32, #tpu.memory_space<vmem_shared>> -> memref<128x16xf32, #tpu.memory_space<vmem_shared>>
      tpu.enqueue_dma source(%arg10 : memref<128x16xf32, #tpu.memory_space<vmem>>) target(%dma_start3A_117 : memref<128x16xf32, #tpu.memory_space<vmem_shared>>) target_semaphore(%run_scoped3A : memref<!tpu.dma_semaphore, #tpu.memory_space<semaphore_mem>>)
      %dma_wait3A = arith.constant 0 : i32
      %dma_wait3A_118 = tpu.memref_slice %arg9[%add3A_76, %dma_wait3A] : memref<50176x16xf32, #tpu.memory_space<vmem_shared>> -> memref<128x16xf32, #tpu.memory_space<vmem_shared>>
      %dma_wait3A_119 = arith.constant 0 : i32
      %dma_wait3A_120 = tpu.memref_slice %arg9[%add3A_76, %dma_wait3A_119] : memref<50176x16xf32, #tpu.memory_space<vmem_shared>> -> memref<128x16xf32, #tpu.memory_space<vmem_shared>>
      tpu.wait_dma2 semaphore(%run_scoped3A : memref<!tpu.dma_semaphore, #tpu.memory_space<semaphore_mem>>) src(%arg10 : memref<128x16xf32, #tpu.memory_space<vmem>>) dst(%dma_wait3A_120 : memref<128x16xf32, #tpu.memory_space<vmem_shared>>)
      tpu.yield
    }) : () -> ()
    %mul3A_77 = arith.constant 3136 : i32
    %mul3A_78 = arith.muli %arg1, %mul3A_77 : i32
    %add3A_79 = arith.constant 2432 : i32
    %add3A_80 = arith.addi %mul3A_78, %add3A_79 : i32
    "tpu.region"() ({
      %run_scoped3A = tpu.sem_alloc : memref<!tpu.dma_semaphore, #tpu.memory_space<semaphore_mem>>
      %dma_start3A = arith.constant 0 : i32
      %dma_start3A_115 = tpu.memref_slice %arg9[%add3A_80, %dma_start3A] : memref<50176x16xf32, #tpu.memory_space<vmem_shared>> -> memref<128x16xf32, #tpu.memory_space<vmem_shared>>
      %dma_start3A_116 = arith.constant 0 : i32
      %dma_start3A_117 = tpu.memref_slice %arg9[%add3A_80, %dma_start3A_116] : memref<50176x16xf32, #tpu.memory_space<vmem_shared>> -> memref<128x16xf32, #tpu.memory_space<vmem_shared>>
      tpu.enqueue_dma source(%arg10 : memref<128x16xf32, #tpu.memory_space<vmem>>) target(%dma_start3A_117 : memref<128x16xf32, #tpu.memory_space<vmem_shared>>) target_semaphore(%run_scoped3A : memref<!tpu.dma_semaphore, #tpu.memory_space<semaphore_mem>>)
      %dma_wait3A = arith.constant 0 : i32
      %dma_wait3A_118 = tpu.memref_slice %arg9[%add3A_80, %dma_wait3A] : memref<50176x16xf32, #tpu.memory_space<vmem_shared>> -> memref<128x16xf32, #tpu.memory_space<vmem_shared>>
      %dma_wait3A_119 = arith.constant 0 : i32
      %dma_wait3A_120 = tpu.memref_slice %arg9[%add3A_80, %dma_wait3A_119] : memref<50176x16xf32, #tpu.memory_space<vmem_shared>> -> memref<128x16xf32, #tpu.memory_space<vmem_shared>>
      tpu.wait_dma2 semaphore(%run_scoped3A : memref<!tpu.dma_semaphore, #tpu.memory_space<semaphore_mem>>) src(%arg10 : memref<128x16xf32, #tpu.memory_space<vmem>>) dst(%dma_wait3A_120 : memref<128x16xf32, #tpu.memory_space<vmem_shared>>)
      tpu.yield
    }) : () -> ()
    %mul3A_81 = arith.constant 3136 : i32
    %mul3A_82 = arith.muli %arg1, %mul3A_81 : i32
    %add3A_83 = arith.constant 2560 : i32
    %add3A_84 = arith.addi %mul3A_82, %add3A_83 : i32
    "tpu.region"() ({
      %run_scoped3A = tpu.sem_alloc : memref<!tpu.dma_semaphore, #tpu.memory_space<semaphore_mem>>
      %dma_start3A = arith.constant 0 : i32
      %dma_start3A_115 = tpu.memref_slice %arg9[%add3A_84, %dma_start3A] : memref<50176x16xf32, #tpu.memory_space<vmem_shared>> -> memref<128x16xf32, #tpu.memory_space<vmem_shared>>
      %dma_start3A_116 = arith.constant 0 : i32
      %dma_start3A_117 = tpu.memref_slice %arg9[%add3A_84, %dma_start3A_116] : memref<50176x16xf32, #tpu.memory_space<vmem_shared>> -> memref<128x16xf32, #tpu.memory_space<vmem_shared>>
      tpu.enqueue_dma source(%arg10 : memref<128x16xf32, #tpu.memory_space<vmem>>) target(%dma_start3A_117 : memref<128x16xf32, #tpu.memory_space<vmem_shared>>) target_semaphore(%run_scoped3A : memref<!tpu.dma_semaphore, #tpu.memory_space<semaphore_mem>>)
      %dma_wait3A = arith.constant 0 : i32
      %dma_wait3A_118 = tpu.memref_slice %arg9[%add3A_84, %dma_wait3A] : memref<50176x16xf32, #tpu.memory_space<vmem_shared>> -> memref<128x16xf32, #tpu.memory_space<vmem_shared>>
      %dma_wait3A_119 = arith.constant 0 : i32
      %dma_wait3A_120 = tpu.memref_slice %arg9[%add3A_84, %dma_wait3A_119] : memref<50176x16xf32, #tpu.memory_space<vmem_shared>> -> memref<128x16xf32, #tpu.memory_space<vmem_shared>>
      tpu.wait_dma2 semaphore(%run_scoped3A : memref<!tpu.dma_semaphore, #tpu.memory_space<semaphore_mem>>) src(%arg10 : memref<128x16xf32, #tpu.memory_space<vmem>>) dst(%dma_wait3A_120 : memref<128x16xf32, #tpu.memory_space<vmem_shared>>)
      tpu.yield
    }) : () -> ()
    %mul3A_85 = arith.constant 3136 : i32
    %mul3A_86 = arith.muli %arg1, %mul3A_85 : i32
    %add3A_87 = arith.constant 2688 : i32
    %add3A_88 = arith.addi %mul3A_86, %add3A_87 : i32
    "tpu.region"() ({
      %run_scoped3A = tpu.sem_alloc : memref<!tpu.dma_semaphore, #tpu.memory_space<semaphore_mem>>
      %dma_start3A = arith.constant 0 : i32
      %dma_start3A_115 = tpu.memref_slice %arg9[%add3A_88, %dma_start3A] : memref<50176x16xf32, #tpu.memory_space<vmem_shared>> -> memref<128x16xf32, #tpu.memory_space<vmem_shared>>
      %dma_start3A_116 = arith.constant 0 : i32
      %dma_start3A_117 = tpu.memref_slice %arg9[%add3A_88, %dma_start3A_116] : memref<50176x16xf32, #tpu.memory_space<vmem_shared>> -> memref<128x16xf32, #tpu.memory_space<vmem_shared>>
      tpu.enqueue_dma source(%arg10 : memref<128x16xf32, #tpu.memory_space<vmem>>) target(%dma_start3A_117 : memref<128x16xf32, #tpu.memory_space<vmem_shared>>) target_semaphore(%run_scoped3A : memref<!tpu.dma_semaphore, #tpu.memory_space<semaphore_mem>>)
      %dma_wait3A = arith.constant 0 : i32
      %dma_wait3A_118 = tpu.memref_slice %arg9[%add3A_88, %dma_wait3A] : memref<50176x16xf32, #tpu.memory_space<vmem_shared>> -> memref<128x16xf32, #tpu.memory_space<vmem_shared>>
      %dma_wait3A_119 = arith.constant 0 : i32
      %dma_wait3A_120 = tpu.memref_slice %arg9[%add3A_88, %dma_wait3A_119] : memref<50176x16xf32, #tpu.memory_space<vmem_shared>> -> memref<128x16xf32, #tpu.memory_space<vmem_shared>>
      tpu.wait_dma2 semaphore(%run_scoped3A : memref<!tpu.dma_semaphore, #tpu.memory_space<semaphore_mem>>) src(%arg10 : memref<128x16xf32, #tpu.memory_space<vmem>>) dst(%dma_wait3A_120 : memref<128x16xf32, #tpu.memory_space<vmem_shared>>)
      tpu.yield
    }) : () -> ()
    %mul3A_89 = arith.constant 3136 : i32
    %mul3A_90 = arith.muli %arg1, %mul3A_89 : i32
    %add3A_91 = arith.constant 2816 : i32
    %add3A_92 = arith.addi %mul3A_90, %add3A_91 : i32
    "tpu.region"() ({
      %run_scoped3A = tpu.sem_alloc : memref<!tpu.dma_semaphore, #tpu.memory_space<semaphore_mem>>
      %dma_start3A = arith.constant 0 : i32
      %dma_start3A_115 = tpu.memref_slice %arg9[%add3A_92, %dma_start3A] : memref<50176x16xf32, #tpu.memory_space<vmem_shared>> -> memref<128x16xf32, #tpu.memory_space<vmem_shared>>
      %dma_start3A_116 = arith.constant 0 : i32
      %dma_start3A_117 = tpu.memref_slice %arg9[%add3A_92, %dma_start3A_116] : memref<50176x16xf32, #tpu.memory_space<vmem_shared>> -> memref<128x16xf32, #tpu.memory_space<vmem_shared>>
      tpu.enqueue_dma source(%arg10 : memref<128x16xf32, #tpu.memory_space<vmem>>) target(%dma_start3A_117 : memref<128x16xf32, #tpu.memory_space<vmem_shared>>) target_semaphore(%run_scoped3A : memref<!tpu.dma_semaphore, #tpu.memory_space<semaphore_mem>>)
      %dma_wait3A = arith.constant 0 : i32
      %dma_wait3A_118 = tpu.memref_slice %arg9[%add3A_92, %dma_wait3A] : memref<50176x16xf32, #tpu.memory_space<vmem_shared>> -> memref<128x16xf32, #tpu.memory_space<vmem_shared>>
      %dma_wait3A_119 = arith.constant 0 : i32
      %dma_wait3A_120 = tpu.memref_slice %arg9[%add3A_92, %dma_wait3A_119] : memref<50176x16xf32, #tpu.memory_space<vmem_shared>> -> memref<128x16xf32, #tpu.memory_space<vmem_shared>>
      tpu.wait_dma2 semaphore(%run_scoped3A : memref<!tpu.dma_semaphore, #tpu.memory_space<semaphore_mem>>) src(%arg10 : memref<128x16xf32, #tpu.memory_space<vmem>>) dst(%dma_wait3A_120 : memref<128x16xf32, #tpu.memory_space<vmem_shared>>)
      tpu.yield
    }) : () -> ()
    %mul3A_93 = arith.constant 3136 : i32
    %mul3A_94 = arith.muli %arg1, %mul3A_93 : i32
    %add3A_95 = arith.constant 2944 : i32
    %add3A_96 = arith.addi %mul3A_94, %add3A_95 : i32
    "tpu.region"() ({
      %run_scoped3A = tpu.sem_alloc : memref<!tpu.dma_semaphore, #tpu.memory_space<semaphore_mem>>
      %dma_start3A = arith.constant 0 : i32
      %dma_start3A_115 = tpu.memref_slice %arg9[%add3A_96, %dma_start3A] : memref<50176x16xf32, #tpu.memory_space<vmem_shared>> -> memref<128x16xf32, #tpu.memory_space<vmem_shared>>
      %dma_start3A_116 = arith.constant 0 : i32
      %dma_start3A_117 = tpu.memref_slice %arg9[%add3A_96, %dma_start3A_116] : memref<50176x16xf32, #tpu.memory_space<vmem_shared>> -> memref<128x16xf32, #tpu.memory_space<vmem_shared>>
      tpu.enqueue_dma source(%arg10 : memref<128x16xf32, #tpu.memory_space<vmem>>) target(%dma_start3A_117 : memref<128x16xf32, #tpu.memory_space<vmem_shared>>) target_semaphore(%run_scoped3A : memref<!tpu.dma_semaphore, #tpu.memory_space<semaphore_mem>>)
      %dma_wait3A = arith.constant 0 : i32
      %dma_wait3A_118 = tpu.memref_slice %arg9[%add3A_96, %dma_wait3A] : memref<50176x16xf32, #tpu.memory_space<vmem_shared>> -> memref<128x16xf32, #tpu.memory_space<vmem_shared>>
      %dma_wait3A_119 = arith.constant 0 : i32
      %dma_wait3A_120 = tpu.memref_slice %arg9[%add3A_96, %dma_wait3A_119] : memref<50176x16xf32, #tpu.memory_space<vmem_shared>> -> memref<128x16xf32, #tpu.memory_space<vmem_shared>>
      tpu.wait_dma2 semaphore(%run_scoped3A : memref<!tpu.dma_semaphore, #tpu.memory_space<semaphore_mem>>) src(%arg10 : memref<128x16xf32, #tpu.memory_space<vmem>>) dst(%dma_wait3A_120 : memref<128x16xf32, #tpu.memory_space<vmem_shared>>)
      tpu.yield
    }) : () -> ()
    %mul3A_97 = arith.constant 3136 : i32
    %mul3A_98 = arith.muli %arg1, %mul3A_97 : i32
    %add3A_99 = arith.constant 3072 : i32
    %add3A_100 = arith.addi %mul3A_98, %add3A_99 : i32
    "tpu.region"() ({
      %run_scoped3A = tpu.sem_alloc : memref<!tpu.dma_semaphore, #tpu.memory_space<semaphore_mem>>
      %dma_start3A = arith.constant 0 : i32
      %dma_start3A_115 = arith.constant 0 : i32
      %dma_start3A_116 = tpu.memref_slice %arg10[%dma_start3A, %dma_start3A_115] : memref<128x16xf32, #tpu.memory_space<vmem>> -> memref<64x16xf32, #tpu.memory_space<vmem>>
      %dma_start3A_117 = arith.constant 0 : i32
      %dma_start3A_118 = tpu.memref_slice %arg9[%add3A_100, %dma_start3A_117] : memref<50176x16xf32, #tpu.memory_space<vmem_shared>> -> memref<64x16xf32, #tpu.memory_space<vmem_shared>>
      %dma_start3A_119 = arith.constant 0 : i32
      %dma_start3A_120 = tpu.memref_slice %arg9[%add3A_100, %dma_start3A_119] : memref<50176x16xf32, #tpu.memory_space<vmem_shared>> -> memref<64x16xf32, #tpu.memory_space<vmem_shared>>
      %dma_start3A_121 = arith.constant 0 : i32
      %dma_start3A_122 = arith.constant 0 : i32
      %dma_start3A_123 = tpu.memref_slice %arg10[%dma_start3A_121, %dma_start3A_122] : memref<128x16xf32, #tpu.memory_space<vmem>> -> memref<64x16xf32, #tpu.memory_space<vmem>>
      tpu.enqueue_dma source(%dma_start3A_123 : memref<64x16xf32, #tpu.memory_space<vmem>>) target(%dma_start3A_120 : memref<64x16xf32, #tpu.memory_space<vmem_shared>>) target_semaphore(%run_scoped3A : memref<!tpu.dma_semaphore, #tpu.memory_space<semaphore_mem>>)
      %dma_wait3A = arith.constant 0 : i32
      %dma_wait3A_124 = arith.constant 0 : i32
      %dma_wait3A_125 = tpu.memref_slice %arg10[%dma_wait3A, %dma_wait3A_124] : memref<128x16xf32, #tpu.memory_space<vmem>> -> memref<64x16xf32, #tpu.memory_space<vmem>>
      %dma_wait3A_126 = arith.constant 0 : i32
      %dma_wait3A_127 = tpu.memref_slice %arg9[%add3A_100, %dma_wait3A_126] : memref<50176x16xf32, #tpu.memory_space<vmem_shared>> -> memref<64x16xf32, #tpu.memory_space<vmem_shared>>
      %dma_wait3A_128 = arith.constant 0 : i32
      %dma_wait3A_129 = tpu.memref_slice %arg9[%add3A_100, %dma_wait3A_128] : memref<50176x16xf32, #tpu.memory_space<vmem_shared>> -> memref<64x16xf32, #tpu.memory_space<vmem_shared>>
      %dma_wait3A_130 = arith.constant 0 : i32
      %dma_wait3A_131 = arith.constant 0 : i32
      %dma_wait3A_132 = tpu.memref_slice %arg10[%dma_wait3A_130, %dma_wait3A_131] : memref<128x16xf32, #tpu.memory_space<vmem>> -> memref<64x16xf32, #tpu.memory_space<vmem>>
      tpu.wait_dma2 semaphore(%run_scoped3A : memref<!tpu.dma_semaphore, #tpu.memory_space<semaphore_mem>>) src(%dma_wait3A_132 : memref<64x16xf32, #tpu.memory_space<vmem>>) dst(%dma_wait3A_129 : memref<64x16xf32, #tpu.memory_space<vmem_shared>>)
      tpu.yield
    }) : () -> ()
    %barrier3A = arith.constant 0 : index
    tpu.barrier barrier_id(%barrier3A)
    %scan3A = arith.constant 0 : i32
    %scan3A_101 = arith.constant 0 : i32
    %scan3A_102 = arith.constant 25 : i32
    %scan3A_103 = arith.addi %scan3A_101, %scan3A_102 : i32
    %scan3A_104 = arith.constant 1 : i32
    %scan3A_105 = scf.for %scan3A_115 = %scan3A_101 to %scan3A_103 step %scan3A_104 iter_args(%scan3A_116 = %scan3A) -> (i32)  : i32 {
      %mul3A_117 = arith.constant 200 : i32
      %mul3A_118 = arith.muli %add3A, %mul3A_117 : i32
      %mul3A_119 = arith.constant 8 : i32
      %mul3A_120 = arith.muli %scan3A_115, %mul3A_119 : i32
      %add3A_121 = arith.addi %mul3A_118, %mul3A_120 : i32
      "tpu.region"() ({
        %run_scoped3A_240 = tpu.sem_alloc : memref<!tpu.dma_semaphore, #tpu.memory_space<semaphore_mem>>
        %dma_start3A_241 = arith.constant 0 : i32
        %dma_start3A_242 = tpu.memref_slice %arg2[%add3A_121, %dma_start3A_241] : memref<6400x128xi32, #tpu.memory_space<hbm>> -> memref<8x128xi32, #tpu.memory_space<hbm>>
        %dma_start3A_243 = arith.constant 0 : i32
        %dma_start3A_244 = tpu.memref_slice %arg2[%add3A_121, %dma_start3A_243] : memref<6400x128xi32, #tpu.memory_space<hbm>> -> memref<8x128xi32, #tpu.memory_space<hbm>>
        tpu.enqueue_dma source(%dma_start3A_244 : memref<8x128xi32, #tpu.memory_space<hbm>>) target(%arg7 : memref<8x128xi32, #tpu.memory_space<vmem>>) target_semaphore(%run_scoped3A_240 : memref<!tpu.dma_semaphore, #tpu.memory_space<semaphore_mem>>)
        %dma_wait3A_245 = arith.constant 0 : i32
        %dma_wait3A_246 = tpu.memref_slice %arg2[%add3A_121, %dma_wait3A_245] : memref<6400x128xi32, #tpu.memory_space<hbm>> -> memref<8x128xi32, #tpu.memory_space<hbm>>
        %dma_wait3A_247 = arith.constant 0 : i32
        %dma_wait3A_248 = tpu.memref_slice %arg2[%add3A_121, %dma_wait3A_247] : memref<6400x128xi32, #tpu.memory_space<hbm>> -> memref<8x128xi32, #tpu.memory_space<hbm>>
        tpu.wait_dma2 semaphore(%run_scoped3A_240 : memref<!tpu.dma_semaphore, #tpu.memory_space<semaphore_mem>>) src(%dma_wait3A_248 : memref<8x128xi32, #tpu.memory_space<hbm>>) dst(%arg7 : memref<8x128xi32, #tpu.memory_space<vmem>>)
        tpu.yield
      }) : () -> ()
      "tpu.region"() ({
        %run_scoped3A_240 = tpu.sem_alloc : memref<!tpu.dma_semaphore, #tpu.memory_space<semaphore_mem>>
        %dma_start3A_241 = arith.constant 0 : i32
        %dma_start3A_242 = tpu.memref_slice %arg3[%add3A_121, %dma_start3A_241] : memref<6400x128xi32, #tpu.memory_space<hbm>> -> memref<8x128xi32, #tpu.memory_space<hbm>>
        %dma_start3A_243 = arith.constant 0 : i32
        %dma_start3A_244 = tpu.memref_slice %arg3[%add3A_121, %dma_start3A_243] : memref<6400x128xi32, #tpu.memory_space<hbm>> -> memref<8x128xi32, #tpu.memory_space<hbm>>
        tpu.enqueue_dma source(%dma_start3A_244 : memref<8x128xi32, #tpu.memory_space<hbm>>) target(%arg8 : memref<8x128xi32, #tpu.memory_space<vmem>>) target_semaphore(%run_scoped3A_240 : memref<!tpu.dma_semaphore, #tpu.memory_space<semaphore_mem>>)
        %dma_wait3A_245 = arith.constant 0 : i32
        %dma_wait3A_246 = tpu.memref_slice %arg3[%add3A_121, %dma_wait3A_245] : memref<6400x128xi32, #tpu.memory_space<hbm>> -> memref<8x128xi32, #tpu.memory_space<hbm>>
        %dma_wait3A_247 = arith.constant 0 : i32
        %dma_wait3A_248 = tpu.memref_slice %arg3[%add3A_121, %dma_wait3A_247] : memref<6400x128xi32, #tpu.memory_space<hbm>> -> memref<8x128xi32, #tpu.memory_space<hbm>>
        tpu.wait_dma2 semaphore(%run_scoped3A_240 : memref<!tpu.dma_semaphore, #tpu.memory_space<semaphore_mem>>) src(%dma_wait3A_248 : memref<8x128xi32, #tpu.memory_space<hbm>>) dst(%arg8 : memref<8x128xi32, #tpu.memory_space<vmem>>)
        tpu.yield
      }) : () -> ()
      %dma_start3A = arith.constant 0 : i32
      %dma_start3A_122 = arith.constant 0 : i32
      %dma_start3A_123 = tpu.memref_slice %arg7[%dma_start3A, %dma_start3A_122] : memref<8x128xi32, #tpu.memory_space<vmem>> -> memref<1x128xi32, #tpu.memory_space<vmem>>
      %dma_start3A_124 = tpu.memref_squeeze %dma_start3A_123 : memref<1x128xi32, #tpu.memory_space<vmem>> -> memref<128xi32, #tpu.memory_space<vmem>>
      %dma_start3A_125 = arith.constant 0 : i32
      %dma_start3A_126 = arith.constant 0 : i32
      %dma_start3A_127 = tpu.memref_slice %arg4[%dma_start3A_125, %dma_start3A_126] : memref<50176x16xf32, #tpu.memory_space<hbm>> -> memref<50176x16xf32, #tpu.memory_space<hbm>>
      tpu.enqueue_indirect_dma source(%dma_start3A_127 : memref<50176x16xf32, #tpu.memory_space<hbm>>) target(%arg11 : memref<128x16xf32, #tpu.memory_space<vmem>>) offsets(%dma_start3A_124 : memref<128xi32, #tpu.memory_space<vmem>>) semaphore(%arg15 : memref<!tpu.dma_semaphore, #tpu.memory_space<semaphore_mem>>)
      %dma_start3A_128 = arith.constant 1 : i32
      %dma_start3A_129 = arith.constant 0 : i32
      %dma_start3A_130 = tpu.memref_slice %arg7[%dma_start3A_128, %dma_start3A_129] : memref<8x128xi32, #tpu.memory_space<vmem>> -> memref<1x128xi32, #tpu.memory_space<vmem>>
      %dma_start3A_131 = tpu.memref_squeeze %dma_start3A_130 : memref<1x128xi32, #tpu.memory_space<vmem>> -> memref<128xi32, #tpu.memory_space<vmem>>
      %dma_start3A_132 = arith.constant 0 : i32
      %dma_start3A_133 = arith.constant 0 : i32
      %dma_start3A_134 = tpu.memref_slice %arg4[%dma_start3A_132, %dma_start3A_133] : memref<50176x16xf32, #tpu.memory_space<hbm>> -> memref<50176x16xf32, #tpu.memory_space<hbm>>
      tpu.enqueue_indirect_dma source(%dma_start3A_134 : memref<50176x16xf32, #tpu.memory_space<hbm>>) target(%arg12 : memref<128x16xf32, #tpu.memory_space<vmem>>) offsets(%dma_start3A_131 : memref<128xi32, #tpu.memory_space<vmem>>) semaphore(%arg16 : memref<!tpu.dma_semaphore, #tpu.memory_space<semaphore_mem>>)
      %dma_start3A_135 = arith.constant 2 : i32
      %dma_start3A_136 = arith.constant 0 : i32
      %dma_start3A_137 = tpu.memref_slice %arg7[%dma_start3A_135, %dma_start3A_136] : memref<8x128xi32, #tpu.memory_space<vmem>> -> memref<1x128xi32, #tpu.memory_space<vmem>>
      %dma_start3A_138 = tpu.memref_squeeze %dma_start3A_137 : memref<1x128xi32, #tpu.memory_space<vmem>> -> memref<128xi32, #tpu.memory_space<vmem>>
      %dma_start3A_139 = arith.constant 0 : i32
      %dma_start3A_140 = arith.constant 0 : i32
      %dma_start3A_141 = tpu.memref_slice %arg4[%dma_start3A_139, %dma_start3A_140] : memref<50176x16xf32, #tpu.memory_space<hbm>> -> memref<50176x16xf32, #tpu.memory_space<hbm>>
      tpu.enqueue_indirect_dma source(%dma_start3A_141 : memref<50176x16xf32, #tpu.memory_space<hbm>>) target(%arg13 : memref<128x16xf32, #tpu.memory_space<vmem>>) offsets(%dma_start3A_138 : memref<128xi32, #tpu.memory_space<vmem>>) semaphore(%arg17 : memref<!tpu.dma_semaphore, #tpu.memory_space<semaphore_mem>>)
      %dma_start3A_142 = arith.constant 3 : i32
      %dma_start3A_143 = arith.constant 0 : i32
      %dma_start3A_144 = tpu.memref_slice %arg7[%dma_start3A_142, %dma_start3A_143] : memref<8x128xi32, #tpu.memory_space<vmem>> -> memref<1x128xi32, #tpu.memory_space<vmem>>
      %dma_start3A_145 = tpu.memref_squeeze %dma_start3A_144 : memref<1x128xi32, #tpu.memory_space<vmem>> -> memref<128xi32, #tpu.memory_space<vmem>>
      %dma_start3A_146 = arith.constant 0 : i32
      %dma_start3A_147 = arith.constant 0 : i32
      %dma_start3A_148 = tpu.memref_slice %arg4[%dma_start3A_146, %dma_start3A_147] : memref<50176x16xf32, #tpu.memory_space<hbm>> -> memref<50176x16xf32, #tpu.memory_space<hbm>>
      tpu.enqueue_indirect_dma source(%dma_start3A_148 : memref<50176x16xf32, #tpu.memory_space<hbm>>) target(%arg14 : memref<128x16xf32, #tpu.memory_space<vmem>>) offsets(%dma_start3A_145 : memref<128xi32, #tpu.memory_space<vmem>>) semaphore(%arg18 : memref<!tpu.dma_semaphore, #tpu.memory_space<semaphore_mem>>)
      %dma_wait3A = arith.constant 0 : i32
      %dma_wait3A_149 = arith.constant 0 : i32
      %dma_wait3A_150 = tpu.memref_slice %arg7[%dma_wait3A, %dma_wait3A_149] : memref<8x128xi32, #tpu.memory_space<vmem>> -> memref<1x128xi32, #tpu.memory_space<vmem>>
      %dma_wait3A_151 = tpu.memref_squeeze %dma_wait3A_150 : memref<1x128xi32, #tpu.memory_space<vmem>> -> memref<128xi32, #tpu.memory_space<vmem>>
      %dma_wait3A_152 = arith.constant 0 : i32
      %dma_wait3A_153 = arith.constant 0 : i32
      %dma_wait3A_154 = tpu.memref_slice %arg4[%dma_wait3A_152, %dma_wait3A_153] : memref<50176x16xf32, #tpu.memory_space<hbm>> -> memref<50176x16xf32, #tpu.memory_space<hbm>>
      tpu.wait_indirect_dma semaphore(%arg15 : memref<!tpu.dma_semaphore, #tpu.memory_space<semaphore_mem>>) src(%dma_wait3A_154 : memref<50176x16xf32, #tpu.memory_space<hbm>>) dst(%arg11 : memref<128x16xf32, #tpu.memory_space<vmem>>)
      %run_scoped3A = arith.constant 0 : i32
      "tpu.region"() ({
        %run_scoped3A_240 = tpu.sem_alloc : memref<!tpu.dma_semaphore, #tpu.memory_space<semaphore_mem>>
        %dma_start3A_241 = arith.constant 0 : i32
        %dma_start3A_242 = tpu.memref_slice %arg8[%run_scoped3A, %dma_start3A_241] : memref<8x128xi32, #tpu.memory_space<vmem>> -> memref<1x128xi32, #tpu.memory_space<vmem>>
        %dma_start3A_243 = tpu.memref_squeeze %dma_start3A_242 : memref<1x128xi32, #tpu.memory_space<vmem>> -> memref<128xi32, #tpu.memory_space<vmem>>
        %dma_start3A_244 = arith.constant 0 : i32
        %dma_start3A_245 = arith.constant 0 : i32
        %dma_start3A_246 = tpu.memref_slice %arg9[%dma_start3A_244, %dma_start3A_245] : memref<50176x16xf32, #tpu.memory_space<vmem_shared>> -> memref<50176x16xf32, #tpu.memory_space<vmem_shared>>
        tpu.enqueue_indirect_dma source(%arg11 : memref<128x16xf32, #tpu.memory_space<vmem>>) target(%dma_start3A_246 : memref<50176x16xf32, #tpu.memory_space<vmem_shared>>) offsets(%dma_start3A_243 : memref<128xi32, #tpu.memory_space<vmem>>) semaphore(%run_scoped3A_240 : memref<!tpu.dma_semaphore, #tpu.memory_space<semaphore_mem>>) {add = true}
        %dma_wait3A_247 = arith.constant 0 : i32
        %dma_wait3A_248 = tpu.memref_slice %arg8[%run_scoped3A, %dma_wait3A_247] : memref<8x128xi32, #tpu.memory_space<vmem>> -> memref<1x128xi32, #tpu.memory_space<vmem>>
        %dma_wait3A_249 = tpu.memref_squeeze %dma_wait3A_248 : memref<1x128xi32, #tpu.memory_space<vmem>> -> memref<128xi32, #tpu.memory_space<vmem>>
        %dma_wait3A_250 = arith.constant 0 : i32
        %dma_wait3A_251 = arith.constant 0 : i32
        %dma_wait3A_252 = tpu.memref_slice %arg9[%dma_wait3A_250, %dma_wait3A_251] : memref<50176x16xf32, #tpu.memory_space<vmem_shared>> -> memref<50176x16xf32, #tpu.memory_space<vmem_shared>>
        tpu.wait_indirect_dma semaphore(%run_scoped3A_240 : memref<!tpu.dma_semaphore, #tpu.memory_space<semaphore_mem>>) src(%arg11 : memref<128x16xf32, #tpu.memory_space<vmem>>) dst(%dma_wait3A_252 : memref<50176x16xf32, #tpu.memory_space<vmem_shared>>)
        tpu.yield
      }) : () -> ()
      %dma_start3A_155 = arith.constant 4 : i32
      %dma_start3A_156 = arith.constant 0 : i32
      %dma_start3A_157 = tpu.memref_slice %arg7[%dma_start3A_155, %dma_start3A_156] : memref<8x128xi32, #tpu.memory_space<vmem>> -> memref<1x128xi32, #tpu.memory_space<vmem>>
      %dma_start3A_158 = tpu.memref_squeeze %dma_start3A_157 : memref<1x128xi32, #tpu.memory_space<vmem>> -> memref<128xi32, #tpu.memory_space<vmem>>
      %dma_start3A_159 = arith.constant 0 : i32
      %dma_start3A_160 = arith.constant 0 : i32
      %dma_start3A_161 = tpu.memref_slice %arg4[%dma_start3A_159, %dma_start3A_160] : memref<50176x16xf32, #tpu.memory_space<hbm>> -> memref<50176x16xf32, #tpu.memory_space<hbm>>
      tpu.enqueue_indirect_dma source(%dma_start3A_161 : memref<50176x16xf32, #tpu.memory_space<hbm>>) target(%arg11 : memref<128x16xf32, #tpu.memory_space<vmem>>) offsets(%dma_start3A_158 : memref<128xi32, #tpu.memory_space<vmem>>) semaphore(%arg15 : memref<!tpu.dma_semaphore, #tpu.memory_space<semaphore_mem>>)
      %dma_wait3A_162 = arith.constant 1 : i32
      %dma_wait3A_163 = arith.constant 0 : i32
      %dma_wait3A_164 = tpu.memref_slice %arg7[%dma_wait3A_162, %dma_wait3A_163] : memref<8x128xi32, #tpu.memory_space<vmem>> -> memref<1x128xi32, #tpu.memory_space<vmem>>
      %dma_wait3A_165 = tpu.memref_squeeze %dma_wait3A_164 : memref<1x128xi32, #tpu.memory_space<vmem>> -> memref<128xi32, #tpu.memory_space<vmem>>
      %dma_wait3A_166 = arith.constant 0 : i32
      %dma_wait3A_167 = arith.constant 0 : i32
      %dma_wait3A_168 = tpu.memref_slice %arg4[%dma_wait3A_166, %dma_wait3A_167] : memref<50176x16xf32, #tpu.memory_space<hbm>> -> memref<50176x16xf32, #tpu.memory_space<hbm>>
      tpu.wait_indirect_dma semaphore(%arg16 : memref<!tpu.dma_semaphore, #tpu.memory_space<semaphore_mem>>) src(%dma_wait3A_168 : memref<50176x16xf32, #tpu.memory_space<hbm>>) dst(%arg12 : memref<128x16xf32, #tpu.memory_space<vmem>>)
      %run_scoped3A_169 = arith.constant 1 : i32
      "tpu.region"() ({
        %run_scoped3A_240 = tpu.sem_alloc : memref<!tpu.dma_semaphore, #tpu.memory_space<semaphore_mem>>
        %dma_start3A_241 = arith.constant 0 : i32
        %dma_start3A_242 = tpu.memref_slice %arg8[%run_scoped3A_169, %dma_start3A_241] : memref<8x128xi32, #tpu.memory_space<vmem>> -> memref<1x128xi32, #tpu.memory_space<vmem>>
        %dma_start3A_243 = tpu.memref_squeeze %dma_start3A_242 : memref<1x128xi32, #tpu.memory_space<vmem>> -> memref<128xi32, #tpu.memory_space<vmem>>
        %dma_start3A_244 = arith.constant 0 : i32
        %dma_start3A_245 = arith.constant 0 : i32
        %dma_start3A_246 = tpu.memref_slice %arg9[%dma_start3A_244, %dma_start3A_245] : memref<50176x16xf32, #tpu.memory_space<vmem_shared>> -> memref<50176x16xf32, #tpu.memory_space<vmem_shared>>
        tpu.enqueue_indirect_dma source(%arg12 : memref<128x16xf32, #tpu.memory_space<vmem>>) target(%dma_start3A_246 : memref<50176x16xf32, #tpu.memory_space<vmem_shared>>) offsets(%dma_start3A_243 : memref<128xi32, #tpu.memory_space<vmem>>) semaphore(%run_scoped3A_240 : memref<!tpu.dma_semaphore, #tpu.memory_space<semaphore_mem>>) {add = true}
        %dma_wait3A_247 = arith.constant 0 : i32
        %dma_wait3A_248 = tpu.memref_slice %arg8[%run_scoped3A_169, %dma_wait3A_247] : memref<8x128xi32, #tpu.memory_space<vmem>> -> memref<1x128xi32, #tpu.memory_space<vmem>>
        %dma_wait3A_249 = tpu.memref_squeeze %dma_wait3A_248 : memref<1x128xi32, #tpu.memory_space<vmem>> -> memref<128xi32, #tpu.memory_space<vmem>>
        %dma_wait3A_250 = arith.constant 0 : i32
        %dma_wait3A_251 = arith.constant 0 : i32
        %dma_wait3A_252 = tpu.memref_slice %arg9[%dma_wait3A_250, %dma_wait3A_251] : memref<50176x16xf32, #tpu.memory_space<vmem_shared>> -> memref<50176x16xf32, #tpu.memory_space<vmem_shared>>
        tpu.wait_indirect_dma semaphore(%run_scoped3A_240 : memref<!tpu.dma_semaphore, #tpu.memory_space<semaphore_mem>>) src(%arg12 : memref<128x16xf32, #tpu.memory_space<vmem>>) dst(%dma_wait3A_252 : memref<50176x16xf32, #tpu.memory_space<vmem_shared>>)
        tpu.yield
      }) : () -> ()
      %dma_start3A_170 = arith.constant 5 : i32
      %dma_start3A_171 = arith.constant 0 : i32
      %dma_start3A_172 = tpu.memref_slice %arg7[%dma_start3A_170, %dma_start3A_171] : memref<8x128xi32, #tpu.memory_space<vmem>> -> memref<1x128xi32, #tpu.memory_space<vmem>>
      %dma_start3A_173 = tpu.memref_squeeze %dma_start3A_172 : memref<1x128xi32, #tpu.memory_space<vmem>> -> memref<128xi32, #tpu.memory_space<vmem>>
      %dma_start3A_174 = arith.constant 0 : i32
      %dma_start3A_175 = arith.constant 0 : i32
      %dma_start3A_176 = tpu.memref_slice %arg4[%dma_start3A_174, %dma_start3A_175] : memref<50176x16xf32, #tpu.memory_space<hbm>> -> memref<50176x16xf32, #tpu.memory_space<hbm>>
      tpu.enqueue_indirect_dma source(%dma_start3A_176 : memref<50176x16xf32, #tpu.memory_space<hbm>>) target(%arg12 : memref<128x16xf32, #tpu.memory_space<vmem>>) offsets(%dma_start3A_173 : memref<128xi32, #tpu.memory_space<vmem>>) semaphore(%arg16 : memref<!tpu.dma_semaphore, #tpu.memory_space<semaphore_mem>>)
      %dma_wait3A_177 = arith.constant 2 : i32
      %dma_wait3A_178 = arith.constant 0 : i32
      %dma_wait3A_179 = tpu.memref_slice %arg7[%dma_wait3A_177, %dma_wait3A_178] : memref<8x128xi32, #tpu.memory_space<vmem>> -> memref<1x128xi32, #tpu.memory_space<vmem>>
      %dma_wait3A_180 = tpu.memref_squeeze %dma_wait3A_179 : memref<1x128xi32, #tpu.memory_space<vmem>> -> memref<128xi32, #tpu.memory_space<vmem>>
      %dma_wait3A_181 = arith.constant 0 : i32
      %dma_wait3A_182 = arith.constant 0 : i32
      %dma_wait3A_183 = tpu.memref_slice %arg4[%dma_wait3A_181, %dma_wait3A_182] : memref<50176x16xf32, #tpu.memory_space<hbm>> -> memref<50176x16xf32, #tpu.memory_space<hbm>>
      tpu.wait_indirect_dma semaphore(%arg17 : memref<!tpu.dma_semaphore, #tpu.memory_space<semaphore_mem>>) src(%dma_wait3A_183 : memref<50176x16xf32, #tpu.memory_space<hbm>>) dst(%arg13 : memref<128x16xf32, #tpu.memory_space<vmem>>)
      %run_scoped3A_184 = arith.constant 2 : i32
      "tpu.region"() ({
        %run_scoped3A_240 = tpu.sem_alloc : memref<!tpu.dma_semaphore, #tpu.memory_space<semaphore_mem>>
        %dma_start3A_241 = arith.constant 0 : i32
        %dma_start3A_242 = tpu.memref_slice %arg8[%run_scoped3A_184, %dma_start3A_241] : memref<8x128xi32, #tpu.memory_space<vmem>> -> memref<1x128xi32, #tpu.memory_space<vmem>>
        %dma_start3A_243 = tpu.memref_squeeze %dma_start3A_242 : memref<1x128xi32, #tpu.memory_space<vmem>> -> memref<128xi32, #tpu.memory_space<vmem>>
        %dma_start3A_244 = arith.constant 0 : i32
        %dma_start3A_245 = arith.constant 0 : i32
        %dma_start3A_246 = tpu.memref_slice %arg9[%dma_start3A_244, %dma_start3A_245] : memref<50176x16xf32, #tpu.memory_space<vmem_shared>> -> memref<50176x16xf32, #tpu.memory_space<vmem_shared>>
        tpu.enqueue_indirect_dma source(%arg13 : memref<128x16xf32, #tpu.memory_space<vmem>>) target(%dma_start3A_246 : memref<50176x16xf32, #tpu.memory_space<vmem_shared>>) offsets(%dma_start3A_243 : memref<128xi32, #tpu.memory_space<vmem>>) semaphore(%run_scoped3A_240 : memref<!tpu.dma_semaphore, #tpu.memory_space<semaphore_mem>>) {add = true}
        %dma_wait3A_247 = arith.constant 0 : i32
        %dma_wait3A_248 = tpu.memref_slice %arg8[%run_scoped3A_184, %dma_wait3A_247] : memref<8x128xi32, #tpu.memory_space<vmem>> -> memref<1x128xi32, #tpu.memory_space<vmem>>
        %dma_wait3A_249 = tpu.memref_squeeze %dma_wait3A_248 : memref<1x128xi32, #tpu.memory_space<vmem>> -> memref<128xi32, #tpu.memory_space<vmem>>
        %dma_wait3A_250 = arith.constant 0 : i32
        %dma_wait3A_251 = arith.constant 0 : i32
        %dma_wait3A_252 = tpu.memref_slice %arg9[%dma_wait3A_250, %dma_wait3A_251] : memref<50176x16xf32, #tpu.memory_space<vmem_shared>> -> memref<50176x16xf32, #tpu.memory_space<vmem_shared>>
        tpu.wait_indirect_dma semaphore(%run_scoped3A_240 : memref<!tpu.dma_semaphore, #tpu.memory_space<semaphore_mem>>) src(%arg13 : memref<128x16xf32, #tpu.memory_space<vmem>>) dst(%dma_wait3A_252 : memref<50176x16xf32, #tpu.memory_space<vmem_shared>>)
        tpu.yield
      }) : () -> ()
      %dma_start3A_185 = arith.constant 6 : i32
      %dma_start3A_186 = arith.constant 0 : i32
      %dma_start3A_187 = tpu.memref_slice %arg7[%dma_start3A_185, %dma_start3A_186] : memref<8x128xi32, #tpu.memory_space<vmem>> -> memref<1x128xi32, #tpu.memory_space<vmem>>
      %dma_start3A_188 = tpu.memref_squeeze %dma_start3A_187 : memref<1x128xi32, #tpu.memory_space<vmem>> -> memref<128xi32, #tpu.memory_space<vmem>>
      %dma_start3A_189 = arith.constant 0 : i32
      %dma_start3A_190 = arith.constant 0 : i32
      %dma_start3A_191 = tpu.memref_slice %arg4[%dma_start3A_189, %dma_start3A_190] : memref<50176x16xf32, #tpu.memory_space<hbm>> -> memref<50176x16xf32, #tpu.memory_space<hbm>>
      tpu.enqueue_indirect_dma source(%dma_start3A_191 : memref<50176x16xf32, #tpu.memory_space<hbm>>) target(%arg13 : memref<128x16xf32, #tpu.memory_space<vmem>>) offsets(%dma_start3A_188 : memref<128xi32, #tpu.memory_space<vmem>>) semaphore(%arg17 : memref<!tpu.dma_semaphore, #tpu.memory_space<semaphore_mem>>)
      %dma_wait3A_192 = arith.constant 3 : i32
      %dma_wait3A_193 = arith.constant 0 : i32
      %dma_wait3A_194 = tpu.memref_slice %arg7[%dma_wait3A_192, %dma_wait3A_193] : memref<8x128xi32, #tpu.memory_space<vmem>> -> memref<1x128xi32, #tpu.memory_space<vmem>>
      %dma_wait3A_195 = tpu.memref_squeeze %dma_wait3A_194 : memref<1x128xi32, #tpu.memory_space<vmem>> -> memref<128xi32, #tpu.memory_space<vmem>>
      %dma_wait3A_196 = arith.constant 0 : i32
      %dma_wait3A_197 = arith.constant 0 : i32
      %dma_wait3A_198 = tpu.memref_slice %arg4[%dma_wait3A_196, %dma_wait3A_197] : memref<50176x16xf32, #tpu.memory_space<hbm>> -> memref<50176x16xf32, #tpu.memory_space<hbm>>
      tpu.wait_indirect_dma semaphore(%arg18 : memref<!tpu.dma_semaphore, #tpu.memory_space<semaphore_mem>>) src(%dma_wait3A_198 : memref<50176x16xf32, #tpu.memory_space<hbm>>) dst(%arg14 : memref<128x16xf32, #tpu.memory_space<vmem>>)
      %run_scoped3A_199 = arith.constant 3 : i32
      "tpu.region"() ({
        %run_scoped3A_240 = tpu.sem_alloc : memref<!tpu.dma_semaphore, #tpu.memory_space<semaphore_mem>>
        %dma_start3A_241 = arith.constant 0 : i32
        %dma_start3A_242 = tpu.memref_slice %arg8[%run_scoped3A_199, %dma_start3A_241] : memref<8x128xi32, #tpu.memory_space<vmem>> -> memref<1x128xi32, #tpu.memory_space<vmem>>
        %dma_start3A_243 = tpu.memref_squeeze %dma_start3A_242 : memref<1x128xi32, #tpu.memory_space<vmem>> -> memref<128xi32, #tpu.memory_space<vmem>>
        %dma_start3A_244 = arith.constant 0 : i32
        %dma_start3A_245 = arith.constant 0 : i32
        %dma_start3A_246 = tpu.memref_slice %arg9[%dma_start3A_244, %dma_start3A_245] : memref<50176x16xf32, #tpu.memory_space<vmem_shared>> -> memref<50176x16xf32, #tpu.memory_space<vmem_shared>>
        tpu.enqueue_indirect_dma source(%arg14 : memref<128x16xf32, #tpu.memory_space<vmem>>) target(%dma_start3A_246 : memref<50176x16xf32, #tpu.memory_space<vmem_shared>>) offsets(%dma_start3A_243 : memref<128xi32, #tpu.memory_space<vmem>>) semaphore(%run_scoped3A_240 : memref<!tpu.dma_semaphore, #tpu.memory_space<semaphore_mem>>) {add = true}
        %dma_wait3A_247 = arith.constant 0 : i32
        %dma_wait3A_248 = tpu.memref_slice %arg8[%run_scoped3A_199, %dma_wait3A_247] : memref<8x128xi32, #tpu.memory_space<vmem>> -> memref<1x128xi32, #tpu.memory_space<vmem>>
        %dma_wait3A_249 = tpu.memref_squeeze %dma_wait3A_248 : memref<1x128xi32, #tpu.memory_space<vmem>> -> memref<128xi32, #tpu.memory_space<vmem>>
        %dma_wait3A_250 = arith.constant 0 : i32
        %dma_wait3A_251 = arith.constant 0 : i32
        %dma_wait3A_252 = tpu.memref_slice %arg9[%dma_wait3A_250, %dma_wait3A_251] : memref<50176x16xf32, #tpu.memory_space<vmem_shared>> -> memref<50176x16xf32, #tpu.memory_space<vmem_shared>>
        tpu.wait_indirect_dma semaphore(%run_scoped3A_240 : memref<!tpu.dma_semaphore, #tpu.memory_space<semaphore_mem>>) src(%arg14 : memref<128x16xf32, #tpu.memory_space<vmem>>) dst(%dma_wait3A_252 : memref<50176x16xf32, #tpu.memory_space<vmem_shared>>)
        tpu.yield
      }) : () -> ()
      %dma_start3A_200 = arith.constant 7 : i32
      %dma_start3A_201 = arith.constant 0 : i32
      %dma_start3A_202 = tpu.memref_slice %arg7[%dma_start3A_200, %dma_start3A_201] : memref<8x128xi32, #tpu.memory_space<vmem>> -> memref<1x128xi32, #tpu.memory_space<vmem>>
      %dma_start3A_203 = tpu.memref_squeeze %dma_start3A_202 : memref<1x128xi32, #tpu.memory_space<vmem>> -> memref<128xi32, #tpu.memory_space<vmem>>
      %dma_start3A_204 = arith.constant 0 : i32
      %dma_start3A_205 = arith.constant 0 : i32
      %dma_start3A_206 = tpu.memref_slice %arg4[%dma_start3A_204, %dma_start3A_205] : memref<50176x16xf32, #tpu.memory_space<hbm>> -> memref<50176x16xf32, #tpu.memory_space<hbm>>
      tpu.enqueue_indirect_dma source(%dma_start3A_206 : memref<50176x16xf32, #tpu.memory_space<hbm>>) target(%arg14 : memref<128x16xf32, #tpu.memory_space<vmem>>) offsets(%dma_start3A_203 : memref<128xi32, #tpu.memory_space<vmem>>) semaphore(%arg18 : memref<!tpu.dma_semaphore, #tpu.memory_space<semaphore_mem>>)
      %dma_wait3A_207 = arith.constant 4 : i32
      %dma_wait3A_208 = arith.constant 0 : i32
      %dma_wait3A_209 = tpu.memref_slice %arg7[%dma_wait3A_207, %dma_wait3A_208] : memref<8x128xi32, #tpu.memory_space<vmem>> -> memref<1x128xi32, #tpu.memory_space<vmem>>
      %dma_wait3A_210 = tpu.memref_squeeze %dma_wait3A_209 : memref<1x128xi32, #tpu.memory_space<vmem>> -> memref<128xi32, #tpu.memory_space<vmem>>
      %dma_wait3A_211 = arith.constant 0 : i32
      %dma_wait3A_212 = arith.constant 0 : i32
      %dma_wait3A_213 = tpu.memref_slice %arg4[%dma_wait3A_211, %dma_wait3A_212] : memref<50176x16xf32, #tpu.memory_space<hbm>> -> memref<50176x16xf32, #tpu.memory_space<hbm>>
      tpu.wait_indirect_dma semaphore(%arg15 : memref<!tpu.dma_semaphore, #tpu.memory_space<semaphore_mem>>) src(%dma_wait3A_213 : memref<50176x16xf32, #tpu.memory_space<hbm>>) dst(%arg11 : memref<128x16xf32, #tpu.memory_space<vmem>>)
      %run_scoped3A_214 = arith.constant 4 : i32
      "tpu.region"() ({
        %run_scoped3A_240 = tpu.sem_alloc : memref<!tpu.dma_semaphore, #tpu.memory_space<semaphore_mem>>
        %dma_start3A_241 = arith.constant 0 : i32
        %dma_start3A_242 = tpu.memref_slice %arg8[%run_scoped3A_214, %dma_start3A_241] : memref<8x128xi32, #tpu.memory_space<vmem>> -> memref<1x128xi32, #tpu.memory_space<vmem>>
        %dma_start3A_243 = tpu.memref_squeeze %dma_start3A_242 : memref<1x128xi32, #tpu.memory_space<vmem>> -> memref<128xi32, #tpu.memory_space<vmem>>
        %dma_start3A_244 = arith.constant 0 : i32
        %dma_start3A_245 = arith.constant 0 : i32
        %dma_start3A_246 = tpu.memref_slice %arg9[%dma_start3A_244, %dma_start3A_245] : memref<50176x16xf32, #tpu.memory_space<vmem_shared>> -> memref<50176x16xf32, #tpu.memory_space<vmem_shared>>
        tpu.enqueue_indirect_dma source(%arg11 : memref<128x16xf32, #tpu.memory_space<vmem>>) target(%dma_start3A_246 : memref<50176x16xf32, #tpu.memory_space<vmem_shared>>) offsets(%dma_start3A_243 : memref<128xi32, #tpu.memory_space<vmem>>) semaphore(%run_scoped3A_240 : memref<!tpu.dma_semaphore, #tpu.memory_space<semaphore_mem>>) {add = true}
        %dma_wait3A_247 = arith.constant 0 : i32
        %dma_wait3A_248 = tpu.memref_slice %arg8[%run_scoped3A_214, %dma_wait3A_247] : memref<8x128xi32, #tpu.memory_space<vmem>> -> memref<1x128xi32, #tpu.memory_space<vmem>>
        %dma_wait3A_249 = tpu.memref_squeeze %dma_wait3A_248 : memref<1x128xi32, #tpu.memory_space<vmem>> -> memref<128xi32, #tpu.memory_space<vmem>>
        %dma_wait3A_250 = arith.constant 0 : i32
        %dma_wait3A_251 = arith.constant 0 : i32
        %dma_wait3A_252 = tpu.memref_slice %arg9[%dma_wait3A_250, %dma_wait3A_251] : memref<50176x16xf32, #tpu.memory_space<vmem_shared>> -> memref<50176x16xf32, #tpu.memory_space<vmem_shared>>
        tpu.wait_indirect_dma semaphore(%run_scoped3A_240 : memref<!tpu.dma_semaphore, #tpu.memory_space<semaphore_mem>>) src(%arg11 : memref<128x16xf32, #tpu.memory_space<vmem>>) dst(%dma_wait3A_252 : memref<50176x16xf32, #tpu.memory_space<vmem_shared>>)
        tpu.yield
      }) : () -> ()
      %dma_wait3A_215 = arith.constant 5 : i32
      %dma_wait3A_216 = arith.constant 0 : i32
      %dma_wait3A_217 = tpu.memref_slice %arg7[%dma_wait3A_215, %dma_wait3A_216] : memref<8x128xi32, #tpu.memory_space<vmem>> -> memref<1x128xi32, #tpu.memory_space<vmem>>
      %dma_wait3A_218 = tpu.memref_squeeze %dma_wait3A_217 : memref<1x128xi32, #tpu.memory_space<vmem>> -> memref<128xi32, #tpu.memory_space<vmem>>
      %dma_wait3A_219 = arith.constant 0 : i32
      %dma_wait3A_220 = arith.constant 0 : i32
      %dma_wait3A_221 = tpu.memref_slice %arg4[%dma_wait3A_219, %dma_wait3A_220] : memref<50176x16xf32, #tpu.memory_space<hbm>> -> memref<50176x16xf32, #tpu.memory_space<hbm>>
      tpu.wait_indirect_dma semaphore(%arg16 : memref<!tpu.dma_semaphore, #tpu.memory_space<semaphore_mem>>) src(%dma_wait3A_221 : memref<50176x16xf32, #tpu.memory_space<hbm>>) dst(%arg12 : memref<128x16xf32, #tpu.memory_space<vmem>>)
      %run_scoped3A_222 = arith.constant 5 : i32
      "tpu.region"() ({
        %run_scoped3A_240 = tpu.sem_alloc : memref<!tpu.dma_semaphore, #tpu.memory_space<semaphore_mem>>
        %dma_start3A_241 = arith.constant 0 : i32
        %dma_start3A_242 = tpu.memref_slice %arg8[%run_scoped3A_222, %dma_start3A_241] : memref<8x128xi32, #tpu.memory_space<vmem>> -> memref<1x128xi32, #tpu.memory_space<vmem>>
        %dma_start3A_243 = tpu.memref_squeeze %dma_start3A_242 : memref<1x128xi32, #tpu.memory_space<vmem>> -> memref<128xi32, #tpu.memory_space<vmem>>
        %dma_start3A_244 = arith.constant 0 : i32
        %dma_start3A_245 = arith.constant 0 : i32
        %dma_start3A_246 = tpu.memref_slice %arg9[%dma_start3A_244, %dma_start3A_245] : memref<50176x16xf32, #tpu.memory_space<vmem_shared>> -> memref<50176x16xf32, #tpu.memory_space<vmem_shared>>
        tpu.enqueue_indirect_dma source(%arg12 : memref<128x16xf32, #tpu.memory_space<vmem>>) target(%dma_start3A_246 : memref<50176x16xf32, #tpu.memory_space<vmem_shared>>) offsets(%dma_start3A_243 : memref<128xi32, #tpu.memory_space<vmem>>) semaphore(%run_scoped3A_240 : memref<!tpu.dma_semaphore, #tpu.memory_space<semaphore_mem>>) {add = true}
        %dma_wait3A_247 = arith.constant 0 : i32
        %dma_wait3A_248 = tpu.memref_slice %arg8[%run_scoped3A_222, %dma_wait3A_247] : memref<8x128xi32, #tpu.memory_space<vmem>> -> memref<1x128xi32, #tpu.memory_space<vmem>>
        %dma_wait3A_249 = tpu.memref_squeeze %dma_wait3A_248 : memref<1x128xi32, #tpu.memory_space<vmem>> -> memref<128xi32, #tpu.memory_space<vmem>>
        %dma_wait3A_250 = arith.constant 0 : i32
        %dma_wait3A_251 = arith.constant 0 : i32
        %dma_wait3A_252 = tpu.memref_slice %arg9[%dma_wait3A_250, %dma_wait3A_251] : memref<50176x16xf32, #tpu.memory_space<vmem_shared>> -> memref<50176x16xf32, #tpu.memory_space<vmem_shared>>
        tpu.wait_indirect_dma semaphore(%run_scoped3A_240 : memref<!tpu.dma_semaphore, #tpu.memory_space<semaphore_mem>>) src(%arg12 : memref<128x16xf32, #tpu.memory_space<vmem>>) dst(%dma_wait3A_252 : memref<50176x16xf32, #tpu.memory_space<vmem_shared>>)
        tpu.yield
      }) : () -> ()
      %dma_wait3A_223 = arith.constant 6 : i32
      %dma_wait3A_224 = arith.constant 0 : i32
      %dma_wait3A_225 = tpu.memref_slice %arg7[%dma_wait3A_223, %dma_wait3A_224] : memref<8x128xi32, #tpu.memory_space<vmem>> -> memref<1x128xi32, #tpu.memory_space<vmem>>
      %dma_wait3A_226 = tpu.memref_squeeze %dma_wait3A_225 : memref<1x128xi32, #tpu.memory_space<vmem>> -> memref<128xi32, #tpu.memory_space<vmem>>
      %dma_wait3A_227 = arith.constant 0 : i32
      %dma_wait3A_228 = arith.constant 0 : i32
      %dma_wait3A_229 = tpu.memref_slice %arg4[%dma_wait3A_227, %dma_wait3A_228] : memref<50176x16xf32, #tpu.memory_space<hbm>> -> memref<50176x16xf32, #tpu.memory_space<hbm>>
      tpu.wait_indirect_dma semaphore(%arg17 : memref<!tpu.dma_semaphore, #tpu.memory_space<semaphore_mem>>) src(%dma_wait3A_229 : memref<50176x16xf32, #tpu.memory_space<hbm>>) dst(%arg13 : memref<128x16xf32, #tpu.memory_space<vmem>>)
      %run_scoped3A_230 = arith.constant 6 : i32
      "tpu.region"() ({
        %run_scoped3A_240 = tpu.sem_alloc : memref<!tpu.dma_semaphore, #tpu.memory_space<semaphore_mem>>
        %dma_start3A_241 = arith.constant 0 : i32
        %dma_start3A_242 = tpu.memref_slice %arg8[%run_scoped3A_230, %dma_start3A_241] : memref<8x128xi32, #tpu.memory_space<vmem>> -> memref<1x128xi32, #tpu.memory_space<vmem>>
        %dma_start3A_243 = tpu.memref_squeeze %dma_start3A_242 : memref<1x128xi32, #tpu.memory_space<vmem>> -> memref<128xi32, #tpu.memory_space<vmem>>
        %dma_start3A_244 = arith.constant 0 : i32
        %dma_start3A_245 = arith.constant 0 : i32
        %dma_start3A_246 = tpu.memref_slice %arg9[%dma_start3A_244, %dma_start3A_245] : memref<50176x16xf32, #tpu.memory_space<vmem_shared>> -> memref<50176x16xf32, #tpu.memory_space<vmem_shared>>
        tpu.enqueue_indirect_dma source(%arg13 : memref<128x16xf32, #tpu.memory_space<vmem>>) target(%dma_start3A_246 : memref<50176x16xf32, #tpu.memory_space<vmem_shared>>) offsets(%dma_start3A_243 : memref<128xi32, #tpu.memory_space<vmem>>) semaphore(%run_scoped3A_240 : memref<!tpu.dma_semaphore, #tpu.memory_space<semaphore_mem>>) {add = true}
        %dma_wait3A_247 = arith.constant 0 : i32
        %dma_wait3A_248 = tpu.memref_slice %arg8[%run_scoped3A_230, %dma_wait3A_247] : memref<8x128xi32, #tpu.memory_space<vmem>> -> memref<1x128xi32, #tpu.memory_space<vmem>>
        %dma_wait3A_249 = tpu.memref_squeeze %dma_wait3A_248 : memref<1x128xi32, #tpu.memory_space<vmem>> -> memref<128xi32, #tpu.memory_space<vmem>>
        %dma_wait3A_250 = arith.constant 0 : i32
        %dma_wait3A_251 = arith.constant 0 : i32
        %dma_wait3A_252 = tpu.memref_slice %arg9[%dma_wait3A_250, %dma_wait3A_251] : memref<50176x16xf32, #tpu.memory_space<vmem_shared>> -> memref<50176x16xf32, #tpu.memory_space<vmem_shared>>
        tpu.wait_indirect_dma semaphore(%run_scoped3A_240 : memref<!tpu.dma_semaphore, #tpu.memory_space<semaphore_mem>>) src(%arg13 : memref<128x16xf32, #tpu.memory_space<vmem>>) dst(%dma_wait3A_252 : memref<50176x16xf32, #tpu.memory_space<vmem_shared>>)
        tpu.yield
      }) : () -> ()
      %dma_wait3A_231 = arith.constant 7 : i32
      %dma_wait3A_232 = arith.constant 0 : i32
      %dma_wait3A_233 = tpu.memref_slice %arg7[%dma_wait3A_231, %dma_wait3A_232] : memref<8x128xi32, #tpu.memory_space<vmem>> -> memref<1x128xi32, #tpu.memory_space<vmem>>
      %dma_wait3A_234 = tpu.memref_squeeze %dma_wait3A_233 : memref<1x128xi32, #tpu.memory_space<vmem>> -> memref<128xi32, #tpu.memory_space<vmem>>
      %dma_wait3A_235 = arith.constant 0 : i32
      %dma_wait3A_236 = arith.constant 0 : i32
      %dma_wait3A_237 = tpu.memref_slice %arg4[%dma_wait3A_235, %dma_wait3A_236] : memref<50176x16xf32, #tpu.memory_space<hbm>> -> memref<50176x16xf32, #tpu.memory_space<hbm>>
      tpu.wait_indirect_dma semaphore(%arg18 : memref<!tpu.dma_semaphore, #tpu.memory_space<semaphore_mem>>) src(%dma_wait3A_237 : memref<50176x16xf32, #tpu.memory_space<hbm>>) dst(%arg14 : memref<128x16xf32, #tpu.memory_space<vmem>>)
      %run_scoped3A_238 = arith.constant 7 : i32
      "tpu.region"() ({
        %run_scoped3A_240 = tpu.sem_alloc : memref<!tpu.dma_semaphore, #tpu.memory_space<semaphore_mem>>
        %dma_start3A_241 = arith.constant 0 : i32
        %dma_start3A_242 = tpu.memref_slice %arg8[%run_scoped3A_238, %dma_start3A_241] : memref<8x128xi32, #tpu.memory_space<vmem>> -> memref<1x128xi32, #tpu.memory_space<vmem>>
        %dma_start3A_243 = tpu.memref_squeeze %dma_start3A_242 : memref<1x128xi32, #tpu.memory_space<vmem>> -> memref<128xi32, #tpu.memory_space<vmem>>
        %dma_start3A_244 = arith.constant 0 : i32
        %dma_start3A_245 = arith.constant 0 : i32
        %dma_start3A_246 = tpu.memref_slice %arg9[%dma_start3A_244, %dma_start3A_245] : memref<50176x16xf32, #tpu.memory_space<vmem_shared>> -> memref<50176x16xf32, #tpu.memory_space<vmem_shared>>
        tpu.enqueue_indirect_dma source(%arg14 : memref<128x16xf32, #tpu.memory_space<vmem>>) target(%dma_start3A_246 : memref<50176x16xf32, #tpu.memory_space<vmem_shared>>) offsets(%dma_start3A_243 : memref<128xi32, #tpu.memory_space<vmem>>) semaphore(%run_scoped3A_240 : memref<!tpu.dma_semaphore, #tpu.memory_space<semaphore_mem>>) {add = true}
        %dma_wait3A_247 = arith.constant 0 : i32
        %dma_wait3A_248 = tpu.memref_slice %arg8[%run_scoped3A_238, %dma_wait3A_247] : memref<8x128xi32, #tpu.memory_space<vmem>> -> memref<1x128xi32, #tpu.memory_space<vmem>>
        %dma_wait3A_249 = tpu.memref_squeeze %dma_wait3A_248 : memref<1x128xi32, #tpu.memory_space<vmem>> -> memref<128xi32, #tpu.memory_space<vmem>>
        %dma_wait3A_250 = arith.constant 0 : i32
        %dma_wait3A_251 = arith.constant 0 : i32
        %dma_wait3A_252 = tpu.memref_slice %arg9[%dma_wait3A_250, %dma_wait3A_251] : memref<50176x16xf32, #tpu.memory_space<vmem_shared>> -> memref<50176x16xf32, #tpu.memory_space<vmem_shared>>
        tpu.wait_indirect_dma semaphore(%run_scoped3A_240 : memref<!tpu.dma_semaphore, #tpu.memory_space<semaphore_mem>>) src(%arg14 : memref<128x16xf32, #tpu.memory_space<vmem>>) dst(%dma_wait3A_252 : memref<50176x16xf32, #tpu.memory_space<vmem_shared>>)
        tpu.yield
      }) : () -> ()
      %scan3A_239 = arith.constant 0 : i32
      scf.yield %scan3A_239 : i32
    }
    %scan3A_106 = arith.constant 25 : i32
    %barrier3A_107 = arith.constant 0 : index
    tpu.barrier barrier_id(%barrier3A_107)
    %mul3A_108 = arith.constant 3136 : i32
    %mul3A_109 = arith.muli %arg1, %mul3A_108 : i32
    %mul3A_110 = arith.constant 50176 : i32
    %mul3A_111 = arith.muli %arg0, %mul3A_110 : i32
    %mul3A_112 = arith.constant 3136 : i32
    %mul3A_113 = arith.muli %arg1, %mul3A_112 : i32
    %add3A_114 = arith.addi %mul3A_111, %mul3A_113 : i32
    "tpu.region"() ({
      %run_scoped3A = tpu.sem_alloc : memref<!tpu.dma_semaphore, #tpu.memory_space<semaphore_mem>>
      %dma_start3A = arith.constant 0 : i32
      %dma_start3A_115 = tpu.memref_slice %arg6[%add3A_114, %dma_start3A] : memref<100352x16xf32, #tpu.memory_space<hbm>> -> memref<3136x16xf32, #tpu.memory_space<hbm>>
      %dma_start3A_116 = arith.constant 0 : i32
      %dma_start3A_117 = tpu.memref_slice %arg9[%mul3A_109, %dma_start3A_116] : memref<50176x16xf32, #tpu.memory_space<vmem_shared>> -> memref<3136x16xf32, #tpu.memory_space<vmem_shared>>
      tpu.enqueue_dma source(%dma_start3A_117 : memref<3136x16xf32, #tpu.memory_space<vmem_shared>>) target(%dma_start3A_115 : memref<3136x16xf32, #tpu.memory_space<hbm>>) target_semaphore(%run_scoped3A : memref<!tpu.dma_semaphore, #tpu.memory_space<semaphore_mem>>)
      %dma_wait3A = arith.constant 0 : i32
      %dma_wait3A_118 = tpu.memref_slice %arg6[%add3A_114, %dma_wait3A] : memref<100352x16xf32, #tpu.memory_space<hbm>> -> memref<3136x16xf32, #tpu.memory_space<hbm>>
      %dma_wait3A_119 = arith.constant 0 : i32
      %dma_wait3A_120 = tpu.memref_slice %arg9[%mul3A_109, %dma_wait3A_119] : memref<50176x16xf32, #tpu.memory_space<vmem_shared>> -> memref<3136x16xf32, #tpu.memory_space<vmem_shared>>
      tpu.wait_dma2 semaphore(%run_scoped3A : memref<!tpu.dma_semaphore, #tpu.memory_space<semaphore_mem>>) src(%dma_wait3A_120 : memref<3136x16xf32, #tpu.memory_space<vmem_shared>>) dst(%dma_wait3A_118 : memref<3136x16xf32, #tpu.memory_space<hbm>>)
      tpu.yield
    }) : () -> ()
    return
  }
}

#map = affine_map<(d0, d1) -> (0)>
#map1 = affine_map<(d0, d1) -> (0, 0)>
module attributes {stable_mosaic.version = 14 : i64} {
  func.func @_agg1_kernel(%arg0: i32, %arg1: i32, %arg2: memref<819200xi32, #tpu.memory_space<hbm>>, %arg3: memref<6400x128xi32, #tpu.memory_space<hbm>>, %arg4: memref<200704x32xf32, #tpu.memory_space<hbm>>, %arg5: memref<128x32xf32, #tpu.memory_space<hbm>>, %arg6: memref<200704x32xf32, #tpu.memory_space<hbm>>, %arg7: memref<1024xi32, #tpu.memory_space<vmem>>, %arg8: memref<8x128xi32, #tpu.memory_space<vmem>>, %arg9: memref<50176x32xf32, #tpu.memory_space<vmem_shared>>, %arg10: memref<128x32xf32, #tpu.memory_space<vmem>>, %arg11: memref<128x32xf32, #tpu.memory_space<vmem>>, %arg12: memref<128x32xf32, #tpu.memory_space<vmem>>, %arg13: memref<128x32xf32, #tpu.memory_space<vmem>>, %arg14: memref<128x32xf32, #tpu.memory_space<vmem>>, %arg15: memref<!tpu.dma_semaphore, #tpu.memory_space<semaphore_mem>>, %arg16: memref<!tpu.dma_semaphore, #tpu.memory_space<semaphore_mem>>, %arg17: memref<!tpu.dma_semaphore, #tpu.memory_space<semaphore_mem>>, %arg18: memref<!tpu.dma_semaphore, #tpu.memory_space<semaphore_mem>>) attributes {dimension_semantics = [#tpu.dimension_semantics<core_parallel>, #tpu.dimension_semantics<subcore_parallel>], iteration_bounds = array<i64: 2, 16>, scalar_prefetch = 0 : i64, scratch_operands = 12 : i64, tpu.core_type = #tpu.core_type<sc_vector_subcore>, window_params = [{transform_indices = #map}, {transform_indices = #map1}, {transform_indices = #map1}, {transform_indices = #map1}, {transform_indices = #map1}]} {
    "tpu.region"() ({
      %run_scoped3A = tpu.sem_alloc : memref<!tpu.dma_semaphore, #tpu.memory_space<semaphore_mem>>
      tpu.enqueue_dma source(%arg5 : memref<128x32xf32, #tpu.memory_space<hbm>>) target(%arg10 : memref<128x32xf32, #tpu.memory_space<vmem>>) target_semaphore(%run_scoped3A : memref<!tpu.dma_semaphore, #tpu.memory_space<semaphore_mem>>)
      tpu.wait_dma2 semaphore(%run_scoped3A : memref<!tpu.dma_semaphore, #tpu.memory_space<semaphore_mem>>) src(%arg5 : memref<128x32xf32, #tpu.memory_space<hbm>>) dst(%arg10 : memref<128x32xf32, #tpu.memory_space<vmem>>)
      tpu.yield
    }) : () -> ()
    %mul3A = arith.constant 2 : i32
    %mul3A_0 = arith.muli %arg0, %mul3A : i32
    %add3A = arith.constant 0 : i32
    %add3A_1 = arith.addi %mul3A_0, %add3A : i32
    %mul3A_2 = arith.constant 3136 : i32
    %mul3A_3 = arith.muli %arg1, %mul3A_2 : i32
    %add3A_4 = arith.constant 0 : i32
    %add3A_5 = arith.addi %mul3A_3, %add3A_4 : i32
    "tpu.region"() ({
      %run_scoped3A = tpu.sem_alloc : memref<!tpu.dma_semaphore, #tpu.memory_space<semaphore_mem>>
      %dma_start3A = arith.constant 0 : i32
      %dma_start3A_238 = tpu.memref_slice %arg9[%add3A_5, %dma_start3A] : memref<50176x32xf32, #tpu.memory_space<vmem_shared>> -> memref<128x32xf32, #tpu.memory_space<vmem_shared>>
      %dma_start3A_239 = arith.constant 0 : i32
      %dma_start3A_240 = tpu.memref_slice %arg9[%add3A_5, %dma_start3A_239] : memref<50176x32xf32, #tpu.memory_space<vmem_shared>> -> memref<128x32xf32, #tpu.memory_space<vmem_shared>>
      tpu.enqueue_dma source(%arg10 : memref<128x32xf32, #tpu.memory_space<vmem>>) target(%dma_start3A_240 : memref<128x32xf32, #tpu.memory_space<vmem_shared>>) target_semaphore(%run_scoped3A : memref<!tpu.dma_semaphore, #tpu.memory_space<semaphore_mem>>)
      %dma_wait3A = arith.constant 0 : i32
      %dma_wait3A_241 = tpu.memref_slice %arg9[%add3A_5, %dma_wait3A] : memref<50176x32xf32, #tpu.memory_space<vmem_shared>> -> memref<128x32xf32, #tpu.memory_space<vmem_shared>>
      %dma_wait3A_242 = arith.constant 0 : i32
      %dma_wait3A_243 = tpu.memref_slice %arg9[%add3A_5, %dma_wait3A_242] : memref<50176x32xf32, #tpu.memory_space<vmem_shared>> -> memref<128x32xf32, #tpu.memory_space<vmem_shared>>
      tpu.wait_dma2 semaphore(%run_scoped3A : memref<!tpu.dma_semaphore, #tpu.memory_space<semaphore_mem>>) src(%arg10 : memref<128x32xf32, #tpu.memory_space<vmem>>) dst(%dma_wait3A_243 : memref<128x32xf32, #tpu.memory_space<vmem_shared>>)
      tpu.yield
    }) : () -> ()
    %mul3A_6 = arith.constant 3136 : i32
    %mul3A_7 = arith.muli %arg1, %mul3A_6 : i32
    %add3A_8 = arith.constant 128 : i32
    %add3A_9 = arith.addi %mul3A_7, %add3A_8 : i32
    "tpu.region"() ({
      %run_scoped3A = tpu.sem_alloc : memref<!tpu.dma_semaphore, #tpu.memory_space<semaphore_mem>>
      %dma_start3A = arith.constant 0 : i32
      %dma_start3A_238 = tpu.memref_slice %arg9[%add3A_9, %dma_start3A] : memref<50176x32xf32, #tpu.memory_space<vmem_shared>> -> memref<128x32xf32, #tpu.memory_space<vmem_shared>>
      %dma_start3A_239 = arith.constant 0 : i32
      %dma_start3A_240 = tpu.memref_slice %arg9[%add3A_9, %dma_start3A_239] : memref<50176x32xf32, #tpu.memory_space<vmem_shared>> -> memref<128x32xf32, #tpu.memory_space<vmem_shared>>
      tpu.enqueue_dma source(%arg10 : memref<128x32xf32, #tpu.memory_space<vmem>>) target(%dma_start3A_240 : memref<128x32xf32, #tpu.memory_space<vmem_shared>>) target_semaphore(%run_scoped3A : memref<!tpu.dma_semaphore, #tpu.memory_space<semaphore_mem>>)
      %dma_wait3A = arith.constant 0 : i32
      %dma_wait3A_241 = tpu.memref_slice %arg9[%add3A_9, %dma_wait3A] : memref<50176x32xf32, #tpu.memory_space<vmem_shared>> -> memref<128x32xf32, #tpu.memory_space<vmem_shared>>
      %dma_wait3A_242 = arith.constant 0 : i32
      %dma_wait3A_243 = tpu.memref_slice %arg9[%add3A_9, %dma_wait3A_242] : memref<50176x32xf32, #tpu.memory_space<vmem_shared>> -> memref<128x32xf32, #tpu.memory_space<vmem_shared>>
      tpu.wait_dma2 semaphore(%run_scoped3A : memref<!tpu.dma_semaphore, #tpu.memory_space<semaphore_mem>>) src(%arg10 : memref<128x32xf32, #tpu.memory_space<vmem>>) dst(%dma_wait3A_243 : memref<128x32xf32, #tpu.memory_space<vmem_shared>>)
      tpu.yield
    }) : () -> ()
    %mul3A_10 = arith.constant 3136 : i32
    %mul3A_11 = arith.muli %arg1, %mul3A_10 : i32
    %add3A_12 = arith.constant 256 : i32
    %add3A_13 = arith.addi %mul3A_11, %add3A_12 : i32
    "tpu.region"() ({
      %run_scoped3A = tpu.sem_alloc : memref<!tpu.dma_semaphore, #tpu.memory_space<semaphore_mem>>
      %dma_start3A = arith.constant 0 : i32
      %dma_start3A_238 = tpu.memref_slice %arg9[%add3A_13, %dma_start3A] : memref<50176x32xf32, #tpu.memory_space<vmem_shared>> -> memref<128x32xf32, #tpu.memory_space<vmem_shared>>
      %dma_start3A_239 = arith.constant 0 : i32
      %dma_start3A_240 = tpu.memref_slice %arg9[%add3A_13, %dma_start3A_239] : memref<50176x32xf32, #tpu.memory_space<vmem_shared>> -> memref<128x32xf32, #tpu.memory_space<vmem_shared>>
      tpu.enqueue_dma source(%arg10 : memref<128x32xf32, #tpu.memory_space<vmem>>) target(%dma_start3A_240 : memref<128x32xf32, #tpu.memory_space<vmem_shared>>) target_semaphore(%run_scoped3A : memref<!tpu.dma_semaphore, #tpu.memory_space<semaphore_mem>>)
      %dma_wait3A = arith.constant 0 : i32
      %dma_wait3A_241 = tpu.memref_slice %arg9[%add3A_13, %dma_wait3A] : memref<50176x32xf32, #tpu.memory_space<vmem_shared>> -> memref<128x32xf32, #tpu.memory_space<vmem_shared>>
      %dma_wait3A_242 = arith.constant 0 : i32
      %dma_wait3A_243 = tpu.memref_slice %arg9[%add3A_13, %dma_wait3A_242] : memref<50176x32xf32, #tpu.memory_space<vmem_shared>> -> memref<128x32xf32, #tpu.memory_space<vmem_shared>>
      tpu.wait_dma2 semaphore(%run_scoped3A : memref<!tpu.dma_semaphore, #tpu.memory_space<semaphore_mem>>) src(%arg10 : memref<128x32xf32, #tpu.memory_space<vmem>>) dst(%dma_wait3A_243 : memref<128x32xf32, #tpu.memory_space<vmem_shared>>)
      tpu.yield
    }) : () -> ()
    %mul3A_14 = arith.constant 3136 : i32
    %mul3A_15 = arith.muli %arg1, %mul3A_14 : i32
    %add3A_16 = arith.constant 384 : i32
    %add3A_17 = arith.addi %mul3A_15, %add3A_16 : i32
    "tpu.region"() ({
      %run_scoped3A = tpu.sem_alloc : memref<!tpu.dma_semaphore, #tpu.memory_space<semaphore_mem>>
      %dma_start3A = arith.constant 0 : i32
      %dma_start3A_238 = tpu.memref_slice %arg9[%add3A_17, %dma_start3A] : memref<50176x32xf32, #tpu.memory_space<vmem_shared>> -> memref<128x32xf32, #tpu.memory_space<vmem_shared>>
      %dma_start3A_239 = arith.constant 0 : i32
      %dma_start3A_240 = tpu.memref_slice %arg9[%add3A_17, %dma_start3A_239] : memref<50176x32xf32, #tpu.memory_space<vmem_shared>> -> memref<128x32xf32, #tpu.memory_space<vmem_shared>>
      tpu.enqueue_dma source(%arg10 : memref<128x32xf32, #tpu.memory_space<vmem>>) target(%dma_start3A_240 : memref<128x32xf32, #tpu.memory_space<vmem_shared>>) target_semaphore(%run_scoped3A : memref<!tpu.dma_semaphore, #tpu.memory_space<semaphore_mem>>)
      %dma_wait3A = arith.constant 0 : i32
      %dma_wait3A_241 = tpu.memref_slice %arg9[%add3A_17, %dma_wait3A] : memref<50176x32xf32, #tpu.memory_space<vmem_shared>> -> memref<128x32xf32, #tpu.memory_space<vmem_shared>>
      %dma_wait3A_242 = arith.constant 0 : i32
      %dma_wait3A_243 = tpu.memref_slice %arg9[%add3A_17, %dma_wait3A_242] : memref<50176x32xf32, #tpu.memory_space<vmem_shared>> -> memref<128x32xf32, #tpu.memory_space<vmem_shared>>
      tpu.wait_dma2 semaphore(%run_scoped3A : memref<!tpu.dma_semaphore, #tpu.memory_space<semaphore_mem>>) src(%arg10 : memref<128x32xf32, #tpu.memory_space<vmem>>) dst(%dma_wait3A_243 : memref<128x32xf32, #tpu.memory_space<vmem_shared>>)
      tpu.yield
    }) : () -> ()
    %mul3A_18 = arith.constant 3136 : i32
    %mul3A_19 = arith.muli %arg1, %mul3A_18 : i32
    %add3A_20 = arith.constant 512 : i32
    %add3A_21 = arith.addi %mul3A_19, %add3A_20 : i32
    "tpu.region"() ({
      %run_scoped3A = tpu.sem_alloc : memref<!tpu.dma_semaphore, #tpu.memory_space<semaphore_mem>>
      %dma_start3A = arith.constant 0 : i32
      %dma_start3A_238 = tpu.memref_slice %arg9[%add3A_21, %dma_start3A] : memref<50176x32xf32, #tpu.memory_space<vmem_shared>> -> memref<128x32xf32, #tpu.memory_space<vmem_shared>>
      %dma_start3A_239 = arith.constant 0 : i32
      %dma_start3A_240 = tpu.memref_slice %arg9[%add3A_21, %dma_start3A_239] : memref<50176x32xf32, #tpu.memory_space<vmem_shared>> -> memref<128x32xf32, #tpu.memory_space<vmem_shared>>
      tpu.enqueue_dma source(%arg10 : memref<128x32xf32, #tpu.memory_space<vmem>>) target(%dma_start3A_240 : memref<128x32xf32, #tpu.memory_space<vmem_shared>>) target_semaphore(%run_scoped3A : memref<!tpu.dma_semaphore, #tpu.memory_space<semaphore_mem>>)
      %dma_wait3A = arith.constant 0 : i32
      %dma_wait3A_241 = tpu.memref_slice %arg9[%add3A_21, %dma_wait3A] : memref<50176x32xf32, #tpu.memory_space<vmem_shared>> -> memref<128x32xf32, #tpu.memory_space<vmem_shared>>
      %dma_wait3A_242 = arith.constant 0 : i32
      %dma_wait3A_243 = tpu.memref_slice %arg9[%add3A_21, %dma_wait3A_242] : memref<50176x32xf32, #tpu.memory_space<vmem_shared>> -> memref<128x32xf32, #tpu.memory_space<vmem_shared>>
      tpu.wait_dma2 semaphore(%run_scoped3A : memref<!tpu.dma_semaphore, #tpu.memory_space<semaphore_mem>>) src(%arg10 : memref<128x32xf32, #tpu.memory_space<vmem>>) dst(%dma_wait3A_243 : memref<128x32xf32, #tpu.memory_space<vmem_shared>>)
      tpu.yield
    }) : () -> ()
    %mul3A_22 = arith.constant 3136 : i32
    %mul3A_23 = arith.muli %arg1, %mul3A_22 : i32
    %add3A_24 = arith.constant 640 : i32
    %add3A_25 = arith.addi %mul3A_23, %add3A_24 : i32
    "tpu.region"() ({
      %run_scoped3A = tpu.sem_alloc : memref<!tpu.dma_semaphore, #tpu.memory_space<semaphore_mem>>
      %dma_start3A = arith.constant 0 : i32
      %dma_start3A_238 = tpu.memref_slice %arg9[%add3A_25, %dma_start3A] : memref<50176x32xf32, #tpu.memory_space<vmem_shared>> -> memref<128x32xf32, #tpu.memory_space<vmem_shared>>
      %dma_start3A_239 = arith.constant 0 : i32
      %dma_start3A_240 = tpu.memref_slice %arg9[%add3A_25, %dma_start3A_239] : memref<50176x32xf32, #tpu.memory_space<vmem_shared>> -> memref<128x32xf32, #tpu.memory_space<vmem_shared>>
      tpu.enqueue_dma source(%arg10 : memref<128x32xf32, #tpu.memory_space<vmem>>) target(%dma_start3A_240 : memref<128x32xf32, #tpu.memory_space<vmem_shared>>) target_semaphore(%run_scoped3A : memref<!tpu.dma_semaphore, #tpu.memory_space<semaphore_mem>>)
      %dma_wait3A = arith.constant 0 : i32
      %dma_wait3A_241 = tpu.memref_slice %arg9[%add3A_25, %dma_wait3A] : memref<50176x32xf32, #tpu.memory_space<vmem_shared>> -> memref<128x32xf32, #tpu.memory_space<vmem_shared>>
      %dma_wait3A_242 = arith.constant 0 : i32
      %dma_wait3A_243 = tpu.memref_slice %arg9[%add3A_25, %dma_wait3A_242] : memref<50176x32xf32, #tpu.memory_space<vmem_shared>> -> memref<128x32xf32, #tpu.memory_space<vmem_shared>>
      tpu.wait_dma2 semaphore(%run_scoped3A : memref<!tpu.dma_semaphore, #tpu.memory_space<semaphore_mem>>) src(%arg10 : memref<128x32xf32, #tpu.memory_space<vmem>>) dst(%dma_wait3A_243 : memref<128x32xf32, #tpu.memory_space<vmem_shared>>)
      tpu.yield
    }) : () -> ()
    %mul3A_26 = arith.constant 3136 : i32
    %mul3A_27 = arith.muli %arg1, %mul3A_26 : i32
    %add3A_28 = arith.constant 768 : i32
    %add3A_29 = arith.addi %mul3A_27, %add3A_28 : i32
    "tpu.region"() ({
      %run_scoped3A = tpu.sem_alloc : memref<!tpu.dma_semaphore, #tpu.memory_space<semaphore_mem>>
      %dma_start3A = arith.constant 0 : i32
      %dma_start3A_238 = tpu.memref_slice %arg9[%add3A_29, %dma_start3A] : memref<50176x32xf32, #tpu.memory_space<vmem_shared>> -> memref<128x32xf32, #tpu.memory_space<vmem_shared>>
      %dma_start3A_239 = arith.constant 0 : i32
      %dma_start3A_240 = tpu.memref_slice %arg9[%add3A_29, %dma_start3A_239] : memref<50176x32xf32, #tpu.memory_space<vmem_shared>> -> memref<128x32xf32, #tpu.memory_space<vmem_shared>>
      tpu.enqueue_dma source(%arg10 : memref<128x32xf32, #tpu.memory_space<vmem>>) target(%dma_start3A_240 : memref<128x32xf32, #tpu.memory_space<vmem_shared>>) target_semaphore(%run_scoped3A : memref<!tpu.dma_semaphore, #tpu.memory_space<semaphore_mem>>)
      %dma_wait3A = arith.constant 0 : i32
      %dma_wait3A_241 = tpu.memref_slice %arg9[%add3A_29, %dma_wait3A] : memref<50176x32xf32, #tpu.memory_space<vmem_shared>> -> memref<128x32xf32, #tpu.memory_space<vmem_shared>>
      %dma_wait3A_242 = arith.constant 0 : i32
      %dma_wait3A_243 = tpu.memref_slice %arg9[%add3A_29, %dma_wait3A_242] : memref<50176x32xf32, #tpu.memory_space<vmem_shared>> -> memref<128x32xf32, #tpu.memory_space<vmem_shared>>
      tpu.wait_dma2 semaphore(%run_scoped3A : memref<!tpu.dma_semaphore, #tpu.memory_space<semaphore_mem>>) src(%arg10 : memref<128x32xf32, #tpu.memory_space<vmem>>) dst(%dma_wait3A_243 : memref<128x32xf32, #tpu.memory_space<vmem_shared>>)
      tpu.yield
    }) : () -> ()
    %mul3A_30 = arith.constant 3136 : i32
    %mul3A_31 = arith.muli %arg1, %mul3A_30 : i32
    %add3A_32 = arith.constant 896 : i32
    %add3A_33 = arith.addi %mul3A_31, %add3A_32 : i32
    "tpu.region"() ({
      %run_scoped3A = tpu.sem_alloc : memref<!tpu.dma_semaphore, #tpu.memory_space<semaphore_mem>>
      %dma_start3A = arith.constant 0 : i32
      %dma_start3A_238 = tpu.memref_slice %arg9[%add3A_33, %dma_start3A] : memref<50176x32xf32, #tpu.memory_space<vmem_shared>> -> memref<128x32xf32, #tpu.memory_space<vmem_shared>>
      %dma_start3A_239 = arith.constant 0 : i32
      %dma_start3A_240 = tpu.memref_slice %arg9[%add3A_33, %dma_start3A_239] : memref<50176x32xf32, #tpu.memory_space<vmem_shared>> -> memref<128x32xf32, #tpu.memory_space<vmem_shared>>
      tpu.enqueue_dma source(%arg10 : memref<128x32xf32, #tpu.memory_space<vmem>>) target(%dma_start3A_240 : memref<128x32xf32, #tpu.memory_space<vmem_shared>>) target_semaphore(%run_scoped3A : memref<!tpu.dma_semaphore, #tpu.memory_space<semaphore_mem>>)
      %dma_wait3A = arith.constant 0 : i32
      %dma_wait3A_241 = tpu.memref_slice %arg9[%add3A_33, %dma_wait3A] : memref<50176x32xf32, #tpu.memory_space<vmem_shared>> -> memref<128x32xf32, #tpu.memory_space<vmem_shared>>
      %dma_wait3A_242 = arith.constant 0 : i32
      %dma_wait3A_243 = tpu.memref_slice %arg9[%add3A_33, %dma_wait3A_242] : memref<50176x32xf32, #tpu.memory_space<vmem_shared>> -> memref<128x32xf32, #tpu.memory_space<vmem_shared>>
      tpu.wait_dma2 semaphore(%run_scoped3A : memref<!tpu.dma_semaphore, #tpu.memory_space<semaphore_mem>>) src(%arg10 : memref<128x32xf32, #tpu.memory_space<vmem>>) dst(%dma_wait3A_243 : memref<128x32xf32, #tpu.memory_space<vmem_shared>>)
      tpu.yield
    }) : () -> ()
    %mul3A_34 = arith.constant 3136 : i32
    %mul3A_35 = arith.muli %arg1, %mul3A_34 : i32
    %add3A_36 = arith.constant 1024 : i32
    %add3A_37 = arith.addi %mul3A_35, %add3A_36 : i32
    "tpu.region"() ({
      %run_scoped3A = tpu.sem_alloc : memref<!tpu.dma_semaphore, #tpu.memory_space<semaphore_mem>>
      %dma_start3A = arith.constant 0 : i32
      %dma_start3A_238 = tpu.memref_slice %arg9[%add3A_37, %dma_start3A] : memref<50176x32xf32, #tpu.memory_space<vmem_shared>> -> memref<128x32xf32, #tpu.memory_space<vmem_shared>>
      %dma_start3A_239 = arith.constant 0 : i32
      %dma_start3A_240 = tpu.memref_slice %arg9[%add3A_37, %dma_start3A_239] : memref<50176x32xf32, #tpu.memory_space<vmem_shared>> -> memref<128x32xf32, #tpu.memory_space<vmem_shared>>
      tpu.enqueue_dma source(%arg10 : memref<128x32xf32, #tpu.memory_space<vmem>>) target(%dma_start3A_240 : memref<128x32xf32, #tpu.memory_space<vmem_shared>>) target_semaphore(%run_scoped3A : memref<!tpu.dma_semaphore, #tpu.memory_space<semaphore_mem>>)
      %dma_wait3A = arith.constant 0 : i32
      %dma_wait3A_241 = tpu.memref_slice %arg9[%add3A_37, %dma_wait3A] : memref<50176x32xf32, #tpu.memory_space<vmem_shared>> -> memref<128x32xf32, #tpu.memory_space<vmem_shared>>
      %dma_wait3A_242 = arith.constant 0 : i32
      %dma_wait3A_243 = tpu.memref_slice %arg9[%add3A_37, %dma_wait3A_242] : memref<50176x32xf32, #tpu.memory_space<vmem_shared>> -> memref<128x32xf32, #tpu.memory_space<vmem_shared>>
      tpu.wait_dma2 semaphore(%run_scoped3A : memref<!tpu.dma_semaphore, #tpu.memory_space<semaphore_mem>>) src(%arg10 : memref<128x32xf32, #tpu.memory_space<vmem>>) dst(%dma_wait3A_243 : memref<128x32xf32, #tpu.memory_space<vmem_shared>>)
      tpu.yield
    }) : () -> ()
    %mul3A_38 = arith.constant 3136 : i32
    %mul3A_39 = arith.muli %arg1, %mul3A_38 : i32
    %add3A_40 = arith.constant 1152 : i32
    %add3A_41 = arith.addi %mul3A_39, %add3A_40 : i32
    "tpu.region"() ({
      %run_scoped3A = tpu.sem_alloc : memref<!tpu.dma_semaphore, #tpu.memory_space<semaphore_mem>>
      %dma_start3A = arith.constant 0 : i32
      %dma_start3A_238 = tpu.memref_slice %arg9[%add3A_41, %dma_start3A] : memref<50176x32xf32, #tpu.memory_space<vmem_shared>> -> memref<128x32xf32, #tpu.memory_space<vmem_shared>>
      %dma_start3A_239 = arith.constant 0 : i32
      %dma_start3A_240 = tpu.memref_slice %arg9[%add3A_41, %dma_start3A_239] : memref<50176x32xf32, #tpu.memory_space<vmem_shared>> -> memref<128x32xf32, #tpu.memory_space<vmem_shared>>
      tpu.enqueue_dma source(%arg10 : memref<128x32xf32, #tpu.memory_space<vmem>>) target(%dma_start3A_240 : memref<128x32xf32, #tpu.memory_space<vmem_shared>>) target_semaphore(%run_scoped3A : memref<!tpu.dma_semaphore, #tpu.memory_space<semaphore_mem>>)
      %dma_wait3A = arith.constant 0 : i32
      %dma_wait3A_241 = tpu.memref_slice %arg9[%add3A_41, %dma_wait3A] : memref<50176x32xf32, #tpu.memory_space<vmem_shared>> -> memref<128x32xf32, #tpu.memory_space<vmem_shared>>
      %dma_wait3A_242 = arith.constant 0 : i32
      %dma_wait3A_243 = tpu.memref_slice %arg9[%add3A_41, %dma_wait3A_242] : memref<50176x32xf32, #tpu.memory_space<vmem_shared>> -> memref<128x32xf32, #tpu.memory_space<vmem_shared>>
      tpu.wait_dma2 semaphore(%run_scoped3A : memref<!tpu.dma_semaphore, #tpu.memory_space<semaphore_mem>>) src(%arg10 : memref<128x32xf32, #tpu.memory_space<vmem>>) dst(%dma_wait3A_243 : memref<128x32xf32, #tpu.memory_space<vmem_shared>>)
      tpu.yield
    }) : () -> ()
    %mul3A_42 = arith.constant 3136 : i32
    %mul3A_43 = arith.muli %arg1, %mul3A_42 : i32
    %add3A_44 = arith.constant 1280 : i32
    %add3A_45 = arith.addi %mul3A_43, %add3A_44 : i32
    "tpu.region"() ({
      %run_scoped3A = tpu.sem_alloc : memref<!tpu.dma_semaphore, #tpu.memory_space<semaphore_mem>>
      %dma_start3A = arith.constant 0 : i32
      %dma_start3A_238 = tpu.memref_slice %arg9[%add3A_45, %dma_start3A] : memref<50176x32xf32, #tpu.memory_space<vmem_shared>> -> memref<128x32xf32, #tpu.memory_space<vmem_shared>>
      %dma_start3A_239 = arith.constant 0 : i32
      %dma_start3A_240 = tpu.memref_slice %arg9[%add3A_45, %dma_start3A_239] : memref<50176x32xf32, #tpu.memory_space<vmem_shared>> -> memref<128x32xf32, #tpu.memory_space<vmem_shared>>
      tpu.enqueue_dma source(%arg10 : memref<128x32xf32, #tpu.memory_space<vmem>>) target(%dma_start3A_240 : memref<128x32xf32, #tpu.memory_space<vmem_shared>>) target_semaphore(%run_scoped3A : memref<!tpu.dma_semaphore, #tpu.memory_space<semaphore_mem>>)
      %dma_wait3A = arith.constant 0 : i32
      %dma_wait3A_241 = tpu.memref_slice %arg9[%add3A_45, %dma_wait3A] : memref<50176x32xf32, #tpu.memory_space<vmem_shared>> -> memref<128x32xf32, #tpu.memory_space<vmem_shared>>
      %dma_wait3A_242 = arith.constant 0 : i32
      %dma_wait3A_243 = tpu.memref_slice %arg9[%add3A_45, %dma_wait3A_242] : memref<50176x32xf32, #tpu.memory_space<vmem_shared>> -> memref<128x32xf32, #tpu.memory_space<vmem_shared>>
      tpu.wait_dma2 semaphore(%run_scoped3A : memref<!tpu.dma_semaphore, #tpu.memory_space<semaphore_mem>>) src(%arg10 : memref<128x32xf32, #tpu.memory_space<vmem>>) dst(%dma_wait3A_243 : memref<128x32xf32, #tpu.memory_space<vmem_shared>>)
      tpu.yield
    }) : () -> ()
    %mul3A_46 = arith.constant 3136 : i32
    %mul3A_47 = arith.muli %arg1, %mul3A_46 : i32
    %add3A_48 = arith.constant 1408 : i32
    %add3A_49 = arith.addi %mul3A_47, %add3A_48 : i32
    "tpu.region"() ({
      %run_scoped3A = tpu.sem_alloc : memref<!tpu.dma_semaphore, #tpu.memory_space<semaphore_mem>>
      %dma_start3A = arith.constant 0 : i32
      %dma_start3A_238 = tpu.memref_slice %arg9[%add3A_49, %dma_start3A] : memref<50176x32xf32, #tpu.memory_space<vmem_shared>> -> memref<128x32xf32, #tpu.memory_space<vmem_shared>>
      %dma_start3A_239 = arith.constant 0 : i32
      %dma_start3A_240 = tpu.memref_slice %arg9[%add3A_49, %dma_start3A_239] : memref<50176x32xf32, #tpu.memory_space<vmem_shared>> -> memref<128x32xf32, #tpu.memory_space<vmem_shared>>
      tpu.enqueue_dma source(%arg10 : memref<128x32xf32, #tpu.memory_space<vmem>>) target(%dma_start3A_240 : memref<128x32xf32, #tpu.memory_space<vmem_shared>>) target_semaphore(%run_scoped3A : memref<!tpu.dma_semaphore, #tpu.memory_space<semaphore_mem>>)
      %dma_wait3A = arith.constant 0 : i32
      %dma_wait3A_241 = tpu.memref_slice %arg9[%add3A_49, %dma_wait3A] : memref<50176x32xf32, #tpu.memory_space<vmem_shared>> -> memref<128x32xf32, #tpu.memory_space<vmem_shared>>
      %dma_wait3A_242 = arith.constant 0 : i32
      %dma_wait3A_243 = tpu.memref_slice %arg9[%add3A_49, %dma_wait3A_242] : memref<50176x32xf32, #tpu.memory_space<vmem_shared>> -> memref<128x32xf32, #tpu.memory_space<vmem_shared>>
      tpu.wait_dma2 semaphore(%run_scoped3A : memref<!tpu.dma_semaphore, #tpu.memory_space<semaphore_mem>>) src(%arg10 : memref<128x32xf32, #tpu.memory_space<vmem>>) dst(%dma_wait3A_243 : memref<128x32xf32, #tpu.memory_space<vmem_shared>>)
      tpu.yield
    }) : () -> ()
    %mul3A_50 = arith.constant 3136 : i32
    %mul3A_51 = arith.muli %arg1, %mul3A_50 : i32
    %add3A_52 = arith.constant 1536 : i32
    %add3A_53 = arith.addi %mul3A_51, %add3A_52 : i32
    "tpu.region"() ({
      %run_scoped3A = tpu.sem_alloc : memref<!tpu.dma_semaphore, #tpu.memory_space<semaphore_mem>>
      %dma_start3A = arith.constant 0 : i32
      %dma_start3A_238 = tpu.memref_slice %arg9[%add3A_53, %dma_start3A] : memref<50176x32xf32, #tpu.memory_space<vmem_shared>> -> memref<128x32xf32, #tpu.memory_space<vmem_shared>>
      %dma_start3A_239 = arith.constant 0 : i32
      %dma_start3A_240 = tpu.memref_slice %arg9[%add3A_53, %dma_start3A_239] : memref<50176x32xf32, #tpu.memory_space<vmem_shared>> -> memref<128x32xf32, #tpu.memory_space<vmem_shared>>
      tpu.enqueue_dma source(%arg10 : memref<128x32xf32, #tpu.memory_space<vmem>>) target(%dma_start3A_240 : memref<128x32xf32, #tpu.memory_space<vmem_shared>>) target_semaphore(%run_scoped3A : memref<!tpu.dma_semaphore, #tpu.memory_space<semaphore_mem>>)
      %dma_wait3A = arith.constant 0 : i32
      %dma_wait3A_241 = tpu.memref_slice %arg9[%add3A_53, %dma_wait3A] : memref<50176x32xf32, #tpu.memory_space<vmem_shared>> -> memref<128x32xf32, #tpu.memory_space<vmem_shared>>
      %dma_wait3A_242 = arith.constant 0 : i32
      %dma_wait3A_243 = tpu.memref_slice %arg9[%add3A_53, %dma_wait3A_242] : memref<50176x32xf32, #tpu.memory_space<vmem_shared>> -> memref<128x32xf32, #tpu.memory_space<vmem_shared>>
      tpu.wait_dma2 semaphore(%run_scoped3A : memref<!tpu.dma_semaphore, #tpu.memory_space<semaphore_mem>>) src(%arg10 : memref<128x32xf32, #tpu.memory_space<vmem>>) dst(%dma_wait3A_243 : memref<128x32xf32, #tpu.memory_space<vmem_shared>>)
      tpu.yield
    }) : () -> ()
    %mul3A_54 = arith.constant 3136 : i32
    %mul3A_55 = arith.muli %arg1, %mul3A_54 : i32
    %add3A_56 = arith.constant 1664 : i32
    %add3A_57 = arith.addi %mul3A_55, %add3A_56 : i32
    "tpu.region"() ({
      %run_scoped3A = tpu.sem_alloc : memref<!tpu.dma_semaphore, #tpu.memory_space<semaphore_mem>>
      %dma_start3A = arith.constant 0 : i32
      %dma_start3A_238 = tpu.memref_slice %arg9[%add3A_57, %dma_start3A] : memref<50176x32xf32, #tpu.memory_space<vmem_shared>> -> memref<128x32xf32, #tpu.memory_space<vmem_shared>>
      %dma_start3A_239 = arith.constant 0 : i32
      %dma_start3A_240 = tpu.memref_slice %arg9[%add3A_57, %dma_start3A_239] : memref<50176x32xf32, #tpu.memory_space<vmem_shared>> -> memref<128x32xf32, #tpu.memory_space<vmem_shared>>
      tpu.enqueue_dma source(%arg10 : memref<128x32xf32, #tpu.memory_space<vmem>>) target(%dma_start3A_240 : memref<128x32xf32, #tpu.memory_space<vmem_shared>>) target_semaphore(%run_scoped3A : memref<!tpu.dma_semaphore, #tpu.memory_space<semaphore_mem>>)
      %dma_wait3A = arith.constant 0 : i32
      %dma_wait3A_241 = tpu.memref_slice %arg9[%add3A_57, %dma_wait3A] : memref<50176x32xf32, #tpu.memory_space<vmem_shared>> -> memref<128x32xf32, #tpu.memory_space<vmem_shared>>
      %dma_wait3A_242 = arith.constant 0 : i32
      %dma_wait3A_243 = tpu.memref_slice %arg9[%add3A_57, %dma_wait3A_242] : memref<50176x32xf32, #tpu.memory_space<vmem_shared>> -> memref<128x32xf32, #tpu.memory_space<vmem_shared>>
      tpu.wait_dma2 semaphore(%run_scoped3A : memref<!tpu.dma_semaphore, #tpu.memory_space<semaphore_mem>>) src(%arg10 : memref<128x32xf32, #tpu.memory_space<vmem>>) dst(%dma_wait3A_243 : memref<128x32xf32, #tpu.memory_space<vmem_shared>>)
      tpu.yield
    }) : () -> ()
    %mul3A_58 = arith.constant 3136 : i32
    %mul3A_59 = arith.muli %arg1, %mul3A_58 : i32
    %add3A_60 = arith.constant 1792 : i32
    %add3A_61 = arith.addi %mul3A_59, %add3A_60 : i32
    "tpu.region"() ({
      %run_scoped3A = tpu.sem_alloc : memref<!tpu.dma_semaphore, #tpu.memory_space<semaphore_mem>>
      %dma_start3A = arith.constant 0 : i32
      %dma_start3A_238 = tpu.memref_slice %arg9[%add3A_61, %dma_start3A] : memref<50176x32xf32, #tpu.memory_space<vmem_shared>> -> memref<128x32xf32, #tpu.memory_space<vmem_shared>>
      %dma_start3A_239 = arith.constant 0 : i32
      %dma_start3A_240 = tpu.memref_slice %arg9[%add3A_61, %dma_start3A_239] : memref<50176x32xf32, #tpu.memory_space<vmem_shared>> -> memref<128x32xf32, #tpu.memory_space<vmem_shared>>
      tpu.enqueue_dma source(%arg10 : memref<128x32xf32, #tpu.memory_space<vmem>>) target(%dma_start3A_240 : memref<128x32xf32, #tpu.memory_space<vmem_shared>>) target_semaphore(%run_scoped3A : memref<!tpu.dma_semaphore, #tpu.memory_space<semaphore_mem>>)
      %dma_wait3A = arith.constant 0 : i32
      %dma_wait3A_241 = tpu.memref_slice %arg9[%add3A_61, %dma_wait3A] : memref<50176x32xf32, #tpu.memory_space<vmem_shared>> -> memref<128x32xf32, #tpu.memory_space<vmem_shared>>
      %dma_wait3A_242 = arith.constant 0 : i32
      %dma_wait3A_243 = tpu.memref_slice %arg9[%add3A_61, %dma_wait3A_242] : memref<50176x32xf32, #tpu.memory_space<vmem_shared>> -> memref<128x32xf32, #tpu.memory_space<vmem_shared>>
      tpu.wait_dma2 semaphore(%run_scoped3A : memref<!tpu.dma_semaphore, #tpu.memory_space<semaphore_mem>>) src(%arg10 : memref<128x32xf32, #tpu.memory_space<vmem>>) dst(%dma_wait3A_243 : memref<128x32xf32, #tpu.memory_space<vmem_shared>>)
      tpu.yield
    }) : () -> ()
    %mul3A_62 = arith.constant 3136 : i32
    %mul3A_63 = arith.muli %arg1, %mul3A_62 : i32
    %add3A_64 = arith.constant 1920 : i32
    %add3A_65 = arith.addi %mul3A_63, %add3A_64 : i32
    "tpu.region"() ({
      %run_scoped3A = tpu.sem_alloc : memref<!tpu.dma_semaphore, #tpu.memory_space<semaphore_mem>>
      %dma_start3A = arith.constant 0 : i32
      %dma_start3A_238 = tpu.memref_slice %arg9[%add3A_65, %dma_start3A] : memref<50176x32xf32, #tpu.memory_space<vmem_shared>> -> memref<128x32xf32, #tpu.memory_space<vmem_shared>>
      %dma_start3A_239 = arith.constant 0 : i32
      %dma_start3A_240 = tpu.memref_slice %arg9[%add3A_65, %dma_start3A_239] : memref<50176x32xf32, #tpu.memory_space<vmem_shared>> -> memref<128x32xf32, #tpu.memory_space<vmem_shared>>
      tpu.enqueue_dma source(%arg10 : memref<128x32xf32, #tpu.memory_space<vmem>>) target(%dma_start3A_240 : memref<128x32xf32, #tpu.memory_space<vmem_shared>>) target_semaphore(%run_scoped3A : memref<!tpu.dma_semaphore, #tpu.memory_space<semaphore_mem>>)
      %dma_wait3A = arith.constant 0 : i32
      %dma_wait3A_241 = tpu.memref_slice %arg9[%add3A_65, %dma_wait3A] : memref<50176x32xf32, #tpu.memory_space<vmem_shared>> -> memref<128x32xf32, #tpu.memory_space<vmem_shared>>
      %dma_wait3A_242 = arith.constant 0 : i32
      %dma_wait3A_243 = tpu.memref_slice %arg9[%add3A_65, %dma_wait3A_242] : memref<50176x32xf32, #tpu.memory_space<vmem_shared>> -> memref<128x32xf32, #tpu.memory_space<vmem_shared>>
      tpu.wait_dma2 semaphore(%run_scoped3A : memref<!tpu.dma_semaphore, #tpu.memory_space<semaphore_mem>>) src(%arg10 : memref<128x32xf32, #tpu.memory_space<vmem>>) dst(%dma_wait3A_243 : memref<128x32xf32, #tpu.memory_space<vmem_shared>>)
      tpu.yield
    }) : () -> ()
    %mul3A_66 = arith.constant 3136 : i32
    %mul3A_67 = arith.muli %arg1, %mul3A_66 : i32
    %add3A_68 = arith.constant 2048 : i32
    %add3A_69 = arith.addi %mul3A_67, %add3A_68 : i32
    "tpu.region"() ({
      %run_scoped3A = tpu.sem_alloc : memref<!tpu.dma_semaphore, #tpu.memory_space<semaphore_mem>>
      %dma_start3A = arith.constant 0 : i32
      %dma_start3A_238 = tpu.memref_slice %arg9[%add3A_69, %dma_start3A] : memref<50176x32xf32, #tpu.memory_space<vmem_shared>> -> memref<128x32xf32, #tpu.memory_space<vmem_shared>>
      %dma_start3A_239 = arith.constant 0 : i32
      %dma_start3A_240 = tpu.memref_slice %arg9[%add3A_69, %dma_start3A_239] : memref<50176x32xf32, #tpu.memory_space<vmem_shared>> -> memref<128x32xf32, #tpu.memory_space<vmem_shared>>
      tpu.enqueue_dma source(%arg10 : memref<128x32xf32, #tpu.memory_space<vmem>>) target(%dma_start3A_240 : memref<128x32xf32, #tpu.memory_space<vmem_shared>>) target_semaphore(%run_scoped3A : memref<!tpu.dma_semaphore, #tpu.memory_space<semaphore_mem>>)
      %dma_wait3A = arith.constant 0 : i32
      %dma_wait3A_241 = tpu.memref_slice %arg9[%add3A_69, %dma_wait3A] : memref<50176x32xf32, #tpu.memory_space<vmem_shared>> -> memref<128x32xf32, #tpu.memory_space<vmem_shared>>
      %dma_wait3A_242 = arith.constant 0 : i32
      %dma_wait3A_243 = tpu.memref_slice %arg9[%add3A_69, %dma_wait3A_242] : memref<50176x32xf32, #tpu.memory_space<vmem_shared>> -> memref<128x32xf32, #tpu.memory_space<vmem_shared>>
      tpu.wait_dma2 semaphore(%run_scoped3A : memref<!tpu.dma_semaphore, #tpu.memory_space<semaphore_mem>>) src(%arg10 : memref<128x32xf32, #tpu.memory_space<vmem>>) dst(%dma_wait3A_243 : memref<128x32xf32, #tpu.memory_space<vmem_shared>>)
      tpu.yield
    }) : () -> ()
    %mul3A_70 = arith.constant 3136 : i32
    %mul3A_71 = arith.muli %arg1, %mul3A_70 : i32
    %add3A_72 = arith.constant 2176 : i32
    %add3A_73 = arith.addi %mul3A_71, %add3A_72 : i32
    "tpu.region"() ({
      %run_scoped3A = tpu.sem_alloc : memref<!tpu.dma_semaphore, #tpu.memory_space<semaphore_mem>>
      %dma_start3A = arith.constant 0 : i32
      %dma_start3A_238 = tpu.memref_slice %arg9[%add3A_73, %dma_start3A] : memref<50176x32xf32, #tpu.memory_space<vmem_shared>> -> memref<128x32xf32, #tpu.memory_space<vmem_shared>>
      %dma_start3A_239 = arith.constant 0 : i32
      %dma_start3A_240 = tpu.memref_slice %arg9[%add3A_73, %dma_start3A_239] : memref<50176x32xf32, #tpu.memory_space<vmem_shared>> -> memref<128x32xf32, #tpu.memory_space<vmem_shared>>
      tpu.enqueue_dma source(%arg10 : memref<128x32xf32, #tpu.memory_space<vmem>>) target(%dma_start3A_240 : memref<128x32xf32, #tpu.memory_space<vmem_shared>>) target_semaphore(%run_scoped3A : memref<!tpu.dma_semaphore, #tpu.memory_space<semaphore_mem>>)
      %dma_wait3A = arith.constant 0 : i32
      %dma_wait3A_241 = tpu.memref_slice %arg9[%add3A_73, %dma_wait3A] : memref<50176x32xf32, #tpu.memory_space<vmem_shared>> -> memref<128x32xf32, #tpu.memory_space<vmem_shared>>
      %dma_wait3A_242 = arith.constant 0 : i32
      %dma_wait3A_243 = tpu.memref_slice %arg9[%add3A_73, %dma_wait3A_242] : memref<50176x32xf32, #tpu.memory_space<vmem_shared>> -> memref<128x32xf32, #tpu.memory_space<vmem_shared>>
      tpu.wait_dma2 semaphore(%run_scoped3A : memref<!tpu.dma_semaphore, #tpu.memory_space<semaphore_mem>>) src(%arg10 : memref<128x32xf32, #tpu.memory_space<vmem>>) dst(%dma_wait3A_243 : memref<128x32xf32, #tpu.memory_space<vmem_shared>>)
      tpu.yield
    }) : () -> ()
    %mul3A_74 = arith.constant 3136 : i32
    %mul3A_75 = arith.muli %arg1, %mul3A_74 : i32
    %add3A_76 = arith.constant 2304 : i32
    %add3A_77 = arith.addi %mul3A_75, %add3A_76 : i32
    "tpu.region"() ({
      %run_scoped3A = tpu.sem_alloc : memref<!tpu.dma_semaphore, #tpu.memory_space<semaphore_mem>>
      %dma_start3A = arith.constant 0 : i32
      %dma_start3A_238 = tpu.memref_slice %arg9[%add3A_77, %dma_start3A] : memref<50176x32xf32, #tpu.memory_space<vmem_shared>> -> memref<128x32xf32, #tpu.memory_space<vmem_shared>>
      %dma_start3A_239 = arith.constant 0 : i32
      %dma_start3A_240 = tpu.memref_slice %arg9[%add3A_77, %dma_start3A_239] : memref<50176x32xf32, #tpu.memory_space<vmem_shared>> -> memref<128x32xf32, #tpu.memory_space<vmem_shared>>
      tpu.enqueue_dma source(%arg10 : memref<128x32xf32, #tpu.memory_space<vmem>>) target(%dma_start3A_240 : memref<128x32xf32, #tpu.memory_space<vmem_shared>>) target_semaphore(%run_scoped3A : memref<!tpu.dma_semaphore, #tpu.memory_space<semaphore_mem>>)
      %dma_wait3A = arith.constant 0 : i32
      %dma_wait3A_241 = tpu.memref_slice %arg9[%add3A_77, %dma_wait3A] : memref<50176x32xf32, #tpu.memory_space<vmem_shared>> -> memref<128x32xf32, #tpu.memory_space<vmem_shared>>
      %dma_wait3A_242 = arith.constant 0 : i32
      %dma_wait3A_243 = tpu.memref_slice %arg9[%add3A_77, %dma_wait3A_242] : memref<50176x32xf32, #tpu.memory_space<vmem_shared>> -> memref<128x32xf32, #tpu.memory_space<vmem_shared>>
      tpu.wait_dma2 semaphore(%run_scoped3A : memref<!tpu.dma_semaphore, #tpu.memory_space<semaphore_mem>>) src(%arg10 : memref<128x32xf32, #tpu.memory_space<vmem>>) dst(%dma_wait3A_243 : memref<128x32xf32, #tpu.memory_space<vmem_shared>>)
      tpu.yield
    }) : () -> ()
    %mul3A_78 = arith.constant 3136 : i32
    %mul3A_79 = arith.muli %arg1, %mul3A_78 : i32
    %add3A_80 = arith.constant 2432 : i32
    %add3A_81 = arith.addi %mul3A_79, %add3A_80 : i32
    "tpu.region"() ({
      %run_scoped3A = tpu.sem_alloc : memref<!tpu.dma_semaphore, #tpu.memory_space<semaphore_mem>>
      %dma_start3A = arith.constant 0 : i32
      %dma_start3A_238 = tpu.memref_slice %arg9[%add3A_81, %dma_start3A] : memref<50176x32xf32, #tpu.memory_space<vmem_shared>> -> memref<128x32xf32, #tpu.memory_space<vmem_shared>>
      %dma_start3A_239 = arith.constant 0 : i32
      %dma_start3A_240 = tpu.memref_slice %arg9[%add3A_81, %dma_start3A_239] : memref<50176x32xf32, #tpu.memory_space<vmem_shared>> -> memref<128x32xf32, #tpu.memory_space<vmem_shared>>
      tpu.enqueue_dma source(%arg10 : memref<128x32xf32, #tpu.memory_space<vmem>>) target(%dma_start3A_240 : memref<128x32xf32, #tpu.memory_space<vmem_shared>>) target_semaphore(%run_scoped3A : memref<!tpu.dma_semaphore, #tpu.memory_space<semaphore_mem>>)
      %dma_wait3A = arith.constant 0 : i32
      %dma_wait3A_241 = tpu.memref_slice %arg9[%add3A_81, %dma_wait3A] : memref<50176x32xf32, #tpu.memory_space<vmem_shared>> -> memref<128x32xf32, #tpu.memory_space<vmem_shared>>
      %dma_wait3A_242 = arith.constant 0 : i32
      %dma_wait3A_243 = tpu.memref_slice %arg9[%add3A_81, %dma_wait3A_242] : memref<50176x32xf32, #tpu.memory_space<vmem_shared>> -> memref<128x32xf32, #tpu.memory_space<vmem_shared>>
      tpu.wait_dma2 semaphore(%run_scoped3A : memref<!tpu.dma_semaphore, #tpu.memory_space<semaphore_mem>>) src(%arg10 : memref<128x32xf32, #tpu.memory_space<vmem>>) dst(%dma_wait3A_243 : memref<128x32xf32, #tpu.memory_space<vmem_shared>>)
      tpu.yield
    }) : () -> ()
    %mul3A_82 = arith.constant 3136 : i32
    %mul3A_83 = arith.muli %arg1, %mul3A_82 : i32
    %add3A_84 = arith.constant 2560 : i32
    %add3A_85 = arith.addi %mul3A_83, %add3A_84 : i32
    "tpu.region"() ({
      %run_scoped3A = tpu.sem_alloc : memref<!tpu.dma_semaphore, #tpu.memory_space<semaphore_mem>>
      %dma_start3A = arith.constant 0 : i32
      %dma_start3A_238 = tpu.memref_slice %arg9[%add3A_85, %dma_start3A] : memref<50176x32xf32, #tpu.memory_space<vmem_shared>> -> memref<128x32xf32, #tpu.memory_space<vmem_shared>>
      %dma_start3A_239 = arith.constant 0 : i32
      %dma_start3A_240 = tpu.memref_slice %arg9[%add3A_85, %dma_start3A_239] : memref<50176x32xf32, #tpu.memory_space<vmem_shared>> -> memref<128x32xf32, #tpu.memory_space<vmem_shared>>
      tpu.enqueue_dma source(%arg10 : memref<128x32xf32, #tpu.memory_space<vmem>>) target(%dma_start3A_240 : memref<128x32xf32, #tpu.memory_space<vmem_shared>>) target_semaphore(%run_scoped3A : memref<!tpu.dma_semaphore, #tpu.memory_space<semaphore_mem>>)
      %dma_wait3A = arith.constant 0 : i32
      %dma_wait3A_241 = tpu.memref_slice %arg9[%add3A_85, %dma_wait3A] : memref<50176x32xf32, #tpu.memory_space<vmem_shared>> -> memref<128x32xf32, #tpu.memory_space<vmem_shared>>
      %dma_wait3A_242 = arith.constant 0 : i32
      %dma_wait3A_243 = tpu.memref_slice %arg9[%add3A_85, %dma_wait3A_242] : memref<50176x32xf32, #tpu.memory_space<vmem_shared>> -> memref<128x32xf32, #tpu.memory_space<vmem_shared>>
      tpu.wait_dma2 semaphore(%run_scoped3A : memref<!tpu.dma_semaphore, #tpu.memory_space<semaphore_mem>>) src(%arg10 : memref<128x32xf32, #tpu.memory_space<vmem>>) dst(%dma_wait3A_243 : memref<128x32xf32, #tpu.memory_space<vmem_shared>>)
      tpu.yield
    }) : () -> ()
    %mul3A_86 = arith.constant 3136 : i32
    %mul3A_87 = arith.muli %arg1, %mul3A_86 : i32
    %add3A_88 = arith.constant 2688 : i32
    %add3A_89 = arith.addi %mul3A_87, %add3A_88 : i32
    "tpu.region"() ({
      %run_scoped3A = tpu.sem_alloc : memref<!tpu.dma_semaphore, #tpu.memory_space<semaphore_mem>>
      %dma_start3A = arith.constant 0 : i32
      %dma_start3A_238 = tpu.memref_slice %arg9[%add3A_89, %dma_start3A] : memref<50176x32xf32, #tpu.memory_space<vmem_shared>> -> memref<128x32xf32, #tpu.memory_space<vmem_shared>>
      %dma_start3A_239 = arith.constant 0 : i32
      %dma_start3A_240 = tpu.memref_slice %arg9[%add3A_89, %dma_start3A_239] : memref<50176x32xf32, #tpu.memory_space<vmem_shared>> -> memref<128x32xf32, #tpu.memory_space<vmem_shared>>
      tpu.enqueue_dma source(%arg10 : memref<128x32xf32, #tpu.memory_space<vmem>>) target(%dma_start3A_240 : memref<128x32xf32, #tpu.memory_space<vmem_shared>>) target_semaphore(%run_scoped3A : memref<!tpu.dma_semaphore, #tpu.memory_space<semaphore_mem>>)
      %dma_wait3A = arith.constant 0 : i32
      %dma_wait3A_241 = tpu.memref_slice %arg9[%add3A_89, %dma_wait3A] : memref<50176x32xf32, #tpu.memory_space<vmem_shared>> -> memref<128x32xf32, #tpu.memory_space<vmem_shared>>
      %dma_wait3A_242 = arith.constant 0 : i32
      %dma_wait3A_243 = tpu.memref_slice %arg9[%add3A_89, %dma_wait3A_242] : memref<50176x32xf32, #tpu.memory_space<vmem_shared>> -> memref<128x32xf32, #tpu.memory_space<vmem_shared>>
      tpu.wait_dma2 semaphore(%run_scoped3A : memref<!tpu.dma_semaphore, #tpu.memory_space<semaphore_mem>>) src(%arg10 : memref<128x32xf32, #tpu.memory_space<vmem>>) dst(%dma_wait3A_243 : memref<128x32xf32, #tpu.memory_space<vmem_shared>>)
      tpu.yield
    }) : () -> ()
    %mul3A_90 = arith.constant 3136 : i32
    %mul3A_91 = arith.muli %arg1, %mul3A_90 : i32
    %add3A_92 = arith.constant 2816 : i32
    %add3A_93 = arith.addi %mul3A_91, %add3A_92 : i32
    "tpu.region"() ({
      %run_scoped3A = tpu.sem_alloc : memref<!tpu.dma_semaphore, #tpu.memory_space<semaphore_mem>>
      %dma_start3A = arith.constant 0 : i32
      %dma_start3A_238 = tpu.memref_slice %arg9[%add3A_93, %dma_start3A] : memref<50176x32xf32, #tpu.memory_space<vmem_shared>> -> memref<128x32xf32, #tpu.memory_space<vmem_shared>>
      %dma_start3A_239 = arith.constant 0 : i32
      %dma_start3A_240 = tpu.memref_slice %arg9[%add3A_93, %dma_start3A_239] : memref<50176x32xf32, #tpu.memory_space<vmem_shared>> -> memref<128x32xf32, #tpu.memory_space<vmem_shared>>
      tpu.enqueue_dma source(%arg10 : memref<128x32xf32, #tpu.memory_space<vmem>>) target(%dma_start3A_240 : memref<128x32xf32, #tpu.memory_space<vmem_shared>>) target_semaphore(%run_scoped3A : memref<!tpu.dma_semaphore, #tpu.memory_space<semaphore_mem>>)
      %dma_wait3A = arith.constant 0 : i32
      %dma_wait3A_241 = tpu.memref_slice %arg9[%add3A_93, %dma_wait3A] : memref<50176x32xf32, #tpu.memory_space<vmem_shared>> -> memref<128x32xf32, #tpu.memory_space<vmem_shared>>
      %dma_wait3A_242 = arith.constant 0 : i32
      %dma_wait3A_243 = tpu.memref_slice %arg9[%add3A_93, %dma_wait3A_242] : memref<50176x32xf32, #tpu.memory_space<vmem_shared>> -> memref<128x32xf32, #tpu.memory_space<vmem_shared>>
      tpu.wait_dma2 semaphore(%run_scoped3A : memref<!tpu.dma_semaphore, #tpu.memory_space<semaphore_mem>>) src(%arg10 : memref<128x32xf32, #tpu.memory_space<vmem>>) dst(%dma_wait3A_243 : memref<128x32xf32, #tpu.memory_space<vmem_shared>>)
      tpu.yield
    }) : () -> ()
    %mul3A_94 = arith.constant 3136 : i32
    %mul3A_95 = arith.muli %arg1, %mul3A_94 : i32
    %add3A_96 = arith.constant 2944 : i32
    %add3A_97 = arith.addi %mul3A_95, %add3A_96 : i32
    "tpu.region"() ({
      %run_scoped3A = tpu.sem_alloc : memref<!tpu.dma_semaphore, #tpu.memory_space<semaphore_mem>>
      %dma_start3A = arith.constant 0 : i32
      %dma_start3A_238 = tpu.memref_slice %arg9[%add3A_97, %dma_start3A] : memref<50176x32xf32, #tpu.memory_space<vmem_shared>> -> memref<128x32xf32, #tpu.memory_space<vmem_shared>>
      %dma_start3A_239 = arith.constant 0 : i32
      %dma_start3A_240 = tpu.memref_slice %arg9[%add3A_97, %dma_start3A_239] : memref<50176x32xf32, #tpu.memory_space<vmem_shared>> -> memref<128x32xf32, #tpu.memory_space<vmem_shared>>
      tpu.enqueue_dma source(%arg10 : memref<128x32xf32, #tpu.memory_space<vmem>>) target(%dma_start3A_240 : memref<128x32xf32, #tpu.memory_space<vmem_shared>>) target_semaphore(%run_scoped3A : memref<!tpu.dma_semaphore, #tpu.memory_space<semaphore_mem>>)
      %dma_wait3A = arith.constant 0 : i32
      %dma_wait3A_241 = tpu.memref_slice %arg9[%add3A_97, %dma_wait3A] : memref<50176x32xf32, #tpu.memory_space<vmem_shared>> -> memref<128x32xf32, #tpu.memory_space<vmem_shared>>
      %dma_wait3A_242 = arith.constant 0 : i32
      %dma_wait3A_243 = tpu.memref_slice %arg9[%add3A_97, %dma_wait3A_242] : memref<50176x32xf32, #tpu.memory_space<vmem_shared>> -> memref<128x32xf32, #tpu.memory_space<vmem_shared>>
      tpu.wait_dma2 semaphore(%run_scoped3A : memref<!tpu.dma_semaphore, #tpu.memory_space<semaphore_mem>>) src(%arg10 : memref<128x32xf32, #tpu.memory_space<vmem>>) dst(%dma_wait3A_243 : memref<128x32xf32, #tpu.memory_space<vmem_shared>>)
      tpu.yield
    }) : () -> ()
    %mul3A_98 = arith.constant 3136 : i32
    %mul3A_99 = arith.muli %arg1, %mul3A_98 : i32
    %add3A_100 = arith.constant 3072 : i32
    %add3A_101 = arith.addi %mul3A_99, %add3A_100 : i32
    "tpu.region"() ({
      %run_scoped3A = tpu.sem_alloc : memref<!tpu.dma_semaphore, #tpu.memory_space<semaphore_mem>>
      %dma_start3A = arith.constant 0 : i32
      %dma_start3A_238 = arith.constant 0 : i32
      %dma_start3A_239 = tpu.memref_slice %arg10[%dma_start3A, %dma_start3A_238] : memref<128x32xf32, #tpu.memory_space<vmem>> -> memref<64x32xf32, #tpu.memory_space<vmem>>
      %dma_start3A_240 = arith.constant 0 : i32
      %dma_start3A_241 = tpu.memref_slice %arg9[%add3A_101, %dma_start3A_240] : memref<50176x32xf32, #tpu.memory_space<vmem_shared>> -> memref<64x32xf32, #tpu.memory_space<vmem_shared>>
      %dma_start3A_242 = arith.constant 0 : i32
      %dma_start3A_243 = tpu.memref_slice %arg9[%add3A_101, %dma_start3A_242] : memref<50176x32xf32, #tpu.memory_space<vmem_shared>> -> memref<64x32xf32, #tpu.memory_space<vmem_shared>>
      %dma_start3A_244 = arith.constant 0 : i32
      %dma_start3A_245 = arith.constant 0 : i32
      %dma_start3A_246 = tpu.memref_slice %arg10[%dma_start3A_244, %dma_start3A_245] : memref<128x32xf32, #tpu.memory_space<vmem>> -> memref<64x32xf32, #tpu.memory_space<vmem>>
      tpu.enqueue_dma source(%dma_start3A_246 : memref<64x32xf32, #tpu.memory_space<vmem>>) target(%dma_start3A_243 : memref<64x32xf32, #tpu.memory_space<vmem_shared>>) target_semaphore(%run_scoped3A : memref<!tpu.dma_semaphore, #tpu.memory_space<semaphore_mem>>)
      %dma_wait3A = arith.constant 0 : i32
      %dma_wait3A_247 = arith.constant 0 : i32
      %dma_wait3A_248 = tpu.memref_slice %arg10[%dma_wait3A, %dma_wait3A_247] : memref<128x32xf32, #tpu.memory_space<vmem>> -> memref<64x32xf32, #tpu.memory_space<vmem>>
      %dma_wait3A_249 = arith.constant 0 : i32
      %dma_wait3A_250 = tpu.memref_slice %arg9[%add3A_101, %dma_wait3A_249] : memref<50176x32xf32, #tpu.memory_space<vmem_shared>> -> memref<64x32xf32, #tpu.memory_space<vmem_shared>>
      %dma_wait3A_251 = arith.constant 0 : i32
      %dma_wait3A_252 = tpu.memref_slice %arg9[%add3A_101, %dma_wait3A_251] : memref<50176x32xf32, #tpu.memory_space<vmem_shared>> -> memref<64x32xf32, #tpu.memory_space<vmem_shared>>
      %dma_wait3A_253 = arith.constant 0 : i32
      %dma_wait3A_254 = arith.constant 0 : i32
      %dma_wait3A_255 = tpu.memref_slice %arg10[%dma_wait3A_253, %dma_wait3A_254] : memref<128x32xf32, #tpu.memory_space<vmem>> -> memref<64x32xf32, #tpu.memory_space<vmem>>
      tpu.wait_dma2 semaphore(%run_scoped3A : memref<!tpu.dma_semaphore, #tpu.memory_space<semaphore_mem>>) src(%dma_wait3A_255 : memref<64x32xf32, #tpu.memory_space<vmem>>) dst(%dma_wait3A_252 : memref<64x32xf32, #tpu.memory_space<vmem_shared>>)
      tpu.yield
    }) : () -> ()
    %barrier3A = arith.constant 0 : index
    tpu.barrier barrier_id(%barrier3A)
    %mul3A_102 = arith.constant 50176 : i32
    %mul3A_103 = arith.muli %add3A_1, %mul3A_102 : i32
    %scan3A = arith.constant 0 : i32
    %scan3A_104 = arith.constant 0 : i32
    %scan3A_105 = arith.constant 50 : i32
    %scan3A_106 = arith.addi %scan3A_104, %scan3A_105 : i32
    %scan3A_107 = arith.constant 1 : i32
    %scan3A_108 = scf.for %scan3A_238 = %scan3A_104 to %scan3A_106 step %scan3A_107 iter_args(%scan3A_239 = %scan3A) -> (i32)  : i32 {
      %mul3A_240 = arith.constant 400 : i32
      %mul3A_241 = arith.muli %arg1, %mul3A_240 : i32
      %mul3A_242 = arith.constant 8 : i32
      %mul3A_243 = arith.muli %scan3A_238, %mul3A_242 : i32
      %add3A_244 = arith.addi %mul3A_241, %mul3A_243 : i32
      %mul3A_245 = arith.constant 128 : i32
      %mul3A_246 = arith.muli %add3A_244, %mul3A_245 : i32
      "tpu.region"() ({
        %run_scoped3A_340 = tpu.sem_alloc : memref<!tpu.dma_semaphore, #tpu.memory_space<semaphore_mem>>
        %dma_start3A_341 = tpu.memref_slice %arg2[%mul3A_246] : memref<819200xi32, #tpu.memory_space<hbm>> -> memref<1024xi32, #tpu.memory_space<hbm>>
        %dma_start3A_342 = tpu.memref_slice %arg2[%mul3A_246] : memref<819200xi32, #tpu.memory_space<hbm>> -> memref<1024xi32, #tpu.memory_space<hbm>>
        tpu.enqueue_dma source(%dma_start3A_342 : memref<1024xi32, #tpu.memory_space<hbm>>) target(%arg7 : memref<1024xi32, #tpu.memory_space<vmem>>) target_semaphore(%run_scoped3A_340 : memref<!tpu.dma_semaphore, #tpu.memory_space<semaphore_mem>>)
        %dma_wait3A_343 = tpu.memref_slice %arg2[%mul3A_246] : memref<819200xi32, #tpu.memory_space<hbm>> -> memref<1024xi32, #tpu.memory_space<hbm>>
        %dma_wait3A_344 = tpu.memref_slice %arg2[%mul3A_246] : memref<819200xi32, #tpu.memory_space<hbm>> -> memref<1024xi32, #tpu.memory_space<hbm>>
        tpu.wait_dma2 semaphore(%run_scoped3A_340 : memref<!tpu.dma_semaphore, #tpu.memory_space<semaphore_mem>>) src(%dma_wait3A_344 : memref<1024xi32, #tpu.memory_space<hbm>>) dst(%arg7 : memref<1024xi32, #tpu.memory_space<vmem>>)
        tpu.yield
      }) : () -> ()
      "tpu.region"() ({
        %run_scoped3A_340 = tpu.sem_alloc : memref<!tpu.dma_semaphore, #tpu.memory_space<semaphore_mem>>
        %dma_start3A_341 = arith.constant 0 : i32
        %dma_start3A_342 = tpu.memref_slice %arg3[%add3A_244, %dma_start3A_341] : memref<6400x128xi32, #tpu.memory_space<hbm>> -> memref<8x128xi32, #tpu.memory_space<hbm>>
        %dma_start3A_343 = arith.constant 0 : i32
        %dma_start3A_344 = tpu.memref_slice %arg3[%add3A_244, %dma_start3A_343] : memref<6400x128xi32, #tpu.memory_space<hbm>> -> memref<8x128xi32, #tpu.memory_space<hbm>>
        tpu.enqueue_dma source(%dma_start3A_344 : memref<8x128xi32, #tpu.memory_space<hbm>>) target(%arg8 : memref<8x128xi32, #tpu.memory_space<vmem>>) target_semaphore(%run_scoped3A_340 : memref<!tpu.dma_semaphore, #tpu.memory_space<semaphore_mem>>)
        %dma_wait3A_345 = arith.constant 0 : i32
        %dma_wait3A_346 = tpu.memref_slice %arg3[%add3A_244, %dma_wait3A_345] : memref<6400x128xi32, #tpu.memory_space<hbm>> -> memref<8x128xi32, #tpu.memory_space<hbm>>
        %dma_wait3A_347 = arith.constant 0 : i32
        %dma_wait3A_348 = tpu.memref_slice %arg3[%add3A_244, %dma_wait3A_347] : memref<6400x128xi32, #tpu.memory_space<hbm>> -> memref<8x128xi32, #tpu.memory_space<hbm>>
        tpu.wait_dma2 semaphore(%run_scoped3A_340 : memref<!tpu.dma_semaphore, #tpu.memory_space<semaphore_mem>>) src(%dma_wait3A_348 : memref<8x128xi32, #tpu.memory_space<hbm>>) dst(%arg8 : memref<8x128xi32, #tpu.memory_space<vmem>>)
        tpu.yield
      }) : () -> ()
      %scan3A_247 = arith.constant 0 : i32
      %scan3A_248 = arith.constant 0 : i32
      %scan3A_249 = arith.constant 64 : i32
      %scan3A_250 = arith.addi %scan3A_248, %scan3A_249 : i32
      %scan3A_251 = arith.constant 8 : i32
      %scan3A_252 = scf.for %scan3A_340 = %scan3A_248 to %scan3A_250 step %scan3A_251 iter_args(%scan3A_341 = %scan3A_247) -> (i32)  : i32 {
        %mul3A_342 = arith.constant 16 : i32
        %mul3A_343 = arith.muli %scan3A_340, %mul3A_342 : i32
        %get3A = arith.index_cast %mul3A_343 : i32 to index
        %get3A_344 = tpu.vector_load %arg7[%get3A] {strides = array<i32>} : memref<1024xi32, #tpu.memory_space<vmem>>, vector<16xi32>,
        %add3A_345 = vector.broadcast %mul3A_103 : i32 to vector<16xi32>
        %add3A_346 = arith.addi %get3A_344, %add3A_345 : vector<16xi32>
        %mul3A_347 = arith.constant 16 : i32
        %mul3A_348 = arith.muli %scan3A_340, %mul3A_347 : i32
        %swap3A = arith.index_cast %mul3A_348 : i32 to index
        %swap3A_349 = tpu.vector_load %arg7[%swap3A] {strides = array<i32>} : memref<1024xi32, #tpu.memory_space<vmem>>, vector<16xi32>,
        tpu.vector_store %arg7[%swap3A], %add3A_346 {strides = array<i32>} : memref<1024xi32, #tpu.memory_space<vmem>>, vector<16xi32>,
        %scan3A_350 = arith.constant 0 : i32
        %scan3A_351 = arith.constant 1 : i32
        %scan3A_352 = arith.addi %scan3A_340, %scan3A_351 : i32
        %mul3A_353 = arith.constant 16 : i32
        %mul3A_354 = arith.muli %scan3A_352, %mul3A_353 : i32
        %get3A_355 = arith.index_cast %mul3A_354 : i32 to index
        %get3A_356 = tpu.vector_load %arg7[%get3A_355] {strides = array<i32>} : memref<1024xi32, #tpu.memory_space<vmem>>, vector<16xi32>,
        %add3A_357 = vector.broadcast %mul3A_103 : i32 to vector<16xi32>
        %add3A_358 = arith.addi %get3A_356, %add3A_357 : vector<16xi32>
        %mul3A_359 = arith.constant 16 : i32
        %mul3A_360 = arith.muli %scan3A_352, %mul3A_359 : i32
        %swap3A_361 = arith.index_cast %mul3A_360 : i32 to index
        %swap3A_362 = tpu.vector_load %arg7[%swap3A_361] {strides = array<i32>} : memref<1024xi32, #tpu.memory_space<vmem>>, vector<16xi32>,
        tpu.vector_store %arg7[%swap3A_361], %add3A_358 {strides = array<i32>} : memref<1024xi32, #tpu.memory_space<vmem>>, vector<16xi32>,
        %scan3A_363 = arith.constant 0 : i32
        %scan3A_364 = arith.constant 2 : i32
        %scan3A_365 = arith.addi %scan3A_340, %scan3A_364 : i32
        %mul3A_366 = arith.constant 16 : i32
        %mul3A_367 = arith.muli %scan3A_365, %mul3A_366 : i32
        %get3A_368 = arith.index_cast %mul3A_367 : i32 to index
        %get3A_369 = tpu.vector_load %arg7[%get3A_368] {strides = array<i32>} : memref<1024xi32, #tpu.memory_space<vmem>>, vector<16xi32>,
        %add3A_370 = vector.broadcast %mul3A_103 : i32 to vector<16xi32>
        %add3A_371 = arith.addi %get3A_369, %add3A_370 : vector<16xi32>
        %mul3A_372 = arith.constant 16 : i32
        %mul3A_373 = arith.muli %scan3A_365, %mul3A_372 : i32
        %swap3A_374 = arith.index_cast %mul3A_373 : i32 to index
        %swap3A_375 = tpu.vector_load %arg7[%swap3A_374] {strides = array<i32>} : memref<1024xi32, #tpu.memory_space<vmem>>, vector<16xi32>,
        tpu.vector_store %arg7[%swap3A_374], %add3A_371 {strides = array<i32>} : memref<1024xi32, #tpu.memory_space<vmem>>, vector<16xi32>,
        %scan3A_376 = arith.constant 0 : i32
        %scan3A_377 = arith.constant 3 : i32
        %scan3A_378 = arith.addi %scan3A_340, %scan3A_377 : i32
        %mul3A_379 = arith.constant 16 : i32
        %mul3A_380 = arith.muli %scan3A_378, %mul3A_379 : i32
        %get3A_381 = arith.index_cast %mul3A_380 : i32 to index
        %get3A_382 = tpu.vector_load %arg7[%get3A_381] {strides = array<i32>} : memref<1024xi32, #tpu.memory_space<vmem>>, vector<16xi32>,
        %add3A_383 = vector.broadcast %mul3A_103 : i32 to vector<16xi32>
        %add3A_384 = arith.addi %get3A_382, %add3A_383 : vector<16xi32>
        %mul3A_385 = arith.constant 16 : i32
        %mul3A_386 = arith.muli %scan3A_378, %mul3A_385 : i32
        %swap3A_387 = arith.index_cast %mul3A_386 : i32 to index
        %swap3A_388 = tpu.vector_load %arg7[%swap3A_387] {strides = array<i32>} : memref<1024xi32, #tpu.memory_space<vmem>>, vector<16xi32>,
        tpu.vector_store %arg7[%swap3A_387], %add3A_384 {strides = array<i32>} : memref<1024xi32, #tpu.memory_space<vmem>>, vector<16xi32>,
        %scan3A_389 = arith.constant 0 : i32
        %scan3A_390 = arith.constant 4 : i32
        %scan3A_391 = arith.addi %scan3A_340, %scan3A_390 : i32
        %mul3A_392 = arith.constant 16 : i32
        %mul3A_393 = arith.muli %scan3A_391, %mul3A_392 : i32
        %get3A_394 = arith.index_cast %mul3A_393 : i32 to index
        %get3A_395 = tpu.vector_load %arg7[%get3A_394] {strides = array<i32>} : memref<1024xi32, #tpu.memory_space<vmem>>, vector<16xi32>,
        %add3A_396 = vector.broadcast %mul3A_103 : i32 to vector<16xi32>
        %add3A_397 = arith.addi %get3A_395, %add3A_396 : vector<16xi32>
        %mul3A_398 = arith.constant 16 : i32
        %mul3A_399 = arith.muli %scan3A_391, %mul3A_398 : i32
        %swap3A_400 = arith.index_cast %mul3A_399 : i32 to index
        %swap3A_401 = tpu.vector_load %arg7[%swap3A_400] {strides = array<i32>} : memref<1024xi32, #tpu.memory_space<vmem>>, vector<16xi32>,
        tpu.vector_store %arg7[%swap3A_400], %add3A_397 {strides = array<i32>} : memref<1024xi32, #tpu.memory_space<vmem>>, vector<16xi32>,
        %scan3A_402 = arith.constant 0 : i32
        %scan3A_403 = arith.constant 5 : i32
        %scan3A_404 = arith.addi %scan3A_340, %scan3A_403 : i32
        %mul3A_405 = arith.constant 16 : i32
        %mul3A_406 = arith.muli %scan3A_404, %mul3A_405 : i32
        %get3A_407 = arith.index_cast %mul3A_406 : i32 to index
        %get3A_408 = tpu.vector_load %arg7[%get3A_407] {strides = array<i32>} : memref<1024xi32, #tpu.memory_space<vmem>>, vector<16xi32>,
        %add3A_409 = vector.broadcast %mul3A_103 : i32 to vector<16xi32>
        %add3A_410 = arith.addi %get3A_408, %add3A_409 : vector<16xi32>
        %mul3A_411 = arith.constant 16 : i32
        %mul3A_412 = arith.muli %scan3A_404, %mul3A_411 : i32
        %swap3A_413 = arith.index_cast %mul3A_412 : i32 to index
        %swap3A_414 = tpu.vector_load %arg7[%swap3A_413] {strides = array<i32>} : memref<1024xi32, #tpu.memory_space<vmem>>, vector<16xi32>,
        tpu.vector_store %arg7[%swap3A_413], %add3A_410 {strides = array<i32>} : memref<1024xi32, #tpu.memory_space<vmem>>, vector<16xi32>,
        %scan3A_415 = arith.constant 0 : i32
        %scan3A_416 = arith.constant 6 : i32
        %scan3A_417 = arith.addi %scan3A_340, %scan3A_416 : i32
        %mul3A_418 = arith.constant 16 : i32
        %mul3A_419 = arith.muli %scan3A_417, %mul3A_418 : i32
        %get3A_420 = arith.index_cast %mul3A_419 : i32 to index
        %get3A_421 = tpu.vector_load %arg7[%get3A_420] {strides = array<i32>} : memref<1024xi32, #tpu.memory_space<vmem>>, vector<16xi32>,
        %add3A_422 = vector.broadcast %mul3A_103 : i32 to vector<16xi32>
        %add3A_423 = arith.addi %get3A_421, %add3A_422 : vector<16xi32>
        %mul3A_424 = arith.constant 16 : i32
        %mul3A_425 = arith.muli %scan3A_417, %mul3A_424 : i32
        %swap3A_426 = arith.index_cast %mul3A_425 : i32 to index
        %swap3A_427 = tpu.vector_load %arg7[%swap3A_426] {strides = array<i32>} : memref<1024xi32, #tpu.memory_space<vmem>>, vector<16xi32>,
        tpu.vector_store %arg7[%swap3A_426], %add3A_423 {strides = array<i32>} : memref<1024xi32, #tpu.memory_space<vmem>>, vector<16xi32>,
        %scan3A_428 = arith.constant 0 : i32
        %scan3A_429 = arith.constant 7 : i32
        %scan3A_430 = arith.addi %scan3A_340, %scan3A_429 : i32
        %mul3A_431 = arith.constant 16 : i32
        %mul3A_432 = arith.muli %scan3A_430, %mul3A_431 : i32
        %get3A_433 = arith.index_cast %mul3A_432 : i32 to index
        %get3A_434 = tpu.vector_load %arg7[%get3A_433] {strides = array<i32>} : memref<1024xi32, #tpu.memory_space<vmem>>, vector<16xi32>,
        %add3A_435 = vector.broadcast %mul3A_103 : i32 to vector<16xi32>
        %add3A_436 = arith.addi %get3A_434, %add3A_435 : vector<16xi32>
        %mul3A_437 = arith.constant 16 : i32
        %mul3A_438 = arith.muli %scan3A_430, %mul3A_437 : i32
        %swap3A_439 = arith.index_cast %mul3A_438 : i32 to index
        %swap3A_440 = tpu.vector_load %arg7[%swap3A_439] {strides = array<i32>} : memref<1024xi32, #tpu.memory_space<vmem>>, vector<16xi32>,
        tpu.vector_store %arg7[%swap3A_439], %add3A_436 {strides = array<i32>} : memref<1024xi32, #tpu.memory_space<vmem>>, vector<16xi32>,
        %scan3A_441 = arith.constant 0 : i32
        scf.yield %scan3A_441 : i32
      }
      %scan3A_253 = arith.constant 64 : i32
      %dma_start3A = arith.constant 0 : i32
      %dma_start3A_254 = tpu.memref_slice %arg7[%dma_start3A] : memref<1024xi32, #tpu.memory_space<vmem>> -> memref<128xi32, #tpu.memory_space<vmem>>
      %dma_start3A_255 = arith.constant 0 : i32
      %dma_start3A_256 = arith.constant 0 : i32
      %dma_start3A_257 = tpu.memref_slice %arg4[%dma_start3A_255, %dma_start3A_256] : memref<200704x32xf32, #tpu.memory_space<hbm>> -> memref<200704x32xf32, #tpu.memory_space<hbm>>
      tpu.enqueue_indirect_dma source(%dma_start3A_257 : memref<200704x32xf32, #tpu.memory_space<hbm>>) target(%arg11 : memref<128x32xf32, #tpu.memory_space<vmem>>) offsets(%dma_start3A_254 : memref<128xi32, #tpu.memory_space<vmem>>) semaphore(%arg15 : memref<!tpu.dma_semaphore, #tpu.memory_space<semaphore_mem>>)
      %dma_start3A_258 = arith.constant 128 : i32
      %dma_start3A_259 = tpu.memref_slice %arg7[%dma_start3A_258] : memref<1024xi32, #tpu.memory_space<vmem>> -> memref<128xi32, #tpu.memory_space<vmem>>
      %dma_start3A_260 = arith.constant 0 : i32
      %dma_start3A_261 = arith.constant 0 : i32
      %dma_start3A_262 = tpu.memref_slice %arg4[%dma_start3A_260, %dma_start3A_261] : memref<200704x32xf32, #tpu.memory_space<hbm>> -> memref<200704x32xf32, #tpu.memory_space<hbm>>
      tpu.enqueue_indirect_dma source(%dma_start3A_262 : memref<200704x32xf32, #tpu.memory_space<hbm>>) target(%arg12 : memref<128x32xf32, #tpu.memory_space<vmem>>) offsets(%dma_start3A_259 : memref<128xi32, #tpu.memory_space<vmem>>) semaphore(%arg16 : memref<!tpu.dma_semaphore, #tpu.memory_space<semaphore_mem>>)
      %dma_start3A_263 = arith.constant 256 : i32
      %dma_start3A_264 = tpu.memref_slice %arg7[%dma_start3A_263] : memref<1024xi32, #tpu.memory_space<vmem>> -> memref<128xi32, #tpu.memory_space<vmem>>
      %dma_start3A_265 = arith.constant 0 : i32
      %dma_start3A_266 = arith.constant 0 : i32
      %dma_start3A_267 = tpu.memref_slice %arg4[%dma_start3A_265, %dma_start3A_266] : memref<200704x32xf32, #tpu.memory_space<hbm>> -> memref<200704x32xf32, #tpu.memory_space<hbm>>
      tpu.enqueue_indirect_dma source(%dma_start3A_267 : memref<200704x32xf32, #tpu.memory_space<hbm>>) target(%arg13 : memref<128x32xf32, #tpu.memory_space<vmem>>) offsets(%dma_start3A_264 : memref<128xi32, #tpu.memory_space<vmem>>) semaphore(%arg17 : memref<!tpu.dma_semaphore, #tpu.memory_space<semaphore_mem>>)
      %dma_start3A_268 = arith.constant 384 : i32
      %dma_start3A_269 = tpu.memref_slice %arg7[%dma_start3A_268] : memref<1024xi32, #tpu.memory_space<vmem>> -> memref<128xi32, #tpu.memory_space<vmem>>
      %dma_start3A_270 = arith.constant 0 : i32
      %dma_start3A_271 = arith.constant 0 : i32
      %dma_start3A_272 = tpu.memref_slice %arg4[%dma_start3A_270, %dma_start3A_271] : memref<200704x32xf32, #tpu.memory_space<hbm>> -> memref<200704x32xf32, #tpu.memory_space<hbm>>
      tpu.enqueue_indirect_dma source(%dma_start3A_272 : memref<200704x32xf32, #tpu.memory_space<hbm>>) target(%arg14 : memref<128x32xf32, #tpu.memory_space<vmem>>) offsets(%dma_start3A_269 : memref<128xi32, #tpu.memory_space<vmem>>) semaphore(%arg18 : memref<!tpu.dma_semaphore, #tpu.memory_space<semaphore_mem>>)
      %dma_wait3A = arith.constant 0 : i32
      %dma_wait3A_273 = tpu.memref_slice %arg7[%dma_wait3A] : memref<1024xi32, #tpu.memory_space<vmem>> -> memref<128xi32, #tpu.memory_space<vmem>>
      %dma_wait3A_274 = arith.constant 0 : i32
      %dma_wait3A_275 = arith.constant 0 : i32
      %dma_wait3A_276 = tpu.memref_slice %arg4[%dma_wait3A_274, %dma_wait3A_275] : memref<200704x32xf32, #tpu.memory_space<hbm>> -> memref<200704x32xf32, #tpu.memory_space<hbm>>
      tpu.wait_indirect_dma semaphore(%arg15 : memref<!tpu.dma_semaphore, #tpu.memory_space<semaphore_mem>>) src(%dma_wait3A_276 : memref<200704x32xf32, #tpu.memory_space<hbm>>) dst(%arg11 : memref<128x32xf32, #tpu.memory_space<vmem>>)
      %run_scoped3A = arith.constant 0 : i32
      "tpu.region"() ({
        %run_scoped3A_340 = tpu.sem_alloc : memref<!tpu.dma_semaphore, #tpu.memory_space<semaphore_mem>>
        %dma_start3A_341 = arith.constant 0 : i32
        %dma_start3A_342 = tpu.memref_slice %arg8[%run_scoped3A, %dma_start3A_341] : memref<8x128xi32, #tpu.memory_space<vmem>> -> memref<1x128xi32, #tpu.memory_space<vmem>>
        %dma_start3A_343 = tpu.memref_squeeze %dma_start3A_342 : memref<1x128xi32, #tpu.memory_space<vmem>> -> memref<128xi32, #tpu.memory_space<vmem>>
        %dma_start3A_344 = arith.constant 0 : i32
        %dma_start3A_345 = arith.constant 0 : i32
        %dma_start3A_346 = tpu.memref_slice %arg9[%dma_start3A_344, %dma_start3A_345] : memref<50176x32xf32, #tpu.memory_space<vmem_shared>> -> memref<50176x32xf32, #tpu.memory_space<vmem_shared>>
        tpu.enqueue_indirect_dma source(%arg11 : memref<128x32xf32, #tpu.memory_space<vmem>>) target(%dma_start3A_346 : memref<50176x32xf32, #tpu.memory_space<vmem_shared>>) offsets(%dma_start3A_343 : memref<128xi32, #tpu.memory_space<vmem>>) semaphore(%run_scoped3A_340 : memref<!tpu.dma_semaphore, #tpu.memory_space<semaphore_mem>>) {add = true}
        %dma_wait3A_347 = arith.constant 0 : i32
        %dma_wait3A_348 = tpu.memref_slice %arg8[%run_scoped3A, %dma_wait3A_347] : memref<8x128xi32, #tpu.memory_space<vmem>> -> memref<1x128xi32, #tpu.memory_space<vmem>>
        %dma_wait3A_349 = tpu.memref_squeeze %dma_wait3A_348 : memref<1x128xi32, #tpu.memory_space<vmem>> -> memref<128xi32, #tpu.memory_space<vmem>>
        %dma_wait3A_350 = arith.constant 0 : i32
        %dma_wait3A_351 = arith.constant 0 : i32
        %dma_wait3A_352 = tpu.memref_slice %arg9[%dma_wait3A_350, %dma_wait3A_351] : memref<50176x32xf32, #tpu.memory_space<vmem_shared>> -> memref<50176x32xf32, #tpu.memory_space<vmem_shared>>
        tpu.wait_indirect_dma semaphore(%run_scoped3A_340 : memref<!tpu.dma_semaphore, #tpu.memory_space<semaphore_mem>>) src(%arg11 : memref<128x32xf32, #tpu.memory_space<vmem>>) dst(%dma_wait3A_352 : memref<50176x32xf32, #tpu.memory_space<vmem_shared>>)
        tpu.yield
      }) : () -> ()
      %dma_start3A_277 = arith.constant 512 : i32
      %dma_start3A_278 = tpu.memref_slice %arg7[%dma_start3A_277] : memref<1024xi32, #tpu.memory_space<vmem>> -> memref<128xi32, #tpu.memory_space<vmem>>
      %dma_start3A_279 = arith.constant 0 : i32
      %dma_start3A_280 = arith.constant 0 : i32
      %dma_start3A_281 = tpu.memref_slice %arg4[%dma_start3A_279, %dma_start3A_280] : memref<200704x32xf32, #tpu.memory_space<hbm>> -> memref<200704x32xf32, #tpu.memory_space<hbm>>
      tpu.enqueue_indirect_dma source(%dma_start3A_281 : memref<200704x32xf32, #tpu.memory_space<hbm>>) target(%arg11 : memref<128x32xf32, #tpu.memory_space<vmem>>) offsets(%dma_start3A_278 : memref<128xi32, #tpu.memory_space<vmem>>) semaphore(%arg15 : memref<!tpu.dma_semaphore, #tpu.memory_space<semaphore_mem>>)
      %dma_wait3A_282 = arith.constant 128 : i32
      %dma_wait3A_283 = tpu.memref_slice %arg7[%dma_wait3A_282] : memref<1024xi32, #tpu.memory_space<vmem>> -> memref<128xi32, #tpu.memory_space<vmem>>
      %dma_wait3A_284 = arith.constant 0 : i32
      %dma_wait3A_285 = arith.constant 0 : i32
      %dma_wait3A_286 = tpu.memref_slice %arg4[%dma_wait3A_284, %dma_wait3A_285] : memref<200704x32xf32, #tpu.memory_space<hbm>> -> memref<200704x32xf32, #tpu.memory_space<hbm>>
      tpu.wait_indirect_dma semaphore(%arg16 : memref<!tpu.dma_semaphore, #tpu.memory_space<semaphore_mem>>) src(%dma_wait3A_286 : memref<200704x32xf32, #tpu.memory_space<hbm>>) dst(%arg12 : memref<128x32xf32, #tpu.memory_space<vmem>>)
      %run_scoped3A_287 = arith.constant 1 : i32
      "tpu.region"() ({
        %run_scoped3A_340 = tpu.sem_alloc : memref<!tpu.dma_semaphore, #tpu.memory_space<semaphore_mem>>
        %dma_start3A_341 = arith.constant 0 : i32
        %dma_start3A_342 = tpu.memref_slice %arg8[%run_scoped3A_287, %dma_start3A_341] : memref<8x128xi32, #tpu.memory_space<vmem>> -> memref<1x128xi32, #tpu.memory_space<vmem>>
        %dma_start3A_343 = tpu.memref_squeeze %dma_start3A_342 : memref<1x128xi32, #tpu.memory_space<vmem>> -> memref<128xi32, #tpu.memory_space<vmem>>
        %dma_start3A_344 = arith.constant 0 : i32
        %dma_start3A_345 = arith.constant 0 : i32
        %dma_start3A_346 = tpu.memref_slice %arg9[%dma_start3A_344, %dma_start3A_345] : memref<50176x32xf32, #tpu.memory_space<vmem_shared>> -> memref<50176x32xf32, #tpu.memory_space<vmem_shared>>
        tpu.enqueue_indirect_dma source(%arg12 : memref<128x32xf32, #tpu.memory_space<vmem>>) target(%dma_start3A_346 : memref<50176x32xf32, #tpu.memory_space<vmem_shared>>) offsets(%dma_start3A_343 : memref<128xi32, #tpu.memory_space<vmem>>) semaphore(%run_scoped3A_340 : memref<!tpu.dma_semaphore, #tpu.memory_space<semaphore_mem>>) {add = true}
        %dma_wait3A_347 = arith.constant 0 : i32
        %dma_wait3A_348 = tpu.memref_slice %arg8[%run_scoped3A_287, %dma_wait3A_347] : memref<8x128xi32, #tpu.memory_space<vmem>> -> memref<1x128xi32, #tpu.memory_space<vmem>>
        %dma_wait3A_349 = tpu.memref_squeeze %dma_wait3A_348 : memref<1x128xi32, #tpu.memory_space<vmem>> -> memref<128xi32, #tpu.memory_space<vmem>>
        %dma_wait3A_350 = arith.constant 0 : i32
        %dma_wait3A_351 = arith.constant 0 : i32
        %dma_wait3A_352 = tpu.memref_slice %arg9[%dma_wait3A_350, %dma_wait3A_351] : memref<50176x32xf32, #tpu.memory_space<vmem_shared>> -> memref<50176x32xf32, #tpu.memory_space<vmem_shared>>
        tpu.wait_indirect_dma semaphore(%run_scoped3A_340 : memref<!tpu.dma_semaphore, #tpu.memory_space<semaphore_mem>>) src(%arg12 : memref<128x32xf32, #tpu.memory_space<vmem>>) dst(%dma_wait3A_352 : memref<50176x32xf32, #tpu.memory_space<vmem_shared>>)
        tpu.yield
      }) : () -> ()
      %dma_start3A_288 = arith.constant 640 : i32
      %dma_start3A_289 = tpu.memref_slice %arg7[%dma_start3A_288] : memref<1024xi32, #tpu.memory_space<vmem>> -> memref<128xi32, #tpu.memory_space<vmem>>
      %dma_start3A_290 = arith.constant 0 : i32
      %dma_start3A_291 = arith.constant 0 : i32
      %dma_start3A_292 = tpu.memref_slice %arg4[%dma_start3A_290, %dma_start3A_291] : memref<200704x32xf32, #tpu.memory_space<hbm>> -> memref<200704x32xf32, #tpu.memory_space<hbm>>
      tpu.enqueue_indirect_dma source(%dma_start3A_292 : memref<200704x32xf32, #tpu.memory_space<hbm>>) target(%arg12 : memref<128x32xf32, #tpu.memory_space<vmem>>) offsets(%dma_start3A_289 : memref<128xi32, #tpu.memory_space<vmem>>) semaphore(%arg16 : memref<!tpu.dma_semaphore, #tpu.memory_space<semaphore_mem>>)
      %dma_wait3A_293 = arith.constant 256 : i32
      %dma_wait3A_294 = tpu.memref_slice %arg7[%dma_wait3A_293] : memref<1024xi32, #tpu.memory_space<vmem>> -> memref<128xi32, #tpu.memory_space<vmem>>
      %dma_wait3A_295 = arith.constant 0 : i32
      %dma_wait3A_296 = arith.constant 0 : i32
      %dma_wait3A_297 = tpu.memref_slice %arg4[%dma_wait3A_295, %dma_wait3A_296] : memref<200704x32xf32, #tpu.memory_space<hbm>> -> memref<200704x32xf32, #tpu.memory_space<hbm>>
      tpu.wait_indirect_dma semaphore(%arg17 : memref<!tpu.dma_semaphore, #tpu.memory_space<semaphore_mem>>) src(%dma_wait3A_297 : memref<200704x32xf32, #tpu.memory_space<hbm>>) dst(%arg13 : memref<128x32xf32, #tpu.memory_space<vmem>>)
      %run_scoped3A_298 = arith.constant 2 : i32
      "tpu.region"() ({
        %run_scoped3A_340 = tpu.sem_alloc : memref<!tpu.dma_semaphore, #tpu.memory_space<semaphore_mem>>
        %dma_start3A_341 = arith.constant 0 : i32
        %dma_start3A_342 = tpu.memref_slice %arg8[%run_scoped3A_298, %dma_start3A_341] : memref<8x128xi32, #tpu.memory_space<vmem>> -> memref<1x128xi32, #tpu.memory_space<vmem>>
        %dma_start3A_343 = tpu.memref_squeeze %dma_start3A_342 : memref<1x128xi32, #tpu.memory_space<vmem>> -> memref<128xi32, #tpu.memory_space<vmem>>
        %dma_start3A_344 = arith.constant 0 : i32
        %dma_start3A_345 = arith.constant 0 : i32
        %dma_start3A_346 = tpu.memref_slice %arg9[%dma_start3A_344, %dma_start3A_345] : memref<50176x32xf32, #tpu.memory_space<vmem_shared>> -> memref<50176x32xf32, #tpu.memory_space<vmem_shared>>
        tpu.enqueue_indirect_dma source(%arg13 : memref<128x32xf32, #tpu.memory_space<vmem>>) target(%dma_start3A_346 : memref<50176x32xf32, #tpu.memory_space<vmem_shared>>) offsets(%dma_start3A_343 : memref<128xi32, #tpu.memory_space<vmem>>) semaphore(%run_scoped3A_340 : memref<!tpu.dma_semaphore, #tpu.memory_space<semaphore_mem>>) {add = true}
        %dma_wait3A_347 = arith.constant 0 : i32
        %dma_wait3A_348 = tpu.memref_slice %arg8[%run_scoped3A_298, %dma_wait3A_347] : memref<8x128xi32, #tpu.memory_space<vmem>> -> memref<1x128xi32, #tpu.memory_space<vmem>>
        %dma_wait3A_349 = tpu.memref_squeeze %dma_wait3A_348 : memref<1x128xi32, #tpu.memory_space<vmem>> -> memref<128xi32, #tpu.memory_space<vmem>>
        %dma_wait3A_350 = arith.constant 0 : i32
        %dma_wait3A_351 = arith.constant 0 : i32
        %dma_wait3A_352 = tpu.memref_slice %arg9[%dma_wait3A_350, %dma_wait3A_351] : memref<50176x32xf32, #tpu.memory_space<vmem_shared>> -> memref<50176x32xf32, #tpu.memory_space<vmem_shared>>
        tpu.wait_indirect_dma semaphore(%run_scoped3A_340 : memref<!tpu.dma_semaphore, #tpu.memory_space<semaphore_mem>>) src(%arg13 : memref<128x32xf32, #tpu.memory_space<vmem>>) dst(%dma_wait3A_352 : memref<50176x32xf32, #tpu.memory_space<vmem_shared>>)
        tpu.yield
      }) : () -> ()
      %dma_start3A_299 = arith.constant 768 : i32
      %dma_start3A_300 = tpu.memref_slice %arg7[%dma_start3A_299] : memref<1024xi32, #tpu.memory_space<vmem>> -> memref<128xi32, #tpu.memory_space<vmem>>
      %dma_start3A_301 = arith.constant 0 : i32
      %dma_start3A_302 = arith.constant 0 : i32
      %dma_start3A_303 = tpu.memref_slice %arg4[%dma_start3A_301, %dma_start3A_302] : memref<200704x32xf32, #tpu.memory_space<hbm>> -> memref<200704x32xf32, #tpu.memory_space<hbm>>
      tpu.enqueue_indirect_dma source(%dma_start3A_303 : memref<200704x32xf32, #tpu.memory_space<hbm>>) target(%arg13 : memref<128x32xf32, #tpu.memory_space<vmem>>) offsets(%dma_start3A_300 : memref<128xi32, #tpu.memory_space<vmem>>) semaphore(%arg17 : memref<!tpu.dma_semaphore, #tpu.memory_space<semaphore_mem>>)
      %dma_wait3A_304 = arith.constant 384 : i32
      %dma_wait3A_305 = tpu.memref_slice %arg7[%dma_wait3A_304] : memref<1024xi32, #tpu.memory_space<vmem>> -> memref<128xi32, #tpu.memory_space<vmem>>
      %dma_wait3A_306 = arith.constant 0 : i32
      %dma_wait3A_307 = arith.constant 0 : i32
      %dma_wait3A_308 = tpu.memref_slice %arg4[%dma_wait3A_306, %dma_wait3A_307] : memref<200704x32xf32, #tpu.memory_space<hbm>> -> memref<200704x32xf32, #tpu.memory_space<hbm>>
      tpu.wait_indirect_dma semaphore(%arg18 : memref<!tpu.dma_semaphore, #tpu.memory_space<semaphore_mem>>) src(%dma_wait3A_308 : memref<200704x32xf32, #tpu.memory_space<hbm>>) dst(%arg14 : memref<128x32xf32, #tpu.memory_space<vmem>>)
      %run_scoped3A_309 = arith.constant 3 : i32
      "tpu.region"() ({
        %run_scoped3A_340 = tpu.sem_alloc : memref<!tpu.dma_semaphore, #tpu.memory_space<semaphore_mem>>
        %dma_start3A_341 = arith.constant 0 : i32
        %dma_start3A_342 = tpu.memref_slice %arg8[%run_scoped3A_309, %dma_start3A_341] : memref<8x128xi32, #tpu.memory_space<vmem>> -> memref<1x128xi32, #tpu.memory_space<vmem>>
        %dma_start3A_343 = tpu.memref_squeeze %dma_start3A_342 : memref<1x128xi32, #tpu.memory_space<vmem>> -> memref<128xi32, #tpu.memory_space<vmem>>
        %dma_start3A_344 = arith.constant 0 : i32
        %dma_start3A_345 = arith.constant 0 : i32
        %dma_start3A_346 = tpu.memref_slice %arg9[%dma_start3A_344, %dma_start3A_345] : memref<50176x32xf32, #tpu.memory_space<vmem_shared>> -> memref<50176x32xf32, #tpu.memory_space<vmem_shared>>
        tpu.enqueue_indirect_dma source(%arg14 : memref<128x32xf32, #tpu.memory_space<vmem>>) target(%dma_start3A_346 : memref<50176x32xf32, #tpu.memory_space<vmem_shared>>) offsets(%dma_start3A_343 : memref<128xi32, #tpu.memory_space<vmem>>) semaphore(%run_scoped3A_340 : memref<!tpu.dma_semaphore, #tpu.memory_space<semaphore_mem>>) {add = true}
        %dma_wait3A_347 = arith.constant 0 : i32
        %dma_wait3A_348 = tpu.memref_slice %arg8[%run_scoped3A_309, %dma_wait3A_347] : memref<8x128xi32, #tpu.memory_space<vmem>> -> memref<1x128xi32, #tpu.memory_space<vmem>>
        %dma_wait3A_349 = tpu.memref_squeeze %dma_wait3A_348 : memref<1x128xi32, #tpu.memory_space<vmem>> -> memref<128xi32, #tpu.memory_space<vmem>>
        %dma_wait3A_350 = arith.constant 0 : i32
        %dma_wait3A_351 = arith.constant 0 : i32
        %dma_wait3A_352 = tpu.memref_slice %arg9[%dma_wait3A_350, %dma_wait3A_351] : memref<50176x32xf32, #tpu.memory_space<vmem_shared>> -> memref<50176x32xf32, #tpu.memory_space<vmem_shared>>
        tpu.wait_indirect_dma semaphore(%run_scoped3A_340 : memref<!tpu.dma_semaphore, #tpu.memory_space<semaphore_mem>>) src(%arg14 : memref<128x32xf32, #tpu.memory_space<vmem>>) dst(%dma_wait3A_352 : memref<50176x32xf32, #tpu.memory_space<vmem_shared>>)
        tpu.yield
      }) : () -> ()
      %dma_start3A_310 = arith.constant 896 : i32
      %dma_start3A_311 = tpu.memref_slice %arg7[%dma_start3A_310] : memref<1024xi32, #tpu.memory_space<vmem>> -> memref<128xi32, #tpu.memory_space<vmem>>
      %dma_start3A_312 = arith.constant 0 : i32
      %dma_start3A_313 = arith.constant 0 : i32
      %dma_start3A_314 = tpu.memref_slice %arg4[%dma_start3A_312, %dma_start3A_313] : memref<200704x32xf32, #tpu.memory_space<hbm>> -> memref<200704x32xf32, #tpu.memory_space<hbm>>
      tpu.enqueue_indirect_dma source(%dma_start3A_314 : memref<200704x32xf32, #tpu.memory_space<hbm>>) target(%arg14 : memref<128x32xf32, #tpu.memory_space<vmem>>) offsets(%dma_start3A_311 : memref<128xi32, #tpu.memory_space<vmem>>) semaphore(%arg18 : memref<!tpu.dma_semaphore, #tpu.memory_space<semaphore_mem>>)
      %dma_wait3A_315 = arith.constant 512 : i32
      %dma_wait3A_316 = tpu.memref_slice %arg7[%dma_wait3A_315] : memref<1024xi32, #tpu.memory_space<vmem>> -> memref<128xi32, #tpu.memory_space<vmem>>
      %dma_wait3A_317 = arith.constant 0 : i32
      %dma_wait3A_318 = arith.constant 0 : i32
      %dma_wait3A_319 = tpu.memref_slice %arg4[%dma_wait3A_317, %dma_wait3A_318] : memref<200704x32xf32, #tpu.memory_space<hbm>> -> memref<200704x32xf32, #tpu.memory_space<hbm>>
      tpu.wait_indirect_dma semaphore(%arg15 : memref<!tpu.dma_semaphore, #tpu.memory_space<semaphore_mem>>) src(%dma_wait3A_319 : memref<200704x32xf32, #tpu.memory_space<hbm>>) dst(%arg11 : memref<128x32xf32, #tpu.memory_space<vmem>>)
      %run_scoped3A_320 = arith.constant 4 : i32
      "tpu.region"() ({
        %run_scoped3A_340 = tpu.sem_alloc : memref<!tpu.dma_semaphore, #tpu.memory_space<semaphore_mem>>
        %dma_start3A_341 = arith.constant 0 : i32
        %dma_start3A_342 = tpu.memref_slice %arg8[%run_scoped3A_320, %dma_start3A_341] : memref<8x128xi32, #tpu.memory_space<vmem>> -> memref<1x128xi32, #tpu.memory_space<vmem>>
        %dma_start3A_343 = tpu.memref_squeeze %dma_start3A_342 : memref<1x128xi32, #tpu.memory_space<vmem>> -> memref<128xi32, #tpu.memory_space<vmem>>
        %dma_start3A_344 = arith.constant 0 : i32
        %dma_start3A_345 = arith.constant 0 : i32
        %dma_start3A_346 = tpu.memref_slice %arg9[%dma_start3A_344, %dma_start3A_345] : memref<50176x32xf32, #tpu.memory_space<vmem_shared>> -> memref<50176x32xf32, #tpu.memory_space<vmem_shared>>
        tpu.enqueue_indirect_dma source(%arg11 : memref<128x32xf32, #tpu.memory_space<vmem>>) target(%dma_start3A_346 : memref<50176x32xf32, #tpu.memory_space<vmem_shared>>) offsets(%dma_start3A_343 : memref<128xi32, #tpu.memory_space<vmem>>) semaphore(%run_scoped3A_340 : memref<!tpu.dma_semaphore, #tpu.memory_space<semaphore_mem>>) {add = true}
        %dma_wait3A_347 = arith.constant 0 : i32
        %dma_wait3A_348 = tpu.memref_slice %arg8[%run_scoped3A_320, %dma_wait3A_347] : memref<8x128xi32, #tpu.memory_space<vmem>> -> memref<1x128xi32, #tpu.memory_space<vmem>>
        %dma_wait3A_349 = tpu.memref_squeeze %dma_wait3A_348 : memref<1x128xi32, #tpu.memory_space<vmem>> -> memref<128xi32, #tpu.memory_space<vmem>>
        %dma_wait3A_350 = arith.constant 0 : i32
        %dma_wait3A_351 = arith.constant 0 : i32
        %dma_wait3A_352 = tpu.memref_slice %arg9[%dma_wait3A_350, %dma_wait3A_351] : memref<50176x32xf32, #tpu.memory_space<vmem_shared>> -> memref<50176x32xf32, #tpu.memory_space<vmem_shared>>
        tpu.wait_indirect_dma semaphore(%run_scoped3A_340 : memref<!tpu.dma_semaphore, #tpu.memory_space<semaphore_mem>>) src(%arg11 : memref<128x32xf32, #tpu.memory_space<vmem>>) dst(%dma_wait3A_352 : memref<50176x32xf32, #tpu.memory_space<vmem_shared>>)
        tpu.yield
      }) : () -> ()
      %dma_wait3A_321 = arith.constant 640 : i32
      %dma_wait3A_322 = tpu.memref_slice %arg7[%dma_wait3A_321] : memref<1024xi32, #tpu.memory_space<vmem>> -> memref<128xi32, #tpu.memory_space<vmem>>
      %dma_wait3A_323 = arith.constant 0 : i32
      %dma_wait3A_324 = arith.constant 0 : i32
      %dma_wait3A_325 = tpu.memref_slice %arg4[%dma_wait3A_323, %dma_wait3A_324] : memref<200704x32xf32, #tpu.memory_space<hbm>> -> memref<200704x32xf32, #tpu.memory_space<hbm>>
      tpu.wait_indirect_dma semaphore(%arg16 : memref<!tpu.dma_semaphore, #tpu.memory_space<semaphore_mem>>) src(%dma_wait3A_325 : memref<200704x32xf32, #tpu.memory_space<hbm>>) dst(%arg12 : memref<128x32xf32, #tpu.memory_space<vmem>>)
      %run_scoped3A_326 = arith.constant 5 : i32
      "tpu.region"() ({
        %run_scoped3A_340 = tpu.sem_alloc : memref<!tpu.dma_semaphore, #tpu.memory_space<semaphore_mem>>
        %dma_start3A_341 = arith.constant 0 : i32
        %dma_start3A_342 = tpu.memref_slice %arg8[%run_scoped3A_326, %dma_start3A_341] : memref<8x128xi32, #tpu.memory_space<vmem>> -> memref<1x128xi32, #tpu.memory_space<vmem>>
        %dma_start3A_343 = tpu.memref_squeeze %dma_start3A_342 : memref<1x128xi32, #tpu.memory_space<vmem>> -> memref<128xi32, #tpu.memory_space<vmem>>
        %dma_start3A_344 = arith.constant 0 : i32
        %dma_start3A_345 = arith.constant 0 : i32
        %dma_start3A_346 = tpu.memref_slice %arg9[%dma_start3A_344, %dma_start3A_345] : memref<50176x32xf32, #tpu.memory_space<vmem_shared>> -> memref<50176x32xf32, #tpu.memory_space<vmem_shared>>
        tpu.enqueue_indirect_dma source(%arg12 : memref<128x32xf32, #tpu.memory_space<vmem>>) target(%dma_start3A_346 : memref<50176x32xf32, #tpu.memory_space<vmem_shared>>) offsets(%dma_start3A_343 : memref<128xi32, #tpu.memory_space<vmem>>) semaphore(%run_scoped3A_340 : memref<!tpu.dma_semaphore, #tpu.memory_space<semaphore_mem>>) {add = true}
        %dma_wait3A_347 = arith.constant 0 : i32
        %dma_wait3A_348 = tpu.memref_slice %arg8[%run_scoped3A_326, %dma_wait3A_347] : memref<8x128xi32, #tpu.memory_space<vmem>> -> memref<1x128xi32, #tpu.memory_space<vmem>>
        %dma_wait3A_349 = tpu.memref_squeeze %dma_wait3A_348 : memref<1x128xi32, #tpu.memory_space<vmem>> -> memref<128xi32, #tpu.memory_space<vmem>>
        %dma_wait3A_350 = arith.constant 0 : i32
        %dma_wait3A_351 = arith.constant 0 : i32
        %dma_wait3A_352 = tpu.memref_slice %arg9[%dma_wait3A_350, %dma_wait3A_351] : memref<50176x32xf32, #tpu.memory_space<vmem_shared>> -> memref<50176x32xf32, #tpu.memory_space<vmem_shared>>
        tpu.wait_indirect_dma semaphore(%run_scoped3A_340 : memref<!tpu.dma_semaphore, #tpu.memory_space<semaphore_mem>>) src(%arg12 : memref<128x32xf32, #tpu.memory_space<vmem>>) dst(%dma_wait3A_352 : memref<50176x32xf32, #tpu.memory_space<vmem_shared>>)
        tpu.yield
      }) : () -> ()
      %dma_wait3A_327 = arith.constant 768 : i32
      %dma_wait3A_328 = tpu.memref_slice %arg7[%dma_wait3A_327] : memref<1024xi32, #tpu.memory_space<vmem>> -> memref<128xi32, #tpu.memory_space<vmem>>
      %dma_wait3A_329 = arith.constant 0 : i32
      %dma_wait3A_330 = arith.constant 0 : i32
      %dma_wait3A_331 = tpu.memref_slice %arg4[%dma_wait3A_329, %dma_wait3A_330] : memref<200704x32xf32, #tpu.memory_space<hbm>> -> memref<200704x32xf32, #tpu.memory_space<hbm>>
      tpu.wait_indirect_dma semaphore(%arg17 : memref<!tpu.dma_semaphore, #tpu.memory_space<semaphore_mem>>) src(%dma_wait3A_331 : memref<200704x32xf32, #tpu.memory_space<hbm>>) dst(%arg13 : memref<128x32xf32, #tpu.memory_space<vmem>>)
      %run_scoped3A_332 = arith.constant 6 : i32
      "tpu.region"() ({
        %run_scoped3A_340 = tpu.sem_alloc : memref<!tpu.dma_semaphore, #tpu.memory_space<semaphore_mem>>
        %dma_start3A_341 = arith.constant 0 : i32
        %dma_start3A_342 = tpu.memref_slice %arg8[%run_scoped3A_332, %dma_start3A_341] : memref<8x128xi32, #tpu.memory_space<vmem>> -> memref<1x128xi32, #tpu.memory_space<vmem>>
        %dma_start3A_343 = tpu.memref_squeeze %dma_start3A_342 : memref<1x128xi32, #tpu.memory_space<vmem>> -> memref<128xi32, #tpu.memory_space<vmem>>
        %dma_start3A_344 = arith.constant 0 : i32
        %dma_start3A_345 = arith.constant 0 : i32
        %dma_start3A_346 = tpu.memref_slice %arg9[%dma_start3A_344, %dma_start3A_345] : memref<50176x32xf32, #tpu.memory_space<vmem_shared>> -> memref<50176x32xf32, #tpu.memory_space<vmem_shared>>
        tpu.enqueue_indirect_dma source(%arg13 : memref<128x32xf32, #tpu.memory_space<vmem>>) target(%dma_start3A_346 : memref<50176x32xf32, #tpu.memory_space<vmem_shared>>) offsets(%dma_start3A_343 : memref<128xi32, #tpu.memory_space<vmem>>) semaphore(%run_scoped3A_340 : memref<!tpu.dma_semaphore, #tpu.memory_space<semaphore_mem>>) {add = true}
        %dma_wait3A_347 = arith.constant 0 : i32
        %dma_wait3A_348 = tpu.memref_slice %arg8[%run_scoped3A_332, %dma_wait3A_347] : memref<8x128xi32, #tpu.memory_space<vmem>> -> memref<1x128xi32, #tpu.memory_space<vmem>>
        %dma_wait3A_349 = tpu.memref_squeeze %dma_wait3A_348 : memref<1x128xi32, #tpu.memory_space<vmem>> -> memref<128xi32, #tpu.memory_space<vmem>>
        %dma_wait3A_350 = arith.constant 0 : i32
        %dma_wait3A_351 = arith.constant 0 : i32
        %dma_wait3A_352 = tpu.memref_slice %arg9[%dma_wait3A_350, %dma_wait3A_351] : memref<50176x32xf32, #tpu.memory_space<vmem_shared>> -> memref<50176x32xf32, #tpu.memory_space<vmem_shared>>
        tpu.wait_indirect_dma semaphore(%run_scoped3A_340 : memref<!tpu.dma_semaphore, #tpu.memory_space<semaphore_mem>>) src(%arg13 : memref<128x32xf32, #tpu.memory_space<vmem>>) dst(%dma_wait3A_352 : memref<50176x32xf32, #tpu.memory_space<vmem_shared>>)
        tpu.yield
      }) : () -> ()
      %dma_wait3A_333 = arith.constant 896 : i32
      %dma_wait3A_334 = tpu.memref_slice %arg7[%dma_wait3A_333] : memref<1024xi32, #tpu.memory_space<vmem>> -> memref<128xi32, #tpu.memory_space<vmem>>
      %dma_wait3A_335 = arith.constant 0 : i32
      %dma_wait3A_336 = arith.constant 0 : i32
      %dma_wait3A_337 = tpu.memref_slice %arg4[%dma_wait3A_335, %dma_wait3A_336] : memref<200704x32xf32, #tpu.memory_space<hbm>> -> memref<200704x32xf32, #tpu.memory_space<hbm>>
      tpu.wait_indirect_dma semaphore(%arg18 : memref<!tpu.dma_semaphore, #tpu.memory_space<semaphore_mem>>) src(%dma_wait3A_337 : memref<200704x32xf32, #tpu.memory_space<hbm>>) dst(%arg14 : memref<128x32xf32, #tpu.memory_space<vmem>>)
      %run_scoped3A_338 = arith.constant 7 : i32
      "tpu.region"() ({
        %run_scoped3A_340 = tpu.sem_alloc : memref<!tpu.dma_semaphore, #tpu.memory_space<semaphore_mem>>
        %dma_start3A_341 = arith.constant 0 : i32
        %dma_start3A_342 = tpu.memref_slice %arg8[%run_scoped3A_338, %dma_start3A_341] : memref<8x128xi32, #tpu.memory_space<vmem>> -> memref<1x128xi32, #tpu.memory_space<vmem>>
        %dma_start3A_343 = tpu.memref_squeeze %dma_start3A_342 : memref<1x128xi32, #tpu.memory_space<vmem>> -> memref<128xi32, #tpu.memory_space<vmem>>
        %dma_start3A_344 = arith.constant 0 : i32
        %dma_start3A_345 = arith.constant 0 : i32
        %dma_start3A_346 = tpu.memref_slice %arg9[%dma_start3A_344, %dma_start3A_345] : memref<50176x32xf32, #tpu.memory_space<vmem_shared>> -> memref<50176x32xf32, #tpu.memory_space<vmem_shared>>
        tpu.enqueue_indirect_dma source(%arg14 : memref<128x32xf32, #tpu.memory_space<vmem>>) target(%dma_start3A_346 : memref<50176x32xf32, #tpu.memory_space<vmem_shared>>) offsets(%dma_start3A_343 : memref<128xi32, #tpu.memory_space<vmem>>) semaphore(%run_scoped3A_340 : memref<!tpu.dma_semaphore, #tpu.memory_space<semaphore_mem>>) {add = true}
        %dma_wait3A_347 = arith.constant 0 : i32
        %dma_wait3A_348 = tpu.memref_slice %arg8[%run_scoped3A_338, %dma_wait3A_347] : memref<8x128xi32, #tpu.memory_space<vmem>> -> memref<1x128xi32, #tpu.memory_space<vmem>>
        %dma_wait3A_349 = tpu.memref_squeeze %dma_wait3A_348 : memref<1x128xi32, #tpu.memory_space<vmem>> -> memref<128xi32, #tpu.memory_space<vmem>>
        %dma_wait3A_350 = arith.constant 0 : i32
        %dma_wait3A_351 = arith.constant 0 : i32
        %dma_wait3A_352 = tpu.memref_slice %arg9[%dma_wait3A_350, %dma_wait3A_351] : memref<50176x32xf32, #tpu.memory_space<vmem_shared>> -> memref<50176x32xf32, #tpu.memory_space<vmem_shared>>
        tpu.wait_indirect_dma semaphore(%run_scoped3A_340 : memref<!tpu.dma_semaphore, #tpu.memory_space<semaphore_mem>>) src(%arg14 : memref<128x32xf32, #tpu.memory_space<vmem>>) dst(%dma_wait3A_352 : memref<50176x32xf32, #tpu.memory_space<vmem_shared>>)
        tpu.yield
      }) : () -> ()
      %scan3A_339 = arith.constant 0 : i32
      scf.yield %scan3A_339 : i32
    }
    %scan3A_109 = arith.constant 50 : i32
    %barrier3A_110 = arith.constant 0 : index
    tpu.barrier barrier_id(%barrier3A_110)
    %mul3A_111 = arith.constant 3136 : i32
    %mul3A_112 = arith.muli %arg1, %mul3A_111 : i32
    %mul3A_113 = arith.constant 3136 : i32
    %mul3A_114 = arith.muli %arg1, %mul3A_113 : i32
    %add3A_115 = arith.addi %mul3A_103, %mul3A_114 : i32
    "tpu.region"() ({
      %run_scoped3A = tpu.sem_alloc : memref<!tpu.dma_semaphore, #tpu.memory_space<semaphore_mem>>
      %dma_start3A = arith.constant 0 : i32
      %dma_start3A_238 = tpu.memref_slice %arg6[%add3A_115, %dma_start3A] : memref<200704x32xf32, #tpu.memory_space<hbm>> -> memref<3136x32xf32, #tpu.memory_space<hbm>>
      %dma_start3A_239 = arith.constant 0 : i32
      %dma_start3A_240 = tpu.memref_slice %arg9[%mul3A_112, %dma_start3A_239] : memref<50176x32xf32, #tpu.memory_space<vmem_shared>> -> memref<3136x32xf32, #tpu.memory_space<vmem_shared>>
      tpu.enqueue_dma source(%dma_start3A_240 : memref<3136x32xf32, #tpu.memory_space<vmem_shared>>) target(%dma_start3A_238 : memref<3136x32xf32, #tpu.memory_space<hbm>>) target_semaphore(%run_scoped3A : memref<!tpu.dma_semaphore, #tpu.memory_space<semaphore_mem>>)
      %dma_wait3A = arith.constant 0 : i32
      %dma_wait3A_241 = tpu.memref_slice %arg6[%add3A_115, %dma_wait3A] : memref<200704x32xf32, #tpu.memory_space<hbm>> -> memref<3136x32xf32, #tpu.memory_space<hbm>>
      %dma_wait3A_242 = arith.constant 0 : i32
      %dma_wait3A_243 = tpu.memref_slice %arg9[%mul3A_112, %dma_wait3A_242] : memref<50176x32xf32, #tpu.memory_space<vmem_shared>> -> memref<3136x32xf32, #tpu.memory_space<vmem_shared>>
      tpu.wait_dma2 semaphore(%run_scoped3A : memref<!tpu.dma_semaphore, #tpu.memory_space<semaphore_mem>>) src(%dma_wait3A_243 : memref<3136x32xf32, #tpu.memory_space<vmem_shared>>) dst(%dma_wait3A_241 : memref<3136x32xf32, #tpu.memory_space<hbm>>)
      tpu.yield
    }) : () -> ()
    %barrier3A_116 = arith.constant 0 : index
    tpu.barrier barrier_id(%barrier3A_116)
    %mul3A_117 = arith.constant 2 : i32
    %mul3A_118 = arith.muli %arg0, %mul3A_117 : i32
    %add3A_119 = arith.constant 1 : i32
    %add3A_120 = arith.addi %mul3A_118, %add3A_119 : i32
    %mul3A_121 = arith.constant 3136 : i32
    %mul3A_122 = arith.muli %arg1, %mul3A_121 : i32
    %add3A_123 = arith.constant 0 : i32
    %add3A_124 = arith.addi %mul3A_122, %add3A_123 : i32
    "tpu.region"() ({
      %run_scoped3A = tpu.sem_alloc : memref<!tpu.dma_semaphore, #tpu.memory_space<semaphore_mem>>
      %dma_start3A = arith.constant 0 : i32
      %dma_start3A_238 = tpu.memref_slice %arg9[%add3A_124, %dma_start3A] : memref<50176x32xf32, #tpu.memory_space<vmem_shared>> -> memref<128x32xf32, #tpu.memory_space<vmem_shared>>
      %dma_start3A_239 = arith.constant 0 : i32
      %dma_start3A_240 = tpu.memref_slice %arg9[%add3A_124, %dma_start3A_239] : memref<50176x32xf32, #tpu.memory_space<vmem_shared>> -> memref<128x32xf32, #tpu.memory_space<vmem_shared>>
      tpu.enqueue_dma source(%arg10 : memref<128x32xf32, #tpu.memory_space<vmem>>) target(%dma_start3A_240 : memref<128x32xf32, #tpu.memory_space<vmem_shared>>) target_semaphore(%run_scoped3A : memref<!tpu.dma_semaphore, #tpu.memory_space<semaphore_mem>>)
      %dma_wait3A = arith.constant 0 : i32
      %dma_wait3A_241 = tpu.memref_slice %arg9[%add3A_124, %dma_wait3A] : memref<50176x32xf32, #tpu.memory_space<vmem_shared>> -> memref<128x32xf32, #tpu.memory_space<vmem_shared>>
      %dma_wait3A_242 = arith.constant 0 : i32
      %dma_wait3A_243 = tpu.memref_slice %arg9[%add3A_124, %dma_wait3A_242] : memref<50176x32xf32, #tpu.memory_space<vmem_shared>> -> memref<128x32xf32, #tpu.memory_space<vmem_shared>>
      tpu.wait_dma2 semaphore(%run_scoped3A : memref<!tpu.dma_semaphore, #tpu.memory_space<semaphore_mem>>) src(%arg10 : memref<128x32xf32, #tpu.memory_space<vmem>>) dst(%dma_wait3A_243 : memref<128x32xf32, #tpu.memory_space<vmem_shared>>)
      tpu.yield
    }) : () -> ()
    %mul3A_125 = arith.constant 3136 : i32
    %mul3A_126 = arith.muli %arg1, %mul3A_125 : i32
    %add3A_127 = arith.constant 128 : i32
    %add3A_128 = arith.addi %mul3A_126, %add3A_127 : i32
    "tpu.region"() ({
      %run_scoped3A = tpu.sem_alloc : memref<!tpu.dma_semaphore, #tpu.memory_space<semaphore_mem>>
      %dma_start3A = arith.constant 0 : i32
      %dma_start3A_238 = tpu.memref_slice %arg9[%add3A_128, %dma_start3A] : memref<50176x32xf32, #tpu.memory_space<vmem_shared>> -> memref<128x32xf32, #tpu.memory_space<vmem_shared>>
      %dma_start3A_239 = arith.constant 0 : i32
      %dma_start3A_240 = tpu.memref_slice %arg9[%add3A_128, %dma_start3A_239] : memref<50176x32xf32, #tpu.memory_space<vmem_shared>> -> memref<128x32xf32, #tpu.memory_space<vmem_shared>>
      tpu.enqueue_dma source(%arg10 : memref<128x32xf32, #tpu.memory_space<vmem>>) target(%dma_start3A_240 : memref<128x32xf32, #tpu.memory_space<vmem_shared>>) target_semaphore(%run_scoped3A : memref<!tpu.dma_semaphore, #tpu.memory_space<semaphore_mem>>)
      %dma_wait3A = arith.constant 0 : i32
      %dma_wait3A_241 = tpu.memref_slice %arg9[%add3A_128, %dma_wait3A] : memref<50176x32xf32, #tpu.memory_space<vmem_shared>> -> memref<128x32xf32, #tpu.memory_space<vmem_shared>>
      %dma_wait3A_242 = arith.constant 0 : i32
      %dma_wait3A_243 = tpu.memref_slice %arg9[%add3A_128, %dma_wait3A_242] : memref<50176x32xf32, #tpu.memory_space<vmem_shared>> -> memref<128x32xf32, #tpu.memory_space<vmem_shared>>
      tpu.wait_dma2 semaphore(%run_scoped3A : memref<!tpu.dma_semaphore, #tpu.memory_space<semaphore_mem>>) src(%arg10 : memref<128x32xf32, #tpu.memory_space<vmem>>) dst(%dma_wait3A_243 : memref<128x32xf32, #tpu.memory_space<vmem_shared>>)
      tpu.yield
    }) : () -> ()
    %mul3A_129 = arith.constant 3136 : i32
    %mul3A_130 = arith.muli %arg1, %mul3A_129 : i32
    %add3A_131 = arith.constant 256 : i32
    %add3A_132 = arith.addi %mul3A_130, %add3A_131 : i32
    "tpu.region"() ({
      %run_scoped3A = tpu.sem_alloc : memref<!tpu.dma_semaphore, #tpu.memory_space<semaphore_mem>>
      %dma_start3A = arith.constant 0 : i32
      %dma_start3A_238 = tpu.memref_slice %arg9[%add3A_132, %dma_start3A] : memref<50176x32xf32, #tpu.memory_space<vmem_shared>> -> memref<128x32xf32, #tpu.memory_space<vmem_shared>>
      %dma_start3A_239 = arith.constant 0 : i32
      %dma_start3A_240 = tpu.memref_slice %arg9[%add3A_132, %dma_start3A_239] : memref<50176x32xf32, #tpu.memory_space<vmem_shared>> -> memref<128x32xf32, #tpu.memory_space<vmem_shared>>
      tpu.enqueue_dma source(%arg10 : memref<128x32xf32, #tpu.memory_space<vmem>>) target(%dma_start3A_240 : memref<128x32xf32, #tpu.memory_space<vmem_shared>>) target_semaphore(%run_scoped3A : memref<!tpu.dma_semaphore, #tpu.memory_space<semaphore_mem>>)
      %dma_wait3A = arith.constant 0 : i32
      %dma_wait3A_241 = tpu.memref_slice %arg9[%add3A_132, %dma_wait3A] : memref<50176x32xf32, #tpu.memory_space<vmem_shared>> -> memref<128x32xf32, #tpu.memory_space<vmem_shared>>
      %dma_wait3A_242 = arith.constant 0 : i32
      %dma_wait3A_243 = tpu.memref_slice %arg9[%add3A_132, %dma_wait3A_242] : memref<50176x32xf32, #tpu.memory_space<vmem_shared>> -> memref<128x32xf32, #tpu.memory_space<vmem_shared>>
      tpu.wait_dma2 semaphore(%run_scoped3A : memref<!tpu.dma_semaphore, #tpu.memory_space<semaphore_mem>>) src(%arg10 : memref<128x32xf32, #tpu.memory_space<vmem>>) dst(%dma_wait3A_243 : memref<128x32xf32, #tpu.memory_space<vmem_shared>>)
      tpu.yield
    }) : () -> ()
    %mul3A_133 = arith.constant 3136 : i32
    %mul3A_134 = arith.muli %arg1, %mul3A_133 : i32
    %add3A_135 = arith.constant 384 : i32
    %add3A_136 = arith.addi %mul3A_134, %add3A_135 : i32
    "tpu.region"() ({
      %run_scoped3A = tpu.sem_alloc : memref<!tpu.dma_semaphore, #tpu.memory_space<semaphore_mem>>
      %dma_start3A = arith.constant 0 : i32
      %dma_start3A_238 = tpu.memref_slice %arg9[%add3A_136, %dma_start3A] : memref<50176x32xf32, #tpu.memory_space<vmem_shared>> -> memref<128x32xf32, #tpu.memory_space<vmem_shared>>
      %dma_start3A_239 = arith.constant 0 : i32
      %dma_start3A_240 = tpu.memref_slice %arg9[%add3A_136, %dma_start3A_239] : memref<50176x32xf32, #tpu.memory_space<vmem_shared>> -> memref<128x32xf32, #tpu.memory_space<vmem_shared>>
      tpu.enqueue_dma source(%arg10 : memref<128x32xf32, #tpu.memory_space<vmem>>) target(%dma_start3A_240 : memref<128x32xf32, #tpu.memory_space<vmem_shared>>) target_semaphore(%run_scoped3A : memref<!tpu.dma_semaphore, #tpu.memory_space<semaphore_mem>>)
      %dma_wait3A = arith.constant 0 : i32
      %dma_wait3A_241 = tpu.memref_slice %arg9[%add3A_136, %dma_wait3A] : memref<50176x32xf32, #tpu.memory_space<vmem_shared>> -> memref<128x32xf32, #tpu.memory_space<vmem_shared>>
      %dma_wait3A_242 = arith.constant 0 : i32
      %dma_wait3A_243 = tpu.memref_slice %arg9[%add3A_136, %dma_wait3A_242] : memref<50176x32xf32, #tpu.memory_space<vmem_shared>> -> memref<128x32xf32, #tpu.memory_space<vmem_shared>>
      tpu.wait_dma2 semaphore(%run_scoped3A : memref<!tpu.dma_semaphore, #tpu.memory_space<semaphore_mem>>) src(%arg10 : memref<128x32xf32, #tpu.memory_space<vmem>>) dst(%dma_wait3A_243 : memref<128x32xf32, #tpu.memory_space<vmem_shared>>)
      tpu.yield
    }) : () -> ()
    %mul3A_137 = arith.constant 3136 : i32
    %mul3A_138 = arith.muli %arg1, %mul3A_137 : i32
    %add3A_139 = arith.constant 512 : i32
    %add3A_140 = arith.addi %mul3A_138, %add3A_139 : i32
    "tpu.region"() ({
      %run_scoped3A = tpu.sem_alloc : memref<!tpu.dma_semaphore, #tpu.memory_space<semaphore_mem>>
      %dma_start3A = arith.constant 0 : i32
      %dma_start3A_238 = tpu.memref_slice %arg9[%add3A_140, %dma_start3A] : memref<50176x32xf32, #tpu.memory_space<vmem_shared>> -> memref<128x32xf32, #tpu.memory_space<vmem_shared>>
      %dma_start3A_239 = arith.constant 0 : i32
      %dma_start3A_240 = tpu.memref_slice %arg9[%add3A_140, %dma_start3A_239] : memref<50176x32xf32, #tpu.memory_space<vmem_shared>> -> memref<128x32xf32, #tpu.memory_space<vmem_shared>>
      tpu.enqueue_dma source(%arg10 : memref<128x32xf32, #tpu.memory_space<vmem>>) target(%dma_start3A_240 : memref<128x32xf32, #tpu.memory_space<vmem_shared>>) target_semaphore(%run_scoped3A : memref<!tpu.dma_semaphore, #tpu.memory_space<semaphore_mem>>)
      %dma_wait3A = arith.constant 0 : i32
      %dma_wait3A_241 = tpu.memref_slice %arg9[%add3A_140, %dma_wait3A] : memref<50176x32xf32, #tpu.memory_space<vmem_shared>> -> memref<128x32xf32, #tpu.memory_space<vmem_shared>>
      %dma_wait3A_242 = arith.constant 0 : i32
      %dma_wait3A_243 = tpu.memref_slice %arg9[%add3A_140, %dma_wait3A_242] : memref<50176x32xf32, #tpu.memory_space<vmem_shared>> -> memref<128x32xf32, #tpu.memory_space<vmem_shared>>
      tpu.wait_dma2 semaphore(%run_scoped3A : memref<!tpu.dma_semaphore, #tpu.memory_space<semaphore_mem>>) src(%arg10 : memref<128x32xf32, #tpu.memory_space<vmem>>) dst(%dma_wait3A_243 : memref<128x32xf32, #tpu.memory_space<vmem_shared>>)
      tpu.yield
    }) : () -> ()
    %mul3A_141 = arith.constant 3136 : i32
    %mul3A_142 = arith.muli %arg1, %mul3A_141 : i32
    %add3A_143 = arith.constant 640 : i32
    %add3A_144 = arith.addi %mul3A_142, %add3A_143 : i32
    "tpu.region"() ({
      %run_scoped3A = tpu.sem_alloc : memref<!tpu.dma_semaphore, #tpu.memory_space<semaphore_mem>>
      %dma_start3A = arith.constant 0 : i32
      %dma_start3A_238 = tpu.memref_slice %arg9[%add3A_144, %dma_start3A] : memref<50176x32xf32, #tpu.memory_space<vmem_shared>> -> memref<128x32xf32, #tpu.memory_space<vmem_shared>>
      %dma_start3A_239 = arith.constant 0 : i32
      %dma_start3A_240 = tpu.memref_slice %arg9[%add3A_144, %dma_start3A_239] : memref<50176x32xf32, #tpu.memory_space<vmem_shared>> -> memref<128x32xf32, #tpu.memory_space<vmem_shared>>
      tpu.enqueue_dma source(%arg10 : memref<128x32xf32, #tpu.memory_space<vmem>>) target(%dma_start3A_240 : memref<128x32xf32, #tpu.memory_space<vmem_shared>>) target_semaphore(%run_scoped3A : memref<!tpu.dma_semaphore, #tpu.memory_space<semaphore_mem>>)
      %dma_wait3A = arith.constant 0 : i32
      %dma_wait3A_241 = tpu.memref_slice %arg9[%add3A_144, %dma_wait3A] : memref<50176x32xf32, #tpu.memory_space<vmem_shared>> -> memref<128x32xf32, #tpu.memory_space<vmem_shared>>
      %dma_wait3A_242 = arith.constant 0 : i32
      %dma_wait3A_243 = tpu.memref_slice %arg9[%add3A_144, %dma_wait3A_242] : memref<50176x32xf32, #tpu.memory_space<vmem_shared>> -> memref<128x32xf32, #tpu.memory_space<vmem_shared>>
      tpu.wait_dma2 semaphore(%run_scoped3A : memref<!tpu.dma_semaphore, #tpu.memory_space<semaphore_mem>>) src(%arg10 : memref<128x32xf32, #tpu.memory_space<vmem>>) dst(%dma_wait3A_243 : memref<128x32xf32, #tpu.memory_space<vmem_shared>>)
      tpu.yield
    }) : () -> ()
    %mul3A_145 = arith.constant 3136 : i32
    %mul3A_146 = arith.muli %arg1, %mul3A_145 : i32
    %add3A_147 = arith.constant 768 : i32
    %add3A_148 = arith.addi %mul3A_146, %add3A_147 : i32
    "tpu.region"() ({
      %run_scoped3A = tpu.sem_alloc : memref<!tpu.dma_semaphore, #tpu.memory_space<semaphore_mem>>
      %dma_start3A = arith.constant 0 : i32
      %dma_start3A_238 = tpu.memref_slice %arg9[%add3A_148, %dma_start3A] : memref<50176x32xf32, #tpu.memory_space<vmem_shared>> -> memref<128x32xf32, #tpu.memory_space<vmem_shared>>
      %dma_start3A_239 = arith.constant 0 : i32
      %dma_start3A_240 = tpu.memref_slice %arg9[%add3A_148, %dma_start3A_239] : memref<50176x32xf32, #tpu.memory_space<vmem_shared>> -> memref<128x32xf32, #tpu.memory_space<vmem_shared>>
      tpu.enqueue_dma source(%arg10 : memref<128x32xf32, #tpu.memory_space<vmem>>) target(%dma_start3A_240 : memref<128x32xf32, #tpu.memory_space<vmem_shared>>) target_semaphore(%run_scoped3A : memref<!tpu.dma_semaphore, #tpu.memory_space<semaphore_mem>>)
      %dma_wait3A = arith.constant 0 : i32
      %dma_wait3A_241 = tpu.memref_slice %arg9[%add3A_148, %dma_wait3A] : memref<50176x32xf32, #tpu.memory_space<vmem_shared>> -> memref<128x32xf32, #tpu.memory_space<vmem_shared>>
      %dma_wait3A_242 = arith.constant 0 : i32
      %dma_wait3A_243 = tpu.memref_slice %arg9[%add3A_148, %dma_wait3A_242] : memref<50176x32xf32, #tpu.memory_space<vmem_shared>> -> memref<128x32xf32, #tpu.memory_space<vmem_shared>>
      tpu.wait_dma2 semaphore(%run_scoped3A : memref<!tpu.dma_semaphore, #tpu.memory_space<semaphore_mem>>) src(%arg10 : memref<128x32xf32, #tpu.memory_space<vmem>>) dst(%dma_wait3A_243 : memref<128x32xf32, #tpu.memory_space<vmem_shared>>)
      tpu.yield
    }) : () -> ()
    %mul3A_149 = arith.constant 3136 : i32
    %mul3A_150 = arith.muli %arg1, %mul3A_149 : i32
    %add3A_151 = arith.constant 896 : i32
    %add3A_152 = arith.addi %mul3A_150, %add3A_151 : i32
    "tpu.region"() ({
      %run_scoped3A = tpu.sem_alloc : memref<!tpu.dma_semaphore, #tpu.memory_space<semaphore_mem>>
      %dma_start3A = arith.constant 0 : i32
      %dma_start3A_238 = tpu.memref_slice %arg9[%add3A_152, %dma_start3A] : memref<50176x32xf32, #tpu.memory_space<vmem_shared>> -> memref<128x32xf32, #tpu.memory_space<vmem_shared>>
      %dma_start3A_239 = arith.constant 0 : i32
      %dma_start3A_240 = tpu.memref_slice %arg9[%add3A_152, %dma_start3A_239] : memref<50176x32xf32, #tpu.memory_space<vmem_shared>> -> memref<128x32xf32, #tpu.memory_space<vmem_shared>>
      tpu.enqueue_dma source(%arg10 : memref<128x32xf32, #tpu.memory_space<vmem>>) target(%dma_start3A_240 : memref<128x32xf32, #tpu.memory_space<vmem_shared>>) target_semaphore(%run_scoped3A : memref<!tpu.dma_semaphore, #tpu.memory_space<semaphore_mem>>)
      %dma_wait3A = arith.constant 0 : i32
      %dma_wait3A_241 = tpu.memref_slice %arg9[%add3A_152, %dma_wait3A] : memref<50176x32xf32, #tpu.memory_space<vmem_shared>> -> memref<128x32xf32, #tpu.memory_space<vmem_shared>>
      %dma_wait3A_242 = arith.constant 0 : i32
      %dma_wait3A_243 = tpu.memref_slice %arg9[%add3A_152, %dma_wait3A_242] : memref<50176x32xf32, #tpu.memory_space<vmem_shared>> -> memref<128x32xf32, #tpu.memory_space<vmem_shared>>
      tpu.wait_dma2 semaphore(%run_scoped3A : memref<!tpu.dma_semaphore, #tpu.memory_space<semaphore_mem>>) src(%arg10 : memref<128x32xf32, #tpu.memory_space<vmem>>) dst(%dma_wait3A_243 : memref<128x32xf32, #tpu.memory_space<vmem_shared>>)
      tpu.yield
    }) : () -> ()
    %mul3A_153 = arith.constant 3136 : i32
    %mul3A_154 = arith.muli %arg1, %mul3A_153 : i32
    %add3A_155 = arith.constant 1024 : i32
    %add3A_156 = arith.addi %mul3A_154, %add3A_155 : i32
    "tpu.region"() ({
      %run_scoped3A = tpu.sem_alloc : memref<!tpu.dma_semaphore, #tpu.memory_space<semaphore_mem>>
      %dma_start3A = arith.constant 0 : i32
      %dma_start3A_238 = tpu.memref_slice %arg9[%add3A_156, %dma_start3A] : memref<50176x32xf32, #tpu.memory_space<vmem_shared>> -> memref<128x32xf32, #tpu.memory_space<vmem_shared>>
      %dma_start3A_239 = arith.constant 0 : i32
      %dma_start3A_240 = tpu.memref_slice %arg9[%add3A_156, %dma_start3A_239] : memref<50176x32xf32, #tpu.memory_space<vmem_shared>> -> memref<128x32xf32, #tpu.memory_space<vmem_shared>>
      tpu.enqueue_dma source(%arg10 : memref<128x32xf32, #tpu.memory_space<vmem>>) target(%dma_start3A_240 : memref<128x32xf32, #tpu.memory_space<vmem_shared>>) target_semaphore(%run_scoped3A : memref<!tpu.dma_semaphore, #tpu.memory_space<semaphore_mem>>)
      %dma_wait3A = arith.constant 0 : i32
      %dma_wait3A_241 = tpu.memref_slice %arg9[%add3A_156, %dma_wait3A] : memref<50176x32xf32, #tpu.memory_space<vmem_shared>> -> memref<128x32xf32, #tpu.memory_space<vmem_shared>>
      %dma_wait3A_242 = arith.constant 0 : i32
      %dma_wait3A_243 = tpu.memref_slice %arg9[%add3A_156, %dma_wait3A_242] : memref<50176x32xf32, #tpu.memory_space<vmem_shared>> -> memref<128x32xf32, #tpu.memory_space<vmem_shared>>
      tpu.wait_dma2 semaphore(%run_scoped3A : memref<!tpu.dma_semaphore, #tpu.memory_space<semaphore_mem>>) src(%arg10 : memref<128x32xf32, #tpu.memory_space<vmem>>) dst(%dma_wait3A_243 : memref<128x32xf32, #tpu.memory_space<vmem_shared>>)
      tpu.yield
    }) : () -> ()
    %mul3A_157 = arith.constant 3136 : i32
    %mul3A_158 = arith.muli %arg1, %mul3A_157 : i32
    %add3A_159 = arith.constant 1152 : i32
    %add3A_160 = arith.addi %mul3A_158, %add3A_159 : i32
    "tpu.region"() ({
      %run_scoped3A = tpu.sem_alloc : memref<!tpu.dma_semaphore, #tpu.memory_space<semaphore_mem>>
      %dma_start3A = arith.constant 0 : i32
      %dma_start3A_238 = tpu.memref_slice %arg9[%add3A_160, %dma_start3A] : memref<50176x32xf32, #tpu.memory_space<vmem_shared>> -> memref<128x32xf32, #tpu.memory_space<vmem_shared>>
      %dma_start3A_239 = arith.constant 0 : i32
      %dma_start3A_240 = tpu.memref_slice %arg9[%add3A_160, %dma_start3A_239] : memref<50176x32xf32, #tpu.memory_space<vmem_shared>> -> memref<128x32xf32, #tpu.memory_space<vmem_shared>>
      tpu.enqueue_dma source(%arg10 : memref<128x32xf32, #tpu.memory_space<vmem>>) target(%dma_start3A_240 : memref<128x32xf32, #tpu.memory_space<vmem_shared>>) target_semaphore(%run_scoped3A : memref<!tpu.dma_semaphore, #tpu.memory_space<semaphore_mem>>)
      %dma_wait3A = arith.constant 0 : i32
      %dma_wait3A_241 = tpu.memref_slice %arg9[%add3A_160, %dma_wait3A] : memref<50176x32xf32, #tpu.memory_space<vmem_shared>> -> memref<128x32xf32, #tpu.memory_space<vmem_shared>>
      %dma_wait3A_242 = arith.constant 0 : i32
      %dma_wait3A_243 = tpu.memref_slice %arg9[%add3A_160, %dma_wait3A_242] : memref<50176x32xf32, #tpu.memory_space<vmem_shared>> -> memref<128x32xf32, #tpu.memory_space<vmem_shared>>
      tpu.wait_dma2 semaphore(%run_scoped3A : memref<!tpu.dma_semaphore, #tpu.memory_space<semaphore_mem>>) src(%arg10 : memref<128x32xf32, #tpu.memory_space<vmem>>) dst(%dma_wait3A_243 : memref<128x32xf32, #tpu.memory_space<vmem_shared>>)
      tpu.yield
    }) : () -> ()
    %mul3A_161 = arith.constant 3136 : i32
    %mul3A_162 = arith.muli %arg1, %mul3A_161 : i32
    %add3A_163 = arith.constant 1280 : i32
    %add3A_164 = arith.addi %mul3A_162, %add3A_163 : i32
    "tpu.region"() ({
      %run_scoped3A = tpu.sem_alloc : memref<!tpu.dma_semaphore, #tpu.memory_space<semaphore_mem>>
      %dma_start3A = arith.constant 0 : i32
      %dma_start3A_238 = tpu.memref_slice %arg9[%add3A_164, %dma_start3A] : memref<50176x32xf32, #tpu.memory_space<vmem_shared>> -> memref<128x32xf32, #tpu.memory_space<vmem_shared>>
      %dma_start3A_239 = arith.constant 0 : i32
      %dma_start3A_240 = tpu.memref_slice %arg9[%add3A_164, %dma_start3A_239] : memref<50176x32xf32, #tpu.memory_space<vmem_shared>> -> memref<128x32xf32, #tpu.memory_space<vmem_shared>>
      tpu.enqueue_dma source(%arg10 : memref<128x32xf32, #tpu.memory_space<vmem>>) target(%dma_start3A_240 : memref<128x32xf32, #tpu.memory_space<vmem_shared>>) target_semaphore(%run_scoped3A : memref<!tpu.dma_semaphore, #tpu.memory_space<semaphore_mem>>)
      %dma_wait3A = arith.constant 0 : i32
      %dma_wait3A_241 = tpu.memref_slice %arg9[%add3A_164, %dma_wait3A] : memref<50176x32xf32, #tpu.memory_space<vmem_shared>> -> memref<128x32xf32, #tpu.memory_space<vmem_shared>>
      %dma_wait3A_242 = arith.constant 0 : i32
      %dma_wait3A_243 = tpu.memref_slice %arg9[%add3A_164, %dma_wait3A_242] : memref<50176x32xf32, #tpu.memory_space<vmem_shared>> -> memref<128x32xf32, #tpu.memory_space<vmem_shared>>
      tpu.wait_dma2 semaphore(%run_scoped3A : memref<!tpu.dma_semaphore, #tpu.memory_space<semaphore_mem>>) src(%arg10 : memref<128x32xf32, #tpu.memory_space<vmem>>) dst(%dma_wait3A_243 : memref<128x32xf32, #tpu.memory_space<vmem_shared>>)
      tpu.yield
    }) : () -> ()
    %mul3A_165 = arith.constant 3136 : i32
    %mul3A_166 = arith.muli %arg1, %mul3A_165 : i32
    %add3A_167 = arith.constant 1408 : i32
    %add3A_168 = arith.addi %mul3A_166, %add3A_167 : i32
    "tpu.region"() ({
      %run_scoped3A = tpu.sem_alloc : memref<!tpu.dma_semaphore, #tpu.memory_space<semaphore_mem>>
      %dma_start3A = arith.constant 0 : i32
      %dma_start3A_238 = tpu.memref_slice %arg9[%add3A_168, %dma_start3A] : memref<50176x32xf32, #tpu.memory_space<vmem_shared>> -> memref<128x32xf32, #tpu.memory_space<vmem_shared>>
      %dma_start3A_239 = arith.constant 0 : i32
      %dma_start3A_240 = tpu.memref_slice %arg9[%add3A_168, %dma_start3A_239] : memref<50176x32xf32, #tpu.memory_space<vmem_shared>> -> memref<128x32xf32, #tpu.memory_space<vmem_shared>>
      tpu.enqueue_dma source(%arg10 : memref<128x32xf32, #tpu.memory_space<vmem>>) target(%dma_start3A_240 : memref<128x32xf32, #tpu.memory_space<vmem_shared>>) target_semaphore(%run_scoped3A : memref<!tpu.dma_semaphore, #tpu.memory_space<semaphore_mem>>)
      %dma_wait3A = arith.constant 0 : i32
      %dma_wait3A_241 = tpu.memref_slice %arg9[%add3A_168, %dma_wait3A] : memref<50176x32xf32, #tpu.memory_space<vmem_shared>> -> memref<128x32xf32, #tpu.memory_space<vmem_shared>>
      %dma_wait3A_242 = arith.constant 0 : i32
      %dma_wait3A_243 = tpu.memref_slice %arg9[%add3A_168, %dma_wait3A_242] : memref<50176x32xf32, #tpu.memory_space<vmem_shared>> -> memref<128x32xf32, #tpu.memory_space<vmem_shared>>
      tpu.wait_dma2 semaphore(%run_scoped3A : memref<!tpu.dma_semaphore, #tpu.memory_space<semaphore_mem>>) src(%arg10 : memref<128x32xf32, #tpu.memory_space<vmem>>) dst(%dma_wait3A_243 : memref<128x32xf32, #tpu.memory_space<vmem_shared>>)
      tpu.yield
    }) : () -> ()
    %mul3A_169 = arith.constant 3136 : i32
    %mul3A_170 = arith.muli %arg1, %mul3A_169 : i32
    %add3A_171 = arith.constant 1536 : i32
    %add3A_172 = arith.addi %mul3A_170, %add3A_171 : i32
    "tpu.region"() ({
      %run_scoped3A = tpu.sem_alloc : memref<!tpu.dma_semaphore, #tpu.memory_space<semaphore_mem>>
      %dma_start3A = arith.constant 0 : i32
      %dma_start3A_238 = tpu.memref_slice %arg9[%add3A_172, %dma_start3A] : memref<50176x32xf32, #tpu.memory_space<vmem_shared>> -> memref<128x32xf32, #tpu.memory_space<vmem_shared>>
      %dma_start3A_239 = arith.constant 0 : i32
      %dma_start3A_240 = tpu.memref_slice %arg9[%add3A_172, %dma_start3A_239] : memref<50176x32xf32, #tpu.memory_space<vmem_shared>> -> memref<128x32xf32, #tpu.memory_space<vmem_shared>>
      tpu.enqueue_dma source(%arg10 : memref<128x32xf32, #tpu.memory_space<vmem>>) target(%dma_start3A_240 : memref<128x32xf32, #tpu.memory_space<vmem_shared>>) target_semaphore(%run_scoped3A : memref<!tpu.dma_semaphore, #tpu.memory_space<semaphore_mem>>)
      %dma_wait3A = arith.constant 0 : i32
      %dma_wait3A_241 = tpu.memref_slice %arg9[%add3A_172, %dma_wait3A] : memref<50176x32xf32, #tpu.memory_space<vmem_shared>> -> memref<128x32xf32, #tpu.memory_space<vmem_shared>>
      %dma_wait3A_242 = arith.constant 0 : i32
      %dma_wait3A_243 = tpu.memref_slice %arg9[%add3A_172, %dma_wait3A_242] : memref<50176x32xf32, #tpu.memory_space<vmem_shared>> -> memref<128x32xf32, #tpu.memory_space<vmem_shared>>
      tpu.wait_dma2 semaphore(%run_scoped3A : memref<!tpu.dma_semaphore, #tpu.memory_space<semaphore_mem>>) src(%arg10 : memref<128x32xf32, #tpu.memory_space<vmem>>) dst(%dma_wait3A_243 : memref<128x32xf32, #tpu.memory_space<vmem_shared>>)
      tpu.yield
    }) : () -> ()
    %mul3A_173 = arith.constant 3136 : i32
    %mul3A_174 = arith.muli %arg1, %mul3A_173 : i32
    %add3A_175 = arith.constant 1664 : i32
    %add3A_176 = arith.addi %mul3A_174, %add3A_175 : i32
    "tpu.region"() ({
      %run_scoped3A = tpu.sem_alloc : memref<!tpu.dma_semaphore, #tpu.memory_space<semaphore_mem>>
      %dma_start3A = arith.constant 0 : i32
      %dma_start3A_238 = tpu.memref_slice %arg9[%add3A_176, %dma_start3A] : memref<50176x32xf32, #tpu.memory_space<vmem_shared>> -> memref<128x32xf32, #tpu.memory_space<vmem_shared>>
      %dma_start3A_239 = arith.constant 0 : i32
      %dma_start3A_240 = tpu.memref_slice %arg9[%add3A_176, %dma_start3A_239] : memref<50176x32xf32, #tpu.memory_space<vmem_shared>> -> memref<128x32xf32, #tpu.memory_space<vmem_shared>>
      tpu.enqueue_dma source(%arg10 : memref<128x32xf32, #tpu.memory_space<vmem>>) target(%dma_start3A_240 : memref<128x32xf32, #tpu.memory_space<vmem_shared>>) target_semaphore(%run_scoped3A : memref<!tpu.dma_semaphore, #tpu.memory_space<semaphore_mem>>)
      %dma_wait3A = arith.constant 0 : i32
      %dma_wait3A_241 = tpu.memref_slice %arg9[%add3A_176, %dma_wait3A] : memref<50176x32xf32, #tpu.memory_space<vmem_shared>> -> memref<128x32xf32, #tpu.memory_space<vmem_shared>>
      %dma_wait3A_242 = arith.constant 0 : i32
      %dma_wait3A_243 = tpu.memref_slice %arg9[%add3A_176, %dma_wait3A_242] : memref<50176x32xf32, #tpu.memory_space<vmem_shared>> -> memref<128x32xf32, #tpu.memory_space<vmem_shared>>
      tpu.wait_dma2 semaphore(%run_scoped3A : memref<!tpu.dma_semaphore, #tpu.memory_space<semaphore_mem>>) src(%arg10 : memref<128x32xf32, #tpu.memory_space<vmem>>) dst(%dma_wait3A_243 : memref<128x32xf32, #tpu.memory_space<vmem_shared>>)
      tpu.yield
    }) : () -> ()
    %mul3A_177 = arith.constant 3136 : i32
    %mul3A_178 = arith.muli %arg1, %mul3A_177 : i32
    %add3A_179 = arith.constant 1792 : i32
    %add3A_180 = arith.addi %mul3A_178, %add3A_179 : i32
    "tpu.region"() ({
      %run_scoped3A = tpu.sem_alloc : memref<!tpu.dma_semaphore, #tpu.memory_space<semaphore_mem>>
      %dma_start3A = arith.constant 0 : i32
      %dma_start3A_238 = tpu.memref_slice %arg9[%add3A_180, %dma_start3A] : memref<50176x32xf32, #tpu.memory_space<vmem_shared>> -> memref<128x32xf32, #tpu.memory_space<vmem_shared>>
      %dma_start3A_239 = arith.constant 0 : i32
      %dma_start3A_240 = tpu.memref_slice %arg9[%add3A_180, %dma_start3A_239] : memref<50176x32xf32, #tpu.memory_space<vmem_shared>> -> memref<128x32xf32, #tpu.memory_space<vmem_shared>>
      tpu.enqueue_dma source(%arg10 : memref<128x32xf32, #tpu.memory_space<vmem>>) target(%dma_start3A_240 : memref<128x32xf32, #tpu.memory_space<vmem_shared>>) target_semaphore(%run_scoped3A : memref<!tpu.dma_semaphore, #tpu.memory_space<semaphore_mem>>)
      %dma_wait3A = arith.constant 0 : i32
      %dma_wait3A_241 = tpu.memref_slice %arg9[%add3A_180, %dma_wait3A] : memref<50176x32xf32, #tpu.memory_space<vmem_shared>> -> memref<128x32xf32, #tpu.memory_space<vmem_shared>>
      %dma_wait3A_242 = arith.constant 0 : i32
      %dma_wait3A_243 = tpu.memref_slice %arg9[%add3A_180, %dma_wait3A_242] : memref<50176x32xf32, #tpu.memory_space<vmem_shared>> -> memref<128x32xf32, #tpu.memory_space<vmem_shared>>
      tpu.wait_dma2 semaphore(%run_scoped3A : memref<!tpu.dma_semaphore, #tpu.memory_space<semaphore_mem>>) src(%arg10 : memref<128x32xf32, #tpu.memory_space<vmem>>) dst(%dma_wait3A_243 : memref<128x32xf32, #tpu.memory_space<vmem_shared>>)
      tpu.yield
    }) : () -> ()
    %mul3A_181 = arith.constant 3136 : i32
    %mul3A_182 = arith.muli %arg1, %mul3A_181 : i32
    %add3A_183 = arith.constant 1920 : i32
    %add3A_184 = arith.addi %mul3A_182, %add3A_183 : i32
    "tpu.region"() ({
      %run_scoped3A = tpu.sem_alloc : memref<!tpu.dma_semaphore, #tpu.memory_space<semaphore_mem>>
      %dma_start3A = arith.constant 0 : i32
      %dma_start3A_238 = tpu.memref_slice %arg9[%add3A_184, %dma_start3A] : memref<50176x32xf32, #tpu.memory_space<vmem_shared>> -> memref<128x32xf32, #tpu.memory_space<vmem_shared>>
      %dma_start3A_239 = arith.constant 0 : i32
      %dma_start3A_240 = tpu.memref_slice %arg9[%add3A_184, %dma_start3A_239] : memref<50176x32xf32, #tpu.memory_space<vmem_shared>> -> memref<128x32xf32, #tpu.memory_space<vmem_shared>>
      tpu.enqueue_dma source(%arg10 : memref<128x32xf32, #tpu.memory_space<vmem>>) target(%dma_start3A_240 : memref<128x32xf32, #tpu.memory_space<vmem_shared>>) target_semaphore(%run_scoped3A : memref<!tpu.dma_semaphore, #tpu.memory_space<semaphore_mem>>)
      %dma_wait3A = arith.constant 0 : i32
      %dma_wait3A_241 = tpu.memref_slice %arg9[%add3A_184, %dma_wait3A] : memref<50176x32xf32, #tpu.memory_space<vmem_shared>> -> memref<128x32xf32, #tpu.memory_space<vmem_shared>>
      %dma_wait3A_242 = arith.constant 0 : i32
      %dma_wait3A_243 = tpu.memref_slice %arg9[%add3A_184, %dma_wait3A_242] : memref<50176x32xf32, #tpu.memory_space<vmem_shared>> -> memref<128x32xf32, #tpu.memory_space<vmem_shared>>
      tpu.wait_dma2 semaphore(%run_scoped3A : memref<!tpu.dma_semaphore, #tpu.memory_space<semaphore_mem>>) src(%arg10 : memref<128x32xf32, #tpu.memory_space<vmem>>) dst(%dma_wait3A_243 : memref<128x32xf32, #tpu.memory_space<vmem_shared>>)
      tpu.yield
    }) : () -> ()
    %mul3A_185 = arith.constant 3136 : i32
    %mul3A_186 = arith.muli %arg1, %mul3A_185 : i32
    %add3A_187 = arith.constant 2048 : i32
    %add3A_188 = arith.addi %mul3A_186, %add3A_187 : i32
    "tpu.region"() ({
      %run_scoped3A = tpu.sem_alloc : memref<!tpu.dma_semaphore, #tpu.memory_space<semaphore_mem>>
      %dma_start3A = arith.constant 0 : i32
      %dma_start3A_238 = tpu.memref_slice %arg9[%add3A_188, %dma_start3A] : memref<50176x32xf32, #tpu.memory_space<vmem_shared>> -> memref<128x32xf32, #tpu.memory_space<vmem_shared>>
      %dma_start3A_239 = arith.constant 0 : i32
      %dma_start3A_240 = tpu.memref_slice %arg9[%add3A_188, %dma_start3A_239] : memref<50176x32xf32, #tpu.memory_space<vmem_shared>> -> memref<128x32xf32, #tpu.memory_space<vmem_shared>>
      tpu.enqueue_dma source(%arg10 : memref<128x32xf32, #tpu.memory_space<vmem>>) target(%dma_start3A_240 : memref<128x32xf32, #tpu.memory_space<vmem_shared>>) target_semaphore(%run_scoped3A : memref<!tpu.dma_semaphore, #tpu.memory_space<semaphore_mem>>)
      %dma_wait3A = arith.constant 0 : i32
      %dma_wait3A_241 = tpu.memref_slice %arg9[%add3A_188, %dma_wait3A] : memref<50176x32xf32, #tpu.memory_space<vmem_shared>> -> memref<128x32xf32, #tpu.memory_space<vmem_shared>>
      %dma_wait3A_242 = arith.constant 0 : i32
      %dma_wait3A_243 = tpu.memref_slice %arg9[%add3A_188, %dma_wait3A_242] : memref<50176x32xf32, #tpu.memory_space<vmem_shared>> -> memref<128x32xf32, #tpu.memory_space<vmem_shared>>
      tpu.wait_dma2 semaphore(%run_scoped3A : memref<!tpu.dma_semaphore, #tpu.memory_space<semaphore_mem>>) src(%arg10 : memref<128x32xf32, #tpu.memory_space<vmem>>) dst(%dma_wait3A_243 : memref<128x32xf32, #tpu.memory_space<vmem_shared>>)
      tpu.yield
    }) : () -> ()
    %mul3A_189 = arith.constant 3136 : i32
    %mul3A_190 = arith.muli %arg1, %mul3A_189 : i32
    %add3A_191 = arith.constant 2176 : i32
    %add3A_192 = arith.addi %mul3A_190, %add3A_191 : i32
    "tpu.region"() ({
      %run_scoped3A = tpu.sem_alloc : memref<!tpu.dma_semaphore, #tpu.memory_space<semaphore_mem>>
      %dma_start3A = arith.constant 0 : i32
      %dma_start3A_238 = tpu.memref_slice %arg9[%add3A_192, %dma_start3A] : memref<50176x32xf32, #tpu.memory_space<vmem_shared>> -> memref<128x32xf32, #tpu.memory_space<vmem_shared>>
      %dma_start3A_239 = arith.constant 0 : i32
      %dma_start3A_240 = tpu.memref_slice %arg9[%add3A_192, %dma_start3A_239] : memref<50176x32xf32, #tpu.memory_space<vmem_shared>> -> memref<128x32xf32, #tpu.memory_space<vmem_shared>>
      tpu.enqueue_dma source(%arg10 : memref<128x32xf32, #tpu.memory_space<vmem>>) target(%dma_start3A_240 : memref<128x32xf32, #tpu.memory_space<vmem_shared>>) target_semaphore(%run_scoped3A : memref<!tpu.dma_semaphore, #tpu.memory_space<semaphore_mem>>)
      %dma_wait3A = arith.constant 0 : i32
      %dma_wait3A_241 = tpu.memref_slice %arg9[%add3A_192, %dma_wait3A] : memref<50176x32xf32, #tpu.memory_space<vmem_shared>> -> memref<128x32xf32, #tpu.memory_space<vmem_shared>>
      %dma_wait3A_242 = arith.constant 0 : i32
      %dma_wait3A_243 = tpu.memref_slice %arg9[%add3A_192, %dma_wait3A_242] : memref<50176x32xf32, #tpu.memory_space<vmem_shared>> -> memref<128x32xf32, #tpu.memory_space<vmem_shared>>
      tpu.wait_dma2 semaphore(%run_scoped3A : memref<!tpu.dma_semaphore, #tpu.memory_space<semaphore_mem>>) src(%arg10 : memref<128x32xf32, #tpu.memory_space<vmem>>) dst(%dma_wait3A_243 : memref<128x32xf32, #tpu.memory_space<vmem_shared>>)
      tpu.yield
    }) : () -> ()
    %mul3A_193 = arith.constant 3136 : i32
    %mul3A_194 = arith.muli %arg1, %mul3A_193 : i32
    %add3A_195 = arith.constant 2304 : i32
    %add3A_196 = arith.addi %mul3A_194, %add3A_195 : i32
    "tpu.region"() ({
      %run_scoped3A = tpu.sem_alloc : memref<!tpu.dma_semaphore, #tpu.memory_space<semaphore_mem>>
      %dma_start3A = arith.constant 0 : i32
      %dma_start3A_238 = tpu.memref_slice %arg9[%add3A_196, %dma_start3A] : memref<50176x32xf32, #tpu.memory_space<vmem_shared>> -> memref<128x32xf32, #tpu.memory_space<vmem_shared>>
      %dma_start3A_239 = arith.constant 0 : i32
      %dma_start3A_240 = tpu.memref_slice %arg9[%add3A_196, %dma_start3A_239] : memref<50176x32xf32, #tpu.memory_space<vmem_shared>> -> memref<128x32xf32, #tpu.memory_space<vmem_shared>>
      tpu.enqueue_dma source(%arg10 : memref<128x32xf32, #tpu.memory_space<vmem>>) target(%dma_start3A_240 : memref<128x32xf32, #tpu.memory_space<vmem_shared>>) target_semaphore(%run_scoped3A : memref<!tpu.dma_semaphore, #tpu.memory_space<semaphore_mem>>)
      %dma_wait3A = arith.constant 0 : i32
      %dma_wait3A_241 = tpu.memref_slice %arg9[%add3A_196, %dma_wait3A] : memref<50176x32xf32, #tpu.memory_space<vmem_shared>> -> memref<128x32xf32, #tpu.memory_space<vmem_shared>>
      %dma_wait3A_242 = arith.constant 0 : i32
      %dma_wait3A_243 = tpu.memref_slice %arg9[%add3A_196, %dma_wait3A_242] : memref<50176x32xf32, #tpu.memory_space<vmem_shared>> -> memref<128x32xf32, #tpu.memory_space<vmem_shared>>
      tpu.wait_dma2 semaphore(%run_scoped3A : memref<!tpu.dma_semaphore, #tpu.memory_space<semaphore_mem>>) src(%arg10 : memref<128x32xf32, #tpu.memory_space<vmem>>) dst(%dma_wait3A_243 : memref<128x32xf32, #tpu.memory_space<vmem_shared>>)
      tpu.yield
    }) : () -> ()
    %mul3A_197 = arith.constant 3136 : i32
    %mul3A_198 = arith.muli %arg1, %mul3A_197 : i32
    %add3A_199 = arith.constant 2432 : i32
    %add3A_200 = arith.addi %mul3A_198, %add3A_199 : i32
    "tpu.region"() ({
      %run_scoped3A = tpu.sem_alloc : memref<!tpu.dma_semaphore, #tpu.memory_space<semaphore_mem>>
      %dma_start3A = arith.constant 0 : i32
      %dma_start3A_238 = tpu.memref_slice %arg9[%add3A_200, %dma_start3A] : memref<50176x32xf32, #tpu.memory_space<vmem_shared>> -> memref<128x32xf32, #tpu.memory_space<vmem_shared>>
      %dma_start3A_239 = arith.constant 0 : i32
      %dma_start3A_240 = tpu.memref_slice %arg9[%add3A_200, %dma_start3A_239] : memref<50176x32xf32, #tpu.memory_space<vmem_shared>> -> memref<128x32xf32, #tpu.memory_space<vmem_shared>>
      tpu.enqueue_dma source(%arg10 : memref<128x32xf32, #tpu.memory_space<vmem>>) target(%dma_start3A_240 : memref<128x32xf32, #tpu.memory_space<vmem_shared>>) target_semaphore(%run_scoped3A : memref<!tpu.dma_semaphore, #tpu.memory_space<semaphore_mem>>)
      %dma_wait3A = arith.constant 0 : i32
      %dma_wait3A_241 = tpu.memref_slice %arg9[%add3A_200, %dma_wait3A] : memref<50176x32xf32, #tpu.memory_space<vmem_shared>> -> memref<128x32xf32, #tpu.memory_space<vmem_shared>>
      %dma_wait3A_242 = arith.constant 0 : i32
      %dma_wait3A_243 = tpu.memref_slice %arg9[%add3A_200, %dma_wait3A_242] : memref<50176x32xf32, #tpu.memory_space<vmem_shared>> -> memref<128x32xf32, #tpu.memory_space<vmem_shared>>
      tpu.wait_dma2 semaphore(%run_scoped3A : memref<!tpu.dma_semaphore, #tpu.memory_space<semaphore_mem>>) src(%arg10 : memref<128x32xf32, #tpu.memory_space<vmem>>) dst(%dma_wait3A_243 : memref<128x32xf32, #tpu.memory_space<vmem_shared>>)
      tpu.yield
    }) : () -> ()
    %mul3A_201 = arith.constant 3136 : i32
    %mul3A_202 = arith.muli %arg1, %mul3A_201 : i32
    %add3A_203 = arith.constant 2560 : i32
    %add3A_204 = arith.addi %mul3A_202, %add3A_203 : i32
    "tpu.region"() ({
      %run_scoped3A = tpu.sem_alloc : memref<!tpu.dma_semaphore, #tpu.memory_space<semaphore_mem>>
      %dma_start3A = arith.constant 0 : i32
      %dma_start3A_238 = tpu.memref_slice %arg9[%add3A_204, %dma_start3A] : memref<50176x32xf32, #tpu.memory_space<vmem_shared>> -> memref<128x32xf32, #tpu.memory_space<vmem_shared>>
      %dma_start3A_239 = arith.constant 0 : i32
      %dma_start3A_240 = tpu.memref_slice %arg9[%add3A_204, %dma_start3A_239] : memref<50176x32xf32, #tpu.memory_space<vmem_shared>> -> memref<128x32xf32, #tpu.memory_space<vmem_shared>>
      tpu.enqueue_dma source(%arg10 : memref<128x32xf32, #tpu.memory_space<vmem>>) target(%dma_start3A_240 : memref<128x32xf32, #tpu.memory_space<vmem_shared>>) target_semaphore(%run_scoped3A : memref<!tpu.dma_semaphore, #tpu.memory_space<semaphore_mem>>)
      %dma_wait3A = arith.constant 0 : i32
      %dma_wait3A_241 = tpu.memref_slice %arg9[%add3A_204, %dma_wait3A] : memref<50176x32xf32, #tpu.memory_space<vmem_shared>> -> memref<128x32xf32, #tpu.memory_space<vmem_shared>>
      %dma_wait3A_242 = arith.constant 0 : i32
      %dma_wait3A_243 = tpu.memref_slice %arg9[%add3A_204, %dma_wait3A_242] : memref<50176x32xf32, #tpu.memory_space<vmem_shared>> -> memref<128x32xf32, #tpu.memory_space<vmem_shared>>
      tpu.wait_dma2 semaphore(%run_scoped3A : memref<!tpu.dma_semaphore, #tpu.memory_space<semaphore_mem>>) src(%arg10 : memref<128x32xf32, #tpu.memory_space<vmem>>) dst(%dma_wait3A_243 : memref<128x32xf32, #tpu.memory_space<vmem_shared>>)
      tpu.yield
    }) : () -> ()
    %mul3A_205 = arith.constant 3136 : i32
    %mul3A_206 = arith.muli %arg1, %mul3A_205 : i32
    %add3A_207 = arith.constant 2688 : i32
    %add3A_208 = arith.addi %mul3A_206, %add3A_207 : i32
    "tpu.region"() ({
      %run_scoped3A = tpu.sem_alloc : memref<!tpu.dma_semaphore, #tpu.memory_space<semaphore_mem>>
      %dma_start3A = arith.constant 0 : i32
      %dma_start3A_238 = tpu.memref_slice %arg9[%add3A_208, %dma_start3A] : memref<50176x32xf32, #tpu.memory_space<vmem_shared>> -> memref<128x32xf32, #tpu.memory_space<vmem_shared>>
      %dma_start3A_239 = arith.constant 0 : i32
      %dma_start3A_240 = tpu.memref_slice %arg9[%add3A_208, %dma_start3A_239] : memref<50176x32xf32, #tpu.memory_space<vmem_shared>> -> memref<128x32xf32, #tpu.memory_space<vmem_shared>>
      tpu.enqueue_dma source(%arg10 : memref<128x32xf32, #tpu.memory_space<vmem>>) target(%dma_start3A_240 : memref<128x32xf32, #tpu.memory_space<vmem_shared>>) target_semaphore(%run_scoped3A : memref<!tpu.dma_semaphore, #tpu.memory_space<semaphore_mem>>)
      %dma_wait3A = arith.constant 0 : i32
      %dma_wait3A_241 = tpu.memref_slice %arg9[%add3A_208, %dma_wait3A] : memref<50176x32xf32, #tpu.memory_space<vmem_shared>> -> memref<128x32xf32, #tpu.memory_space<vmem_shared>>
      %dma_wait3A_242 = arith.constant 0 : i32
      %dma_wait3A_243 = tpu.memref_slice %arg9[%add3A_208, %dma_wait3A_242] : memref<50176x32xf32, #tpu.memory_space<vmem_shared>> -> memref<128x32xf32, #tpu.memory_space<vmem_shared>>
      tpu.wait_dma2 semaphore(%run_scoped3A : memref<!tpu.dma_semaphore, #tpu.memory_space<semaphore_mem>>) src(%arg10 : memref<128x32xf32, #tpu.memory_space<vmem>>) dst(%dma_wait3A_243 : memref<128x32xf32, #tpu.memory_space<vmem_shared>>)
      tpu.yield
    }) : () -> ()
    %mul3A_209 = arith.constant 3136 : i32
    %mul3A_210 = arith.muli %arg1, %mul3A_209 : i32
    %add3A_211 = arith.constant 2816 : i32
    %add3A_212 = arith.addi %mul3A_210, %add3A_211 : i32
    "tpu.region"() ({
      %run_scoped3A = tpu.sem_alloc : memref<!tpu.dma_semaphore, #tpu.memory_space<semaphore_mem>>
      %dma_start3A = arith.constant 0 : i32
      %dma_start3A_238 = tpu.memref_slice %arg9[%add3A_212, %dma_start3A] : memref<50176x32xf32, #tpu.memory_space<vmem_shared>> -> memref<128x32xf32, #tpu.memory_space<vmem_shared>>
      %dma_start3A_239 = arith.constant 0 : i32
      %dma_start3A_240 = tpu.memref_slice %arg9[%add3A_212, %dma_start3A_239] : memref<50176x32xf32, #tpu.memory_space<vmem_shared>> -> memref<128x32xf32, #tpu.memory_space<vmem_shared>>
      tpu.enqueue_dma source(%arg10 : memref<128x32xf32, #tpu.memory_space<vmem>>) target(%dma_start3A_240 : memref<128x32xf32, #tpu.memory_space<vmem_shared>>) target_semaphore(%run_scoped3A : memref<!tpu.dma_semaphore, #tpu.memory_space<semaphore_mem>>)
      %dma_wait3A = arith.constant 0 : i32
      %dma_wait3A_241 = tpu.memref_slice %arg9[%add3A_212, %dma_wait3A] : memref<50176x32xf32, #tpu.memory_space<vmem_shared>> -> memref<128x32xf32, #tpu.memory_space<vmem_shared>>
      %dma_wait3A_242 = arith.constant 0 : i32
      %dma_wait3A_243 = tpu.memref_slice %arg9[%add3A_212, %dma_wait3A_242] : memref<50176x32xf32, #tpu.memory_space<vmem_shared>> -> memref<128x32xf32, #tpu.memory_space<vmem_shared>>
      tpu.wait_dma2 semaphore(%run_scoped3A : memref<!tpu.dma_semaphore, #tpu.memory_space<semaphore_mem>>) src(%arg10 : memref<128x32xf32, #tpu.memory_space<vmem>>) dst(%dma_wait3A_243 : memref<128x32xf32, #tpu.memory_space<vmem_shared>>)
      tpu.yield
    }) : () -> ()
    %mul3A_213 = arith.constant 3136 : i32
    %mul3A_214 = arith.muli %arg1, %mul3A_213 : i32
    %add3A_215 = arith.constant 2944 : i32
    %add3A_216 = arith.addi %mul3A_214, %add3A_215 : i32
    "tpu.region"() ({
      %run_scoped3A = tpu.sem_alloc : memref<!tpu.dma_semaphore, #tpu.memory_space<semaphore_mem>>
      %dma_start3A = arith.constant 0 : i32
      %dma_start3A_238 = tpu.memref_slice %arg9[%add3A_216, %dma_start3A] : memref<50176x32xf32, #tpu.memory_space<vmem_shared>> -> memref<128x32xf32, #tpu.memory_space<vmem_shared>>
      %dma_start3A_239 = arith.constant 0 : i32
      %dma_start3A_240 = tpu.memref_slice %arg9[%add3A_216, %dma_start3A_239] : memref<50176x32xf32, #tpu.memory_space<vmem_shared>> -> memref<128x32xf32, #tpu.memory_space<vmem_shared>>
      tpu.enqueue_dma source(%arg10 : memref<128x32xf32, #tpu.memory_space<vmem>>) target(%dma_start3A_240 : memref<128x32xf32, #tpu.memory_space<vmem_shared>>) target_semaphore(%run_scoped3A : memref<!tpu.dma_semaphore, #tpu.memory_space<semaphore_mem>>)
      %dma_wait3A = arith.constant 0 : i32
      %dma_wait3A_241 = tpu.memref_slice %arg9[%add3A_216, %dma_wait3A] : memref<50176x32xf32, #tpu.memory_space<vmem_shared>> -> memref<128x32xf32, #tpu.memory_space<vmem_shared>>
      %dma_wait3A_242 = arith.constant 0 : i32
      %dma_wait3A_243 = tpu.memref_slice %arg9[%add3A_216, %dma_wait3A_242] : memref<50176x32xf32, #tpu.memory_space<vmem_shared>> -> memref<128x32xf32, #tpu.memory_space<vmem_shared>>
      tpu.wait_dma2 semaphore(%run_scoped3A : memref<!tpu.dma_semaphore, #tpu.memory_space<semaphore_mem>>) src(%arg10 : memref<128x32xf32, #tpu.memory_space<vmem>>) dst(%dma_wait3A_243 : memref<128x32xf32, #tpu.memory_space<vmem_shared>>)
      tpu.yield
    }) : () -> ()
    %mul3A_217 = arith.constant 3136 : i32
    %mul3A_218 = arith.muli %arg1, %mul3A_217 : i32
    %add3A_219 = arith.constant 3072 : i32
    %add3A_220 = arith.addi %mul3A_218, %add3A_219 : i32
    "tpu.region"() ({
      %run_scoped3A = tpu.sem_alloc : memref<!tpu.dma_semaphore, #tpu.memory_space<semaphore_mem>>
      %dma_start3A = arith.constant 0 : i32
      %dma_start3A_238 = arith.constant 0 : i32
      %dma_start3A_239 = tpu.memref_slice %arg10[%dma_start3A, %dma_start3A_238] : memref<128x32xf32, #tpu.memory_space<vmem>> -> memref<64x32xf32, #tpu.memory_space<vmem>>
      %dma_start3A_240 = arith.constant 0 : i32
      %dma_start3A_241 = tpu.memref_slice %arg9[%add3A_220, %dma_start3A_240] : memref<50176x32xf32, #tpu.memory_space<vmem_shared>> -> memref<64x32xf32, #tpu.memory_space<vmem_shared>>
      %dma_start3A_242 = arith.constant 0 : i32
      %dma_start3A_243 = tpu.memref_slice %arg9[%add3A_220, %dma_start3A_242] : memref<50176x32xf32, #tpu.memory_space<vmem_shared>> -> memref<64x32xf32, #tpu.memory_space<vmem_shared>>
      %dma_start3A_244 = arith.constant 0 : i32
      %dma_start3A_245 = arith.constant 0 : i32
      %dma_start3A_246 = tpu.memref_slice %arg10[%dma_start3A_244, %dma_start3A_245] : memref<128x32xf32, #tpu.memory_space<vmem>> -> memref<64x32xf32, #tpu.memory_space<vmem>>
      tpu.enqueue_dma source(%dma_start3A_246 : memref<64x32xf32, #tpu.memory_space<vmem>>) target(%dma_start3A_243 : memref<64x32xf32, #tpu.memory_space<vmem_shared>>) target_semaphore(%run_scoped3A : memref<!tpu.dma_semaphore, #tpu.memory_space<semaphore_mem>>)
      %dma_wait3A = arith.constant 0 : i32
      %dma_wait3A_247 = arith.constant 0 : i32
      %dma_wait3A_248 = tpu.memref_slice %arg10[%dma_wait3A, %dma_wait3A_247] : memref<128x32xf32, #tpu.memory_space<vmem>> -> memref<64x32xf32, #tpu.memory_space<vmem>>
      %dma_wait3A_249 = arith.constant 0 : i32
      %dma_wait3A_250 = tpu.memref_slice %arg9[%add3A_220, %dma_wait3A_249] : memref<50176x32xf32, #tpu.memory_space<vmem_shared>> -> memref<64x32xf32, #tpu.memory_space<vmem_shared>>
      %dma_wait3A_251 = arith.constant 0 : i32
      %dma_wait3A_252 = tpu.memref_slice %arg9[%add3A_220, %dma_wait3A_251] : memref<50176x32xf32, #tpu.memory_space<vmem_shared>> -> memref<64x32xf32, #tpu.memory_space<vmem_shared>>
      %dma_wait3A_253 = arith.constant 0 : i32
      %dma_wait3A_254 = arith.constant 0 : i32
      %dma_wait3A_255 = tpu.memref_slice %arg10[%dma_wait3A_253, %dma_wait3A_254] : memref<128x32xf32, #tpu.memory_space<vmem>> -> memref<64x32xf32, #tpu.memory_space<vmem>>
      tpu.wait_dma2 semaphore(%run_scoped3A : memref<!tpu.dma_semaphore, #tpu.memory_space<semaphore_mem>>) src(%dma_wait3A_255 : memref<64x32xf32, #tpu.memory_space<vmem>>) dst(%dma_wait3A_252 : memref<64x32xf32, #tpu.memory_space<vmem_shared>>)
      tpu.yield
    }) : () -> ()
    %barrier3A_221 = arith.constant 0 : index
    tpu.barrier barrier_id(%barrier3A_221)
    %mul3A_222 = arith.constant 50176 : i32
    %mul3A_223 = arith.muli %add3A_120, %mul3A_222 : i32
    %scan3A_224 = arith.constant 0 : i32
    %scan3A_225 = arith.constant 0 : i32
    %scan3A_226 = arith.constant 50 : i32
    %scan3A_227 = arith.addi %scan3A_225, %scan3A_226 : i32
    %scan3A_228 = arith.constant 1 : i32
    %scan3A_229 = scf.for %scan3A_238 = %scan3A_225 to %scan3A_227 step %scan3A_228 iter_args(%scan3A_239 = %scan3A_224) -> (i32)  : i32 {
      %mul3A_240 = arith.constant 400 : i32
      %mul3A_241 = arith.muli %arg1, %mul3A_240 : i32
      %mul3A_242 = arith.constant 8 : i32
      %mul3A_243 = arith.muli %scan3A_238, %mul3A_242 : i32
      %add3A_244 = arith.addi %mul3A_241, %mul3A_243 : i32
      %mul3A_245 = arith.constant 128 : i32
      %mul3A_246 = arith.muli %add3A_244, %mul3A_245 : i32
      "tpu.region"() ({
        %run_scoped3A_340 = tpu.sem_alloc : memref<!tpu.dma_semaphore, #tpu.memory_space<semaphore_mem>>
        %dma_start3A_341 = tpu.memref_slice %arg2[%mul3A_246] : memref<819200xi32, #tpu.memory_space<hbm>> -> memref<1024xi32, #tpu.memory_space<hbm>>
        %dma_start3A_342 = tpu.memref_slice %arg2[%mul3A_246] : memref<819200xi32, #tpu.memory_space<hbm>> -> memref<1024xi32, #tpu.memory_space<hbm>>
        tpu.enqueue_dma source(%dma_start3A_342 : memref<1024xi32, #tpu.memory_space<hbm>>) target(%arg7 : memref<1024xi32, #tpu.memory_space<vmem>>) target_semaphore(%run_scoped3A_340 : memref<!tpu.dma_semaphore, #tpu.memory_space<semaphore_mem>>)
        %dma_wait3A_343 = tpu.memref_slice %arg2[%mul3A_246] : memref<819200xi32, #tpu.memory_space<hbm>> -> memref<1024xi32, #tpu.memory_space<hbm>>
        %dma_wait3A_344 = tpu.memref_slice %arg2[%mul3A_246] : memref<819200xi32, #tpu.memory_space<hbm>> -> memref<1024xi32, #tpu.memory_space<hbm>>
        tpu.wait_dma2 semaphore(%run_scoped3A_340 : memref<!tpu.dma_semaphore, #tpu.memory_space<semaphore_mem>>) src(%dma_wait3A_344 : memref<1024xi32, #tpu.memory_space<hbm>>) dst(%arg7 : memref<1024xi32, #tpu.memory_space<vmem>>)
        tpu.yield
      }) : () -> ()
      "tpu.region"() ({
        %run_scoped3A_340 = tpu.sem_alloc : memref<!tpu.dma_semaphore, #tpu.memory_space<semaphore_mem>>
        %dma_start3A_341 = arith.constant 0 : i32
        %dma_start3A_342 = tpu.memref_slice %arg3[%add3A_244, %dma_start3A_341] : memref<6400x128xi32, #tpu.memory_space<hbm>> -> memref<8x128xi32, #tpu.memory_space<hbm>>
        %dma_start3A_343 = arith.constant 0 : i32
        %dma_start3A_344 = tpu.memref_slice %arg3[%add3A_244, %dma_start3A_343] : memref<6400x128xi32, #tpu.memory_space<hbm>> -> memref<8x128xi32, #tpu.memory_space<hbm>>
        tpu.enqueue_dma source(%dma_start3A_344 : memref<8x128xi32, #tpu.memory_space<hbm>>) target(%arg8 : memref<8x128xi32, #tpu.memory_space<vmem>>) target_semaphore(%run_scoped3A_340 : memref<!tpu.dma_semaphore, #tpu.memory_space<semaphore_mem>>)
        %dma_wait3A_345 = arith.constant 0 : i32
        %dma_wait3A_346 = tpu.memref_slice %arg3[%add3A_244, %dma_wait3A_345] : memref<6400x128xi32, #tpu.memory_space<hbm>> -> memref<8x128xi32, #tpu.memory_space<hbm>>
        %dma_wait3A_347 = arith.constant 0 : i32
        %dma_wait3A_348 = tpu.memref_slice %arg3[%add3A_244, %dma_wait3A_347] : memref<6400x128xi32, #tpu.memory_space<hbm>> -> memref<8x128xi32, #tpu.memory_space<hbm>>
        tpu.wait_dma2 semaphore(%run_scoped3A_340 : memref<!tpu.dma_semaphore, #tpu.memory_space<semaphore_mem>>) src(%dma_wait3A_348 : memref<8x128xi32, #tpu.memory_space<hbm>>) dst(%arg8 : memref<8x128xi32, #tpu.memory_space<vmem>>)
        tpu.yield
      }) : () -> ()
      %scan3A_247 = arith.constant 0 : i32
      %scan3A_248 = arith.constant 0 : i32
      %scan3A_249 = arith.constant 64 : i32
      %scan3A_250 = arith.addi %scan3A_248, %scan3A_249 : i32
      %scan3A_251 = arith.constant 8 : i32
      %scan3A_252 = scf.for %scan3A_340 = %scan3A_248 to %scan3A_250 step %scan3A_251 iter_args(%scan3A_341 = %scan3A_247) -> (i32)  : i32 {
        %mul3A_342 = arith.constant 16 : i32
        %mul3A_343 = arith.muli %scan3A_340, %mul3A_342 : i32
        %get3A = arith.index_cast %mul3A_343 : i32 to index
        %get3A_344 = tpu.vector_load %arg7[%get3A] {strides = array<i32>} : memref<1024xi32, #tpu.memory_space<vmem>>, vector<16xi32>,
        %add3A_345 = vector.broadcast %mul3A_223 : i32 to vector<16xi32>
        %add3A_346 = arith.addi %get3A_344, %add3A_345 : vector<16xi32>
        %mul3A_347 = arith.constant 16 : i32
        %mul3A_348 = arith.muli %scan3A_340, %mul3A_347 : i32
        %swap3A = arith.index_cast %mul3A_348 : i32 to index
        %swap3A_349 = tpu.vector_load %arg7[%swap3A] {strides = array<i32>} : memref<1024xi32, #tpu.memory_space<vmem>>, vector<16xi32>,
        tpu.vector_store %arg7[%swap3A], %add3A_346 {strides = array<i32>} : memref<1024xi32, #tpu.memory_space<vmem>>, vector<16xi32>,
        %scan3A_350 = arith.constant 0 : i32
        %scan3A_351 = arith.constant 1 : i32
        %scan3A_352 = arith.addi %scan3A_340, %scan3A_351 : i32
        %mul3A_353 = arith.constant 16 : i32
        %mul3A_354 = arith.muli %scan3A_352, %mul3A_353 : i32
        %get3A_355 = arith.index_cast %mul3A_354 : i32 to index
        %get3A_356 = tpu.vector_load %arg7[%get3A_355] {strides = array<i32>} : memref<1024xi32, #tpu.memory_space<vmem>>, vector<16xi32>,
        %add3A_357 = vector.broadcast %mul3A_223 : i32 to vector<16xi32>
        %add3A_358 = arith.addi %get3A_356, %add3A_357 : vector<16xi32>
        %mul3A_359 = arith.constant 16 : i32
        %mul3A_360 = arith.muli %scan3A_352, %mul3A_359 : i32
        %swap3A_361 = arith.index_cast %mul3A_360 : i32 to index
        %swap3A_362 = tpu.vector_load %arg7[%swap3A_361] {strides = array<i32>} : memref<1024xi32, #tpu.memory_space<vmem>>, vector<16xi32>,
        tpu.vector_store %arg7[%swap3A_361], %add3A_358 {strides = array<i32>} : memref<1024xi32, #tpu.memory_space<vmem>>, vector<16xi32>,
        %scan3A_363 = arith.constant 0 : i32
        %scan3A_364 = arith.constant 2 : i32
        %scan3A_365 = arith.addi %scan3A_340, %scan3A_364 : i32
        %mul3A_366 = arith.constant 16 : i32
        %mul3A_367 = arith.muli %scan3A_365, %mul3A_366 : i32
        %get3A_368 = arith.index_cast %mul3A_367 : i32 to index
        %get3A_369 = tpu.vector_load %arg7[%get3A_368] {strides = array<i32>} : memref<1024xi32, #tpu.memory_space<vmem>>, vector<16xi32>,
        %add3A_370 = vector.broadcast %mul3A_223 : i32 to vector<16xi32>
        %add3A_371 = arith.addi %get3A_369, %add3A_370 : vector<16xi32>
        %mul3A_372 = arith.constant 16 : i32
        %mul3A_373 = arith.muli %scan3A_365, %mul3A_372 : i32
        %swap3A_374 = arith.index_cast %mul3A_373 : i32 to index
        %swap3A_375 = tpu.vector_load %arg7[%swap3A_374] {strides = array<i32>} : memref<1024xi32, #tpu.memory_space<vmem>>, vector<16xi32>,
        tpu.vector_store %arg7[%swap3A_374], %add3A_371 {strides = array<i32>} : memref<1024xi32, #tpu.memory_space<vmem>>, vector<16xi32>,
        %scan3A_376 = arith.constant 0 : i32
        %scan3A_377 = arith.constant 3 : i32
        %scan3A_378 = arith.addi %scan3A_340, %scan3A_377 : i32
        %mul3A_379 = arith.constant 16 : i32
        %mul3A_380 = arith.muli %scan3A_378, %mul3A_379 : i32
        %get3A_381 = arith.index_cast %mul3A_380 : i32 to index
        %get3A_382 = tpu.vector_load %arg7[%get3A_381] {strides = array<i32>} : memref<1024xi32, #tpu.memory_space<vmem>>, vector<16xi32>,
        %add3A_383 = vector.broadcast %mul3A_223 : i32 to vector<16xi32>
        %add3A_384 = arith.addi %get3A_382, %add3A_383 : vector<16xi32>
        %mul3A_385 = arith.constant 16 : i32
        %mul3A_386 = arith.muli %scan3A_378, %mul3A_385 : i32
        %swap3A_387 = arith.index_cast %mul3A_386 : i32 to index
        %swap3A_388 = tpu.vector_load %arg7[%swap3A_387] {strides = array<i32>} : memref<1024xi32, #tpu.memory_space<vmem>>, vector<16xi32>,
        tpu.vector_store %arg7[%swap3A_387], %add3A_384 {strides = array<i32>} : memref<1024xi32, #tpu.memory_space<vmem>>, vector<16xi32>,
        %scan3A_389 = arith.constant 0 : i32
        %scan3A_390 = arith.constant 4 : i32
        %scan3A_391 = arith.addi %scan3A_340, %scan3A_390 : i32
        %mul3A_392 = arith.constant 16 : i32
        %mul3A_393 = arith.muli %scan3A_391, %mul3A_392 : i32
        %get3A_394 = arith.index_cast %mul3A_393 : i32 to index
        %get3A_395 = tpu.vector_load %arg7[%get3A_394] {strides = array<i32>} : memref<1024xi32, #tpu.memory_space<vmem>>, vector<16xi32>,
        %add3A_396 = vector.broadcast %mul3A_223 : i32 to vector<16xi32>
        %add3A_397 = arith.addi %get3A_395, %add3A_396 : vector<16xi32>
        %mul3A_398 = arith.constant 16 : i32
        %mul3A_399 = arith.muli %scan3A_391, %mul3A_398 : i32
        %swap3A_400 = arith.index_cast %mul3A_399 : i32 to index
        %swap3A_401 = tpu.vector_load %arg7[%swap3A_400] {strides = array<i32>} : memref<1024xi32, #tpu.memory_space<vmem>>, vector<16xi32>,
        tpu.vector_store %arg7[%swap3A_400], %add3A_397 {strides = array<i32>} : memref<1024xi32, #tpu.memory_space<vmem>>, vector<16xi32>,
        %scan3A_402 = arith.constant 0 : i32
        %scan3A_403 = arith.constant 5 : i32
        %scan3A_404 = arith.addi %scan3A_340, %scan3A_403 : i32
        %mul3A_405 = arith.constant 16 : i32
        %mul3A_406 = arith.muli %scan3A_404, %mul3A_405 : i32
        %get3A_407 = arith.index_cast %mul3A_406 : i32 to index
        %get3A_408 = tpu.vector_load %arg7[%get3A_407] {strides = array<i32>} : memref<1024xi32, #tpu.memory_space<vmem>>, vector<16xi32>,
        %add3A_409 = vector.broadcast %mul3A_223 : i32 to vector<16xi32>
        %add3A_410 = arith.addi %get3A_408, %add3A_409 : vector<16xi32>
        %mul3A_411 = arith.constant 16 : i32
        %mul3A_412 = arith.muli %scan3A_404, %mul3A_411 : i32
        %swap3A_413 = arith.index_cast %mul3A_412 : i32 to index
        %swap3A_414 = tpu.vector_load %arg7[%swap3A_413] {strides = array<i32>} : memref<1024xi32, #tpu.memory_space<vmem>>, vector<16xi32>,
        tpu.vector_store %arg7[%swap3A_413], %add3A_410 {strides = array<i32>} : memref<1024xi32, #tpu.memory_space<vmem>>, vector<16xi32>,
        %scan3A_415 = arith.constant 0 : i32
        %scan3A_416 = arith.constant 6 : i32
        %scan3A_417 = arith.addi %scan3A_340, %scan3A_416 : i32
        %mul3A_418 = arith.constant 16 : i32
        %mul3A_419 = arith.muli %scan3A_417, %mul3A_418 : i32
        %get3A_420 = arith.index_cast %mul3A_419 : i32 to index
        %get3A_421 = tpu.vector_load %arg7[%get3A_420] {strides = array<i32>} : memref<1024xi32, #tpu.memory_space<vmem>>, vector<16xi32>,
        %add3A_422 = vector.broadcast %mul3A_223 : i32 to vector<16xi32>
        %add3A_423 = arith.addi %get3A_421, %add3A_422 : vector<16xi32>
        %mul3A_424 = arith.constant 16 : i32
        %mul3A_425 = arith.muli %scan3A_417, %mul3A_424 : i32
        %swap3A_426 = arith.index_cast %mul3A_425 : i32 to index
        %swap3A_427 = tpu.vector_load %arg7[%swap3A_426] {strides = array<i32>} : memref<1024xi32, #tpu.memory_space<vmem>>, vector<16xi32>,
        tpu.vector_store %arg7[%swap3A_426], %add3A_423 {strides = array<i32>} : memref<1024xi32, #tpu.memory_space<vmem>>, vector<16xi32>,
        %scan3A_428 = arith.constant 0 : i32
        %scan3A_429 = arith.constant 7 : i32
        %scan3A_430 = arith.addi %scan3A_340, %scan3A_429 : i32
        %mul3A_431 = arith.constant 16 : i32
        %mul3A_432 = arith.muli %scan3A_430, %mul3A_431 : i32
        %get3A_433 = arith.index_cast %mul3A_432 : i32 to index
        %get3A_434 = tpu.vector_load %arg7[%get3A_433] {strides = array<i32>} : memref<1024xi32, #tpu.memory_space<vmem>>, vector<16xi32>,
        %add3A_435 = vector.broadcast %mul3A_223 : i32 to vector<16xi32>
        %add3A_436 = arith.addi %get3A_434, %add3A_435 : vector<16xi32>
        %mul3A_437 = arith.constant 16 : i32
        %mul3A_438 = arith.muli %scan3A_430, %mul3A_437 : i32
        %swap3A_439 = arith.index_cast %mul3A_438 : i32 to index
        %swap3A_440 = tpu.vector_load %arg7[%swap3A_439] {strides = array<i32>} : memref<1024xi32, #tpu.memory_space<vmem>>, vector<16xi32>,
        tpu.vector_store %arg7[%swap3A_439], %add3A_436 {strides = array<i32>} : memref<1024xi32, #tpu.memory_space<vmem>>, vector<16xi32>,
        %scan3A_441 = arith.constant 0 : i32
        scf.yield %scan3A_441 : i32
      }
      %scan3A_253 = arith.constant 64 : i32
      %dma_start3A = arith.constant 0 : i32
      %dma_start3A_254 = tpu.memref_slice %arg7[%dma_start3A] : memref<1024xi32, #tpu.memory_space<vmem>> -> memref<128xi32, #tpu.memory_space<vmem>>
      %dma_start3A_255 = arith.constant 0 : i32
      %dma_start3A_256 = arith.constant 0 : i32
      %dma_start3A_257 = tpu.memref_slice %arg4[%dma_start3A_255, %dma_start3A_256] : memref<200704x32xf32, #tpu.memory_space<hbm>> -> memref<200704x32xf32, #tpu.memory_space<hbm>>
      tpu.enqueue_indirect_dma source(%dma_start3A_257 : memref<200704x32xf32, #tpu.memory_space<hbm>>) target(%arg11 : memref<128x32xf32, #tpu.memory_space<vmem>>) offsets(%dma_start3A_254 : memref<128xi32, #tpu.memory_space<vmem>>) semaphore(%arg15 : memref<!tpu.dma_semaphore, #tpu.memory_space<semaphore_mem>>)
      %dma_start3A_258 = arith.constant 128 : i32
      %dma_start3A_259 = tpu.memref_slice %arg7[%dma_start3A_258] : memref<1024xi32, #tpu.memory_space<vmem>> -> memref<128xi32, #tpu.memory_space<vmem>>
      %dma_start3A_260 = arith.constant 0 : i32
      %dma_start3A_261 = arith.constant 0 : i32
      %dma_start3A_262 = tpu.memref_slice %arg4[%dma_start3A_260, %dma_start3A_261] : memref<200704x32xf32, #tpu.memory_space<hbm>> -> memref<200704x32xf32, #tpu.memory_space<hbm>>
      tpu.enqueue_indirect_dma source(%dma_start3A_262 : memref<200704x32xf32, #tpu.memory_space<hbm>>) target(%arg12 : memref<128x32xf32, #tpu.memory_space<vmem>>) offsets(%dma_start3A_259 : memref<128xi32, #tpu.memory_space<vmem>>) semaphore(%arg16 : memref<!tpu.dma_semaphore, #tpu.memory_space<semaphore_mem>>)
      %dma_start3A_263 = arith.constant 256 : i32
      %dma_start3A_264 = tpu.memref_slice %arg7[%dma_start3A_263] : memref<1024xi32, #tpu.memory_space<vmem>> -> memref<128xi32, #tpu.memory_space<vmem>>
      %dma_start3A_265 = arith.constant 0 : i32
      %dma_start3A_266 = arith.constant 0 : i32
      %dma_start3A_267 = tpu.memref_slice %arg4[%dma_start3A_265, %dma_start3A_266] : memref<200704x32xf32, #tpu.memory_space<hbm>> -> memref<200704x32xf32, #tpu.memory_space<hbm>>
      tpu.enqueue_indirect_dma source(%dma_start3A_267 : memref<200704x32xf32, #tpu.memory_space<hbm>>) target(%arg13 : memref<128x32xf32, #tpu.memory_space<vmem>>) offsets(%dma_start3A_264 : memref<128xi32, #tpu.memory_space<vmem>>) semaphore(%arg17 : memref<!tpu.dma_semaphore, #tpu.memory_space<semaphore_mem>>)
      %dma_start3A_268 = arith.constant 384 : i32
      %dma_start3A_269 = tpu.memref_slice %arg7[%dma_start3A_268] : memref<1024xi32, #tpu.memory_space<vmem>> -> memref<128xi32, #tpu.memory_space<vmem>>
      %dma_start3A_270 = arith.constant 0 : i32
      %dma_start3A_271 = arith.constant 0 : i32
      %dma_start3A_272 = tpu.memref_slice %arg4[%dma_start3A_270, %dma_start3A_271] : memref<200704x32xf32, #tpu.memory_space<hbm>> -> memref<200704x32xf32, #tpu.memory_space<hbm>>
      tpu.enqueue_indirect_dma source(%dma_start3A_272 : memref<200704x32xf32, #tpu.memory_space<hbm>>) target(%arg14 : memref<128x32xf32, #tpu.memory_space<vmem>>) offsets(%dma_start3A_269 : memref<128xi32, #tpu.memory_space<vmem>>) semaphore(%arg18 : memref<!tpu.dma_semaphore, #tpu.memory_space<semaphore_mem>>)
      %dma_wait3A = arith.constant 0 : i32
      %dma_wait3A_273 = tpu.memref_slice %arg7[%dma_wait3A] : memref<1024xi32, #tpu.memory_space<vmem>> -> memref<128xi32, #tpu.memory_space<vmem>>
      %dma_wait3A_274 = arith.constant 0 : i32
      %dma_wait3A_275 = arith.constant 0 : i32
      %dma_wait3A_276 = tpu.memref_slice %arg4[%dma_wait3A_274, %dma_wait3A_275] : memref<200704x32xf32, #tpu.memory_space<hbm>> -> memref<200704x32xf32, #tpu.memory_space<hbm>>
      tpu.wait_indirect_dma semaphore(%arg15 : memref<!tpu.dma_semaphore, #tpu.memory_space<semaphore_mem>>) src(%dma_wait3A_276 : memref<200704x32xf32, #tpu.memory_space<hbm>>) dst(%arg11 : memref<128x32xf32, #tpu.memory_space<vmem>>)
      %run_scoped3A = arith.constant 0 : i32
      "tpu.region"() ({
        %run_scoped3A_340 = tpu.sem_alloc : memref<!tpu.dma_semaphore, #tpu.memory_space<semaphore_mem>>
        %dma_start3A_341 = arith.constant 0 : i32
        %dma_start3A_342 = tpu.memref_slice %arg8[%run_scoped3A, %dma_start3A_341] : memref<8x128xi32, #tpu.memory_space<vmem>> -> memref<1x128xi32, #tpu.memory_space<vmem>>
        %dma_start3A_343 = tpu.memref_squeeze %dma_start3A_342 : memref<1x128xi32, #tpu.memory_space<vmem>> -> memref<128xi32, #tpu.memory_space<vmem>>
        %dma_start3A_344 = arith.constant 0 : i32
        %dma_start3A_345 = arith.constant 0 : i32
        %dma_start3A_346 = tpu.memref_slice %arg9[%dma_start3A_344, %dma_start3A_345] : memref<50176x32xf32, #tpu.memory_space<vmem_shared>> -> memref<50176x32xf32, #tpu.memory_space<vmem_shared>>
        tpu.enqueue_indirect_dma source(%arg11 : memref<128x32xf32, #tpu.memory_space<vmem>>) target(%dma_start3A_346 : memref<50176x32xf32, #tpu.memory_space<vmem_shared>>) offsets(%dma_start3A_343 : memref<128xi32, #tpu.memory_space<vmem>>) semaphore(%run_scoped3A_340 : memref<!tpu.dma_semaphore, #tpu.memory_space<semaphore_mem>>) {add = true}
        %dma_wait3A_347 = arith.constant 0 : i32
        %dma_wait3A_348 = tpu.memref_slice %arg8[%run_scoped3A, %dma_wait3A_347] : memref<8x128xi32, #tpu.memory_space<vmem>> -> memref<1x128xi32, #tpu.memory_space<vmem>>
        %dma_wait3A_349 = tpu.memref_squeeze %dma_wait3A_348 : memref<1x128xi32, #tpu.memory_space<vmem>> -> memref<128xi32, #tpu.memory_space<vmem>>
        %dma_wait3A_350 = arith.constant 0 : i32
        %dma_wait3A_351 = arith.constant 0 : i32
        %dma_wait3A_352 = tpu.memref_slice %arg9[%dma_wait3A_350, %dma_wait3A_351] : memref<50176x32xf32, #tpu.memory_space<vmem_shared>> -> memref<50176x32xf32, #tpu.memory_space<vmem_shared>>
        tpu.wait_indirect_dma semaphore(%run_scoped3A_340 : memref<!tpu.dma_semaphore, #tpu.memory_space<semaphore_mem>>) src(%arg11 : memref<128x32xf32, #tpu.memory_space<vmem>>) dst(%dma_wait3A_352 : memref<50176x32xf32, #tpu.memory_space<vmem_shared>>)
        tpu.yield
      }) : () -> ()
      %dma_start3A_277 = arith.constant 512 : i32
      %dma_start3A_278 = tpu.memref_slice %arg7[%dma_start3A_277] : memref<1024xi32, #tpu.memory_space<vmem>> -> memref<128xi32, #tpu.memory_space<vmem>>
      %dma_start3A_279 = arith.constant 0 : i32
      %dma_start3A_280 = arith.constant 0 : i32
      %dma_start3A_281 = tpu.memref_slice %arg4[%dma_start3A_279, %dma_start3A_280] : memref<200704x32xf32, #tpu.memory_space<hbm>> -> memref<200704x32xf32, #tpu.memory_space<hbm>>
      tpu.enqueue_indirect_dma source(%dma_start3A_281 : memref<200704x32xf32, #tpu.memory_space<hbm>>) target(%arg11 : memref<128x32xf32, #tpu.memory_space<vmem>>) offsets(%dma_start3A_278 : memref<128xi32, #tpu.memory_space<vmem>>) semaphore(%arg15 : memref<!tpu.dma_semaphore, #tpu.memory_space<semaphore_mem>>)
      %dma_wait3A_282 = arith.constant 128 : i32
      %dma_wait3A_283 = tpu.memref_slice %arg7[%dma_wait3A_282] : memref<1024xi32, #tpu.memory_space<vmem>> -> memref<128xi32, #tpu.memory_space<vmem>>
      %dma_wait3A_284 = arith.constant 0 : i32
      %dma_wait3A_285 = arith.constant 0 : i32
      %dma_wait3A_286 = tpu.memref_slice %arg4[%dma_wait3A_284, %dma_wait3A_285] : memref<200704x32xf32, #tpu.memory_space<hbm>> -> memref<200704x32xf32, #tpu.memory_space<hbm>>
      tpu.wait_indirect_dma semaphore(%arg16 : memref<!tpu.dma_semaphore, #tpu.memory_space<semaphore_mem>>) src(%dma_wait3A_286 : memref<200704x32xf32, #tpu.memory_space<hbm>>) dst(%arg12 : memref<128x32xf32, #tpu.memory_space<vmem>>)
      %run_scoped3A_287 = arith.constant 1 : i32
      "tpu.region"() ({
        %run_scoped3A_340 = tpu.sem_alloc : memref<!tpu.dma_semaphore, #tpu.memory_space<semaphore_mem>>
        %dma_start3A_341 = arith.constant 0 : i32
        %dma_start3A_342 = tpu.memref_slice %arg8[%run_scoped3A_287, %dma_start3A_341] : memref<8x128xi32, #tpu.memory_space<vmem>> -> memref<1x128xi32, #tpu.memory_space<vmem>>
        %dma_start3A_343 = tpu.memref_squeeze %dma_start3A_342 : memref<1x128xi32, #tpu.memory_space<vmem>> -> memref<128xi32, #tpu.memory_space<vmem>>
        %dma_start3A_344 = arith.constant 0 : i32
        %dma_start3A_345 = arith.constant 0 : i32
        %dma_start3A_346 = tpu.memref_slice %arg9[%dma_start3A_344, %dma_start3A_345] : memref<50176x32xf32, #tpu.memory_space<vmem_shared>> -> memref<50176x32xf32, #tpu.memory_space<vmem_shared>>
        tpu.enqueue_indirect_dma source(%arg12 : memref<128x32xf32, #tpu.memory_space<vmem>>) target(%dma_start3A_346 : memref<50176x32xf32, #tpu.memory_space<vmem_shared>>) offsets(%dma_start3A_343 : memref<128xi32, #tpu.memory_space<vmem>>) semaphore(%run_scoped3A_340 : memref<!tpu.dma_semaphore, #tpu.memory_space<semaphore_mem>>) {add = true}
        %dma_wait3A_347 = arith.constant 0 : i32
        %dma_wait3A_348 = tpu.memref_slice %arg8[%run_scoped3A_287, %dma_wait3A_347] : memref<8x128xi32, #tpu.memory_space<vmem>> -> memref<1x128xi32, #tpu.memory_space<vmem>>
        %dma_wait3A_349 = tpu.memref_squeeze %dma_wait3A_348 : memref<1x128xi32, #tpu.memory_space<vmem>> -> memref<128xi32, #tpu.memory_space<vmem>>
        %dma_wait3A_350 = arith.constant 0 : i32
        %dma_wait3A_351 = arith.constant 0 : i32
        %dma_wait3A_352 = tpu.memref_slice %arg9[%dma_wait3A_350, %dma_wait3A_351] : memref<50176x32xf32, #tpu.memory_space<vmem_shared>> -> memref<50176x32xf32, #tpu.memory_space<vmem_shared>>
        tpu.wait_indirect_dma semaphore(%run_scoped3A_340 : memref<!tpu.dma_semaphore, #tpu.memory_space<semaphore_mem>>) src(%arg12 : memref<128x32xf32, #tpu.memory_space<vmem>>) dst(%dma_wait3A_352 : memref<50176x32xf32, #tpu.memory_space<vmem_shared>>)
        tpu.yield
      }) : () -> ()
      %dma_start3A_288 = arith.constant 640 : i32
      %dma_start3A_289 = tpu.memref_slice %arg7[%dma_start3A_288] : memref<1024xi32, #tpu.memory_space<vmem>> -> memref<128xi32, #tpu.memory_space<vmem>>
      %dma_start3A_290 = arith.constant 0 : i32
      %dma_start3A_291 = arith.constant 0 : i32
      %dma_start3A_292 = tpu.memref_slice %arg4[%dma_start3A_290, %dma_start3A_291] : memref<200704x32xf32, #tpu.memory_space<hbm>> -> memref<200704x32xf32, #tpu.memory_space<hbm>>
      tpu.enqueue_indirect_dma source(%dma_start3A_292 : memref<200704x32xf32, #tpu.memory_space<hbm>>) target(%arg12 : memref<128x32xf32, #tpu.memory_space<vmem>>) offsets(%dma_start3A_289 : memref<128xi32, #tpu.memory_space<vmem>>) semaphore(%arg16 : memref<!tpu.dma_semaphore, #tpu.memory_space<semaphore_mem>>)
      %dma_wait3A_293 = arith.constant 256 : i32
      %dma_wait3A_294 = tpu.memref_slice %arg7[%dma_wait3A_293] : memref<1024xi32, #tpu.memory_space<vmem>> -> memref<128xi32, #tpu.memory_space<vmem>>
      %dma_wait3A_295 = arith.constant 0 : i32
      %dma_wait3A_296 = arith.constant 0 : i32
      %dma_wait3A_297 = tpu.memref_slice %arg4[%dma_wait3A_295, %dma_wait3A_296] : memref<200704x32xf32, #tpu.memory_space<hbm>> -> memref<200704x32xf32, #tpu.memory_space<hbm>>
      tpu.wait_indirect_dma semaphore(%arg17 : memref<!tpu.dma_semaphore, #tpu.memory_space<semaphore_mem>>) src(%dma_wait3A_297 : memref<200704x32xf32, #tpu.memory_space<hbm>>) dst(%arg13 : memref<128x32xf32, #tpu.memory_space<vmem>>)
      %run_scoped3A_298 = arith.constant 2 : i32
      "tpu.region"() ({
        %run_scoped3A_340 = tpu.sem_alloc : memref<!tpu.dma_semaphore, #tpu.memory_space<semaphore_mem>>
        %dma_start3A_341 = arith.constant 0 : i32
        %dma_start3A_342 = tpu.memref_slice %arg8[%run_scoped3A_298, %dma_start3A_341] : memref<8x128xi32, #tpu.memory_space<vmem>> -> memref<1x128xi32, #tpu.memory_space<vmem>>
        %dma_start3A_343 = tpu.memref_squeeze %dma_start3A_342 : memref<1x128xi32, #tpu.memory_space<vmem>> -> memref<128xi32, #tpu.memory_space<vmem>>
        %dma_start3A_344 = arith.constant 0 : i32
        %dma_start3A_345 = arith.constant 0 : i32
        %dma_start3A_346 = tpu.memref_slice %arg9[%dma_start3A_344, %dma_start3A_345] : memref<50176x32xf32, #tpu.memory_space<vmem_shared>> -> memref<50176x32xf32, #tpu.memory_space<vmem_shared>>
        tpu.enqueue_indirect_dma source(%arg13 : memref<128x32xf32, #tpu.memory_space<vmem>>) target(%dma_start3A_346 : memref<50176x32xf32, #tpu.memory_space<vmem_shared>>) offsets(%dma_start3A_343 : memref<128xi32, #tpu.memory_space<vmem>>) semaphore(%run_scoped3A_340 : memref<!tpu.dma_semaphore, #tpu.memory_space<semaphore_mem>>) {add = true}
        %dma_wait3A_347 = arith.constant 0 : i32
        %dma_wait3A_348 = tpu.memref_slice %arg8[%run_scoped3A_298, %dma_wait3A_347] : memref<8x128xi32, #tpu.memory_space<vmem>> -> memref<1x128xi32, #tpu.memory_space<vmem>>
        %dma_wait3A_349 = tpu.memref_squeeze %dma_wait3A_348 : memref<1x128xi32, #tpu.memory_space<vmem>> -> memref<128xi32, #tpu.memory_space<vmem>>
        %dma_wait3A_350 = arith.constant 0 : i32
        %dma_wait3A_351 = arith.constant 0 : i32
        %dma_wait3A_352 = tpu.memref_slice %arg9[%dma_wait3A_350, %dma_wait3A_351] : memref<50176x32xf32, #tpu.memory_space<vmem_shared>> -> memref<50176x32xf32, #tpu.memory_space<vmem_shared>>
        tpu.wait_indirect_dma semaphore(%run_scoped3A_340 : memref<!tpu.dma_semaphore, #tpu.memory_space<semaphore_mem>>) src(%arg13 : memref<128x32xf32, #tpu.memory_space<vmem>>) dst(%dma_wait3A_352 : memref<50176x32xf32, #tpu.memory_space<vmem_shared>>)
        tpu.yield
      }) : () -> ()
      %dma_start3A_299 = arith.constant 768 : i32
      %dma_start3A_300 = tpu.memref_slice %arg7[%dma_start3A_299] : memref<1024xi32, #tpu.memory_space<vmem>> -> memref<128xi32, #tpu.memory_space<vmem>>
      %dma_start3A_301 = arith.constant 0 : i32
      %dma_start3A_302 = arith.constant 0 : i32
      %dma_start3A_303 = tpu.memref_slice %arg4[%dma_start3A_301, %dma_start3A_302] : memref<200704x32xf32, #tpu.memory_space<hbm>> -> memref<200704x32xf32, #tpu.memory_space<hbm>>
      tpu.enqueue_indirect_dma source(%dma_start3A_303 : memref<200704x32xf32, #tpu.memory_space<hbm>>) target(%arg13 : memref<128x32xf32, #tpu.memory_space<vmem>>) offsets(%dma_start3A_300 : memref<128xi32, #tpu.memory_space<vmem>>) semaphore(%arg17 : memref<!tpu.dma_semaphore, #tpu.memory_space<semaphore_mem>>)
      %dma_wait3A_304 = arith.constant 384 : i32
      %dma_wait3A_305 = tpu.memref_slice %arg7[%dma_wait3A_304] : memref<1024xi32, #tpu.memory_space<vmem>> -> memref<128xi32, #tpu.memory_space<vmem>>
      %dma_wait3A_306 = arith.constant 0 : i32
      %dma_wait3A_307 = arith.constant 0 : i32
      %dma_wait3A_308 = tpu.memref_slice %arg4[%dma_wait3A_306, %dma_wait3A_307] : memref<200704x32xf32, #tpu.memory_space<hbm>> -> memref<200704x32xf32, #tpu.memory_space<hbm>>
      tpu.wait_indirect_dma semaphore(%arg18 : memref<!tpu.dma_semaphore, #tpu.memory_space<semaphore_mem>>) src(%dma_wait3A_308 : memref<200704x32xf32, #tpu.memory_space<hbm>>) dst(%arg14 : memref<128x32xf32, #tpu.memory_space<vmem>>)
      %run_scoped3A_309 = arith.constant 3 : i32
      "tpu.region"() ({
        %run_scoped3A_340 = tpu.sem_alloc : memref<!tpu.dma_semaphore, #tpu.memory_space<semaphore_mem>>
        %dma_start3A_341 = arith.constant 0 : i32
        %dma_start3A_342 = tpu.memref_slice %arg8[%run_scoped3A_309, %dma_start3A_341] : memref<8x128xi32, #tpu.memory_space<vmem>> -> memref<1x128xi32, #tpu.memory_space<vmem>>
        %dma_start3A_343 = tpu.memref_squeeze %dma_start3A_342 : memref<1x128xi32, #tpu.memory_space<vmem>> -> memref<128xi32, #tpu.memory_space<vmem>>
        %dma_start3A_344 = arith.constant 0 : i32
        %dma_start3A_345 = arith.constant 0 : i32
        %dma_start3A_346 = tpu.memref_slice %arg9[%dma_start3A_344, %dma_start3A_345] : memref<50176x32xf32, #tpu.memory_space<vmem_shared>> -> memref<50176x32xf32, #tpu.memory_space<vmem_shared>>
        tpu.enqueue_indirect_dma source(%arg14 : memref<128x32xf32, #tpu.memory_space<vmem>>) target(%dma_start3A_346 : memref<50176x32xf32, #tpu.memory_space<vmem_shared>>) offsets(%dma_start3A_343 : memref<128xi32, #tpu.memory_space<vmem>>) semaphore(%run_scoped3A_340 : memref<!tpu.dma_semaphore, #tpu.memory_space<semaphore_mem>>) {add = true}
        %dma_wait3A_347 = arith.constant 0 : i32
        %dma_wait3A_348 = tpu.memref_slice %arg8[%run_scoped3A_309, %dma_wait3A_347] : memref<8x128xi32, #tpu.memory_space<vmem>> -> memref<1x128xi32, #tpu.memory_space<vmem>>
        %dma_wait3A_349 = tpu.memref_squeeze %dma_wait3A_348 : memref<1x128xi32, #tpu.memory_space<vmem>> -> memref<128xi32, #tpu.memory_space<vmem>>
        %dma_wait3A_350 = arith.constant 0 : i32
        %dma_wait3A_351 = arith.constant 0 : i32
        %dma_wait3A_352 = tpu.memref_slice %arg9[%dma_wait3A_350, %dma_wait3A_351] : memref<50176x32xf32, #tpu.memory_space<vmem_shared>> -> memref<50176x32xf32, #tpu.memory_space<vmem_shared>>
        tpu.wait_indirect_dma semaphore(%run_scoped3A_340 : memref<!tpu.dma_semaphore, #tpu.memory_space<semaphore_mem>>) src(%arg14 : memref<128x32xf32, #tpu.memory_space<vmem>>) dst(%dma_wait3A_352 : memref<50176x32xf32, #tpu.memory_space<vmem_shared>>)
        tpu.yield
      }) : () -> ()
      %dma_start3A_310 = arith.constant 896 : i32
      %dma_start3A_311 = tpu.memref_slice %arg7[%dma_start3A_310] : memref<1024xi32, #tpu.memory_space<vmem>> -> memref<128xi32, #tpu.memory_space<vmem>>
      %dma_start3A_312 = arith.constant 0 : i32
      %dma_start3A_313 = arith.constant 0 : i32
      %dma_start3A_314 = tpu.memref_slice %arg4[%dma_start3A_312, %dma_start3A_313] : memref<200704x32xf32, #tpu.memory_space<hbm>> -> memref<200704x32xf32, #tpu.memory_space<hbm>>
      tpu.enqueue_indirect_dma source(%dma_start3A_314 : memref<200704x32xf32, #tpu.memory_space<hbm>>) target(%arg14 : memref<128x32xf32, #tpu.memory_space<vmem>>) offsets(%dma_start3A_311 : memref<128xi32, #tpu.memory_space<vmem>>) semaphore(%arg18 : memref<!tpu.dma_semaphore, #tpu.memory_space<semaphore_mem>>)
      %dma_wait3A_315 = arith.constant 512 : i32
      %dma_wait3A_316 = tpu.memref_slice %arg7[%dma_wait3A_315] : memref<1024xi32, #tpu.memory_space<vmem>> -> memref<128xi32, #tpu.memory_space<vmem>>
      %dma_wait3A_317 = arith.constant 0 : i32
      %dma_wait3A_318 = arith.constant 0 : i32
      %dma_wait3A_319 = tpu.memref_slice %arg4[%dma_wait3A_317, %dma_wait3A_318] : memref<200704x32xf32, #tpu.memory_space<hbm>> -> memref<200704x32xf32, #tpu.memory_space<hbm>>
      tpu.wait_indirect_dma semaphore(%arg15 : memref<!tpu.dma_semaphore, #tpu.memory_space<semaphore_mem>>) src(%dma_wait3A_319 : memref<200704x32xf32, #tpu.memory_space<hbm>>) dst(%arg11 : memref<128x32xf32, #tpu.memory_space<vmem>>)
      %run_scoped3A_320 = arith.constant 4 : i32
      "tpu.region"() ({
        %run_scoped3A_340 = tpu.sem_alloc : memref<!tpu.dma_semaphore, #tpu.memory_space<semaphore_mem>>
        %dma_start3A_341 = arith.constant 0 : i32
        %dma_start3A_342 = tpu.memref_slice %arg8[%run_scoped3A_320, %dma_start3A_341] : memref<8x128xi32, #tpu.memory_space<vmem>> -> memref<1x128xi32, #tpu.memory_space<vmem>>
        %dma_start3A_343 = tpu.memref_squeeze %dma_start3A_342 : memref<1x128xi32, #tpu.memory_space<vmem>> -> memref<128xi32, #tpu.memory_space<vmem>>
        %dma_start3A_344 = arith.constant 0 : i32
        %dma_start3A_345 = arith.constant 0 : i32
        %dma_start3A_346 = tpu.memref_slice %arg9[%dma_start3A_344, %dma_start3A_345] : memref<50176x32xf32, #tpu.memory_space<vmem_shared>> -> memref<50176x32xf32, #tpu.memory_space<vmem_shared>>
        tpu.enqueue_indirect_dma source(%arg11 : memref<128x32xf32, #tpu.memory_space<vmem>>) target(%dma_start3A_346 : memref<50176x32xf32, #tpu.memory_space<vmem_shared>>) offsets(%dma_start3A_343 : memref<128xi32, #tpu.memory_space<vmem>>) semaphore(%run_scoped3A_340 : memref<!tpu.dma_semaphore, #tpu.memory_space<semaphore_mem>>) {add = true}
        %dma_wait3A_347 = arith.constant 0 : i32
        %dma_wait3A_348 = tpu.memref_slice %arg8[%run_scoped3A_320, %dma_wait3A_347] : memref<8x128xi32, #tpu.memory_space<vmem>> -> memref<1x128xi32, #tpu.memory_space<vmem>>
        %dma_wait3A_349 = tpu.memref_squeeze %dma_wait3A_348 : memref<1x128xi32, #tpu.memory_space<vmem>> -> memref<128xi32, #tpu.memory_space<vmem>>
        %dma_wait3A_350 = arith.constant 0 : i32
        %dma_wait3A_351 = arith.constant 0 : i32
        %dma_wait3A_352 = tpu.memref_slice %arg9[%dma_wait3A_350, %dma_wait3A_351] : memref<50176x32xf32, #tpu.memory_space<vmem_shared>> -> memref<50176x32xf32, #tpu.memory_space<vmem_shared>>
        tpu.wait_indirect_dma semaphore(%run_scoped3A_340 : memref<!tpu.dma_semaphore, #tpu.memory_space<semaphore_mem>>) src(%arg11 : memref<128x32xf32, #tpu.memory_space<vmem>>) dst(%dma_wait3A_352 : memref<50176x32xf32, #tpu.memory_space<vmem_shared>>)
        tpu.yield
      }) : () -> ()
      %dma_wait3A_321 = arith.constant 640 : i32
      %dma_wait3A_322 = tpu.memref_slice %arg7[%dma_wait3A_321] : memref<1024xi32, #tpu.memory_space<vmem>> -> memref<128xi32, #tpu.memory_space<vmem>>
      %dma_wait3A_323 = arith.constant 0 : i32
      %dma_wait3A_324 = arith.constant 0 : i32
      %dma_wait3A_325 = tpu.memref_slice %arg4[%dma_wait3A_323, %dma_wait3A_324] : memref<200704x32xf32, #tpu.memory_space<hbm>> -> memref<200704x32xf32, #tpu.memory_space<hbm>>
      tpu.wait_indirect_dma semaphore(%arg16 : memref<!tpu.dma_semaphore, #tpu.memory_space<semaphore_mem>>) src(%dma_wait3A_325 : memref<200704x32xf32, #tpu.memory_space<hbm>>) dst(%arg12 : memref<128x32xf32, #tpu.memory_space<vmem>>)
      %run_scoped3A_326 = arith.constant 5 : i32
      "tpu.region"() ({
        %run_scoped3A_340 = tpu.sem_alloc : memref<!tpu.dma_semaphore, #tpu.memory_space<semaphore_mem>>
        %dma_start3A_341 = arith.constant 0 : i32
        %dma_start3A_342 = tpu.memref_slice %arg8[%run_scoped3A_326, %dma_start3A_341] : memref<8x128xi32, #tpu.memory_space<vmem>> -> memref<1x128xi32, #tpu.memory_space<vmem>>
        %dma_start3A_343 = tpu.memref_squeeze %dma_start3A_342 : memref<1x128xi32, #tpu.memory_space<vmem>> -> memref<128xi32, #tpu.memory_space<vmem>>
        %dma_start3A_344 = arith.constant 0 : i32
        %dma_start3A_345 = arith.constant 0 : i32
        %dma_start3A_346 = tpu.memref_slice %arg9[%dma_start3A_344, %dma_start3A_345] : memref<50176x32xf32, #tpu.memory_space<vmem_shared>> -> memref<50176x32xf32, #tpu.memory_space<vmem_shared>>
        tpu.enqueue_indirect_dma source(%arg12 : memref<128x32xf32, #tpu.memory_space<vmem>>) target(%dma_start3A_346 : memref<50176x32xf32, #tpu.memory_space<vmem_shared>>) offsets(%dma_start3A_343 : memref<128xi32, #tpu.memory_space<vmem>>) semaphore(%run_scoped3A_340 : memref<!tpu.dma_semaphore, #tpu.memory_space<semaphore_mem>>) {add = true}
        %dma_wait3A_347 = arith.constant 0 : i32
        %dma_wait3A_348 = tpu.memref_slice %arg8[%run_scoped3A_326, %dma_wait3A_347] : memref<8x128xi32, #tpu.memory_space<vmem>> -> memref<1x128xi32, #tpu.memory_space<vmem>>
        %dma_wait3A_349 = tpu.memref_squeeze %dma_wait3A_348 : memref<1x128xi32, #tpu.memory_space<vmem>> -> memref<128xi32, #tpu.memory_space<vmem>>
        %dma_wait3A_350 = arith.constant 0 : i32
        %dma_wait3A_351 = arith.constant 0 : i32
        %dma_wait3A_352 = tpu.memref_slice %arg9[%dma_wait3A_350, %dma_wait3A_351] : memref<50176x32xf32, #tpu.memory_space<vmem_shared>> -> memref<50176x32xf32, #tpu.memory_space<vmem_shared>>
        tpu.wait_indirect_dma semaphore(%run_scoped3A_340 : memref<!tpu.dma_semaphore, #tpu.memory_space<semaphore_mem>>) src(%arg12 : memref<128x32xf32, #tpu.memory_space<vmem>>) dst(%dma_wait3A_352 : memref<50176x32xf32, #tpu.memory_space<vmem_shared>>)
        tpu.yield
      }) : () -> ()
      %dma_wait3A_327 = arith.constant 768 : i32
      %dma_wait3A_328 = tpu.memref_slice %arg7[%dma_wait3A_327] : memref<1024xi32, #tpu.memory_space<vmem>> -> memref<128xi32, #tpu.memory_space<vmem>>
      %dma_wait3A_329 = arith.constant 0 : i32
      %dma_wait3A_330 = arith.constant 0 : i32
      %dma_wait3A_331 = tpu.memref_slice %arg4[%dma_wait3A_329, %dma_wait3A_330] : memref<200704x32xf32, #tpu.memory_space<hbm>> -> memref<200704x32xf32, #tpu.memory_space<hbm>>
      tpu.wait_indirect_dma semaphore(%arg17 : memref<!tpu.dma_semaphore, #tpu.memory_space<semaphore_mem>>) src(%dma_wait3A_331 : memref<200704x32xf32, #tpu.memory_space<hbm>>) dst(%arg13 : memref<128x32xf32, #tpu.memory_space<vmem>>)
      %run_scoped3A_332 = arith.constant 6 : i32
      "tpu.region"() ({
        %run_scoped3A_340 = tpu.sem_alloc : memref<!tpu.dma_semaphore, #tpu.memory_space<semaphore_mem>>
        %dma_start3A_341 = arith.constant 0 : i32
        %dma_start3A_342 = tpu.memref_slice %arg8[%run_scoped3A_332, %dma_start3A_341] : memref<8x128xi32, #tpu.memory_space<vmem>> -> memref<1x128xi32, #tpu.memory_space<vmem>>
        %dma_start3A_343 = tpu.memref_squeeze %dma_start3A_342 : memref<1x128xi32, #tpu.memory_space<vmem>> -> memref<128xi32, #tpu.memory_space<vmem>>
        %dma_start3A_344 = arith.constant 0 : i32
        %dma_start3A_345 = arith.constant 0 : i32
        %dma_start3A_346 = tpu.memref_slice %arg9[%dma_start3A_344, %dma_start3A_345] : memref<50176x32xf32, #tpu.memory_space<vmem_shared>> -> memref<50176x32xf32, #tpu.memory_space<vmem_shared>>
        tpu.enqueue_indirect_dma source(%arg13 : memref<128x32xf32, #tpu.memory_space<vmem>>) target(%dma_start3A_346 : memref<50176x32xf32, #tpu.memory_space<vmem_shared>>) offsets(%dma_start3A_343 : memref<128xi32, #tpu.memory_space<vmem>>) semaphore(%run_scoped3A_340 : memref<!tpu.dma_semaphore, #tpu.memory_space<semaphore_mem>>) {add = true}
        %dma_wait3A_347 = arith.constant 0 : i32
        %dma_wait3A_348 = tpu.memref_slice %arg8[%run_scoped3A_332, %dma_wait3A_347] : memref<8x128xi32, #tpu.memory_space<vmem>> -> memref<1x128xi32, #tpu.memory_space<vmem>>
        %dma_wait3A_349 = tpu.memref_squeeze %dma_wait3A_348 : memref<1x128xi32, #tpu.memory_space<vmem>> -> memref<128xi32, #tpu.memory_space<vmem>>
        %dma_wait3A_350 = arith.constant 0 : i32
        %dma_wait3A_351 = arith.constant 0 : i32
        %dma_wait3A_352 = tpu.memref_slice %arg9[%dma_wait3A_350, %dma_wait3A_351] : memref<50176x32xf32, #tpu.memory_space<vmem_shared>> -> memref<50176x32xf32, #tpu.memory_space<vmem_shared>>
        tpu.wait_indirect_dma semaphore(%run_scoped3A_340 : memref<!tpu.dma_semaphore, #tpu.memory_space<semaphore_mem>>) src(%arg13 : memref<128x32xf32, #tpu.memory_space<vmem>>) dst(%dma_wait3A_352 : memref<50176x32xf32, #tpu.memory_space<vmem_shared>>)
        tpu.yield
      }) : () -> ()
      %dma_wait3A_333 = arith.constant 896 : i32
      %dma_wait3A_334 = tpu.memref_slice %arg7[%dma_wait3A_333] : memref<1024xi32, #tpu.memory_space<vmem>> -> memref<128xi32, #tpu.memory_space<vmem>>
      %dma_wait3A_335 = arith.constant 0 : i32
      %dma_wait3A_336 = arith.constant 0 : i32
      %dma_wait3A_337 = tpu.memref_slice %arg4[%dma_wait3A_335, %dma_wait3A_336] : memref<200704x32xf32, #tpu.memory_space<hbm>> -> memref<200704x32xf32, #tpu.memory_space<hbm>>
      tpu.wait_indirect_dma semaphore(%arg18 : memref<!tpu.dma_semaphore, #tpu.memory_space<semaphore_mem>>) src(%dma_wait3A_337 : memref<200704x32xf32, #tpu.memory_space<hbm>>) dst(%arg14 : memref<128x32xf32, #tpu.memory_space<vmem>>)
      %run_scoped3A_338 = arith.constant 7 : i32
      "tpu.region"() ({
        %run_scoped3A_340 = tpu.sem_alloc : memref<!tpu.dma_semaphore, #tpu.memory_space<semaphore_mem>>
        %dma_start3A_341 = arith.constant 0 : i32
        %dma_start3A_342 = tpu.memref_slice %arg8[%run_scoped3A_338, %dma_start3A_341] : memref<8x128xi32, #tpu.memory_space<vmem>> -> memref<1x128xi32, #tpu.memory_space<vmem>>
        %dma_start3A_343 = tpu.memref_squeeze %dma_start3A_342 : memref<1x128xi32, #tpu.memory_space<vmem>> -> memref<128xi32, #tpu.memory_space<vmem>>
        %dma_start3A_344 = arith.constant 0 : i32
        %dma_start3A_345 = arith.constant 0 : i32
        %dma_start3A_346 = tpu.memref_slice %arg9[%dma_start3A_344, %dma_start3A_345] : memref<50176x32xf32, #tpu.memory_space<vmem_shared>> -> memref<50176x32xf32, #tpu.memory_space<vmem_shared>>
        tpu.enqueue_indirect_dma source(%arg14 : memref<128x32xf32, #tpu.memory_space<vmem>>) target(%dma_start3A_346 : memref<50176x32xf32, #tpu.memory_space<vmem_shared>>) offsets(%dma_start3A_343 : memref<128xi32, #tpu.memory_space<vmem>>) semaphore(%run_scoped3A_340 : memref<!tpu.dma_semaphore, #tpu.memory_space<semaphore_mem>>) {add = true}
        %dma_wait3A_347 = arith.constant 0 : i32
        %dma_wait3A_348 = tpu.memref_slice %arg8[%run_scoped3A_338, %dma_wait3A_347] : memref<8x128xi32, #tpu.memory_space<vmem>> -> memref<1x128xi32, #tpu.memory_space<vmem>>
        %dma_wait3A_349 = tpu.memref_squeeze %dma_wait3A_348 : memref<1x128xi32, #tpu.memory_space<vmem>> -> memref<128xi32, #tpu.memory_space<vmem>>
        %dma_wait3A_350 = arith.constant 0 : i32
        %dma_wait3A_351 = arith.constant 0 : i32
        %dma_wait3A_352 = tpu.memref_slice %arg9[%dma_wait3A_350, %dma_wait3A_351] : memref<50176x32xf32, #tpu.memory_space<vmem_shared>> -> memref<50176x32xf32, #tpu.memory_space<vmem_shared>>
        tpu.wait_indirect_dma semaphore(%run_scoped3A_340 : memref<!tpu.dma_semaphore, #tpu.memory_space<semaphore_mem>>) src(%arg14 : memref<128x32xf32, #tpu.memory_space<vmem>>) dst(%dma_wait3A_352 : memref<50176x32xf32, #tpu.memory_space<vmem_shared>>)
        tpu.yield
      }) : () -> ()
      %scan3A_339 = arith.constant 0 : i32
      scf.yield %scan3A_339 : i32
    }
    %scan3A_230 = arith.constant 50 : i32
    %barrier3A_231 = arith.constant 0 : index
    tpu.barrier barrier_id(%barrier3A_231)
    %mul3A_232 = arith.constant 3136 : i32
    %mul3A_233 = arith.muli %arg1, %mul3A_232 : i32
    %mul3A_234 = arith.constant 3136 : i32
    %mul3A_235 = arith.muli %arg1, %mul3A_234 : i32
    %add3A_236 = arith.addi %mul3A_223, %mul3A_235 : i32
    "tpu.region"() ({
      %run_scoped3A = tpu.sem_alloc : memref<!tpu.dma_semaphore, #tpu.memory_space<semaphore_mem>>
      %dma_start3A = arith.constant 0 : i32
      %dma_start3A_238 = tpu.memref_slice %arg6[%add3A_236, %dma_start3A] : memref<200704x32xf32, #tpu.memory_space<hbm>> -> memref<3136x32xf32, #tpu.memory_space<hbm>>
      %dma_start3A_239 = arith.constant 0 : i32
      %dma_start3A_240 = tpu.memref_slice %arg9[%mul3A_233, %dma_start3A_239] : memref<50176x32xf32, #tpu.memory_space<vmem_shared>> -> memref<3136x32xf32, #tpu.memory_space<vmem_shared>>
      tpu.enqueue_dma source(%dma_start3A_240 : memref<3136x32xf32, #tpu.memory_space<vmem_shared>>) target(%dma_start3A_238 : memref<3136x32xf32, #tpu.memory_space<hbm>>) target_semaphore(%run_scoped3A : memref<!tpu.dma_semaphore, #tpu.memory_space<semaphore_mem>>)
      %dma_wait3A = arith.constant 0 : i32
      %dma_wait3A_241 = tpu.memref_slice %arg6[%add3A_236, %dma_wait3A] : memref<200704x32xf32, #tpu.memory_space<hbm>> -> memref<3136x32xf32, #tpu.memory_space<hbm>>
      %dma_wait3A_242 = arith.constant 0 : i32
      %dma_wait3A_243 = tpu.memref_slice %arg9[%mul3A_233, %dma_wait3A_242] : memref<50176x32xf32, #tpu.memory_space<vmem_shared>> -> memref<3136x32xf32, #tpu.memory_space<vmem_shared>>
      tpu.wait_dma2 semaphore(%run_scoped3A : memref<!tpu.dma_semaphore, #tpu.memory_space<semaphore_mem>>) src(%dma_wait3A_243 : memref<3136x32xf32, #tpu.memory_space<vmem_shared>>) dst(%dma_wait3A_241 : memref<3136x32xf32, #tpu.memory_space<hbm>>)
      tpu.yield
    }) : () -> ()
    %barrier3A_237 = arith.constant 0 : index
    tpu.barrier barrier_id(%barrier3A_237)
    return
  }
}

module attributes {stable_mosaic.version = 14 : i64} {
  func.func @_norms_body(%arg0: i32, %arg1: memref<32x512xf32, #tpu.memory_space<vmem>>, %arg2: memref<32x512xf32, #tpu.memory_space<vmem>>, %arg3: memref<8x512xf32, #tpu.memory_space<vmem>>) attributes {dimension_semantics = [#tpu.dimension_semantics<arbitrary>], iteration_bounds = array<i64: 98>, scalar_prefetch = 0 : i64, scratch_operands = 0 : i64, tpu.core_type = #tpu.core_type<tc>, window_params = [{transform_indices = @transform_0, window_bounds = array<i64: 32, 512>}, {transform_indices = @transform_1, window_bounds = array<i64: 32, 512>}, {transform_indices = @transform_2, window_bounds = array<i64: 8, 512>}]} {
    %get3A = arith.constant 0 : index
    %get3A_0 = arith.constant 0 : index
    %get3A_1 = vector.load %arg1[%get3A, %get3A_0] : memref<32x512xf32, #tpu.memory_space<vmem>>, vector<32x512xf32>
    %reduce_sum3A = arith.constant dense<0.000000e+00> : vector<512xf32>
    %reduce_sum3A_2 = vector.multi_reduction <add>, %get3A_1, %reduce_sum3A [0] : vector<32x512xf32> to vector<512xf32>
    %broadcast_in_dim3A = vector.shape_cast %reduce_sum3A_2 : vector<512xf32> to vector<1x512xf32>
    %get3A_3 = arith.constant 0 : index
    %get3A_4 = arith.constant 0 : index
    %get3A_5 = vector.load %arg2[%get3A_3, %get3A_4] : memref<32x512xf32, #tpu.memory_space<vmem>>, vector<32x512xf32>
    %reduce_sum3A_6 = arith.constant dense<0.000000e+00> : vector<512xf32>
    %reduce_sum3A_7 = vector.multi_reduction <add>, %get3A_5, %reduce_sum3A_6 [0] : vector<32x512xf32> to vector<512xf32>
    %broadcast_in_dim3A_8 = vector.shape_cast %reduce_sum3A_7 : vector<512xf32> to vector<1x512xf32>
    %gt3A = arith.constant 0.000000e+00 : f32
    %gt3A_9 = vector.broadcast %gt3A : f32 to vector<1x512xf32>
    %gt3A_10 = arith.cmpf ogt, %broadcast_in_dim3A, %gt3A_9 : vector<1x512xf32>
    %rsqrt3A = math.rsqrt %broadcast_in_dim3A : vector<1x512xf32>
    %jit3A = arith.constant 0.000000e+00 : f32
    %broadcast_in_dim3A_11 = vector.broadcast %jit3A : f32 to vector<1x512xf32>
    %select_n3A = arith.select %gt3A_10, %rsqrt3A, %broadcast_in_dim3A_11 : vector<1x512xi1>, vector<1x512xf32>
    %gt3A_12 = arith.constant 0.000000e+00 : f32
    %gt3A_13 = vector.broadcast %gt3A_12 : f32 to vector<1x512xf32>
    %gt3A_14 = arith.cmpf ogt, %broadcast_in_dim3A_8, %gt3A_13 : vector<1x512xf32>
    %rsqrt3A_15 = math.rsqrt %broadcast_in_dim3A_8 : vector<1x512xf32>
    %jit3A_16 = arith.constant 0.000000e+00 : f32
    %broadcast_in_dim3A_17 = vector.broadcast %jit3A_16 : f32 to vector<1x512xf32>
    %select_n3A_18 = arith.select %gt3A_14, %rsqrt3A_15, %broadcast_in_dim3A_17 : vector<1x512xi1>, vector<1x512xf32>
    %broadcast_in_dim3A_19 = arith.constant 0.000000e+00 : f32
    %broadcast_in_dim3A_20 = vector.broadcast %broadcast_in_dim3A_19 : f32 to vector<6x512xf32>
    %concatenate3A = tpu.concatenate %select_n3A, %select_n3A_18, %broadcast_in_dim3A_20 in 0 : vector<1x512xf32>, vector<1x512xf32>, vector<6x512xf32> -> vector<8x512xf32>
    %swap3A = arith.constant 0 : index
    %swap3A_21 = arith.constant 0 : index
    %swap3A_22 = vector.load %arg3[%swap3A, %swap3A_21] : memref<8x512xf32, #tpu.memory_space<vmem>>, vector<8x512xf32>
    tpu.vector_store %arg3[%swap3A, %swap3A_21], %concatenate3A {strides = array<i32>} : memref<8x512xf32, #tpu.memory_space<vmem>>, vector<8x512xf32>,
    return
  }
  func.func @transform_0(%arg0: i32) -> (i32, i32) {
    %c0_i32 = arith.constant 0 : i32
    %c0_i32_0 = arith.constant 0 : i32
    return %c0_i32, %arg0 : i32, i32
  }
  func.func @transform_1(%arg0: i32) -> (i32, i32) {
    %c0_i32 = arith.constant 0 : i32
    %c0_i32_0 = arith.constant 0 : i32
    return %c0_i32, %arg0 : i32, i32
  }
  func.func @transform_2(%arg0: i32) -> (i32, i32) {
    %c0_i32 = arith.constant 0 : i32
    %c0_i32_0 = arith.constant 0 : i32
    return %c0_i32, %arg0 : i32, i32
  }
}

module attributes {stable_mosaic.version = 14 : i64} {
  func.func @_mm1_body(%arg0: i32, %arg1: memref<8x256xf32, #tpu.memory_space<vmem>>, %arg2: memref<256x1433xf32, #tpu.memory_space<vmem>>, %arg3: memref<1433x128xf32, #tpu.memory_space<vmem>>, %arg4: memref<4x256x32xf32, #tpu.memory_space<vmem>>) attributes {dimension_semantics = [#tpu.dimension_semantics<arbitrary>], iteration_bounds = array<i64: 196>, scalar_prefetch = 0 : i64, scratch_operands = 0 : i64, tpu.core_type = #tpu.core_type<tc>, window_params = [{transform_indices = @transform_0, window_bounds = array<i64: 8, 256>}, {transform_indices = @transform_1, window_bounds = array<i64: 256, 1433>}, {pipeline_mode = #tpu.pipeline_mode<synchronous>, transform_indices = @transform_2, window_bounds = array<i64: 1433, 128>}, {transform_indices = @transform_3, window_bounds = array<i64: 4, 256, 32>}]} {
    %get3A = arith.constant 0 : index
    %get3A_0 = arith.constant 0 : index
    %get3A_1 = vector.load %arg2[%get3A, %get3A_0] : memref<256x1433xf32, #tpu.memory_space<vmem>>, vector<256x1433xf32>
    %get3A_2 = arith.constant 0 : index
    %get3A_3 = arith.constant 0 : index
    %get3A_4 = vector.load %arg3[%get3A_2, %get3A_3] : memref<1433x128xf32, #tpu.memory_space<vmem>>, vector<1433x128xf32>
    %dot_general3A = arith.constant dense<0.000000e+00> : vector<256x128xf32>
    %dot_general3A_5 = tpu.matmul %get3A_1, %get3A_4, %dot_general3A {dimension_numbers = #tpu.dot_dimension_numbers<[1], [0], [0], [1], [0, 0, 1, 1], [], []>, transpose_lhs_hint = false} : vector<256x1433xf32>, vector<1433x128xf32>, vector<256x128xf32> -> vector<256x128xf32>
    %get3A_6 = arith.constant 0 : index
    %get3A_7 = arith.constant 0 : index
    %get3A_8 = vector.load %arg1[%get3A_6, %get3A_7] : memref<8x256xf32, #tpu.memory_space<vmem>>, vector<1x256xf32>
    %transpose3A = tpu.transpose %get3A_8, [1, 0] : vector<1x256xf32> -> vector<256x1xf32>
    %mul3A = vector.broadcast %transpose3A : vector<256x1xf32> to vector<256x128xf32>
    %mul3A_9 = arith.mulf %dot_general3A_5, %mul3A : vector<256x128xf32>
    %slice3A = vector.extract_strided_slice %mul3A_9 {offsets = [0, 0], sizes = [256, 32], strides = [1, 1]} : vector<256x128xf32> to vector<256x32xf32>
    %swap3A = arith.constant 0 : index
    %swap3A_10 = arith.constant 0 : index
    %swap3A_11 = arith.constant 0 : index
    %swap3A_12 = vector.load %arg4[%swap3A, %swap3A_10, %swap3A_11] : memref<4x256x32xf32, #tpu.memory_space<vmem>>, vector<1x256x32xf32>
    %swap3A_13 = vector.shape_cast %swap3A_12 : vector<1x256x32xf32> to vector<256x32xf32>
    %swap3A_14 = vector.shape_cast %slice3A : vector<256x32xf32> to vector<1x256x32xf32>
    tpu.vector_store %arg4[%swap3A, %swap3A_10, %swap3A_11], %swap3A_14 {strides = array<i32>} : memref<4x256x32xf32, #tpu.memory_space<vmem>>, vector<1x256x32xf32>,
    %slice3A_15 = vector.extract_strided_slice %mul3A_9 {offsets = [0, 32], sizes = [256, 32], strides = [1, 1]} : vector<256x128xf32> to vector<256x32xf32>
    %swap3A_16 = arith.constant 1 : index
    %swap3A_17 = arith.constant 0 : index
    %swap3A_18 = arith.constant 0 : index
    %swap3A_19 = vector.load %arg4[%swap3A_16, %swap3A_17, %swap3A_18] : memref<4x256x32xf32, #tpu.memory_space<vmem>>, vector<1x256x32xf32>
    %swap3A_20 = vector.shape_cast %swap3A_19 : vector<1x256x32xf32> to vector<256x32xf32>
    %swap3A_21 = vector.shape_cast %slice3A_15 : vector<256x32xf32> to vector<1x256x32xf32>
    tpu.vector_store %arg4[%swap3A_16, %swap3A_17, %swap3A_18], %swap3A_21 {strides = array<i32>} : memref<4x256x32xf32, #tpu.memory_space<vmem>>, vector<1x256x32xf32>,
    %slice3A_22 = vector.extract_strided_slice %mul3A_9 {offsets = [0, 64], sizes = [256, 32], strides = [1, 1]} : vector<256x128xf32> to vector<256x32xf32>
    %swap3A_23 = arith.constant 2 : index
    %swap3A_24 = arith.constant 0 : index
    %swap3A_25 = arith.constant 0 : index
    %swap3A_26 = vector.load %arg4[%swap3A_23, %swap3A_24, %swap3A_25] : memref<4x256x32xf32, #tpu.memory_space<vmem>>, vector<1x256x32xf32>
    %swap3A_27 = vector.shape_cast %swap3A_26 : vector<1x256x32xf32> to vector<256x32xf32>
    %swap3A_28 = vector.shape_cast %slice3A_22 : vector<256x32xf32> to vector<1x256x32xf32>
    tpu.vector_store %arg4[%swap3A_23, %swap3A_24, %swap3A_25], %swap3A_28 {strides = array<i32>} : memref<4x256x32xf32, #tpu.memory_space<vmem>>, vector<1x256x32xf32>,
    %slice3A_29 = vector.extract_strided_slice %mul3A_9 {offsets = [0, 96], sizes = [256, 32], strides = [1, 1]} : vector<256x128xf32> to vector<256x32xf32>
    %swap3A_30 = arith.constant 3 : index
    %swap3A_31 = arith.constant 0 : index
    %swap3A_32 = arith.constant 0 : index
    %swap3A_33 = vector.load %arg4[%swap3A_30, %swap3A_31, %swap3A_32] : memref<4x256x32xf32, #tpu.memory_space<vmem>>, vector<1x256x32xf32>
    %swap3A_34 = vector.shape_cast %swap3A_33 : vector<1x256x32xf32> to vector<256x32xf32>
    %swap3A_35 = vector.shape_cast %slice3A_29 : vector<256x32xf32> to vector<1x256x32xf32>
    tpu.vector_store %arg4[%swap3A_30, %swap3A_31, %swap3A_32], %swap3A_35 {strides = array<i32>} : memref<4x256x32xf32, #tpu.memory_space<vmem>>, vector<1x256x32xf32>,
    return
  }
  func.func @transform_0(%arg0: i32) -> (i32, i32) {
    %c0_i32 = arith.constant 0 : i32
    %c0_i32_0 = arith.constant 0 : i32
    return %c0_i32, %arg0 : i32, i32
  }
  func.func @transform_1(%arg0: i32) -> (i32, i32) {
    %c0_i32 = arith.constant 0 : i32
    %c0_i32_0 = arith.constant 0 : i32
    return %arg0, %c0_i32 : i32, i32
  }
  func.func @transform_2(%arg0: i32) -> (i32, i32) {
    %c0_i32 = arith.constant 0 : i32
    %c0_i32_0 = arith.constant 0 : i32
    %c0_i32_1 = arith.constant 0 : i32
    return %c0_i32, %c0_i32_0 : i32, i32
  }
  func.func @transform_3(%arg0: i32) -> (i32, i32, i32) {
    %c0_i32 = arith.constant 0 : i32
    %c0_i32_0 = arith.constant 0 : i32
    %c0_i32_1 = arith.constant 0 : i32
    return %c0_i32, %arg0, %c0_i32_0 : i32, i32, i32
  }
}

module attributes {stable_mosaic.version = 14 : i64} {
  func.func @_mm2_body(%arg0: i32, %arg1: memref<8x256xf32, #tpu.memory_space<vmem>>, %arg2: memref<4x256x32xf32, #tpu.memory_space<vmem>>, %arg3: memref<1x128xf32, #tpu.memory_space<vmem>>, %arg4: memref<128x16xf32, #tpu.memory_space<vmem>>, %arg5: memref<256x16xf32, #tpu.memory_space<vmem>>) attributes {dimension_semantics = [#tpu.dimension_semantics<arbitrary>], iteration_bounds = array<i64: 196>, scalar_prefetch = 0 : i64, scratch_operands = 0 : i64, tpu.core_type = #tpu.core_type<tc>, window_params = [{transform_indices = @transform_0, window_bounds = array<i64: 8, 256>}, {transform_indices = @transform_1, window_bounds = array<i64: 4, 256, 32>}, {pipeline_mode = #tpu.pipeline_mode<synchronous>, transform_indices = @transform_2, window_bounds = array<i64: 1, 128>}, {pipeline_mode = #tpu.pipeline_mode<synchronous>, transform_indices = @transform_3, window_bounds = array<i64: 128, 16>}, {transform_indices = @transform_4, window_bounds = array<i64: 256, 16>}]} {
    %get3A = arith.constant 0 : index
    %get3A_0 = arith.constant 0 : index
    %get3A_1 = arith.constant 0 : index
    %get3A_2 = vector.load %arg2[%get3A, %get3A_0, %get3A_1] : memref<4x256x32xf32, #tpu.memory_space<vmem>>, vector<1x256x32xf32>
    %get3A_3 = vector.shape_cast %get3A_2 : vector<1x256x32xf32> to vector<256x32xf32>
    %get3A_4 = arith.constant 1 : index
    %get3A_5 = arith.constant 0 : index
    %get3A_6 = arith.constant 0 : index
    %get3A_7 = vector.load %arg2[%get3A_4, %get3A_5, %get3A_6] : memref<4x256x32xf32, #tpu.memory_space<vmem>>, vector<1x256x32xf32>
    %get3A_8 = vector.shape_cast %get3A_7 : vector<1x256x32xf32> to vector<256x32xf32>
    %get3A_9 = arith.constant 2 : index
    %get3A_10 = arith.constant 0 : index
    %get3A_11 = arith.constant 0 : index
    %get3A_12 = vector.load %arg2[%get3A_9, %get3A_10, %get3A_11] : memref<4x256x32xf32, #tpu.memory_space<vmem>>, vector<1x256x32xf32>
    %get3A_13 = vector.shape_cast %get3A_12 : vector<1x256x32xf32> to vector<256x32xf32>
    %get3A_14 = arith.constant 3 : index
    %get3A_15 = arith.constant 0 : index
    %get3A_16 = arith.constant 0 : index
    %get3A_17 = vector.load %arg2[%get3A_14, %get3A_15, %get3A_16] : memref<4x256x32xf32, #tpu.memory_space<vmem>>, vector<1x256x32xf32>
    %get3A_18 = vector.shape_cast %get3A_17 : vector<1x256x32xf32> to vector<256x32xf32>
    %concatenate3A = tpu.concatenate %get3A_3, %get3A_8, %get3A_13, %get3A_18 in 1 : vector<256x32xf32>, vector<256x32xf32>, vector<256x32xf32>, vector<256x32xf32> -> vector<256x128xf32>
    %get3A_19 = arith.constant 1 : index
    %get3A_20 = arith.constant 0 : index
    %get3A_21 = vector.load %arg1[%get3A_19, %get3A_20] : memref<8x256xf32, #tpu.memory_space<vmem>>, vector<1x256xf32>
    %transpose3A = tpu.transpose %get3A_21, [1, 0] : vector<1x256xf32> -> vector<256x1xf32>
    %get3A_22 = arith.constant 0 : index
    %get3A_23 = arith.constant 0 : index
    %get3A_24 = vector.load %arg1[%get3A_22, %get3A_23] : memref<8x256xf32, #tpu.memory_space<vmem>>, vector<1x256xf32>
    %transpose3A_25 = tpu.transpose %get3A_24, [1, 0] : vector<1x256xf32> -> vector<256x1xf32>
    %mul3A = vector.broadcast %transpose3A : vector<256x1xf32> to vector<256x128xf32>
    %mul3A_26 = arith.mulf %concatenate3A, %mul3A : vector<256x128xf32>
    %get3A_27 = arith.constant 0 : index
    %get3A_28 = arith.constant 0 : index
    %get3A_29 = vector.load %arg3[%get3A_27, %get3A_28] : memref<1x128xf32, #tpu.memory_space<vmem>>, vector<1x128xf32>
    %add3A = vector.broadcast %get3A_29 : vector<1x128xf32> to vector<256x128xf32>
    %add3A_30 = arith.addf %mul3A_26, %add3A : vector<256x128xf32>
    %max3A = arith.constant 0.000000e+00 : f32
    %max3A_31 = vector.broadcast %max3A : f32 to vector<256x128xf32>
    %max3A_32 = arith.maximumf %add3A_30, %max3A_31 : vector<256x128xf32>
    %mul3A_33 = vector.broadcast %transpose3A_25 : vector<256x1xf32> to vector<256x128xf32>
    %mul3A_34 = arith.mulf %max3A_32, %mul3A_33 : vector<256x128xf32>
    %get3A_35 = arith.constant 0 : index
    %get3A_36 = arith.constant 0 : index
    %get3A_37 = vector.load %arg4[%get3A_35, %get3A_36] : memref<128x16xf32, #tpu.memory_space<vmem>>, vector<128x16xf32>
    %dot_general3A = arith.constant dense<0.000000e+00> : vector<256x16xf32>
    %dot_general3A_38 = tpu.matmul %mul3A_34, %get3A_37, %dot_general3A {dimension_numbers = #tpu.dot_dimension_numbers<[1], [0], [0], [1], [0, 0, 1, 1], [], []>, transpose_lhs_hint = false} : vector<256x128xf32>, vector<128x16xf32>, vector<256x16xf32> -> vector<256x16xf32>
    %swap3A = arith.constant 0 : index
    %swap3A_39 = arith.constant 0 : index
    %swap3A_40 = vector.load %arg5[%swap3A, %swap3A_39] : memref<256x16xf32, #tpu.memory_space<vmem>>, vector<256x16xf32>
    tpu.vector_store %arg5[%swap3A, %swap3A_39], %dot_general3A_38 {strides = array<i32>} : memref<256x16xf32, #tpu.memory_space<vmem>>, vector<256x16xf32>,
    return
  }
  func.func @transform_0(%arg0: i32) -> (i32, i32) {
    %c0_i32 = arith.constant 0 : i32
    %c0_i32_0 = arith.constant 0 : i32
    return %c0_i32, %arg0 : i32, i32
  }
  func.func @transform_1(%arg0: i32) -> (i32, i32, i32) {
    %c0_i32 = arith.constant 0 : i32
    %c0_i32_0 = arith.constant 0 : i32
    %c0_i32_1 = arith.constant 0 : i32
    return %c0_i32, %arg0, %c0_i32_0 : i32, i32, i32
  }
  func.func @transform_2(%arg0: i32) -> (i32, i32) {
    %c0_i32 = arith.constant 0 : i32
    %c0_i32_0 = arith.constant 0 : i32
    %c0_i32_1 = arith.constant 0 : i32
    return %c0_i32, %c0_i32_0 : i32, i32
  }
  func.func @transform_3(%arg0: i32) -> (i32, i32) {
    %c0_i32 = arith.constant 0 : i32
    %c0_i32_0 = arith.constant 0 : i32
    %c0_i32_1 = arith.constant 0 : i32
    return %c0_i32, %c0_i32_0 : i32, i32
  }
  func.func @transform_4(%arg0: i32) -> (i32, i32) {
    %c0_i32 = arith.constant 0 : i32
    %c0_i32_0 = arith.constant 0 : i32
    return %arg0, %c0_i32 : i32, i32
  }
}

module attributes {stable_mosaic.version = 14 : i64} {
  func.func @_final_body(%arg0: i32, %arg1: memref<8x512xf32, #tpu.memory_space<vmem>>, %arg2: memref<2x512x16xf32, #tpu.memory_space<vmem>>, %arg3: memref<1x16xf32, #tpu.memory_space<vmem>>, %arg4: memref<512x16xf32, #tpu.memory_space<vmem>>) attributes {dimension_semantics = [#tpu.dimension_semantics<arbitrary>], iteration_bounds = array<i64: 98>, scalar_prefetch = 0 : i64, scratch_operands = 0 : i64, tpu.core_type = #tpu.core_type<tc>, window_params = [{transform_indices = @transform_0, window_bounds = array<i64: 8, 512>}, {transform_indices = @transform_1, window_bounds = array<i64: 2, 512, 16>}, {pipeline_mode = #tpu.pipeline_mode<synchronous>, transform_indices = @transform_2, window_bounds = array<i64: 1, 16>}, {transform_indices = @transform_3, window_bounds = array<i64: 512, 16>}]} {
    %get3A = arith.constant 0 : index
    %get3A_0 = arith.constant 0 : index
    %get3A_1 = arith.constant 0 : index
    %get3A_2 = vector.load %arg2[%get3A, %get3A_0, %get3A_1] : memref<2x512x16xf32, #tpu.memory_space<vmem>>, vector<1x512x16xf32>
    %get3A_3 = vector.shape_cast %get3A_2 : vector<1x512x16xf32> to vector<512x16xf32>
    %get3A_4 = arith.constant 1 : index
    %get3A_5 = arith.constant 0 : index
    %get3A_6 = arith.constant 0 : index
    %get3A_7 = vector.load %arg2[%get3A_4, %get3A_5, %get3A_6] : memref<2x512x16xf32, #tpu.memory_space<vmem>>, vector<1x512x16xf32>
    %get3A_8 = vector.shape_cast %get3A_7 : vector<1x512x16xf32> to vector<512x16xf32>
    %add3A = arith.addf %get3A_3, %get3A_8 : vector<512x16xf32>
    %get3A_9 = arith.constant 1 : index
    %get3A_10 = arith.constant 0 : index
    %get3A_11 = vector.load %arg1[%get3A_9, %get3A_10] : memref<8x512xf32, #tpu.memory_space<vmem>>, vector<1x512xf32>
    %transpose3A = tpu.transpose %get3A_11, [1, 0] : vector<1x512xf32> -> vector<512x1xf32>
    %mul3A = vector.broadcast %transpose3A : vector<512x1xf32> to vector<512x16xf32>
    %mul3A_12 = arith.mulf %add3A, %mul3A : vector<512x16xf32>
    %get3A_13 = arith.constant 0 : index
    %get3A_14 = arith.constant 0 : index
    %get3A_15 = vector.load %arg3[%get3A_13, %get3A_14] : memref<1x16xf32, #tpu.memory_space<vmem>>, vector<1x16xf32>
    %add3A_16 = vector.broadcast %get3A_15 : vector<1x16xf32> to vector<512x16xf32>
    %add3A_17 = arith.addf %mul3A_12, %add3A_16 : vector<512x16xf32>
    %swap3A = arith.constant 0 : index
    %swap3A_18 = arith.constant 0 : index
    %swap3A_19 = vector.load %arg4[%swap3A, %swap3A_18] : memref<512x16xf32, #tpu.memory_space<vmem>>, vector<512x16xf32>
    tpu.vector_store %arg4[%swap3A, %swap3A_18], %add3A_17 {strides = array<i32>} : memref<512x16xf32, #tpu.memory_space<vmem>>, vector<512x16xf32>,
    return
  }
  func.func @transform_0(%arg0: i32) -> (i32, i32) {
    %c0_i32 = arith.constant 0 : i32
    %c0_i32_0 = arith.constant 0 : i32
    return %c0_i32, %arg0 : i32, i32
  }
  func.func @transform_1(%arg0: i32) -> (i32, i32, i32) {
    %c0_i32 = arith.constant 0 : i32
    %c0_i32_0 = arith.constant 0 : i32
    %c0_i32_1 = arith.constant 0 : i32
    return %c0_i32, %arg0, %c0_i32_0 : i32, i32, i32
  }
  func.func @transform_2(%arg0: i32) -> (i32, i32) {
    %c0_i32 = arith.constant 0 : i32
    %c0_i32_0 = arith.constant 0 : i32
    %c0_i32_1 = arith.constant 0 : i32
    return %c0_i32, %c0_i32_0 : i32, i32
  }
  func.func @transform_3(%arg0: i32) -> (i32, i32) {
    %c0_i32 = arith.constant 0 : i32
    %c0_i32_0 = arith.constant 0 : i32
    return %arg0, %c0_i32 : i32, i32
  }
}

</mosaic_0001>

<sc_bundles>
// kernel: kernel.12.cloned.1.call-start
scs
__scs_entry_jumppad:
0x0: {  	(pc) =	sbr.rel $0x88, $3  }
0x1: {  	(tag) =	ssettag $0x0;
	lr =	simm.s32 $0x1  }
0x2: {  	[smem:$0x3F9B] =	sst lr;
	_ =	strace $0xD0000000  }
0x3: {  	_ = 	snop  }
0x4: {  	_ = 	snop  }
0x5: {  	_ = 	snop  }
0x6: {  	_ = 	snop  }
0x7: {  	_ = 	snop  }
__scs_overlays_trampoline_lowered:
0x8: {  	[smem:$0x3FAA] =	sst s0  }
0x9: {  	[smem:$0x3FAB] =	sst s1  }
0xa: {  	[smem:$0x3FAC] =	sst s2  }
0xb: {  	[smem:$0x3FAD] =	sst s3  }
0xc: {  	[smem:$0x3FAE] =	sst s4  }
0xd: {  	[smem:$0x3FAF] =	sst s5  }
0xe: {  	[smem:$0x3FB0] =	sst s6  }
0xf: {  	[smem:$0x3FB1] =	sst s7  }
0x10: {  	[smem:$0x3FB2] =	sst s8  }
0x11: {  	[smem:$0x3FB3] =	sst s9;
	s0 =	simm.s32 @!p0 $0x0  }
0x12: {  	s1 =	sld [smem:$0x3F99];
	s0 =	simm.s32 @p0 $0x1  }
0x13: {  	[smem:$0x3FB4] =	sst s0;
	s0 =	simm.s32 @!p1 $0x0  }
0x14: {  	s2 =	sld [smem:$0x3F98];
	s0 =	simm.s32 @p1 $0x1  }
0x15: {  	[smem:$0x3FB5] =	sst s0;
	s0 =	simm.s32 @!p2 $0x0  }
0x16: {  	s3 =	sld [smem:$0x3FDB];
	s0 =	simm.s32 @p2 $0x1  }
0x17: {  	s4 =	simm.s32 $0x1BF5;
	[smem:$0x3FB7] =	sst s0  }
0x18: {  	s0 =	sld [smem:$0x3F9A];
	_ =	swait.ge [sflag:s4], $0x0  }
0x19: {  	s7 =	sld [smem:$0x3F9B]  }
0x1a: {  	s8 =	sadd.s32 $0xFFFFE003, lr  }
0x1b: {  	s9 =	sadd.s32 $0xFFFFFEF7, lr;
	s5 =	simm.s32 $0xFFFFFFFF;
	p2 =	slt.u32 s8, $0xFFFFF086  }
0x1c: {  	p1 =	slt.u32 s9, $0xF7A;
	s5 =	simm.s32 @!p2 $0x0  }
0x1d: {  	s5 =	simm.s32 @p1 $0x1;
	p0 =	seq.s32 s7, s2  }
0x1e: {  	s7 =	smul.u32 @!p0 $0xF7A, s2;
	p2 =	seq.s32 @!p0 s5, $0x0  }
0x1f: {  	s9 =	smul.u32 $0xF7A, s1;
	s8 =	simm.s32 @!p0 $0x1BF5;
	p2 =	por !p2, p0  }
0x20: {  	[sflag:s8] =	ssyncset.s32 @!p0 $0xFFFFF086;
	s6 =	sadd.s32 @!p0 s3, s7;
	s7 =	simm.s32 @!p0 $0x108  }
0x21: {  	s3 =	sadd.s32 s3, s9;
	s6 =	sadd.s32 @!p0 $0x88, s6;
	s7 =	simm.s32 @p2 $0x1082  }
0x22: {  	[simem:s7], [sflag:s8] =	dma.local @!p0 [hbm:s6], $0xF7A  }
0x23: {  	s9 =	sor.u32 $0xD0000000, s2;
	s6 =	simm.s32 $0x108;
	_ =	swait.ge @!p0 [sflag:s8], $0x0  }
0x24: {  	s3 =	sadd.s32 $0x88, s3;
	s6 =	simm.s32 @!p1 $0x1082;
	[sflag:s4] =	ssyncset.s32 $0xFFFFF086  }
0x25: {  	[simem:s6], [sflag:s4] =	dma.local [hbm:s3], $0xF7A  }
0x26: {  	[smem:$0x3F9B] =	sst s1;
	(tag) =	ssettag s2;
	_ =	strace s9  }
0x27: {  	s1 =	sld [smem:$0x3FAB]  }
0x28: {  	s2 =	sld [smem:$0x3FAC]  }
0x29: {  	s4 =	sld [smem:$0x3FAE]  }
0x2a: {  	p0 =	seq.s32 s5, $0x0;
	s5 =	sld [smem:$0x3FAF]  }
0x2b: {  	s6 =	sld [smem:$0x3FB0]  }
0x2c: {  	s7 =	sld [smem:$0x3FB1]  }
0x2d: {  	s3 =	simm.s32 $0x108;
	s8 =	sld [smem:$0x3FB2]  }
0x2e: {  	s3 =	simm.s32 @!p0 $0x1082;
	s9 =	sld [smem:$0x3FB3]  }
0x2f: {  	lr =	sadd.s32 s0, s3;
	s0 =	sld [smem:$0x3FAA]  }
0x30: {  	s3 =	sld [smem:$0x3FAD]  }
0x31: {  	[smem:$0x3FB6] =	sst s10  }
0x32: {  	s10 =	sld [smem:$0x3FB4];
	_ =	sdelay $0x3  }
0x33: {  	p0 =	seq.s32 s10, $0x1;
	s10 =	sld [smem:$0x3FB6];
	_ =	sdelay $0x3  }
0x34: {  	[smem:$0x3FB6] =	sst s10  }
0x35: {  	s10 =	sld [smem:$0x3FB5];
	_ =	sdelay $0x3  }
0x36: {  	p1 =	seq.s32 s10, $0x1;
	s10 =	sld [smem:$0x3FB6];
	_ =	sdelay $0x3  }
0x37: {  	[smem:$0x3FB6] =	sst s10  }
0x38: {  	s10 =	sld [smem:$0x3FB7]  }
0x39: {  	_ = 	snop;
	(pc) =	sbr.ind lr, $3  }
0x3a: {  	_ = 	snop  }
0x3b: {  	_ = 	snop  }
0x3c: {  	p2 =	seq.s32 s10, $0x1;
	s10 =	sld [smem:$0x3FB6]  }
0x3d: {  	_ =	shalt  }
0x3e: {  	_ =	shalt  }
0x3f: {  	_ =	shalt  }
0x40: {  	_ =	shalt  }
0x41: {  	_ =	shalt  }
0x42: {  	_ =	shalt  }
0x43: {  	_ =	shalt  }
0x44: {  	_ =	shalt  }
0x45: {  	_ =	shalt  }
0x46: {  	_ =	shalt  }
0x47: {  	_ =	shalt  }
0x48: {  	_ =	shalt  }
0x49: {  	_ =	shalt  }
0x4a: {  	_ =	shalt  }
0x4b: {  	_ =	shalt  }
0x4c: {  	_ =	shalt  }
0x4d: {  	_ =	shalt  }
0x4e: {  	_ =	shalt  }
0x4f: {  	_ =	shalt  }
0x50: {  	_ =	shalt  }
0x51: {  	_ =	shalt  }
0x52: {  	_ =	shalt  }
0x53: {  	_ =	shalt  }
0x54: {  	_ =	shalt  }
0x55: {  	_ =	shalt  }
0x56: {  	_ =	shalt  }
0x57: {  	_ =	shalt  }
0x58: {  	_ =	shalt  }
0x59: {  	_ =	shalt  }
0x5a: {  	_ =	shalt  }
0x5b: {  	_ =	shalt  }
0x5c: {  	_ =	shalt  }
0x5d: {  	_ =	shalt  }
0x5e: {  	_ =	shalt  }
0x5f: {  	_ =	shalt  }
0x60: {  	_ =	shalt  }
0x61: {  	_ =	shalt  }
0x62: {  	_ =	shalt  }
0x63: {  	_ =	shalt  }
0x64: {  	_ =	shalt  }
0x65: {  	_ =	shalt  }
0x66: {  	_ =	shalt  }
0x67: {  	_ =	shalt  }
0x68: {  	_ =	shalt  }
0x69: {  	_ =	shalt  }
0x6a: {  	_ =	shalt  }
0x6b: {  	_ =	shalt  }
0x6c: {  	_ =	shalt  }
0x6d: {  	_ =	shalt  }
0x6e: {  	_ =	shalt  }
0x6f: {  	_ =	shalt  }
0x70: {  	_ =	shalt  }
0x71: {  	_ =	shalt  }
0x72: {  	_ =	shalt  }
0x73: {  	_ =	shalt  }
0x74: {  	_ =	shalt  }
0x75: {  	_ =	shalt  }
0x76: {  	_ =	shalt  }
0x77: {  	_ =	shalt  }
0x78: {  	_ =	shalt  }
0x79: {  	_ =	shalt  }
0x7a: {  	_ =	shalt  }
0x7b: {  	_ =	shalt  }
0x7c: {  	_ =	shalt  }
0x7d: {  	_ =	shalt  }
0x7e: {  	_ =	shalt  }
0x7f: {  	_ =	shalt  }
0x80: {  	_ =	shalt  }
0x81: {  	_ =	shalt  }
0x82: {  	_ =	shalt  }
0x83: {  	_ =	shalt  }
0x84: {  	_ =	shalt  }
0x85: {  	_ =	shalt  }
0x86: {  	_ =	shalt  }
0x87: {  	_ =	shalt  }
.Lfunc_end0:
.L_simem_size_0:
called_computation.1_lowered:
.L_overlay_start_0:
0x88: {  	s2 =	sld [smem:$0x3FD9]  }
0x89: {  	s3 =	sld [smem:$0x3FFE];
	_ =	sdelay $0x1  }
0x8a: {  	s1 =	srdreg.scid  }
0x8b: {  	s0 =	sand.u32 $0x1, s1  }
0x8c: {  	s17 =	sshll.u32 s0, $0xA;
	s2 =	sadd.s32 s3, s2  }
0x8d: {  	s2 =	sadd.s32 s2, s17  }
0x8e: {  	[smem:$0x3FC2] =	sst s2  }
0x8f: {  	_ = 	snop  }
0x90: {  	s2 =	sld [smem:$0x3FD0];
	(tm) =	ssettm $0x1  }
0x91: {  	s18 =	sld [smem:$0x3FFB];
	_ =	sdelay $0x3  }
0x92: {  	_ =	strace s18  }
0x93: {  	s3 =	sld [smem:$0x3FFC];
	_ =	sdelay $0x3  }
0x94: {  	_ =	strace s3  }
0x95: {  	s3 =	sld [smem:$0x3FFD];
	_ =	sdelay $0x3  }
0x96: {  	_ =	strace s3  }
0x97: {  	_ =	strace $0x8FFFFFFF  }
0x98: {  	s19 =	sld [smem:$0x3FDB];
	_ =	sdelay $0x1  }
0x99: {  	s4 =	simm.s32 $_scs_section_size  }
0x9a: {  	s5 =	simm.s32 $_size__tile_overlayer_lowered;
	s6 =	simm.s32 $_tile_overlayer_lowered  }
0x9b: {  	s22 =	simm.s32 $0x1BFF;
	s21 =	sshll.u32 s6, $0x1;
	s3 =	sadd.s32 s4, s19  }
0x9c: {  	s7 =	simm.s32 $0x0;
	s20 =	sshll.u32 s5, $0x1;
	s5 =	sadd.s32 s21, s3  }
0x9d: {  	[timem:s7], [sflag:s22] =	dma.local [hbm:s5], s20  }
0x9e: {  	_ =	swait.ge [sflag:s22], s20  }
0x9f: {  	s4 =	ssub.s32 $0x0, s20;
	[sflag:s22] =	ssyncset.done $0x0  }
0xa0: {  	[sflag:s22] =	ssyncadd.s32 s4;
	_ =	sdelay $0x1  }
0xa1: {  	s23 =	simm.s32 $0x1B8B  }
0xa2: {  	_ =	swait.ge [sflag:s23], $0x1  }
0xa3: {  	[sflag:s23] =	ssyncset.done $0x0  }
0xa4: {  	s25 =	simm.s32 $0x1B8E;
	s24 =	sld [smem:$0x3FFE];
	[sflag:s23] =	ssyncadd.s32 $0xFFFFFFFF  }
0xa5: {  	s26 =	simm.s32 $execute0_lowered;
	[smem:$0x3FD2] =	sst s25  }
0xa6: {  	s5 =	sshll.u32 s26, $0x1;
	_ =	strace $0x80000049;
	[dreg:$0x1] =	wrdreg $0xFFFFFFFF  }
0xa7: {  	s28 =	simm.s32 $_size_execute0_lowered;
	s3 =	sadd.s32 s3, s5;
	[dreg:$0x0] =	wrdreg $0x0  }
0xa8: {  	s5 =	sshll.u32 s28, $0x1;
	[dreg:$0x2] =	wrdreg s3  }
0xa9: {  	[dreg:$0x3] =	wrdreg s5  }
0xaa: {  	[dreg:$0x4] =	wrdreg $0xC0  }
0xab: {  	_ =	task [dreg:s7], $0x5FFFF  }
0xac: {  	[dreg:$0x1] =	wrdreg $0xFFFFFFFF  }
0xad: {  	[dreg:$0x0] =	wrdreg $0x60  }
0xae: {  	[dreg:$0x2] =	wrdreg s24  }
0xaf: {  	[dreg:$0x3] =	wrdreg s2  }
0xb0: {  	[dreg:$0x4] =	wrdreg $0x8000  }
0xb1: {  	[dreg:$0x5] =	wrdreg $0x9  }
0xb2: {  	_ =	task.clear_ibuf [dreg:s7], $0x6FFFF;
	_ =	strace $0x90000049  }
0xb3: {  	s29 =	simm.s32 $0x9;
	_ =	strace $0x8000004B  }
0xb4: {  	_ =	swait.ge [sflag:s29], $0x1  }
0xb5: {  	[sflag:s29] =	ssyncadd.s32 $0xFFFFFFFF  }
0xb6: {  	_ =	strace $0x9000004B  }
0xb7: {  	_ =	sfence  }
0xb8: {  	s30 =	sld [smem:$0x0];
	_ =	sdelay $0x2  }
0xb9: {  	s31 =	sshll.u32 s1, $0xD;
	s1 =	sshrl.u32 s1, $0x2  }
0xba: {  	s3 =	sand.u32 $0x4000, s31;
	s1 =	sadd.s32 s1, s30  }
0xbb: {  	s0 =	sor.u32 s3, s0;
	s1 =	sshll.u32 s1, $0x11  }
0xbc: {  	s0 =	sor.u32 s1, s0  }
0xbd: {  	s0 =	sadd.s32 $0x8F2B, s0  }
0xbe: {  	[sflag:s0] =	ssyncadd.remote.s32 $0x1  }
0xbf: {  	_ =	sfence.sel $0xFFFF  }
0xc0: {  	[dreg:$0x0] =	wrdreg $0xFFFFFFFF;
	(pc) =	sbr.abs _section_cstart, $3  }
0xc1: {  	[dreg:$0x1] =	wrdreg $0xFFFFFFFF  }
0xc2: {  	_ =	task.clear_ibuf [dreg:s7], $0x2FFFF;
	_ =	strace $0x9FFFFFFF  }
0xc3: {  	(tm) =	ssettm $0x7FFFFFFF  }
tec
execute0_lowered:
.L_overlay_start_1:
0x0: {  	(tag) =	ssettag $0x1  }
0x1: {  	s10 =	stileid.u32  }
0x2: {  	s3 =	smul.u32 $0x62000, s10  }
0x3: {  	s0 =	rddreg [dreg:$0x0]  }
0x4: {  	s2 =	rddreg [dreg:$0x2];
	s4 =	simm.s32 $0x0;
	s3 =	sshrl.u32 s3, $0x2  }
0x5: {  	[smem:$0x7FF] =	sst s4;
	s11 =	sadd.s32 s3, s2  }
0x6: {  	_ =	strace $0x8000004A;
	s3 =	sadd.s32 $0x1000, s11;
	[dreg:$0x4] =	wrdreg s11  }
0x7: {  	s15 =	sadd.s32 $0x2000, s11;
	[dreg:$0x5] =	wrdreg s3  }
0x8: {  	s16 =	sadd.s32 $0x3000, s11;
	[dreg:$0x6] =	wrdreg s15  }
0x9: {  	s17 =	sadd.s32 $0x4000, s11;
	[dreg:$0x7] =	wrdreg s16  }
0xa: {  	s18 =	sadd.s32 $0x5000, s11;
	[dreg:$0x8] =	wrdreg s17  }
0xb: {  	s1 =	srdreg.scid;
	s19 =	sadd.s32 $0x6000, s11;
	[dreg:$0x9] =	wrdreg s18  }
0xc: {  	s28 =	simm.s32 $0x3;
	s20 =	sadd.s32 $0x7000, s11;
	[dreg:$0xa] =	wrdreg s19  }
0xd: {  	s29 =	simm.s32 $0x500;
	s21 =	sadd.s32 $0x8000, s11;
	[dreg:$0xb] =	wrdreg s20  }
0xe: {  	s1 =	sand.u32 $0x1, s1;
	s22 =	sadd.s32 $0x9000, s11;
	[dreg:$0xc] =	wrdreg s21  }
0xf: {  	s8 =	ssub.s32 $0x2, s1;
	s24 =	sadd.s32 $0xA000, s11;
	[dreg:$0xd] =	wrdreg s22  }
0x10: {  	s9 =	sshrl.u32 s8, $0x1;
	s26 =	sadd.s32 $0xB000, s11;
	[dreg:$0xe] =	wrdreg s24  }
0x11: {  	s8 =	ssub.s32 s8, s9;
	s9 =	sadd.s32 $0xC000, s11;
	[dreg:$0xf] =	wrdreg s26  }
0x12: {  	s30 =	simm.s32 $0x300;
	s12 =	smax.u32 s8, $0x1;
	[dreg:$0x12] =	wrdreg s9  }
0x13: {  	s31 =	simm.s32 $0x4;
	s13 =	sadd.s32 $0xD000, s11;
	[dreg:$0x13] =	wrdreg s12  }
0x14: {  	s5 =	sadd.s32 $0x9BC000, s0;
	[dreg:$0x14] =	wrdreg s13;
	s16 =	sadd.s32 $0xF000, s11  }
0x15: {  	s6 =	sadd.s32 $0x9D5000, s0;
	s18 =	sadd.s32 $0x10000, s11;
	[dreg:$0x16] =	wrdreg s16  }
0x16: {  	s7 =	sadd.s32 $0x1400, s0;
	s19 =	sadd.s32 $0x11000, s11;
	[dreg:$0x17] =	wrdreg s18  }
0x17: {  	s0 =	sadd.s32 $0xC5400, s0;
	s20 =	sadd.s32 $0x12000, s11;
	[dreg:$0x18] =	wrdreg s19  }
0x18: {  	s14 =	smul.u32 $0xC40, s10;
	s21 =	sadd.s32 $0x13000, s11;
	[dreg:$0x19] =	wrdreg s20  }
0x19: {  	s8 =	simm.s32 $0x780;
	s22 =	sadd.s32 $0x14000, s11;
	[dreg:$0x1a] =	wrdreg s21  }
0x1a: {  	s15 =	smul.u32 $0x18800, s1;
	s24 =	sadd.s32 $0x16000, s11;
	[dreg:$0x1b] =	wrdreg s22  }
0x1b: {  	s26 =	sadd.s32 $0x18000, s11;
	s12 =	simm.s32 $0x80;
	[dreg:$0x1d] =	wrdreg s24  }
0x1c: {  	s13 =	simm.s32 $0x1A000;
	[dreg:$0x1f] =	wrdreg s26;
	s16 =	simm.s32 $0x1C000  }
0x1d: {  	s18 =	simm.s32 $0x1D000;
	s19 =	simm.s32 $0x1;
	s24 =	simm.s32 $0x2  }
0x1e: {  	s26 =	simm.s32 $0x280;
	s20 =	simm.s32 $0x680;
	s21 =	simm.s32 $0x700  }
0x1f: {  	s23 =	sadd.s32 s14, s15;
	s17 =	sadd.s32 $0xC400, s15;
	v0 =	vmov s15;
	s15 =	simm.s32 $0x0  }
0x20: {  	s1 =	sshll.u32 s23, $0x2;
	s25 =	sadd.s32 s14, s17;
	s14 =	sadd.s32 $0xE000, s11  }
0x21: {  	s23 =	sadd.s32 $0x15000, s11;
	s1 =	sadd.s32 s0, s1;
	[dreg:$0x15] =	wrdreg s14  }
0x22: {  	s3 =	sshll.u32 s25, $0x2;
	[dreg:$0x1c] =	wrdreg s23;
	s25 =	sadd.s32 $0x17000, s11  }
0x23: {  	s23 =	smul.u32 $0xC800, s10;
	s10 =	simm.s32 $0x5;
	s11 =	simm.s32 $0x400  }
0x24: {  	s14 =	simm.s32 $0x1B000;
	[dreg:$0x10] =	wrdreg s1;
	s0 =	sadd.s32 s0, s3  }
0x25: {  	[dreg:$0x1e] =	wrdreg s25;
	s25 =	simm.s32 $0x480;
	s1 =	simm.s32 $0x380  }
0x26: {  	v1 =	vmov s17;
	s3 =	simm.s32 $0x600;
	[dreg:$0x11] =	wrdreg s0;
	s0 =	simm.s32 $0x580  }
.LBB2_1:
0x27: {  	[smem:$0x7FD] =	sst s15  }
0x28: {  	s9 =	rddreg [dreg:$0x1];
	s15 =	simm.s32 $0x19000  }
0x29: {  	[tilespmem:s15], [sflag:$0x5] =	stream.linear.gather [hbm4b:s9+s4], $0x1000, $0x38;
	[tilespmem:$0x1E000] =	vst v63  }
0x2a: {  	_ =	swait.ge [sflag:s10], $0x1000  }
0x2b: {  	[sflag:s10] =	ssyncset.done $0x0  }
0x2c: {  	s22 =	rddreg [dreg:$0x4];
	[sflag:s10] =	ssyncadd.s32 $0xFFFFF000  }
0x2d: {  	[spmem:s22] =	stream.linear.scatter [tilespmem:s15], [sflag:$0x5], $0x1000, $0x38;
	[tilespmem:$0x1E000] =	vst v63  }
0x2e: {  	_ =	swait.ge [sflag:s10], $0x1000  }
0x2f: {  	[sflag:s10] =	ssyncset.done $0x0  }
0x30: {  	s17 =	rddreg [dreg:$0x5];
	[sflag:s10] =	ssyncadd.s32 $0xFFFFF000  }
0x31: {  	[spmem:s17] =	stream.linear.scatter [tilespmem:s15], [sflag:$0x5], $0x1000, $0x38;
	[tilespmem:$0x1E000] =	vst v63  }
0x32: {  	_ =	swait.ge [sflag:s10], $0x1000  }
0x33: {  	[sflag:s10] =	ssyncset.done $0x0  }
0x34: {  	s22 =	rddreg [dreg:$0x6];
	[sflag:s10] =	ssyncadd.s32 $0xFFFFF000  }
0x35: {  	[spmem:s22] =	stream.linear.scatter [tilespmem:s15], [sflag:$0x5], $0x1000, $0x38;
	[tilespmem:$0x1E000] =	vst v63  }
0x36: {  	_ =	swait.ge [sflag:s10], $0x1000  }
0x37: {  	[sflag:s10] =	ssyncset.done $0x0  }
0x38: {  	s17 =	rddreg [dreg:$0x7];
	[sflag:s10] =	ssyncadd.s32 $0xFFFFF000  }
0x39: {  	[spmem:s17] =	stream.linear.scatter [tilespmem:s15], [sflag:$0x5], $0x1000, $0x38;
	[tilespmem:$0x1E000] =	vst v63  }
0x3a: {  	_ =	swait.ge [sflag:s10], $0x1000  }
0x3b: {  	[sflag:s10] =	ssyncset.done $0x0  }
0x3c: {  	s22 =	rddreg [dreg:$0x8];
	[sflag:s10] =	ssyncadd.s32 $0xFFFFF000  }
0x3d: {  	[spmem:s22] =	stream.linear.scatter [tilespmem:s15], [sflag:$0x5], $0x1000, $0x38;
	[tilespmem:$0x1E000] =	vst v63  }
0x3e: {  	_ =	swait.ge [sflag:s10], $0x1000  }
0x3f: {  	[sflag:s10] =	ssyncset.done $0x0  }
0x40: {  	s17 =	rddreg [dreg:$0x9];
	[sflag:s10] =	ssyncadd.s32 $0xFFFFF000  }
0x41: {  	[spmem:s17] =	stream.linear.scatter [tilespmem:s15], [sflag:$0x5], $0x1000, $0x38;
	[tilespmem:$0x1E000] =	vst v63  }
0x42: {  	_ =	swait.ge [sflag:s10], $0x1000  }
0x43: {  	[sflag:s10] =	ssyncset.done $0x0  }
0x44: {  	s22 =	rddreg [dreg:$0xa];
	[sflag:s10] =	ssyncadd.s32 $0xFFFFF000  }
0x45: {  	[spmem:s22] =	stream.linear.scatter [tilespmem:s15], [sflag:$0x5], $0x1000, $0x38;
	[tilespmem:$0x1E000] =	vst v63  }
0x46: {  	_ =	swait.ge [sflag:s10], $0x1000  }
0x47: {  	[sflag:s10] =	ssyncset.done $0x0  }
0x48: {  	s17 =	rddreg [dreg:$0xb];
	[sflag:s10] =	ssyncadd.s32 $0xFFFFF000  }
0x49: {  	[spmem:s17] =	stream.linear.scatter [tilespmem:s15], [sflag:$0x5], $0x1000, $0x38;
	[tilespmem:$0x1E000] =	vst v63  }
0x4a: {  	_ =	swait.ge [sflag:s10], $0x1000  }
0x4b: {  	[sflag:s10] =	ssyncset.done $0x0  }
0x4c: {  	s22 =	rddreg [dreg:$0xc];
	[sflag:s10] =	ssyncadd.s32 $0xFFFFF000  }
0x4d: {  	[spmem:s22] =	stream.linear.scatter [tilespmem:s15], [sflag:$0x5], $0x1000, $0x38;
	[tilespmem:$0x1E000] =	vst v63  }
0x4e: {  	_ =	swait.ge [sflag:s10], $0x1000  }
0x4f: {  	[sflag:s10] =	ssyncset.done $0x0  }
0x50: {  	s17 =	rddreg [dreg:$0xd];
	[sflag:s10] =	ssyncadd.s32 $0xFFFFF000  }
0x51: {  	[spmem:s17] =	stream.linear.scatter [tilespmem:s15], [sflag:$0x5], $0x1000, $0x38;
	[tilespmem:$0x1E000] =	vst v63  }
0x52: {  	_ =	swait.ge [sflag:s10], $0x1000  }
0x53: {  	[sflag:s10] =	ssyncset.done $0x0  }
0x54: {  	s22 =	rddreg [dreg:$0xe];
	[sflag:s10] =	ssyncadd.s32 $0xFFFFF000  }
0x55: {  	[spmem:s22] =	stream.linear.scatter [tilespmem:s15], [sflag:$0x5], $0x1000, $0x38;
	[tilespmem:$0x1E000] =	vst v63  }
0x56: {  	_ =	swait.ge [sflag:s10], $0x1000  }
0x57: {  	[sflag:s10] =	ssyncset.done $0x0  }
0x58: {  	s17 =	rddreg [dreg:$0xf];
	[sflag:s10] =	ssyncadd.s32 $0xFFFFF000  }
0x59: {  	[spmem:s17] =	stream.linear.scatter [tilespmem:s15], [sflag:$0x5], $0x1000, $0x38;
	[tilespmem:$0x1E000] =	vst v63  }
0x5a: {  	_ =	swait.ge [sflag:s10], $0x1000  }
0x5b: {  	[sflag:s10] =	ssyncset.done $0x0  }
0x5c: {  	s22 =	rddreg [dreg:$0x12];
	[sflag:s10] =	ssyncadd.s32 $0xFFFFF000  }
0x5d: {  	[spmem:s22] =	stream.linear.scatter [tilespmem:s15], [sflag:$0x5], $0x1000, $0x38;
	[tilespmem:$0x1E000] =	vst v63  }
0x5e: {  	_ =	swait.ge [sflag:s10], $0x1000  }
0x5f: {  	[sflag:s10] =	ssyncset.done $0x0  }
0x60: {  	s17 =	rddreg [dreg:$0x14];
	[sflag:s10] =	ssyncadd.s32 $0xFFFFF000  }
0x61: {  	[spmem:s17] =	stream.linear.scatter [tilespmem:s15], [sflag:$0x5], $0x1000, $0x38;
	[tilespmem:$0x1E000] =	vst v63  }
0x62: {  	_ =	swait.ge [sflag:s10], $0x1000  }
0x63: {  	[sflag:s10] =	ssyncset.done $0x0  }
0x64: {  	s22 =	rddreg [dreg:$0x15];
	[sflag:s10] =	ssyncadd.s32 $0xFFFFF000  }
0x65: {  	[spmem:s22] =	stream.linear.scatter [tilespmem:s15], [sflag:$0x5], $0x1000, $0x38;
	[tilespmem:$0x1E000] =	vst v63  }
0x66: {  	_ =	swait.ge [sflag:s10], $0x1000  }
0x67: {  	[sflag:s10] =	ssyncset.done $0x0  }
0x68: {  	s17 =	rddreg [dreg:$0x16];
	[sflag:s10] =	ssyncadd.s32 $0xFFFFF000  }
0x69: {  	[spmem:s17] =	stream.linear.scatter [tilespmem:s15], [sflag:$0x5], $0x1000, $0x38;
	[tilespmem:$0x1E000] =	vst v63  }
0x6a: {  	_ =	swait.ge [sflag:s10], $0x1000  }
0x6b: {  	[sflag:s10] =	ssyncset.done $0x0  }
0x6c: {  	s22 =	rddreg [dreg:$0x17];
	[sflag:s10] =	ssyncadd.s32 $0xFFFFF000  }
0x6d: {  	[spmem:s22] =	stream.linear.scatter [tilespmem:s15], [sflag:$0x5], $0x1000, $0x38;
	[tilespmem:$0x1E000] =	vst v63  }
0x6e: {  	_ =	swait.ge [sflag:s10], $0x1000  }
0x6f: {  	[sflag:s10] =	ssyncset.done $0x0  }
0x70: {  	s17 =	rddreg [dreg:$0x18];
	[sflag:s10] =	ssyncadd.s32 $0xFFFFF000  }
0x71: {  	[spmem:s17] =	stream.linear.scatter [tilespmem:s15], [sflag:$0x5], $0x1000, $0x38;
	[tilespmem:$0x1E000] =	vst v63  }
0x72: {  	_ =	swait.ge [sflag:s10], $0x1000  }
0x73: {  	[sflag:s10] =	ssyncset.done $0x0  }
0x74: {  	s22 =	rddreg [dreg:$0x19];
	[sflag:s10] =	ssyncadd.s32 $0xFFFFF000  }
0x75: {  	[spmem:s22] =	stream.linear.scatter [tilespmem:s15], [sflag:$0x5], $0x1000, $0x38;
	[tilespmem:$0x1E000] =	vst v63  }
0x76: {  	_ =	swait.ge [sflag:s10], $0x1000  }
0x77: {  	[sflag:s10] =	ssyncset.done $0x0  }
0x78: {  	s17 =	rddreg [dreg:$0x1a];
	[sflag:s10] =	ssyncadd.s32 $0xFFFFF000  }
0x79: {  	[spmem:s17] =	stream.linear.scatter [tilespmem:s15], [sflag:$0x5], $0x1000, $0x38;
	[tilespmem:$0x1E000] =	vst v63  }
0x7a: {  	_ =	swait.ge [sflag:s10], $0x1000  }
0x7b: {  	[sflag:s10] =	ssyncset.done $0x0  }
0x7c: {  	s22 =	rddreg [dreg:$0x1b];
	[sflag:s10] =	ssyncadd.s32 $0xFFFFF000  }
0x7d: {  	[spmem:s22] =	stream.linear.scatter [tilespmem:s15], [sflag:$0x5], $0x1000, $0x38;
	[tilespmem:$0x1E000] =	vst v63  }
0x7e: {  	_ =	swait.ge [sflag:s10], $0x1000  }
0x7f: {  	[sflag:s10] =	ssyncset.done $0x0  }
0x80: {  	s17 =	rddreg [dreg:$0x1c];
	[sflag:s10] =	ssyncadd.s32 $0xFFFFF000  }
0x81: {  	[spmem:s17] =	stream.linear.scatter [tilespmem:s15], [sflag:$0x5], $0x1000, $0x38;
	[tilespmem:$0x1E000] =	vst v63  }
0x82: {  	_ =	swait.ge [sflag:s10], $0x1000  }
0x83: {  	[sflag:s10] =	ssyncset.done $0x0  }
0x84: {  	s22 =	rddreg [dreg:$0x1d];
	[sflag:s10] =	ssyncadd.s32 $0xFFFFF000  }
0x85: {  	[spmem:s22] =	stream.linear.scatter [tilespmem:s15], [sflag:$0x5], $0x1000, $0x38;
	[tilespmem:$0x1E000] =	vst v63  }
0x86: {  	_ =	swait.ge [sflag:s10], $0x1000  }
0x87: {  	[sflag:s10] =	ssyncset.done $0x0  }
0x88: {  	s17 =	rddreg [dreg:$0x1e];
	[sflag:s10] =	ssyncadd.s32 $0xFFFFF000  }
0x89: {  	[spmem:s17] =	stream.linear.scatter [tilespmem:s15], [sflag:$0x5], $0x1000, $0x38;
	[tilespmem:$0x1E000] =	vst v63  }
0x8a: {  	_ =	swait.ge [sflag:s10], $0x1000  }
0x8b: {  	[sflag:s10] =	ssyncset.done $0x0  }
0x8c: {  	s22 =	rddreg [dreg:$0x1f];
	[sflag:s10] =	ssyncadd.s32 $0xFFFFF000  }
0x8d: {  	[spmem:s22] =	stream.linear.scatter [tilespmem:s15], [sflag:$0x5], $0x800, $0x38;
	[tilespmem:$0x1E000] =	vst v63  }
0x8e: {  	_ =	swait.ge [sflag:s10], $0x800  }
0x8f: {  	[sflag:s10] =	ssyncset.done $0x0  }
0x90: {  	[sflag:s10] =	ssyncadd.s32 $0xFFFFF800  }
0x91: {  	s9 =	simm.s32 $0x0;
	[bflag:$0x0] =	sbarrier.arrive $0xFFFF  }
.LBB2_2:
0x92: {  	s15 =	sshll.u32 s9, $0xA  }
0x93: {  	s15 =	sadd.s32 s23, s15  }
0x94: {  	s15 =	sshrl.u32 s15, $0x3  }
0x95: {  	s17 =	sadd.s32 s5, s15  }
0x96: {  	[tilespmem:s4], [sflag:$0x5] =	stream.linear.gather [hbm4b:s17+s4], $0x400, $0x38;
	[tilespmem:$0x1E000] =	vst v63  }
0x97: {  	_ =	swait.ge [sflag:s10], $0x400  }
0x98: {  	[sflag:s10] =	ssyncset.done $0x0  }
0x99: {  	s15 =	sadd.s32 s6, s15;
	[sflag:s10] =	ssyncadd.s32 $0xFFFFFC00  }
0x9a: {  	[tilespmem:s11], [sflag:$0x5] =	stream.linear.gather [hbm4b:s15+s4], $0x400, $0x38;
	[tilespmem:$0x1E000] =	vst v63  }
0x9b: {  	_ =	swait.ge [sflag:s10], $0x400  }
0x9c: {  	[sflag:s10] =	ssyncset.done $0x0  }
0x9d: {  	s15 =	simm.s32 $0x40;
	[sflag:s10] =	ssyncadd.s32 $0xFFFFFC00  }
0x9e: {  	v4 =	vld [tilespmem:s15+$0xFFFFFFC0]  }
0x9f: {  	v5 =	vld [tilespmem:s15+$0xFFFFFFD0]  }
0xa0: {  	v6 =	vld [tilespmem:s15+$0xFFFFFFE0]  }
0xa1: {  	v3 =	vld [tilespmem:s15+$0x0]  }
0xa2: {  	v2 =	vld [tilespmem:s15+$0x10]  }
0xa3: {  	v7 =	vadd.s32 v0, v4;
	v4 =	vld [tilespmem:s15+$0x20]  }
0xa4: {  	[tilespmem:s15+$0xFFFFFFC0] =	vst v7;
	v7 =	vadd.s32 v0, v5;
	v5 =	vld [tilespmem:s15+$0x30]  }
0xa5: {  	s22 =	simm.s32 $0xC0;
	s17 =	simm.s32 $0x0;
	[tilespmem:s15+$0xFFFFFFD0] =	vst v7;
	v7 =	vadd.s32 v0, v6;
	v6 =	vld [tilespmem:s15+$0xFFFFFFF0]  }
.LBB2_3:
0xa6: {  	v8 =	vld [tilespmem:s22+$0xFFFFFFC0];
	[tilespmem:s15+$0xFFFFFFE0] =	vst v7;
	v3 =	vadd.s32 v0, v3  }
0xa7: {  	s17 =	sadd.s32 $0x8, s17;
	v7 =	vld [tilespmem:s22+$0xFFFFFFD0];
	[tilespmem:s15+$0x0] =	vst v3;
	v2 =	vadd.s32 v0, v2  }
0xa8: {  	p0 =	slt.u32 s17, $0x38;
	v9 =	vld [tilespmem:s22+$0xFFFFFFE0];
	[tilespmem:s15+$0x10] =	vst v2;
	v2 =	vadd.s32 v0, v4  }
.Ltmp0:
0xa9: {  	v3 =	vld [tilespmem:s22+$0x0];
	[tilespmem:s15+$0x20] =	vst v2;
	v4 =	vadd.s32 v0, v5;
	(pc) =	sbr.rel @p0 .LBB2_3-.Ltmp0, $4  }
0xaa: {  	v2 =	vld [tilespmem:s22+$0x10];
	v5 =	vadd.s32 v0, v6;
	[tilespmem:s15+$0x30] =	vst v4  }
0xab: {  	v6 =	vadd.s32 v0, v8;
	v4 =	vld [tilespmem:s22+$0x20];
	[tilespmem:s15+$0xFFFFFFF0] =	vst v5;
	s15 =	smov.u32 s22  }
0xac: {  	[tilespmem:s22+$0xFFFFFFC0] =	vst v6;
	v6 =	vadd.s32 v0, v7;
	v5 =	vld [tilespmem:s22+$0x30]  }
0xad: {  	s22 =	sadd.s32 $0x80, s22;
	[tilespmem:s15+$0xFFFFFFD0] =	vst v6;
	v7 =	vadd.s32 v0, v9;
	v6 =	vld [tilespmem:s15+$0xFFFFFFF0]  }
0xae: {  	[tilespmem:s15+$0xFFFFFFE0] =	vst v7;
	v3 =	vadd.s32 v0, v3  }
0xaf: {  	[tilespmem:s15+$0x0] =	vst v3;
	v2 =	vadd.s32 v0, v2  }
0xb0: {  	[tilespmem:s15+$0x10] =	vst v2;
	v2 =	vadd.s32 v0, v4  }
0xb1: {  	[tilespmem:s15+$0x20] =	vst v2;
	v2 =	vadd.s32 v0, v5  }
0xb2: {  	v3 =	vadd.s32 v0, v6;
	[tilespmem:s15+$0x30] =	vst v2  }
0xb3: {  	[tilespmem:s15+$0xFFFFFFF0] =	vst v3  }
0xb4: {  	[tilespmem:s13], [sflag:$0x1] =	stream.indirect.gather [hbm4b:s7+s12], $0x20, s4, s12, $0xb8;
	[tilespmem:$0x1E000] =	vst v63  }
0xb5: {  	_ = 	snop  }
0xb6: {  	[tilespmem:s14], [sflag:$0x2] =	stream.indirect.gather [hbm4b:s7+s12], $0x20, s12, s12, $0xb8;
	[tilespmem:$0x1E000] =	vst v63  }
0xb7: {  	s22 =	simm.s32 $0x100  }
0xb8: {  	[tilespmem:s16], [sflag:$0x3] =	stream.indirect.gather [hbm4b:s7+s12], $0x20, s22, s12, $0xb8;
	[tilespmem:$0x1E000] =	vst v63  }
0xb9: {  	s17 =	simm.s32 $0x180  }
0xba: {  	[tilespmem:s18], [sflag:$0x4] =	stream.indirect.gather [hbm4b:s7+s12], $0x20, s17, s12, $0xb8;
	[tilespmem:$0x1E000] =	vst v63  }
0xbb: {  	_ =	swait.ge [sflag:s19], $0x1000  }
0xbc: {  	[sflag:s19] =	ssyncset.done $0x0  }
0xbd: {  	[sflag:s19] =	ssyncadd.s32 $0xFFFFF000  }
0xbe: {  	[spmem:s2] =	stream.indirect.scatter.add.f32 [tilespmem:s13], [sflag:$0x5], $0x20, s11, s12, $0xb8;
	[tilespmem:$0x1E000] =	vst v63  }
0xbf: {  	_ =	swait.ge [sflag:s10], $0x1000  }
0xc0: {  	[sflag:s10] =	ssyncset.done $0x0  }
0xc1: {  	s22 =	simm.s32 $0x200;
	[sflag:s10] =	ssyncadd.s32 $0xFFFFF000  }
0xc2: {  	[tilespmem:s13], [sflag:$0x1] =	stream.indirect.gather [hbm4b:s7+s12], $0x20, s22, s12, $0xb8;
	[tilespmem:$0x1E000] =	vst v63  }
0xc3: {  	_ =	swait.ge [sflag:s24], $0x1000  }
0xc4: {  	[sflag:s24] =	ssyncset.done $0x0  }
0xc5: {  	[sflag:s24] =	ssyncadd.s32 $0xFFFFF000  }
0xc6: {  	[spmem:s2] =	stream.indirect.scatter.add.f32 [tilespmem:s14], [sflag:$0x5], $0x20, s25, s12, $0xb8;
	[tilespmem:$0x1E000] =	vst v63  }
0xc7: {  	_ =	swait.ge [sflag:s10], $0x1000  }
0xc8: {  	[sflag:s10] =	ssyncset.done $0x0  }
0xc9: {  	[sflag:s10] =	ssyncadd.s32 $0xFFFFF000  }
0xca: {  	[tilespmem:s14], [sflag:$0x2] =	stream.indirect.gather [hbm4b:s7+s12], $0x20, s26, s12, $0xb8;
	[tilespmem:$0x1E000] =	vst v63  }
0xcb: {  	_ =	swait.ge [sflag:s28], $0x1000  }
0xcc: {  	[sflag:s28] =	ssyncset.done $0x0  }
0xcd: {  	[sflag:s28] =	ssyncadd.s32 $0xFFFFF000  }
0xce: {  	[spmem:s2] =	stream.indirect.scatter.add.f32 [tilespmem:s16], [sflag:$0x5], $0x20, s29, s12, $0xb8;
	[tilespmem:$0x1E000] =	vst v63  }
0xcf: {  	_ =	swait.ge [sflag:s10], $0x1000  }
0xd0: {  	[sflag:s10] =	ssyncset.done $0x0  }
0xd1: {  	[sflag:s10] =	ssyncadd.s32 $0xFFFFF000  }
0xd2: {  	[tilespmem:s16], [sflag:$0x3] =	stream.indirect.gather [hbm4b:s7+s12], $0x20, s30, s12, $0xb8;
	[tilespmem:$0x1E000] =	vst v63  }
0xd3: {  	_ =	swait.ge [sflag:s31], $0x1000  }
0xd4: {  	[sflag:s31] =	ssyncset.done $0x0  }
0xd5: {  	[sflag:s31] =	ssyncadd.s32 $0xFFFFF000  }
0xd6: {  	[spmem:s2] =	stream.indirect.scatter.add.f32 [tilespmem:s18], [sflag:$0x5], $0x20, s0, s12, $0xb8;
	[tilespmem:$0x1E000] =	vst v63  }
0xd7: {  	_ =	swait.ge [sflag:s10], $0x1000  }
0xd8: {  	[sflag:s10] =	ssyncset.done $0x0  }
0xd9: {  	[sflag:s10] =	ssyncadd.s32 $0xFFFFF000  }
0xda: {  	[tilespmem:s18], [sflag:$0x4] =	stream.indirect.gather [hbm4b:s7+s12], $0x20, s1, s12, $0xb8;
	[tilespmem:$0x1E000] =	vst v63  }
0xdb: {  	_ =	swait.ge [sflag:s19], $0x1000  }
0xdc: {  	[sflag:s19] =	ssyncset.done $0x0  }
0xdd: {  	[sflag:s19] =	ssyncadd.s32 $0xFFFFF000  }
0xde: {  	[spmem:s2] =	stream.indirect.scatter.add.f32 [tilespmem:s13], [sflag:$0x5], $0x20, s3, s12, $0xb8;
	[tilespmem:$0x1E000] =	vst v63  }
0xdf: {  	_ =	swait.ge [sflag:s10], $0x1000  }
0xe0: {  	[sflag:s10] =	ssyncset.done $0x0  }
0xe1: {  	[sflag:s10] =	ssyncadd.s32 $0xFFFFF000  }
0xe2: {  	_ =	swait.ge [sflag:s24], $0x1000  }
0xe3: {  	[sflag:s24] =	ssyncset.done $0x0  }
0xe4: {  	[sflag:s24] =	ssyncadd.s32 $0xFFFFF000  }
0xe5: {  	[spmem:s2] =	stream.indirect.scatter.add.f32 [tilespmem:s14], [sflag:$0x5], $0x20, s20, s12, $0xb8;
	[tilespmem:$0x1E000] =	vst v63  }
0xe6: {  	_ =	swait.ge [sflag:s10], $0x1000  }
0xe7: {  	[sflag:s10] =	ssyncset.done $0x0  }
0xe8: {  	[sflag:s10] =	ssyncadd.s32 $0xFFFFF000  }
0xe9: {  	_ =	swait.ge [sflag:s28], $0x1000  }
0xea: {  	[sflag:s28] =	ssyncset.done $0x0  }
0xeb: {  	[sflag:s28] =	ssyncadd.s32 $0xFFFFF000  }
0xec: {  	[spmem:s2] =	stream.indirect.scatter.add.f32 [tilespmem:s16], [sflag:$0x5], $0x20, s21, s12, $0xb8;
	[tilespmem:$0x1E000] =	vst v63  }
0xed: {  	_ =	swait.ge [sflag:s10], $0x1000  }
0xee: {  	[sflag:s10] =	ssyncset.done $0x0  }
0xef: {  	[sflag:s10] =	ssyncadd.s32 $0xFFFFF000  }
0xf0: {  	s9 =	sadd.s32 $0x1, s9;
	_ =	swait.ge [sflag:s31], $0x1000  }
0xf1: {  	p0 =	sne.s32 s9, $0x32;
	[sflag:s31] =	ssyncset.done $0x0  }
.Ltmp1:
0xf2: {  	[sflag:s31] =	ssyncadd.s32 $0xFFFFF000;
	(pc) =	sbr.rel @p0 .LBB2_2-.Ltmp1, $4  }
0xf3: {  	[spmem:s2] =	stream.indirect.scatter.add.f32 [tilespmem:s18], [sflag:$0x5], $0x20, s8, s12, $0xb8;
	[tilespmem:$0x1E000] =	vst v63  }
0xf4: {  	_ =	swait.ge [sflag:s10], $0x1000  }
0xf5: {  	[sflag:s10] =	ssyncset.done $0x0  }
0xf6: {  	[sflag:s10] =	ssyncadd.s32 $0xFFFFF000  }
0xf7: {  	s9 =	stileid.u32;
	[bflag:$0x0] =	sbarrier.arrive $0xFFFF  }
0xf8: {  	s9 =	sshll.u32 s9, $0x6;
	s15 =	rddreg [dreg:$0x10]  }
0xf9: {  	s17 =	sor.u32 $0x1C05, s9;
	s9 =	rddreg [dreg:$0x4]  }
0xfa: {  	s22 =	sshrl.u32 s9, $0x3;
	[smem:$0x7FB] =	sst s17  }
0xfb: {  	[smem:$0x7FC] =	sst s22  }
0xfc: {  	[hbm:s15], [sflag:s17] =	dma.local [spmem:s22], $0x3100  }
0xfd: {  	_ =	swait.ge [sflag:s10], $0x3100  }
0xfe: {  	[sflag:s10] =	ssyncset.done $0x0  }
0xff: {  	[sflag:s10] =	ssyncadd.s32 $0xFFFFCF00  }
0x100: {  	s15 =	simm.s32 $0x19000;
	[bflag:$0x0] =	sbarrier.arrive $0xFFFF  }
0x101: {  	[spmem:s9] =	stream.linear.scatter [tilespmem:s15], [sflag:$0x5], $0x1000, $0x38;
	[tilespmem:$0x1E000] =	vst v63  }
0x102: {  	_ =	swait.ge [sflag:s10], $0x1000  }
0x103: {  	[sflag:s10] =	ssyncset.done $0x0  }
0x104: {  	s17 =	rddreg [dreg:$0x5];
	[sflag:s10] =	ssyncadd.s32 $0xFFFFF000  }
0x105: {  	[spmem:s17] =	stream.linear.scatter [tilespmem:s15], [sflag:$0x5], $0x1000, $0x38;
	[tilespmem:$0x1E000] =	vst v63  }
0x106: {  	_ =	swait.ge [sflag:s10], $0x1000  }
0x107: {  	[sflag:s10] =	ssyncset.done $0x0  }
0x108: {  	s22 =	rddreg [dreg:$0x6];
	[sflag:s10] =	ssyncadd.s32 $0xFFFFF000  }
0x109: {  	[spmem:s22] =	stream.linear.scatter [tilespmem:s15], [sflag:$0x5], $0x1000, $0x38;
	[tilespmem:$0x1E000] =	vst v63  }
0x10a: {  	_ =	swait.ge [sflag:s10], $0x1000  }
0x10b: {  	[sflag:s10] =	ssyncset.done $0x0  }
0x10c: {  	s17 =	rddreg [dreg:$0x7];
	[sflag:s10] =	ssyncadd.s32 $0xFFFFF000  }
0x10d: {  	[spmem:s17] =	stream.linear.scatter [tilespmem:s15], [sflag:$0x5], $0x1000, $0x38;
	[tilespmem:$0x1E000] =	vst v63  }
0x10e: {  	_ =	swait.ge [sflag:s10], $0x1000  }
0x10f: {  	[sflag:s10] =	ssyncset.done $0x0  }
0x110: {  	s22 =	rddreg [dreg:$0x8];
	[sflag:s10] =	ssyncadd.s32 $0xFFFFF000  }
0x111: {  	[spmem:s22] =	stream.linear.scatter [tilespmem:s15], [sflag:$0x5], $0x1000, $0x38;
	[tilespmem:$0x1E000] =	vst v63  }
0x112: {  	_ =	swait.ge [sflag:s10], $0x1000  }
0x113: {  	[sflag:s10] =	ssyncset.done $0x0  }
0x114: {  	s17 =	rddreg [dreg:$0x9];
	[sflag:s10] =	ssyncadd.s32 $0xFFFFF000  }
0x115: {  	[spmem:s17] =	stream.linear.scatter [tilespmem:s15], [sflag:$0x5], $0x1000, $0x38;
	[tilespmem:$0x1E000] =	vst v63  }
0x116: {  	_ =	swait.ge [sflag:s10], $0x1000  }
0x117: {  	[sflag:s10] =	ssyncset.done $0x0  }
0x118: {  	s22 =	rddreg [dreg:$0xa];
	[sflag:s10] =	ssyncadd.s32 $0xFFFFF000  }
0x119: {  	[spmem:s22] =	stream.linear.scatter [tilespmem:s15], [sflag:$0x5], $0x1000, $0x38;
	[tilespmem:$0x1E000] =	vst v63  }
0x11a: {  	_ =	swait.ge [sflag:s10], $0x1000  }
0x11b: {  	[sflag:s10] =	ssyncset.done $0x0  }
0x11c: {  	s17 =	rddreg [dreg:$0xb];
	[sflag:s10] =	ssyncadd.s32 $0xFFFFF000  }
0x11d: {  	[spmem:s17] =	stream.linear.scatter [tilespmem:s15], [sflag:$0x5], $0x1000, $0x38;
	[tilespmem:$0x1E000] =	vst v63  }
0x11e: {  	_ =	swait.ge [sflag:s10], $0x1000  }
0x11f: {  	[sflag:s10] =	ssyncset.done $0x0  }
0x120: {  	s22 =	rddreg [dreg:$0xc];
	[sflag:s10] =	ssyncadd.s32 $0xFFFFF000  }
0x121: {  	[spmem:s22] =	stream.linear.scatter [tilespmem:s15], [sflag:$0x5], $0x1000, $0x38;
	[tilespmem:$0x1E000] =	vst v63  }
0x122: {  	_ =	swait.ge [sflag:s10], $0x1000  }
0x123: {  	[sflag:s10] =	ssyncset.done $0x0  }
0x124: {  	s17 =	rddreg [dreg:$0xd];
	[sflag:s10] =	ssyncadd.s32 $0xFFFFF000  }
0x125: {  	[spmem:s17] =	stream.linear.scatter [tilespmem:s15], [sflag:$0x5], $0x1000, $0x38;
	[tilespmem:$0x1E000] =	vst v63  }
0x126: {  	_ =	swait.ge [sflag:s10], $0x1000  }
0x127: {  	[sflag:s10] =	ssyncset.done $0x0  }
0x128: {  	s22 =	rddreg [dreg:$0xe];
	[sflag:s10] =	ssyncadd.s32 $0xFFFFF000  }
0x129: {  	[spmem:s22] =	stream.linear.scatter [tilespmem:s15], [sflag:$0x5], $0x1000, $0x38;
	[tilespmem:$0x1E000] =	vst v63  }
0x12a: {  	_ =	swait.ge [sflag:s10], $0x1000  }
0x12b: {  	[sflag:s10] =	ssyncset.done $0x0  }
0x12c: {  	s17 =	rddreg [dreg:$0xf];
	[sflag:s10] =	ssyncadd.s32 $0xFFFFF000  }
0x12d: {  	[spmem:s17] =	stream.linear.scatter [tilespmem:s15], [sflag:$0x5], $0x1000, $0x38;
	[tilespmem:$0x1E000] =	vst v63  }
0x12e: {  	_ =	swait.ge [sflag:s10], $0x1000  }
0x12f: {  	[sflag:s10] =	ssyncset.done $0x0  }
0x130: {  	s22 =	rddreg [dreg:$0x12];
	[sflag:s10] =	ssyncadd.s32 $0xFFFFF000  }
0x131: {  	[spmem:s22] =	stream.linear.scatter [tilespmem:s15], [sflag:$0x5], $0x1000, $0x38;
	[tilespmem:$0x1E000] =	vst v63  }
0x132: {  	_ =	swait.ge [sflag:s10], $0x1000  }
0x133: {  	[sflag:s10] =	ssyncset.done $0x0  }
0x134: {  	s17 =	rddreg [dreg:$0x14];
	[sflag:s10] =	ssyncadd.s32 $0xFFFFF000  }
0x135: {  	[spmem:s17] =	stream.linear.scatter [tilespmem:s15], [sflag:$0x5], $0x1000, $0x38;
	[tilespmem:$0x1E000] =	vst v63  }
0x136: {  	_ =	swait.ge [sflag:s10], $0x1000  }
0x137: {  	[sflag:s10] =	ssyncset.done $0x0  }
0x138: {  	s22 =	rddreg [dreg:$0x15];
	[sflag:s10] =	ssyncadd.s32 $0xFFFFF000  }
0x139: {  	[spmem:s22] =	stream.linear.scatter [tilespmem:s15], [sflag:$0x5], $0x1000, $0x38;
	[tilespmem:$0x1E000] =	vst v63  }
0x13a: {  	_ =	swait.ge [sflag:s10], $0x1000  }
0x13b: {  	[sflag:s10] =	ssyncset.done $0x0  }
0x13c: {  	s17 =	rddreg [dreg:$0x16];
	[sflag:s10] =	ssyncadd.s32 $0xFFFFF000  }
0x13d: {  	[spmem:s17] =	stream.linear.scatter [tilespmem:s15], [sflag:$0x5], $0x1000, $0x38;
	[tilespmem:$0x1E000] =	vst v63  }
0x13e: {  	_ =	swait.ge [sflag:s10], $0x1000  }
0x13f: {  	[sflag:s10] =	ssyncset.done $0x0  }
0x140: {  	s22 =	rddreg [dreg:$0x17];
	[sflag:s10] =	ssyncadd.s32 $0xFFFFF000  }
0x141: {  	[spmem:s22] =	stream.linear.scatter [tilespmem:s15], [sflag:$0x5], $0x1000, $0x38;
	[tilespmem:$0x1E000] =	vst v63  }
0x142: {  	_ =	swait.ge [sflag:s10], $0x1000  }
0x143: {  	[sflag:s10] =	ssyncset.done $0x0  }
0x144: {  	s17 =	rddreg [dreg:$0x18];
	[sflag:s10] =	ssyncadd.s32 $0xFFFFF000  }
0x145: {  	[spmem:s17] =	stream.linear.scatter [tilespmem:s15], [sflag:$0x5], $0x1000, $0x38;
	[tilespmem:$0x1E000] =	vst v63  }
0x146: {  	_ =	swait.ge [sflag:s10], $0x1000  }
0x147: {  	[sflag:s10] =	ssyncset.done $0x0  }
0x148: {  	s22 =	rddreg [dreg:$0x19];
	[sflag:s10] =	ssyncadd.s32 $0xFFFFF000  }
0x149: {  	[spmem:s22] =	stream.linear.scatter [tilespmem:s15], [sflag:$0x5], $0x1000, $0x38;
	[tilespmem:$0x1E000] =	vst v63  }
0x14a: {  	_ =	swait.ge [sflag:s10], $0x1000  }
0x14b: {  	[sflag:s10] =	ssyncset.done $0x0  }
0x14c: {  	s17 =	rddreg [dreg:$0x1a];
	[sflag:s10] =	ssyncadd.s32 $0xFFFFF000  }
0x14d: {  	[spmem:s17] =	stream.linear.scatter [tilespmem:s15], [sflag:$0x5], $0x1000, $0x38;
	[tilespmem:$0x1E000] =	vst v63  }
0x14e: {  	_ =	swait.ge [sflag:s10], $0x1000  }
0x14f: {  	[sflag:s10] =	ssyncset.done $0x0  }
0x150: {  	s22 =	rddreg [dreg:$0x1b];
	[sflag:s10] =	ssyncadd.s32 $0xFFFFF000  }
0x151: {  	[spmem:s22] =	stream.linear.scatter [tilespmem:s15], [sflag:$0x5], $0x1000, $0x38;
	[tilespmem:$0x1E000] =	vst v63  }
0x152: {  	_ =	swait.ge [sflag:s10], $0x1000  }
0x153: {  	[sflag:s10] =	ssyncset.done $0x0  }
0x154: {  	s17 =	rddreg [dreg:$0x1c];
	[sflag:s10] =	ssyncadd.s32 $0xFFFFF000  }
0x155: {  	[spmem:s17] =	stream.linear.scatter [tilespmem:s15], [sflag:$0x5], $0x1000, $0x38;
	[tilespmem:$0x1E000] =	vst v63  }
0x156: {  	_ =	swait.ge [sflag:s10], $0x1000  }
0x157: {  	[sflag:s10] =	ssyncset.done $0x0  }
0x158: {  	s22 =	rddreg [dreg:$0x1d];
	[sflag:s10] =	ssyncadd.s32 $0xFFFFF000  }
0x159: {  	[spmem:s22] =	stream.linear.scatter [tilespmem:s15], [sflag:$0x5], $0x1000, $0x38;
	[tilespmem:$0x1E000] =	vst v63  }
0x15a: {  	_ =	swait.ge [sflag:s10], $0x1000  }
0x15b: {  	[sflag:s10] =	ssyncset.done $0x0  }
0x15c: {  	s17 =	rddreg [dreg:$0x1e];
	[sflag:s10] =	ssyncadd.s32 $0xFFFFF000  }
0x15d: {  	[spmem:s17] =	stream.linear.scatter [tilespmem:s15], [sflag:$0x5], $0x1000, $0x38;
	[tilespmem:$0x1E000] =	vst v63  }
0x15e: {  	_ =	swait.ge [sflag:s10], $0x1000  }
0x15f: {  	[sflag:s10] =	ssyncset.done $0x0  }
0x160: {  	s22 =	rddreg [dreg:$0x1f];
	[sflag:s10] =	ssyncadd.s32 $0xFFFFF000  }
0x161: {  	[spmem:s22] =	stream.linear.scatter [tilespmem:s15], [sflag:$0x5], $0x800, $0x38;
	[tilespmem:$0x1E000] =	vst v63  }
0x162: {  	_ =	swait.ge [sflag:s10], $0x800  }
0x163: {  	[sflag:s10] =	ssyncset.done $0x0  }
0x164: {  	[sflag:s10] =	ssyncadd.s32 $0xFFFFF800  }
0x165: {  	s9 =	simm.s32 $0x0;
	[bflag:$0x0] =	sbarrier.arrive $0xFFFF  }
.LBB2_6:
0x166: {  	s15 =	sshll.u32 s9, $0xA  }
0x167: {  	s15 =	sadd.s32 s23, s15  }
0x168: {  	s15 =	sshrl.u32 s15, $0x3  }
0x169: {  	s17 =	sadd.s32 s5, s15  }
0x16a: {  	[tilespmem:s4], [sflag:$0x5] =	stream.linear.gather [hbm4b:s17+s4], $0x400, $0x38;
	[tilespmem:$0x1E000] =	vst v63  }
0x16b: {  	_ =	swait.ge [sflag:s10], $0x400  }
0x16c: {  	[sflag:s10] =	ssyncset.done $0x0  }
0x16d: {  	s15 =	sadd.s32 s6, s15;
	[sflag:s10] =	ssyncadd.s32 $0xFFFFFC00  }
0x16e: {  	[tilespmem:s11], [sflag:$0x5] =	stream.linear.gather [hbm4b:s15+s4], $0x400, $0x38;
	[tilespmem:$0x1E000] =	vst v63  }
0x16f: {  	_ =	swait.ge [sflag:s10], $0x400  }
0x170: {  	[sflag:s10] =	ssyncset.done $0x0  }
0x171: {  	s15 =	simm.s32 $0x40;
	[sflag:s10] =	ssyncadd.s32 $0xFFFFFC00  }
0x172: {  	v4 =	vld [tilespmem:s15+$0xFFFFFFC0]  }
0x173: {  	v5 =	vld [tilespmem:s15+$0xFFFFFFD0]  }
0x174: {  	v6 =	vld [tilespmem:s15+$0xFFFFFFE0]  }
0x175: {  	v3 =	vld [tilespmem:s15+$0x0]  }
0x176: {  	v2 =	vld [tilespmem:s15+$0x10]  }
0x177: {  	v7 =	vadd.s32 v1, v4;
	v4 =	vld [tilespmem:s15+$0x20]  }
0x178: {  	[tilespmem:s15+$0xFFFFFFC0] =	vst v7;
	v7 =	vadd.s32 v1, v5;
	v5 =	vld [tilespmem:s15+$0x30]  }
0x179: {  	s22 =	simm.s32 $0xC0;
	s17 =	simm.s32 $0x0;
	[tilespmem:s15+$0xFFFFFFD0] =	vst v7;
	v7 =	vadd.s32 v1, v6;
	v6 =	vld [tilespmem:s15+$0xFFFFFFF0]  }
.LBB2_7:
0x17a: {  	v8 =	vld [tilespmem:s22+$0xFFFFFFC0];
	[tilespmem:s15+$0xFFFFFFE0] =	vst v7;
	v3 =	vadd.s32 v1, v3  }
0x17b: {  	s17 =	sadd.s32 $0x8, s17;
	v7 =	vld [tilespmem:s22+$0xFFFFFFD0];
	[tilespmem:s15+$0x0] =	vst v3;
	v2 =	vadd.s32 v1, v2  }
0x17c: {  	p0 =	slt.u32 s17, $0x38;
	v9 =	vld [tilespmem:s22+$0xFFFFFFE0];
	[tilespmem:s15+$0x10] =	vst v2;
	v2 =	vadd.s32 v1, v4  }
.Ltmp2:
0x17d: {  	v3 =	vld [tilespmem:s22+$0x0];
	[tilespmem:s15+$0x20] =	vst v2;
	v4 =	vadd.s32 v1, v5;
	(pc) =	sbr.rel @p0 .LBB2_7-.Ltmp2, $4  }
0x17e: {  	v2 =	vld [tilespmem:s22+$0x10];
	v5 =	vadd.s32 v1, v6;
	[tilespmem:s15+$0x30] =	vst v4  }
0x17f: {  	v6 =	vadd.s32 v1, v8;
	v4 =	vld [tilespmem:s22+$0x20];
	[tilespmem:s15+$0xFFFFFFF0] =	vst v5;
	s15 =	smov.u32 s22  }
0x180: {  	[tilespmem:s22+$0xFFFFFFC0] =	vst v6;
	v6 =	vadd.s32 v1, v7;
	v5 =	vld [tilespmem:s22+$0x30]  }
0x181: {  	s22 =	sadd.s32 $0x80, s22;
	[tilespmem:s15+$0xFFFFFFD0] =	vst v6;
	v7 =	vadd.s32 v1, v9;
	v6 =	vld [tilespmem:s15+$0xFFFFFFF0]  }
0x182: {  	[tilespmem:s15+$0xFFFFFFE0] =	vst v7;
	v3 =	vadd.s32 v1, v3  }
0x183: {  	[tilespmem:s15+$0x0] =	vst v3;
	v2 =	vadd.s32 v1, v2  }
0x184: {  	[tilespmem:s15+$0x10] =	vst v2;
	v2 =	vadd.s32 v1, v4  }
0x185: {  	[tilespmem:s15+$0x20] =	vst v2;
	v2 =	vadd.s32 v1, v5  }
0x186: {  	v3 =	vadd.s32 v1, v6;
	[tilespmem:s15+$0x30] =	vst v2  }
0x187: {  	[tilespmem:s15+$0xFFFFFFF0] =	vst v3  }
0x188: {  	[tilespmem:s13], [sflag:$0x1] =	stream.indirect.gather [hbm4b:s7+s12], $0x20, s4, s12, $0xb8;
	[tilespmem:$0x1E000] =	vst v63  }
0x189: {  	_ = 	snop  }
0x18a: {  	[tilespmem:s14], [sflag:$0x2] =	stream.indirect.gather [hbm4b:s7+s12], $0x20, s12, s12, $0xb8;
	[tilespmem:$0x1E000] =	vst v63  }
0x18b: {  	s22 =	simm.s32 $0x100  }
0x18c: {  	[tilespmem:s16], [sflag:$0x3] =	stream.indirect.gather [hbm4b:s7+s12], $0x20, s22, s12, $0xb8;
	[tilespmem:$0x1E000] =	vst v63  }
0x18d: {  	s17 =	simm.s32 $0x180  }
0x18e: {  	[tilespmem:s18], [sflag:$0x4] =	stream.indirect.gather [hbm4b:s7+s12], $0x20, s17, s12, $0xb8;
	[tilespmem:$0x1E000] =	vst v63  }
0x18f: {  	_ =	swait.ge [sflag:s19], $0x1000  }
0x190: {  	[sflag:s19] =	ssyncset.done $0x0  }
0x191: {  	[sflag:s19] =	ssyncadd.s32 $0xFFFFF000  }
0x192: {  	[spmem:s2] =	stream.indirect.scatter.add.f32 [tilespmem:s13], [sflag:$0x5], $0x20, s11, s12, $0xb8;
	[tilespmem:$0x1E000] =	vst v63  }
0x193: {  	_ =	swait.ge [sflag:s10], $0x1000  }
0x194: {  	[sflag:s10] =	ssyncset.done $0x0  }
0x195: {  	s22 =	simm.s32 $0x200;
	[sflag:s10] =	ssyncadd.s32 $0xFFFFF000  }
0x196: {  	[tilespmem:s13], [sflag:$0x1] =	stream.indirect.gather [hbm4b:s7+s12], $0x20, s22, s12, $0xb8;
	[tilespmem:$0x1E000] =	vst v63  }
0x197: {  	_ =	swait.ge [sflag:s24], $0x1000  }
0x198: {  	[sflag:s24] =	ssyncset.done $0x0  }
0x199: {  	[sflag:s24] =	ssyncadd.s32 $0xFFFFF000  }
0x19a: {  	[spmem:s2] =	stream.indirect.scatter.add.f32 [tilespmem:s14], [sflag:$0x5], $0x20, s25, s12, $0xb8;
	[tilespmem:$0x1E000] =	vst v63  }
0x19b: {  	_ =	swait.ge [sflag:s10], $0x1000  }
0x19c: {  	[sflag:s10] =	ssyncset.done $0x0  }
0x19d: {  	[sflag:s10] =	ssyncadd.s32 $0xFFFFF000  }
0x19e: {  	[tilespmem:s14], [sflag:$0x2] =	stream.indirect.gather [hbm4b:s7+s12], $0x20, s26, s12, $0xb8;
	[tilespmem:$0x1E000] =	vst v63  }
0x19f: {  	_ =	swait.ge [sflag:s28], $0x1000  }
0x1a0: {  	[sflag:s28] =	ssyncset.done $0x0  }
0x1a1: {  	[sflag:s28] =	ssyncadd.s32 $0xFFFFF000  }
0x1a2: {  	[spmem:s2] =	stream.indirect.scatter.add.f32 [tilespmem:s16], [sflag:$0x5], $0x20, s29, s12, $0xb8;
	[tilespmem:$0x1E000] =	vst v63  }
0x1a3: {  	_ =	swait.ge [sflag:s10], $0x1000  }
0x1a4: {  	[sflag:s10] =	ssyncset.done $0x0  }
0x1a5: {  	[sflag:s10] =	ssyncadd.s32 $0xFFFFF000  }
0x1a6: {  	[tilespmem:s16], [sflag:$0x3] =	stream.indirect.gather [hbm4b:s7+s12], $0x20, s30, s12, $0xb8;
	[tilespmem:$0x1E000] =	vst v63  }
0x1a7: {  	_ =	swait.ge [sflag:s31], $0x1000  }
0x1a8: {  	[sflag:s31] =	ssyncset.done $0x0  }
0x1a9: {  	[sflag:s31] =	ssyncadd.s32 $0xFFFFF000  }
0x1aa: {  	[spmem:s2] =	stream.indirect.scatter.add.f32 [tilespmem:s18], [sflag:$0x5], $0x20, s0, s12, $0xb8;
	[tilespmem:$0x1E000] =	vst v63  }
0x1ab: {  	_ =	swait.ge [sflag:s10], $0x1000  }
0x1ac: {  	[sflag:s10] =	ssyncset.done $0x0  }
0x1ad: {  	[sflag:s10] =	ssyncadd.s32 $0xFFFFF000  }
0x1ae: {  	[tilespmem:s18], [sflag:$0x4] =	stream.indirect.gather [hbm4b:s7+s12], $0x20, s1, s12, $0xb8;
	[tilespmem:$0x1E000] =	vst v63  }
0x1af: {  	_ =	swait.ge [sflag:s19], $0x1000  }
0x1b0: {  	[sflag:s19] =	ssyncset.done $0x0  }
0x1b1: {  	[sflag:s19] =	ssyncadd.s32 $0xFFFFF000  }
0x1b2: {  	[spmem:s2] =	stream.indirect.scatter.add.f32 [tilespmem:s13], [sflag:$0x5], $0x20, s3, s12, $0xb8;
	[tilespmem:$0x1E000] =	vst v63  }
0x1b3: {  	_ =	swait.ge [sflag:s10], $0x1000  }
0x1b4: {  	[sflag:s10] =	ssyncset.done $0x0  }
0x1b5: {  	[sflag:s10] =	ssyncadd.s32 $0xFFFFF000  }
0x1b6: {  	_ =	swait.ge [sflag:s24], $0x1000  }
0x1b7: {  	[sflag:s24] =	ssyncset.done $0x0  }
0x1b8: {  	[sflag:s24] =	ssyncadd.s32 $0xFFFFF000  }
0x1b9: {  	[spmem:s2] =	stream.indirect.scatter.add.f32 [tilespmem:s14], [sflag:$0x5], $0x20, s20, s12, $0xb8;
	[tilespmem:$0x1E000] =	vst v63  }
0x1ba: {  	_ =	swait.ge [sflag:s10], $0x1000  }
0x1bb: {  	[sflag:s10] =	ssyncset.done $0x0  }
0x1bc: {  	[sflag:s10] =	ssyncadd.s32 $0xFFFFF000  }
0x1bd: {  	_ =	swait.ge [sflag:s28], $0x1000  }
0x1be: {  	[sflag:s28] =	ssyncset.done $0x0  }
0x1bf: {  	[sflag:s28] =	ssyncadd.s32 $0xFFFFF000  }
0x1c0: {  	[spmem:s2] =	stream.indirect.scatter.add.f32 [tilespmem:s16], [sflag:$0x5], $0x20, s21, s12, $0xb8;
	[tilespmem:$0x1E000] =	vst v63  }
0x1c1: {  	_ =	swait.ge [sflag:s10], $0x1000  }
0x1c2: {  	[sflag:s10] =	ssyncset.done $0x0  }
0x1c3: {  	[sflag:s10] =	ssyncadd.s32 $0xFFFFF000  }
0x1c4: {  	s9 =	sadd.s32 $0x1, s9;
	_ =	swait.ge [sflag:s31], $0x1000  }
0x1c5: {  	p0 =	sne.s32 s9, $0x32;
	[sflag:s31] =	ssyncset.done $0x0  }
.Ltmp3:
0x1c6: {  	[sflag:s31] =	ssyncadd.s32 $0xFFFFF000;
	(pc) =	sbr.rel @p0 .LBB2_6-.Ltmp3, $4  }
0x1c7: {  	[spmem:s2] =	stream.indirect.scatter.add.f32 [tilespmem:s18], [sflag:$0x5], $0x20, s8, s12, $0xb8;
	[tilespmem:$0x1E000] =	vst v63  }
0x1c8: {  	_ =	swait.ge [sflag:s10], $0x1000  }
0x1c9: {  	[sflag:s10] =	ssyncset.done $0x0  }
0x1ca: {  	[sflag:s10] =	ssyncadd.s32 $0xFFFFF000  }
0x1cb: {  	[bflag:$0x0] =	sbarrier.arrive $0xFFFF  }
0x1cc: {  	s15 =	sld [smem:$0x7FB]  }
0x1cd: {  	s17 =	sld [smem:$0x7FC];
	_ =	sdelay $0x1  }
0x1ce: {  	s9 =	rddreg [dreg:$0x11]  }
0x1cf: {  	[hbm:s9], [sflag:s15] =	dma.local [spmem:s17], $0x3100  }
0x1d0: {  	_ =	swait.ge [sflag:s10], $0x3100  }
0x1d1: {  	s17 =	sld [smem:$0x7FD];
	_ =	sdelay $0x2  }
0x1d2: {  	s22 =	rddreg [dreg:$0x13];
	s15 =	sadd.s32 $0x1, s17  }
0x1d3: {  	p0 =	sne.s32 s15, s22  }
.Ltmp4:
0x1d4: {  	_ = 	snop;
	(pc) =	sbr.rel @p0 .LBB2_1-.Ltmp4, $3  }
0x1d5: {  	[sflag:s10] =	ssyncset.done $0x0  }
0x1d6: {  	[sflag:s10] =	ssyncadd.s32 $0xFFFFCF00  }
0x1d7: {  	[bflag:$0x0] =	sbarrier.arrive $0xFFFF;
	_ =	sdelay $0x1  }
0x1d8: {  	_ =	sfence.sel $0x180000  }
0x1d9: {  	[bflag:$0x0] =	sbarrier.arrive $0xFFFF  }
0x1da: {  	_ =	strace $0x9000004A  }
0x1db: {  	s0 =	stileid.u32;
	[bflag:$0x2] =	sbarrier.arrive $0xFFFF  }
0x1dc: {  	p0 =	sne.s32 s0, $0x0;
	s0 =	rddreg [dreg:$0x3]  }
0x1dd: {  	s0 =	sadd.s32 @!p0 $0x100000, s0  }
0x1de: {  	[sflag:s0] =	ssyncadd.tile.s32 @!p0 $0x1;
	_ =	shalt  }
.Lfunc_end2:
_tile_overlayer_lowered:
.L_overlay_start_2:
0x1df: {  	(tag) =	ssettag $0x2  }
0x1e0: {  	s0 =	rddreg [dreg:$0x0];
	s2 =	stileid.u32  }
0x1e1: {  	s1 =	rddreg [dreg:$0x1];
	p0 =	sne.s32 s2, $0x0  }
0x1e2: {  	s3 =	rddreg [dreg:$0x2];
	[bflag:$0x3] =	sbarrier.arrive $0xFFFF;
	s2 =	simm.s32 @!p0 $0x1C05  }
0x1e3: {  	[timem:s3], [sflag:s2] =	dma.local @!p0 [hbm:s0], s1  }
0x1e4: {  	s0 =	simm.s32 @!p0 $0x5  }
0x1e5: {  	_ =	swait.ge @!p0 [sflag:s0], s1  }
0x1e6: {  	s1 =	ssub.s32 @!p0 $0x0, s1;
	[sflag:s0] =	ssyncset.done @!p0 $0x0  }
0x1e7: {  	[sflag:s0] =	ssyncadd.s32 @!p0 s1  }
0x1e8: {  	[bflag:$0x3] =	sbarrier.arrive $0xFFFF  }
0x1e9: {  	_ =	shalt  }

// kernel: kernel.15.cloned.1.call-start
scs
__scs_entry_jumppad:
0x0: {  	(pc) =	sbr.rel $0x88, $3  }
0x1: {  	(tag) =	ssettag $0x0;
	lr =	simm.s32 $0x1  }
0x2: {  	[smem:$0x3F9B] =	sst lr;
	_ =	strace $0xD0000000  }
0x3: {  	_ = 	snop  }
0x4: {  	_ = 	snop  }
0x5: {  	_ = 	snop  }
0x6: {  	_ = 	snop  }
0x7: {  	_ = 	snop  }
__scs_overlays_trampoline_lowered:
0x8: {  	[smem:$0x3FAA] =	sst s0  }
0x9: {  	[smem:$0x3FAB] =	sst s1  }
0xa: {  	[smem:$0x3FAC] =	sst s2  }
0xb: {  	[smem:$0x3FAD] =	sst s3  }
0xc: {  	[smem:$0x3FAE] =	sst s4  }
0xd: {  	[smem:$0x3FAF] =	sst s5  }
0xe: {  	[smem:$0x3FB0] =	sst s6  }
0xf: {  	[smem:$0x3FB1] =	sst s7  }
0x10: {  	[smem:$0x3FB2] =	sst s8  }
0x11: {  	[smem:$0x3FB3] =	sst s9;
	s0 =	simm.s32 @!p0 $0x0  }
0x12: {  	s1 =	sld [smem:$0x3F99];
	s0 =	simm.s32 @p0 $0x1  }
0x13: {  	[smem:$0x3FB4] =	sst s0;
	s0 =	simm.s32 @!p1 $0x0  }
0x14: {  	s2 =	sld [smem:$0x3F98];
	s0 =	simm.s32 @p1 $0x1  }
0x15: {  	[smem:$0x3FB5] =	sst s0;
	s0 =	simm.s32 @!p2 $0x0  }
0x16: {  	s3 =	sld [smem:$0x3FDB];
	s0 =	simm.s32 @p2 $0x1  }
0x17: {  	s4 =	simm.s32 $0x1BF5;
	[smem:$0x3FB7] =	sst s0  }
0x18: {  	s0 =	sld [smem:$0x3F9A];
	_ =	swait.ge [sflag:s4], $0x0  }
0x19: {  	s7 =	sld [smem:$0x3F9B]  }
0x1a: {  	s8 =	sadd.s32 $0xFFFFE003, lr  }
0x1b: {  	s9 =	sadd.s32 $0xFFFFFEF7, lr;
	s5 =	simm.s32 $0xFFFFFFFF;
	p2 =	slt.u32 s8, $0xFFFFF086  }
0x1c: {  	p1 =	slt.u32 s9, $0xF7A;
	s5 =	simm.s32 @!p2 $0x0  }
0x1d: {  	s5 =	simm.s32 @p1 $0x1;
	p0 =	seq.s32 s7, s2  }
0x1e: {  	s7 =	smul.u32 @!p0 $0xF7A, s2;
	p2 =	seq.s32 @!p0 s5, $0x0  }
0x1f: {  	s9 =	smul.u32 $0xF7A, s1;
	s8 =	simm.s32 @!p0 $0x1BF5;
	p2 =	por !p2, p0  }
0x20: {  	[sflag:s8] =	ssyncset.s32 @!p0 $0xFFFFF086;
	s6 =	sadd.s32 @!p0 s3, s7;
	s7 =	simm.s32 @!p0 $0x108  }
0x21: {  	s3 =	sadd.s32 s3, s9;
	s6 =	sadd.s32 @!p0 $0x88, s6;
	s7 =	simm.s32 @p2 $0x1082  }
0x22: {  	[simem:s7], [sflag:s8] =	dma.local @!p0 [hbm:s6], $0xF7A  }
0x23: {  	s9 =	sor.u32 $0xD0000000, s2;
	s6 =	simm.s32 $0x108;
	_ =	swait.ge @!p0 [sflag:s8], $0x0  }
0x24: {  	s3 =	sadd.s32 $0x88, s3;
	s6 =	simm.s32 @!p1 $0x1082;
	[sflag:s4] =	ssyncset.s32 $0xFFFFF086  }
0x25: {  	[simem:s6], [sflag:s4] =	dma.local [hbm:s3], $0xF7A  }
0x26: {  	[smem:$0x3F9B] =	sst s1;
	(tag) =	ssettag s2;
	_ =	strace s9  }
0x27: {  	s1 =	sld [smem:$0x3FAB]  }
0x28: {  	s2 =	sld [smem:$0x3FAC]  }
0x29: {  	s4 =	sld [smem:$0x3FAE]  }
0x2a: {  	p0 =	seq.s32 s5, $0x0;
	s5 =	sld [smem:$0x3FAF]  }
0x2b: {  	s6 =	sld [smem:$0x3FB0]  }
0x2c: {  	s7 =	sld [smem:$0x3FB1]  }
0x2d: {  	s3 =	simm.s32 $0x108;
	s8 =	sld [smem:$0x3FB2]  }
0x2e: {  	s3 =	simm.s32 @!p0 $0x1082;
	s9 =	sld [smem:$0x3FB3]  }
0x2f: {  	lr =	sadd.s32 s0, s3;
	s0 =	sld [smem:$0x3FAA]  }
0x30: {  	s3 =	sld [smem:$0x3FAD]  }
0x31: {  	[smem:$0x3FB6] =	sst s10  }
0x32: {  	s10 =	sld [smem:$0x3FB4];
	_ =	sdelay $0x3  }
0x33: {  	p0 =	seq.s32 s10, $0x1;
	s10 =	sld [smem:$0x3FB6];
	_ =	sdelay $0x3  }
0x34: {  	[smem:$0x3FB6] =	sst s10  }
0x35: {  	s10 =	sld [smem:$0x3FB5];
	_ =	sdelay $0x3  }
0x36: {  	p1 =	seq.s32 s10, $0x1;
	s10 =	sld [smem:$0x3FB6];
	_ =	sdelay $0x3  }
0x37: {  	[smem:$0x3FB6] =	sst s10  }
0x38: {  	s10 =	sld [smem:$0x3FB7]  }
0x39: {  	_ = 	snop;
	(pc) =	sbr.ind lr, $3  }
0x3a: {  	_ = 	snop  }
0x3b: {  	_ = 	snop  }
0x3c: {  	p2 =	seq.s32 s10, $0x1;
	s10 =	sld [smem:$0x3FB6]  }
0x3d: {  	_ =	shalt  }
0x3e: {  	_ =	shalt  }
0x3f: {  	_ =	shalt  }
0x40: {  	_ =	shalt  }
0x41: {  	_ =	shalt  }
0x42: {  	_ =	shalt  }
0x43: {  	_ =	shalt  }
0x44: {  	_ =	shalt  }
0x45: {  	_ =	shalt  }
0x46: {  	_ =	shalt  }
0x47: {  	_ =	shalt  }
0x48: {  	_ =	shalt  }
0x49: {  	_ =	shalt  }
0x4a: {  	_ =	shalt  }
0x4b: {  	_ =	shalt  }
0x4c: {  	_ =	shalt  }
0x4d: {  	_ =	shalt  }
0x4e: {  	_ =	shalt  }
0x4f: {  	_ =	shalt  }
0x50: {  	_ =	shalt  }
0x51: {  	_ =	shalt  }
0x52: {  	_ =	shalt  }
0x53: {  	_ =	shalt  }
0x54: {  	_ =	shalt  }
0x55: {  	_ =	shalt  }
0x56: {  	_ =	shalt  }
0x57: {  	_ =	shalt  }
0x58: {  	_ =	shalt  }
0x59: {  	_ =	shalt  }
0x5a: {  	_ =	shalt  }
0x5b: {  	_ =	shalt  }
0x5c: {  	_ =	shalt  }
0x5d: {  	_ =	shalt  }
0x5e: {  	_ =	shalt  }
0x5f: {  	_ =	shalt  }
0x60: {  	_ =	shalt  }
0x61: {  	_ =	shalt  }
0x62: {  	_ =	shalt  }
0x63: {  	_ =	shalt  }
0x64: {  	_ =	shalt  }
0x65: {  	_ =	shalt  }
0x66: {  	_ =	shalt  }
0x67: {  	_ =	shalt  }
0x68: {  	_ =	shalt  }
0x69: {  	_ =	shalt  }
0x6a: {  	_ =	shalt  }
0x6b: {  	_ =	shalt  }
0x6c: {  	_ =	shalt  }
0x6d: {  	_ =	shalt  }
0x6e: {  	_ =	shalt  }
0x6f: {  	_ =	shalt  }
0x70: {  	_ =	shalt  }
0x71: {  	_ =	shalt  }
0x72: {  	_ =	shalt  }
0x73: {  	_ =	shalt  }
0x74: {  	_ =	shalt  }
0x75: {  	_ =	shalt  }
0x76: {  	_ =	shalt  }
0x77: {  	_ =	shalt  }
0x78: {  	_ =	shalt  }
0x79: {  	_ =	shalt  }
0x7a: {  	_ =	shalt  }
0x7b: {  	_ =	shalt  }
0x7c: {  	_ =	shalt  }
0x7d: {  	_ =	shalt  }
0x7e: {  	_ =	shalt  }
0x7f: {  	_ =	shalt  }
0x80: {  	_ =	shalt  }
0x81: {  	_ =	shalt  }
0x82: {  	_ =	shalt  }
0x83: {  	_ =	shalt  }
0x84: {  	_ =	shalt  }
0x85: {  	_ =	shalt  }
0x86: {  	_ =	shalt  }
0x87: {  	_ =	shalt  }
.Lfunc_end0:
.L_simem_size_0:
called_computation.2_lowered:
.L_overlay_start_0:
0x88: {  	s2 =	sld [smem:$0x3FD9]  }
0x89: {  	s3 =	sld [smem:$0x3FFE];
	_ =	sdelay $0x1  }
0x8a: {  	s1 =	srdreg.scid  }
0x8b: {  	s0 =	sand.u32 $0x1, s1  }
0x8c: {  	s17 =	sshll.u32 s0, $0xA;
	s2 =	sadd.s32 s3, s2  }
0x8d: {  	s2 =	sadd.s32 s2, s17  }
0x8e: {  	[smem:$0x3FC2] =	sst s2  }
0x8f: {  	_ = 	snop  }
0x90: {  	s2 =	sld [smem:$0x3FD0];
	(tm) =	ssettm $0x1  }
0x91: {  	s18 =	sld [smem:$0x3FFB];
	_ =	sdelay $0x3  }
0x92: {  	_ =	strace s18  }
0x93: {  	s3 =	sld [smem:$0x3FFC];
	_ =	sdelay $0x3  }
0x94: {  	_ =	strace s3  }
0x95: {  	s3 =	sld [smem:$0x3FFD];
	_ =	sdelay $0x3  }
0x96: {  	_ =	strace s3  }
0x97: {  	_ =	strace $0x8FFFFFFF  }
0x98: {  	s19 =	sld [smem:$0x3FDB];
	_ =	sdelay $0x1  }
0x99: {  	s4 =	simm.s32 $_scs_section_size  }
0x9a: {  	s5 =	simm.s32 $_size__tile_overlayer_lowered;
	s6 =	simm.s32 $_tile_overlayer_lowered  }
0x9b: {  	s22 =	simm.s32 $0x1BFF;
	s21 =	sshll.u32 s6, $0x1;
	s3 =	sadd.s32 s4, s19  }
0x9c: {  	s7 =	simm.s32 $0x0;
	s20 =	sshll.u32 s5, $0x1;
	s5 =	sadd.s32 s21, s3  }
0x9d: {  	[timem:s7], [sflag:s22] =	dma.local [hbm:s5], s20  }
0x9e: {  	_ =	swait.ge [sflag:s22], s20  }
0x9f: {  	s4 =	ssub.s32 $0x0, s20;
	[sflag:s22] =	ssyncset.done $0x0  }
0xa0: {  	[sflag:s22] =	ssyncadd.s32 s4;
	_ =	sdelay $0x1  }
0xa1: {  	s23 =	simm.s32 $0x1B8B  }
0xa2: {  	_ =	swait.ge [sflag:s23], $0x1  }
0xa3: {  	[sflag:s23] =	ssyncset.done $0x0  }
0xa4: {  	s25 =	simm.s32 $0x1B8E;
	s24 =	sld [smem:$0x3FFE];
	[sflag:s23] =	ssyncadd.s32 $0xFFFFFFFF  }
0xa5: {  	s26 =	simm.s32 $execute0_lowered;
	[smem:$0x3FD2] =	sst s25  }
0xa6: {  	s5 =	sshll.u32 s26, $0x1;
	_ =	strace $0x8000004C;
	[dreg:$0x1] =	wrdreg $0xFFFFFFFF  }
0xa7: {  	s28 =	simm.s32 $_size_execute0_lowered;
	s3 =	sadd.s32 s3, s5;
	[dreg:$0x0] =	wrdreg $0x0  }
0xa8: {  	s5 =	sshll.u32 s28, $0x1;
	[dreg:$0x2] =	wrdreg s3  }
0xa9: {  	[dreg:$0x3] =	wrdreg s5  }
0xaa: {  	[dreg:$0x4] =	wrdreg $0xC0  }
0xab: {  	_ =	task [dreg:s7], $0x5FFFF  }
0xac: {  	[dreg:$0x1] =	wrdreg $0xFFFFFFFF  }
0xad: {  	[dreg:$0x0] =	wrdreg $0x60  }
0xae: {  	[dreg:$0x2] =	wrdreg s24  }
0xaf: {  	[dreg:$0x3] =	wrdreg s2  }
0xb0: {  	[dreg:$0x4] =	wrdreg $0x8000  }
0xb1: {  	[dreg:$0x5] =	wrdreg $0x9  }
0xb2: {  	_ =	task.clear_ibuf [dreg:s7], $0x6FFFF;
	_ =	strace $0x9000004C  }
0xb3: {  	s29 =	simm.s32 $0x9;
	_ =	strace $0x8000004E  }
0xb4: {  	_ =	swait.ge [sflag:s29], $0x1  }
0xb5: {  	[sflag:s29] =	ssyncadd.s32 $0xFFFFFFFF  }
0xb6: {  	_ =	strace $0x9000004E  }
0xb7: {  	_ =	sfence  }
0xb8: {  	s30 =	sld [smem:$0x0];
	_ =	sdelay $0x2  }
0xb9: {  	s31 =	sshll.u32 s1, $0xD;
	s1 =	sshrl.u32 s1, $0x2  }
0xba: {  	s3 =	sand.u32 $0x4000, s31;
	s1 =	sadd.s32 s1, s30  }
0xbb: {  	s0 =	sor.u32 s3, s0;
	s1 =	sshll.u32 s1, $0x11  }
0xbc: {  	s0 =	sor.u32 s1, s0  }
0xbd: {  	s0 =	sadd.s32 $0x8F2B, s0  }
0xbe: {  	[sflag:s0] =	ssyncadd.remote.s32 $0x1  }
0xbf: {  	_ =	sfence.sel $0xFFFF  }
0xc0: {  	[dreg:$0x0] =	wrdreg $0xFFFFFFFF;
	(pc) =	sbr.abs _section_cstart, $3  }
0xc1: {  	[dreg:$0x1] =	wrdreg $0xFFFFFFFF  }
0xc2: {  	_ =	task.clear_ibuf [dreg:s7], $0x2FFFF;
	_ =	strace $0x9FFFFFFF  }
0xc3: {  	(tm) =	ssettm $0x7FFFFFFF  }
tec
execute0_lowered:
.L_overlay_start_1:
0x0: {  	(tag) =	ssettag $0x1  }
0x1: {  	s8 =	stileid.u32  }
0x2: {  	s2 =	smul.u32 $0xC800, s8  }
0x3: {  	s1 =	srdreg.scid;
	s6 =	smul.u32 $0x1880, s8  }
0x4: {  	s0 =	rddreg [dreg:$0x0];
	s1 =	sand.u32 $0x1, s1;
	s8 =	smul.u32 $0x31000, s8  }
0x5: {  	s3 =	rddreg [dreg:$0x2];
	s4 =	simm.s32 $0x0;
	s5 =	smul.u32 $0x6400, s1  }
0x6: {  	[smem:$0x7FF] =	sst s4;
	s7 =	smul.u32 $0x18800, s1  }
0x7: {  	s1 =	ssub.s32 $0x2, s1;
	s19 =	sshrl.u32 s8, $0x2;
	s2 =	sadd.s32 s5, s2  }
0x8: {  	s20 =	sshrl.u32 s1, $0x1;
	s5 =	sadd.s32 $0xC5400, s0;
	s2 =	sshrl.u32 s2, $0x3  }
0x9: {  	s6 =	sadd.s32 s6, s7;
	s1 =	ssub.s32 s1, s20;
	s2 =	sadd.s32 s2, s0  }
0xa: {  	s0 =	sadd.s32 s6, s0;
	s6 =	sadd.s32 s19, s3;
	s19 =	smax.u32 s1, $0x1  }
0xb: {  	_ =	strace $0x8000004D;
	[dreg:$0x19] =	wrdreg s19  }
0xc: {  	s7 =	sadd.s32 $0x800, s6;
	[dreg:$0x6] =	wrdreg s6  }
0xd: {  	s21 =	sadd.s32 $0x1000, s6;
	[dreg:$0x7] =	wrdreg s7  }
0xe: {  	s22 =	sadd.s32 $0x1800, s6;
	[dreg:$0x8] =	wrdreg s21  }
0xf: {  	s23 =	sadd.s32 $0x2000, s6;
	[dreg:$0x9] =	wrdreg s22  }
0x10: {  	s24 =	sadd.s32 $0x2800, s6;
	[dreg:$0xa] =	wrdreg s23  }
0x11: {  	s25 =	sadd.s32 $0x3000, s6;
	[dreg:$0xb] =	wrdreg s24  }
0x12: {  	s26 =	sadd.s32 $0x3800, s6;
	[dreg:$0xc] =	wrdreg s25  }
0x13: {  	s8 =	sadd.s32 $0x4000, s6;
	[dreg:$0xd] =	wrdreg s26  }
0x14: {  	s9 =	sadd.s32 $0x4800, s6;
	[dreg:$0xe] =	wrdreg s8  }
0x15: {  	s10 =	sadd.s32 $0x5000, s6;
	[dreg:$0xf] =	wrdreg s9  }
0x16: {  	s11 =	sadd.s32 $0x5800, s6;
	[dreg:$0x10] =	wrdreg s10  }
0x17: {  	s12 =	sadd.s32 $0x6000, s6;
	[dreg:$0x11] =	wrdreg s11  }
0x18: {  	s13 =	sadd.s32 $0x6800, s6;
	[dreg:$0x12] =	wrdreg s12  }
0x19: {  	s15 =	sadd.s32 $0x7000, s6;
	[dreg:$0x13] =	wrdreg s13  }
0x1a: {  	s14 =	sadd.s32 $0x9D5000, s2;
	[dreg:$0x14] =	wrdreg s15  }
0x1b: {  	s16 =	sadd.s32 $0x7800, s6;
	[dreg:$0x4] =	wrdreg s14  }
0x1c: {  	s28 =	simm.s32 $0x600;
	s17 =	sadd.s32 $0x8000, s6;
	[dreg:$0x15] =	wrdreg s16  }
0x1d: {  	s29 =	simm.s32 $0x680;
	s2 =	sadd.s32 $0x9BC000, s2;
	[dreg:$0x16] =	wrdreg s17  }
0x1e: {  	s30 =	simm.s32 $0x700;
	s18 =	sadd.s32 $0x8800, s6;
	[dreg:$0x5] =	wrdreg s2  }
0x1f: {  	s31 =	simm.s32 $0x780;
	s0 =	sadd.s32 $0xDDC00, s0;
	[dreg:$0x17] =	wrdreg s18  }
0x20: {  	s1 =	simm.s32 $0x0;
	s20 =	sadd.s32 $0x9000, s6;
	[dreg:$0x18] =	wrdreg s0  }
0x21: {  	s19 =	simm.s32 $0x480;
	[dreg:$0x1a] =	wrdreg s20;
	s21 =	sadd.s32 $0x9800, s6  }
0x22: {  	s22 =	sadd.s32 $0xA000, s6;
	s23 =	sadd.s32 $0xA800, s6;
	s24 =	sadd.s32 $0xB000, s6  }
0x23: {  	s25 =	sadd.s32 $0xB800, s6;
	s26 =	sadd.s32 $0xC000, s6;
	s7 =	simm.s32 $0x5  }
0x24: {  	s8 =	simm.s32 $0x400;
	s9 =	simm.s32 $0x80;
	[dreg:$0x1b] =	wrdreg s21  }
0x25: {  	s10 =	simm.s32 $0xD400;
	s11 =	simm.s32 $0xDC00;
	[dreg:$0x1c] =	wrdreg s22  }
0x26: {  	s12 =	simm.s32 $0x100;
	s13 =	simm.s32 $0xE400;
	[dreg:$0x1d] =	wrdreg s23  }
0x27: {  	s14 =	simm.s32 $0x180;
	s15 =	simm.s32 $0xEC00;
	[dreg:$0x1e] =	wrdreg s24  }
0x28: {  	s16 =	simm.s32 $0x1;
	s17 =	simm.s32 $0x200;
	[dreg:$0x1f] =	wrdreg s25  }
0x29: {  	s18 =	simm.s32 $0x2;
	s20 =	simm.s32 $0x280;
	[smem:$0x7FD] =	sst s26  }
0x2a: {  	s21 =	simm.s32 $0x3;
	s22 =	simm.s32 $0x500;
	s23 =	simm.s32 $0x300  }
0x2b: {  	s24 =	simm.s32 $0x4;
	s25 =	simm.s32 $0x580;
	s26 =	simm.s32 $0x380  }
.LBB2_1:
0x2c: {  	[smem:$0x7FC] =	sst s1  }
0x2d: {  	s0 =	rddreg [dreg:$0x1];
	s2 =	simm.s32 $0xCC00  }
0x2e: {  	[tilespmem:s2], [sflag:$0x5] =	stream.linear.gather [hbm4b:s0+s4], $0x800, $0x38;
	[tilespmem:$0xF400] =	vst v63  }
0x2f: {  	_ =	swait.ge [sflag:s7], $0x800  }
0x30: {  	[sflag:s7] =	ssyncset.done $0x0  }
0x31: {  	[sflag:s7] =	ssyncadd.s32 $0xFFFFF800  }
0x32: {  	[spmem:s6] =	stream.linear.scatter [tilespmem:s2], [sflag:$0x5], $0x800, $0x38;
	[tilespmem:$0xF400] =	vst v63  }
0x33: {  	_ =	swait.ge [sflag:s7], $0x800  }
0x34: {  	[sflag:s7] =	ssyncset.done $0x0  }
0x35: {  	s0 =	rddreg [dreg:$0x7];
	[sflag:s7] =	ssyncadd.s32 $0xFFFFF800  }
0x36: {  	[spmem:s0] =	stream.linear.scatter [tilespmem:s2], [sflag:$0x5], $0x800, $0x38;
	[tilespmem:$0xF400] =	vst v63  }
0x37: {  	_ =	swait.ge [sflag:s7], $0x800  }
0x38: {  	[sflag:s7] =	ssyncset.done $0x0  }
0x39: {  	s6 =	rddreg [dreg:$0x8];
	[sflag:s7] =	ssyncadd.s32 $0xFFFFF800  }
0x3a: {  	[spmem:s6] =	stream.linear.scatter [tilespmem:s2], [sflag:$0x5], $0x800, $0x38;
	[tilespmem:$0xF400] =	vst v63  }
0x3b: {  	_ =	swait.ge [sflag:s7], $0x800  }
0x3c: {  	[sflag:s7] =	ssyncset.done $0x0  }
0x3d: {  	s0 =	rddreg [dreg:$0x9];
	[sflag:s7] =	ssyncadd.s32 $0xFFFFF800  }
0x3e: {  	[spmem:s0] =	stream.linear.scatter [tilespmem:s2], [sflag:$0x5], $0x800, $0x38;
	[tilespmem:$0xF400] =	vst v63  }
0x3f: {  	_ =	swait.ge [sflag:s7], $0x800  }
0x40: {  	[sflag:s7] =	ssyncset.done $0x0  }
0x41: {  	s6 =	rddreg [dreg:$0xa];
	[sflag:s7] =	ssyncadd.s32 $0xFFFFF800  }
0x42: {  	[spmem:s6] =	stream.linear.scatter [tilespmem:s2], [sflag:$0x5], $0x800, $0x38;
	[tilespmem:$0xF400] =	vst v63  }
0x43: {  	_ =	swait.ge [sflag:s7], $0x800  }
0x44: {  	[sflag:s7] =	ssyncset.done $0x0  }
0x45: {  	s0 =	rddreg [dreg:$0xb];
	[sflag:s7] =	ssyncadd.s32 $0xFFFFF800  }
0x46: {  	[spmem:s0] =	stream.linear.scatter [tilespmem:s2], [sflag:$0x5], $0x800, $0x38;
	[tilespmem:$0xF400] =	vst v63  }
0x47: {  	_ =	swait.ge [sflag:s7], $0x800  }
0x48: {  	[sflag:s7] =	ssyncset.done $0x0  }
0x49: {  	s6 =	rddreg [dreg:$0xc];
	[sflag:s7] =	ssyncadd.s32 $0xFFFFF800  }
0x4a: {  	[spmem:s6] =	stream.linear.scatter [tilespmem:s2], [sflag:$0x5], $0x800, $0x38;
	[tilespmem:$0xF400] =	vst v63  }
0x4b: {  	_ =	swait.ge [sflag:s7], $0x800  }
0x4c: {  	[sflag:s7] =	ssyncset.done $0x0  }
0x4d: {  	s0 =	rddreg [dreg:$0xd];
	[sflag:s7] =	ssyncadd.s32 $0xFFFFF800  }
0x4e: {  	[spmem:s0] =	stream.linear.scatter [tilespmem:s2], [sflag:$0x5], $0x800, $0x38;
	[tilespmem:$0xF400] =	vst v63  }
0x4f: {  	_ =	swait.ge [sflag:s7], $0x800  }
0x50: {  	[sflag:s7] =	ssyncset.done $0x0  }
0x51: {  	s6 =	rddreg [dreg:$0xe];
	[sflag:s7] =	ssyncadd.s32 $0xFFFFF800  }
0x52: {  	[spmem:s6] =	stream.linear.scatter [tilespmem:s2], [sflag:$0x5], $0x800, $0x38;
	[tilespmem:$0xF400] =	vst v63  }
0x53: {  	_ =	swait.ge [sflag:s7], $0x800  }
0x54: {  	[sflag:s7] =	ssyncset.done $0x0  }
0x55: {  	s0 =	rddreg [dreg:$0xf];
	[sflag:s7] =	ssyncadd.s32 $0xFFFFF800  }
0x56: {  	[spmem:s0] =	stream.linear.scatter [tilespmem:s2], [sflag:$0x5], $0x800, $0x38;
	[tilespmem:$0xF400] =	vst v63  }
0x57: {  	_ =	swait.ge [sflag:s7], $0x800  }
0x58: {  	[sflag:s7] =	ssyncset.done $0x0  }
0x59: {  	s6 =	rddreg [dreg:$0x10];
	[sflag:s7] =	ssyncadd.s32 $0xFFFFF800  }
0x5a: {  	[spmem:s6] =	stream.linear.scatter [tilespmem:s2], [sflag:$0x5], $0x800, $0x38;
	[tilespmem:$0xF400] =	vst v63  }
0x5b: {  	_ =	swait.ge [sflag:s7], $0x800  }
0x5c: {  	[sflag:s7] =	ssyncset.done $0x0  }
0x5d: {  	s0 =	rddreg [dreg:$0x11];
	[sflag:s7] =	ssyncadd.s32 $0xFFFFF800  }
0x5e: {  	[spmem:s0] =	stream.linear.scatter [tilespmem:s2], [sflag:$0x5], $0x800, $0x38;
	[tilespmem:$0xF400] =	vst v63  }
0x5f: {  	_ =	swait.ge [sflag:s7], $0x800  }
0x60: {  	[sflag:s7] =	ssyncset.done $0x0  }
0x61: {  	s6 =	rddreg [dreg:$0x12];
	[sflag:s7] =	ssyncadd.s32 $0xFFFFF800  }
0x62: {  	[spmem:s6] =	stream.linear.scatter [tilespmem:s2], [sflag:$0x5], $0x800, $0x38;
	[tilespmem:$0xF400] =	vst v63  }
0x63: {  	_ =	swait.ge [sflag:s7], $0x800  }
0x64: {  	[sflag:s7] =	ssyncset.done $0x0  }
0x65: {  	s0 =	rddreg [dreg:$0x13];
	[sflag:s7] =	ssyncadd.s32 $0xFFFFF800  }
0x66: {  	[spmem:s0] =	stream.linear.scatter [tilespmem:s2], [sflag:$0x5], $0x800, $0x38;
	[tilespmem:$0xF400] =	vst v63  }
0x67: {  	_ =	swait.ge [sflag:s7], $0x800  }
0x68: {  	[sflag:s7] =	ssyncset.done $0x0  }
0x69: {  	s6 =	rddreg [dreg:$0x14];
	[sflag:s7] =	ssyncadd.s32 $0xFFFFF800  }
0x6a: {  	[spmem:s6] =	stream.linear.scatter [tilespmem:s2], [sflag:$0x5], $0x800, $0x38;
	[tilespmem:$0xF400] =	vst v63  }
0x6b: {  	_ =	swait.ge [sflag:s7], $0x800  }
0x6c: {  	[sflag:s7] =	ssyncset.done $0x0  }
0x6d: {  	s0 =	rddreg [dreg:$0x15];
	[sflag:s7] =	ssyncadd.s32 $0xFFFFF800  }
0x6e: {  	[spmem:s0] =	stream.linear.scatter [tilespmem:s2], [sflag:$0x5], $0x800, $0x38;
	[tilespmem:$0xF400] =	vst v63  }
0x6f: {  	_ =	swait.ge [sflag:s7], $0x800  }
0x70: {  	[sflag:s7] =	ssyncset.done $0x0  }
0x71: {  	s6 =	rddreg [dreg:$0x16];
	[sflag:s7] =	ssyncadd.s32 $0xFFFFF800  }
0x72: {  	[spmem:s6] =	stream.linear.scatter [tilespmem:s2], [sflag:$0x5], $0x800, $0x38;
	[tilespmem:$0xF400] =	vst v63  }
0x73: {  	_ =	swait.ge [sflag:s7], $0x800  }
0x74: {  	[sflag:s7] =	ssyncset.done $0x0  }
0x75: {  	s0 =	rddreg [dreg:$0x17];
	[sflag:s7] =	ssyncadd.s32 $0xFFFFF800  }
0x76: {  	[spmem:s0] =	stream.linear.scatter [tilespmem:s2], [sflag:$0x5], $0x800, $0x38;
	[tilespmem:$0xF400] =	vst v63  }
0x77: {  	_ =	swait.ge [sflag:s7], $0x800  }
0x78: {  	[sflag:s7] =	ssyncset.done $0x0  }
0x79: {  	s0 =	rddreg [dreg:$0x1a];
	[sflag:s7] =	ssyncadd.s32 $0xFFFFF800  }
0x7a: {  	[spmem:s0] =	stream.linear.scatter [tilespmem:s2], [sflag:$0x5], $0x800, $0x38;
	[tilespmem:$0xF400] =	vst v63  }
0x7b: {  	_ =	swait.ge [sflag:s7], $0x800  }
0x7c: {  	[sflag:s7] =	ssyncset.done $0x0  }
0x7d: {  	s1 =	rddreg [dreg:$0x1b];
	[sflag:s7] =	ssyncadd.s32 $0xFFFFF800  }
0x7e: {  	[spmem:s1] =	stream.linear.scatter [tilespmem:s2], [sflag:$0x5], $0x800, $0x38;
	[tilespmem:$0xF400] =	vst v63  }
0x7f: {  	_ =	swait.ge [sflag:s7], $0x800  }
0x80: {  	[sflag:s7] =	ssyncset.done $0x0  }
0x81: {  	s6 =	rddreg [dreg:$0x1c];
	[sflag:s7] =	ssyncadd.s32 $0xFFFFF800  }
0x82: {  	[spmem:s6] =	stream.linear.scatter [tilespmem:s2], [sflag:$0x5], $0x800, $0x38;
	[tilespmem:$0xF400] =	vst v63  }
0x83: {  	_ =	swait.ge [sflag:s7], $0x800  }
0x84: {  	[sflag:s7] =	ssyncset.done $0x0  }
0x85: {  	s1 =	rddreg [dreg:$0x1d];
	[sflag:s7] =	ssyncadd.s32 $0xFFFFF800  }
0x86: {  	[spmem:s1] =	stream.linear.scatter [tilespmem:s2], [sflag:$0x5], $0x800, $0x38;
	[tilespmem:$0xF400] =	vst v63  }
0x87: {  	_ =	swait.ge [sflag:s7], $0x800  }
0x88: {  	[sflag:s7] =	ssyncset.done $0x0  }
0x89: {  	s6 =	rddreg [dreg:$0x1e];
	[sflag:s7] =	ssyncadd.s32 $0xFFFFF800  }
0x8a: {  	[spmem:s6] =	stream.linear.scatter [tilespmem:s2], [sflag:$0x5], $0x800, $0x38;
	[tilespmem:$0xF400] =	vst v63  }
0x8b: {  	_ =	swait.ge [sflag:s7], $0x800  }
0x8c: {  	[sflag:s7] =	ssyncset.done $0x0  }
0x8d: {  	s1 =	rddreg [dreg:$0x1f];
	[sflag:s7] =	ssyncadd.s32 $0xFFFFF800  }
0x8e: {  	[spmem:s1] =	stream.linear.scatter [tilespmem:s2], [sflag:$0x5], $0x800, $0x38;
	[tilespmem:$0xF400] =	vst v63  }
0x8f: {  	_ =	swait.ge [sflag:s7], $0x800  }
0x90: {  	s6 =	sld [smem:$0x7FD]  }
0x91: {  	[sflag:s7] =	ssyncset.done $0x0  }
0x92: {  	[sflag:s7] =	ssyncadd.s32 $0xFFFFF800  }
0x93: {  	[spmem:s6] =	stream.linear.scatter [tilespmem:s2], [sflag:$0x5], $0x400, $0x38;
	[tilespmem:$0xF400] =	vst v63  }
0x94: {  	_ =	swait.ge [sflag:s7], $0x400  }
0x95: {  	[sflag:s7] =	ssyncset.done $0x0  }
0x96: {  	[sflag:s7] =	ssyncadd.s32 $0xFFFFFC00  }
0x97: {  	[bflag:$0x0] =	sbarrier.arrive $0xFFFF  }
0x98: {  	s1 =	rddreg [dreg:$0x5]  }
0x99: {  	s2 =	sadd.s32 $0x0, s1  }
0x9a: {  	[tilespmem:s4], [sflag:$0x5] =	stream.linear.gather [hbm4b:s2+s4], $0x400, $0x38;
	[tilespmem:$0xF400] =	vst v63  }
0x9b: {  	_ =	swait.ge [sflag:s7], $0x400  }
0x9c: {  	s6 =	rddreg [dreg:$0x4];
	[sflag:s7] =	ssyncset.done $0x0  }
0x9d: {  	[sflag:s7] =	ssyncadd.s32 $0xFFFFFC00;
	s2 =	sadd.s32 $0x0, s6  }
0x9e: {  	[tilespmem:s8], [sflag:$0x5] =	stream.linear.gather [hbm4b:s2+s4], $0x400, $0x38;
	[tilespmem:$0xF400] =	vst v63  }
0x9f: {  	_ =	swait.ge [sflag:s7], $0x400  }
0xa0: {  	[sflag:s7] =	ssyncset.done $0x0  }
0xa1: {  	[sflag:s7] =	ssyncadd.s32 $0xFFFFFC00  }
0xa2: {  	[tilespmem:s10], [sflag:$0x1] =	stream.indirect.gather [hbm4b:s5+s9], $0x10, s4, s9, $0xb8;
	[tilespmem:$0xF400] =	vst v63  }
0xa3: {  	_ = 	snop  }
0xa4: {  	[tilespmem:s11], [sflag:$0x2] =	stream.indirect.gather [hbm4b:s5+s9], $0x10, s9, s9, $0xb8;
	[tilespmem:$0xF400] =	vst v63  }
0xa5: {  	_ = 	snop  }
0xa6: {  	[tilespmem:s13], [sflag:$0x3] =	stream.indirect.gather [hbm4b:s5+s9], $0x10, s12, s9, $0xb8;
	[tilespmem:$0xF400] =	vst v63  }
0xa7: {  	_ = 	snop  }
0xa8: {  	[tilespmem:s15], [sflag:$0x4] =	stream.indirect.gather [hbm4b:s5+s9], $0x10, s14, s9, $0xb8;
	[tilespmem:$0xF400] =	vst v63  }
0xa9: {  	_ =	swait.ge [sflag:s16], $0x800  }
0xaa: {  	[sflag:s16] =	ssyncset.done $0x0  }
0xab: {  	[sflag:s16] =	ssyncadd.s32 $0xFFFFF800  }
0xac: {  	[spmem:s3] =	stream.indirect.scatter.add.f32 [tilespmem:s10], [sflag:$0x5], $0x10, s8, s9, $0xb8;
	[tilespmem:$0xF400] =	vst v63  }
0xad: {  	_ =	swait.ge [sflag:s7], $0x800  }
0xae: {  	[sflag:s7] =	ssyncset.done $0x0  }
0xaf: {  	[sflag:s7] =	ssyncadd.s32 $0xFFFFF800  }
0xb0: {  	[tilespmem:s10], [sflag:$0x1] =	stream.indirect.gather [hbm4b:s5+s9], $0x10, s17, s9, $0xb8;
	[tilespmem:$0xF400] =	vst v63  }
0xb1: {  	_ =	swait.ge [sflag:s18], $0x800  }
0xb2: {  	[sflag:s18] =	ssyncset.done $0x0  }
0xb3: {  	[sflag:s18] =	ssyncadd.s32 $0xFFFFF800  }
0xb4: {  	[spmem:s3] =	stream.indirect.scatter.add.f32 [tilespmem:s11], [sflag:$0x5], $0x10, s19, s9, $0xb8;
	[tilespmem:$0xF400] =	vst v63  }
0xb5: {  	_ =	swait.ge [sflag:s7], $0x800  }
0xb6: {  	[sflag:s7] =	ssyncset.done $0x0  }
0xb7: {  	[sflag:s7] =	ssyncadd.s32 $0xFFFFF800  }
0xb8: {  	[tilespmem:s11], [sflag:$0x2] =	stream.indirect.gather [hbm4b:s5+s9], $0x10, s20, s9, $0xb8;
	[tilespmem:$0xF400] =	vst v63  }
0xb9: {  	_ =	swait.ge [sflag:s21], $0x800  }
0xba: {  	[sflag:s21] =	ssyncset.done $0x0  }
0xbb: {  	[sflag:s21] =	ssyncadd.s32 $0xFFFFF800  }
0xbc: {  	[spmem:s3] =	stream.indirect.scatter.add.f32 [tilespmem:s13], [sflag:$0x5], $0x10, s22, s9, $0xb8;
	[tilespmem:$0xF400] =	vst v63  }
0xbd: {  	_ =	swait.ge [sflag:s7], $0x800  }
0xbe: {  	[sflag:s7] =	ssyncset.done $0x0  }
0xbf: {  	[sflag:s7] =	ssyncadd.s32 $0xFFFFF800  }
0xc0: {  	[tilespmem:s13], [sflag:$0x3] =	stream.indirect.gather [hbm4b:s5+s9], $0x10, s23, s9, $0xb8;
	[tilespmem:$0xF400] =	vst v63  }
0xc1: {  	_ =	swait.ge [sflag:s24], $0x800  }
0xc2: {  	[sflag:s24] =	ssyncset.done $0x0  }
0xc3: {  	[sflag:s24] =	ssyncadd.s32 $0xFFFFF800  }
0xc4: {  	[spmem:s3] =	stream.indirect.scatter.add.f32 [tilespmem:s15], [sflag:$0x5], $0x10, s25, s9, $0xb8;
	[tilespmem:$0xF400] =	vst v63  }
0xc5: {  	_ =	swait.ge [sflag:s7], $0x800  }
0xc6: {  	[sflag:s7] =	ssyncset.done $0x0  }
0xc7: {  	[sflag:s7] =	ssyncadd.s32 $0xFFFFF800  }
0xc8: {  	[tilespmem:s15], [sflag:$0x4] =	stream.indirect.gather [hbm4b:s5+s9], $0x10, s26, s9, $0xb8;
	[tilespmem:$0xF400] =	vst v63  }
0xc9: {  	_ =	swait.ge [sflag:s16], $0x800  }
0xca: {  	[sflag:s16] =	ssyncset.done $0x0  }
0xcb: {  	[sflag:s16] =	ssyncadd.s32 $0xFFFFF800  }
0xcc: {  	[spmem:s3] =	stream.indirect.scatter.add.f32 [tilespmem:s10], [sflag:$0x5], $0x10, s28, s9, $0xb8;
	[tilespmem:$0xF400] =	vst v63  }
0xcd: {  	_ =	swait.ge [sflag:s7], $0x800  }
0xce: {  	[sflag:s7] =	ssyncset.done $0x0  }
0xcf: {  	[sflag:s7] =	ssyncadd.s32 $0xFFFFF800  }
0xd0: {  	_ =	swait.ge [sflag:s18], $0x800  }
0xd1: {  	[sflag:s18] =	ssyncset.done $0x0  }
0xd2: {  	[sflag:s18] =	ssyncadd.s32 $0xFFFFF800  }
0xd3: {  	[spmem:s3] =	stream.indirect.scatter.add.f32 [tilespmem:s11], [sflag:$0x5], $0x10, s29, s9, $0xb8;
	[tilespmem:$0xF400] =	vst v63  }
0xd4: {  	_ =	swait.ge [sflag:s7], $0x800  }
0xd5: {  	[sflag:s7] =	ssyncset.done $0x0  }
0xd6: {  	[sflag:s7] =	ssyncadd.s32 $0xFFFFF800  }
0xd7: {  	_ =	swait.ge [sflag:s21], $0x800  }
0xd8: {  	[sflag:s21] =	ssyncset.done $0x0  }
0xd9: {  	[sflag:s21] =	ssyncadd.s32 $0xFFFFF800  }
0xda: {  	[spmem:s3] =	stream.indirect.scatter.add.f32 [tilespmem:s13], [sflag:$0x5], $0x10, s30, s9, $0xb8;
	[tilespmem:$0xF400] =	vst v63  }
0xdb: {  	_ =	swait.ge [sflag:s7], $0x800  }
0xdc: {  	[sflag:s7] =	ssyncset.done $0x0  }
0xdd: {  	[sflag:s7] =	ssyncadd.s32 $0xFFFFF800  }
0xde: {  	_ =	swait.ge [sflag:s24], $0x800  }
0xdf: {  	[sflag:s24] =	ssyncset.done $0x0  }
0xe0: {  	[sflag:s24] =	ssyncadd.s32 $0xFFFFF800  }
0xe1: {  	[spmem:s3] =	stream.indirect.scatter.add.f32 [tilespmem:s15], [sflag:$0x5], $0x10, s31, s9, $0xb8;
	[tilespmem:$0xF400] =	vst v63  }
0xe2: {  	s2 =	simm.s32 $0x80;
	_ =	swait.ge [sflag:s7], $0x800  }
.LBB2_2:
0xe3: {  	s6 =	rddreg [dreg:$0x5];
	s1 =	smov.u32 s2;
	[sflag:s7] =	ssyncset.done $0x0  }
0xe4: {  	s6 =	sadd.s32 s1, s6;
	[sflag:s7] =	ssyncadd.s32 $0xFFFFF800  }
0xe5: {  	[tilespmem:s4], [sflag:$0x5] =	stream.linear.gather [hbm4b:s6+s4], $0x400, $0x38;
	[tilespmem:$0xF400] =	vst v63  }
0xe6: {  	_ =	swait.ge [sflag:s7], $0x400  }
0xe7: {  	s0 =	rddreg [dreg:$0x4];
	[sflag:s7] =	ssyncset.done $0x0  }
0xe8: {  	[sflag:s7] =	ssyncadd.s32 $0xFFFFFC00;
	s1 =	sadd.s32 s1, s0  }
0xe9: {  	[tilespmem:s8], [sflag:$0x5] =	stream.linear.gather [hbm4b:s1+s4], $0x400, $0x38;
	[tilespmem:$0xF400] =	vst v63  }
0xea: {  	_ =	swait.ge [sflag:s7], $0x400  }
0xeb: {  	[sflag:s7] =	ssyncset.done $0x0  }
0xec: {  	[sflag:s7] =	ssyncadd.s32 $0xFFFFFC00  }
0xed: {  	[tilespmem:s10], [sflag:$0x1] =	stream.indirect.gather [hbm4b:s5+s9], $0x10, s4, s9, $0xb8;
	[tilespmem:$0xF400] =	vst v63  }
0xee: {  	_ = 	snop  }
0xef: {  	[tilespmem:s11], [sflag:$0x2] =	stream.indirect.gather [hbm4b:s5+s9], $0x10, s9, s9, $0xb8;
	[tilespmem:$0xF400] =	vst v63  }
0xf0: {  	_ = 	snop  }
0xf1: {  	[tilespmem:s13], [sflag:$0x3] =	stream.indirect.gather [hbm4b:s5+s9], $0x10, s12, s9, $0xb8;
	[tilespmem:$0xF400] =	vst v63  }
0xf2: {  	_ = 	snop  }
0xf3: {  	[tilespmem:s15], [sflag:$0x4] =	stream.indirect.gather [hbm4b:s5+s9], $0x10, s14, s9, $0xb8;
	[tilespmem:$0xF400] =	vst v63  }
0xf4: {  	_ =	swait.ge [sflag:s16], $0x800  }
0xf5: {  	[sflag:s16] =	ssyncset.done $0x0  }
0xf6: {  	[sflag:s16] =	ssyncadd.s32 $0xFFFFF800  }
0xf7: {  	[spmem:s3] =	stream.indirect.scatter.add.f32 [tilespmem:s10], [sflag:$0x5], $0x10, s8, s9, $0xb8;
	[tilespmem:$0xF400] =	vst v63  }
0xf8: {  	_ =	swait.ge [sflag:s7], $0x800  }
0xf9: {  	[sflag:s7] =	ssyncset.done $0x0  }
0xfa: {  	[sflag:s7] =	ssyncadd.s32 $0xFFFFF800  }
0xfb: {  	[tilespmem:s10], [sflag:$0x1] =	stream.indirect.gather [hbm4b:s5+s9], $0x10, s17, s9, $0xb8;
	[tilespmem:$0xF400] =	vst v63  }
0xfc: {  	_ =	swait.ge [sflag:s18], $0x800  }
0xfd: {  	[sflag:s18] =	ssyncset.done $0x0  }
0xfe: {  	[sflag:s18] =	ssyncadd.s32 $0xFFFFF800  }
0xff: {  	[spmem:s3] =	stream.indirect.scatter.add.f32 [tilespmem:s11], [sflag:$0x5], $0x10, s19, s9, $0xb8;
	[tilespmem:$0xF400] =	vst v63  }
0x100: {  	_ =	swait.ge [sflag:s7], $0x800  }
0x101: {  	[sflag:s7] =	ssyncset.done $0x0  }
0x102: {  	[sflag:s7] =	ssyncadd.s32 $0xFFFFF800  }
0x103: {  	[tilespmem:s11], [sflag:$0x2] =	stream.indirect.gather [hbm4b:s5+s9], $0x10, s20, s9, $0xb8;
	[tilespmem:$0xF400] =	vst v63  }
0x104: {  	_ =	swait.ge [sflag:s21], $0x800  }
0x105: {  	[sflag:s21] =	ssyncset.done $0x0  }
0x106: {  	[sflag:s21] =	ssyncadd.s32 $0xFFFFF800  }
0x107: {  	[spmem:s3] =	stream.indirect.scatter.add.f32 [tilespmem:s13], [sflag:$0x5], $0x10, s22, s9, $0xb8;
	[tilespmem:$0xF400] =	vst v63  }
0x108: {  	_ =	swait.ge [sflag:s7], $0x800  }
0x109: {  	[sflag:s7] =	ssyncset.done $0x0  }
0x10a: {  	[sflag:s7] =	ssyncadd.s32 $0xFFFFF800  }
0x10b: {  	[tilespmem:s13], [sflag:$0x3] =	stream.indirect.gather [hbm4b:s5+s9], $0x10, s23, s9, $0xb8;
	[tilespmem:$0xF400] =	vst v63  }
0x10c: {  	_ =	swait.ge [sflag:s24], $0x800  }
0x10d: {  	[sflag:s24] =	ssyncset.done $0x0  }
0x10e: {  	[sflag:s24] =	ssyncadd.s32 $0xFFFFF800  }
0x10f: {  	[spmem:s3] =	stream.indirect.scatter.add.f32 [tilespmem:s15], [sflag:$0x5], $0x10, s25, s9, $0xb8;
	[tilespmem:$0xF400] =	vst v63  }
0x110: {  	_ =	swait.ge [sflag:s7], $0x800  }
0x111: {  	[sflag:s7] =	ssyncset.done $0x0  }
0x112: {  	[sflag:s7] =	ssyncadd.s32 $0xFFFFF800  }
0x113: {  	[tilespmem:s15], [sflag:$0x4] =	stream.indirect.gather [hbm4b:s5+s9], $0x10, s26, s9, $0xb8;
	[tilespmem:$0xF400] =	vst v63  }
0x114: {  	_ =	swait.ge [sflag:s16], $0x800  }
0x115: {  	[sflag:s16] =	ssyncset.done $0x0  }
0x116: {  	[sflag:s16] =	ssyncadd.s32 $0xFFFFF800  }
0x117: {  	[spmem:s3] =	stream.indirect.scatter.add.f32 [tilespmem:s10], [sflag:$0x5], $0x10, s28, s9, $0xb8;
	[tilespmem:$0xF400] =	vst v63  }
0x118: {  	_ =	swait.ge [sflag:s7], $0x800  }
0x119: {  	[sflag:s7] =	ssyncset.done $0x0  }
0x11a: {  	[sflag:s7] =	ssyncadd.s32 $0xFFFFF800  }
0x11b: {  	_ =	swait.ge [sflag:s18], $0x800  }
0x11c: {  	[sflag:s18] =	ssyncset.done $0x0  }
0x11d: {  	[sflag:s18] =	ssyncadd.s32 $0xFFFFF800  }
0x11e: {  	[spmem:s3] =	stream.indirect.scatter.add.f32 [tilespmem:s11], [sflag:$0x5], $0x10, s29, s9, $0xb8;
	[tilespmem:$0xF400] =	vst v63  }
0x11f: {  	_ =	swait.ge [sflag:s7], $0x800  }
0x120: {  	[sflag:s7] =	ssyncset.done $0x0  }
0x121: {  	[sflag:s7] =	ssyncadd.s32 $0xFFFFF800  }
0x122: {  	_ =	swait.ge [sflag:s21], $0x800  }
0x123: {  	[sflag:s21] =	ssyncset.done $0x0  }
0x124: {  	[sflag:s21] =	ssyncadd.s32 $0xFFFFF800  }
0x125: {  	[spmem:s3] =	stream.indirect.scatter.add.f32 [tilespmem:s13], [sflag:$0x5], $0x10, s30, s9, $0xb8;
	[tilespmem:$0xF400] =	vst v63  }
0x126: {  	_ =	swait.ge [sflag:s7], $0x800  }
0x127: {  	[sflag:s7] =	ssyncset.done $0x0  }
0x128: {  	p0 =	sne.s32 s2, $0xC00;
	[sflag:s7] =	ssyncadd.s32 $0xFFFFF800  }
.Ltmp0:
0x129: {  	_ =	swait.ge [sflag:s24], $0x800;
	(pc) =	sbr.rel @p0 .LBB2_2-.Ltmp0, $4  }
0x12a: {  	[sflag:s24] =	ssyncset.done $0x0  }
0x12b: {  	[sflag:s24] =	ssyncadd.s32 $0xFFFFF800  }
0x12c: {  	[spmem:s3] =	stream.indirect.scatter.add.f32 [tilespmem:s15], [sflag:$0x5], $0x10, s31, s9, $0xb8;
	[tilespmem:$0xF400] =	vst v63  }
0x12d: {  	s2 =	sadd.s32 $0x80, s2;
	_ =	swait.ge [sflag:s7], $0x800  }
0x12e: {  	[sflag:s7] =	ssyncset.done $0x0  }
0x12f: {  	[sflag:s7] =	ssyncadd.s32 $0xFFFFF800  }
0x130: {  	s1 =	stileid.u32;
	[bflag:$0x0] =	sbarrier.arrive $0xFFFF  }
0x131: {  	s1 =	sshll.u32 s1, $0x6;
	s6 =	rddreg [dreg:$0x6]  }
0x132: {  	s1 =	sor.u32 $0x1C05, s1;
	s0 =	rddreg [dreg:$0x18];
	s2 =	sshrl.u32 s6, $0x3  }
0x133: {  	[hbm:s0], [sflag:s1] =	dma.local [spmem:s2], $0x1880  }
0x134: {  	_ =	swait.ge [sflag:s7], $0x1880  }
0x135: {  	s0 =	sld [smem:$0x7FC];
	_ =	sdelay $0x2  }
0x136: {  	s2 =	rddreg [dreg:$0x19];
	s1 =	sadd.s32 $0x1, s0  }
0x137: {  	p0 =	sne.s32 s1, s2  }
.Ltmp1:
0x138: {  	_ = 	snop;
	(pc) =	sbr.rel @p0 .LBB2_1-.Ltmp1, $3  }
0x139: {  	_ =	sdelay $0x1  }
0x13a: {  	[sflag:s7] =	ssyncset.done $0x0  }
0x13b: {  	[sflag:s7] =	ssyncadd.s32 $0xFFFFE780  }
0x13c: {  	_ =	sfence.sel $0x180000  }
0x13d: {  	[bflag:$0x0] =	sbarrier.arrive $0xFFFF  }
0x13e: {  	_ =	strace $0x9000004D  }
0x13f: {  	s0 =	stileid.u32;
	[bflag:$0x2] =	sbarrier.arrive $0xFFFF  }
0x140: {  	p0 =	sne.s32 s0, $0x0;
	s0 =	rddreg [dreg:$0x3]  }
0x141: {  	s0 =	sadd.s32 @!p0 $0x100000, s0  }
0x142: {  	[sflag:s0] =	ssyncadd.tile.s32 @!p0 $0x1;
	_ =	shalt  }
.Lfunc_end2:
_tile_overlayer_lowered:
.L_overlay_start_2:
0x143: {  	(tag) =	ssettag $0x2  }
0x144: {  	s0 =	rddreg [dreg:$0x0];
	s2 =	stileid.u32  }
0x145: {  	s1 =	rddreg [dreg:$0x1];
	p0 =	sne.s32 s2, $0x0  }
0x146: {  	s3 =	rddreg [dreg:$0x2];
	[bflag:$0x3] =	sbarrier.arrive $0xFFFF;
	s2 =	simm.s32 @!p0 $0x1C05  }
0x147: {  	[timem:s3], [sflag:s2] =	dma.local @!p0 [hbm:s0], s1  }
0x148: {  	s0 =	simm.s32 @!p0 $0x5  }
0x149: {  	_ =	swait.ge @!p0 [sflag:s0], s1  }
0x14a: {  	s1 =	ssub.s32 @!p0 $0x0, s1;
	[sflag:s0] =	ssyncset.done @!p0 $0x0  }
0x14b: {  	[sflag:s0] =	ssyncadd.s32 @!p0 s1  }
0x14c: {  	[bflag:$0x3] =	sbarrier.arrive $0xFFFF  }
0x14d: {  	_ =	shalt  }

// kernel: kernel.9.cloned.1.call-start
scs
__scs_entry_jumppad:
0x0: {  	(pc) =	sbr.rel $0x88, $3  }
0x1: {  	(tag) =	ssettag $0x0;
	lr =	simm.s32 $0x1  }
0x2: {  	[smem:$0x3F9B] =	sst lr;
	_ =	strace $0xD0000000  }
0x3: {  	_ = 	snop  }
0x4: {  	_ = 	snop  }
0x5: {  	_ = 	snop  }
0x6: {  	_ = 	snop  }
0x7: {  	_ = 	snop  }
__scs_overlays_trampoline_lowered:
0x8: {  	[smem:$0x3FAA] =	sst s0  }
0x9: {  	[smem:$0x3FAB] =	sst s1  }
0xa: {  	[smem:$0x3FAC] =	sst s2  }
0xb: {  	[smem:$0x3FAD] =	sst s3  }
0xc: {  	[smem:$0x3FAE] =	sst s4  }
0xd: {  	[smem:$0x3FAF] =	sst s5  }
0xe: {  	[smem:$0x3FB0] =	sst s6  }
0xf: {  	[smem:$0x3FB1] =	sst s7  }
0x10: {  	[smem:$0x3FB2] =	sst s8  }
0x11: {  	[smem:$0x3FB3] =	sst s9;
	s0 =	simm.s32 @!p0 $0x0  }
0x12: {  	s1 =	sld [smem:$0x3F99];
	s0 =	simm.s32 @p0 $0x1  }
0x13: {  	[smem:$0x3FB4] =	sst s0;
	s0 =	simm.s32 @!p1 $0x0  }
0x14: {  	s2 =	sld [smem:$0x3F98];
	s0 =	simm.s32 @p1 $0x1  }
0x15: {  	[smem:$0x3FB5] =	sst s0;
	s0 =	simm.s32 @!p2 $0x0  }
0x16: {  	s3 =	sld [smem:$0x3FDB];
	s0 =	simm.s32 @p2 $0x1  }
0x17: {  	s4 =	simm.s32 $0x1BF5;
	[smem:$0x3FB7] =	sst s0  }
0x18: {  	s0 =	sld [smem:$0x3F9A];
	_ =	swait.ge [sflag:s4], $0x0  }
0x19: {  	s7 =	sld [smem:$0x3F9B]  }
0x1a: {  	s8 =	sadd.s32 $0xFFFFE003, lr  }
0x1b: {  	s9 =	sadd.s32 $0xFFFFFEF7, lr;
	s5 =	simm.s32 $0xFFFFFFFF;
	p2 =	slt.u32 s8, $0xFFFFF086  }
0x1c: {  	p1 =	slt.u32 s9, $0xF7A;
	s5 =	simm.s32 @!p2 $0x0  }
0x1d: {  	s5 =	simm.s32 @p1 $0x1;
	p0 =	seq.s32 s7, s2  }
0x1e: {  	s7 =	smul.u32 @!p0 $0xF7A, s2;
	p2 =	seq.s32 @!p0 s5, $0x0  }
0x1f: {  	s9 =	smul.u32 $0xF7A, s1;
	s8 =	simm.s32 @!p0 $0x1BF5;
	p2 =	por !p2, p0  }
0x20: {  	[sflag:s8] =	ssyncset.s32 @!p0 $0xFFFFF086;
	s6 =	sadd.s32 @!p0 s3, s7;
	s7 =	simm.s32 @!p0 $0x108  }
0x21: {  	s3 =	sadd.s32 s3, s9;
	s6 =	sadd.s32 @!p0 $0x88, s6;
	s7 =	simm.s32 @p2 $0x1082  }
0x22: {  	[simem:s7], [sflag:s8] =	dma.local @!p0 [hbm:s6], $0xF7A  }
0x23: {  	s9 =	sor.u32 $0xD0000000, s2;
	s6 =	simm.s32 $0x108;
	_ =	swait.ge @!p0 [sflag:s8], $0x0  }
0x24: {  	s3 =	sadd.s32 $0x88, s3;
	s6 =	simm.s32 @!p1 $0x1082;
	[sflag:s4] =	ssyncset.s32 $0xFFFFF086  }
0x25: {  	[simem:s6], [sflag:s4] =	dma.local [hbm:s3], $0xF7A  }
0x26: {  	[smem:$0x3F9B] =	sst s1;
	(tag) =	ssettag s2;
	_ =	strace s9  }
0x27: {  	s1 =	sld [smem:$0x3FAB]  }
0x28: {  	s2 =	sld [smem:$0x3FAC]  }
0x29: {  	s4 =	sld [smem:$0x3FAE]  }
0x2a: {  	p0 =	seq.s32 s5, $0x0;
	s5 =	sld [smem:$0x3FAF]  }
0x2b: {  	s6 =	sld [smem:$0x3FB0]  }
0x2c: {  	s7 =	sld [smem:$0x3FB1]  }
0x2d: {  	s3 =	simm.s32 $0x108;
	s8 =	sld [smem:$0x3FB2]  }
0x2e: {  	s3 =	simm.s32 @!p0 $0x1082;
	s9 =	sld [smem:$0x3FB3]  }
0x2f: {  	lr =	sadd.s32 s0, s3;
	s0 =	sld [smem:$0x3FAA]  }
0x30: {  	s3 =	sld [smem:$0x3FAD]  }
0x31: {  	[smem:$0x3FB6] =	sst s10  }
0x32: {  	s10 =	sld [smem:$0x3FB4];
	_ =	sdelay $0x3  }
0x33: {  	p0 =	seq.s32 s10, $0x1;
	s10 =	sld [smem:$0x3FB6];
	_ =	sdelay $0x3  }
0x34: {  	[smem:$0x3FB6] =	sst s10  }
0x35: {  	s10 =	sld [smem:$0x3FB5];
	_ =	sdelay $0x3  }
0x36: {  	p1 =	seq.s32 s10, $0x1;
	s10 =	sld [smem:$0x3FB6];
	_ =	sdelay $0x3  }
0x37: {  	[smem:$0x3FB6] =	sst s10  }
0x38: {  	s10 =	sld [smem:$0x3FB7]  }
0x39: {  	_ = 	snop;
	(pc) =	sbr.ind lr, $3  }
0x3a: {  	_ = 	snop  }
0x3b: {  	_ = 	snop  }
0x3c: {  	p2 =	seq.s32 s10, $0x1;
	s10 =	sld [smem:$0x3FB6]  }
0x3d: {  	_ =	shalt  }
0x3e: {  	_ =	shalt  }
0x3f: {  	_ =	shalt  }
0x40: {  	_ =	shalt  }
0x41: {  	_ =	shalt  }
0x42: {  	_ =	shalt  }
0x43: {  	_ =	shalt  }
0x44: {  	_ =	shalt  }
0x45: {  	_ =	shalt  }
0x46: {  	_ =	shalt  }
0x47: {  	_ =	shalt  }
0x48: {  	_ =	shalt  }
0x49: {  	_ =	shalt  }
0x4a: {  	_ =	shalt  }
0x4b: {  	_ =	shalt  }
0x4c: {  	_ =	shalt  }
0x4d: {  	_ =	shalt  }
0x4e: {  	_ =	shalt  }
0x4f: {  	_ =	shalt  }
0x50: {  	_ =	shalt  }
0x51: {  	_ =	shalt  }
0x52: {  	_ =	shalt  }
0x53: {  	_ =	shalt  }
0x54: {  	_ =	shalt  }
0x55: {  	_ =	shalt  }
0x56: {  	_ =	shalt  }
0x57: {  	_ =	shalt  }
0x58: {  	_ =	shalt  }
0x59: {  	_ =	shalt  }
0x5a: {  	_ =	shalt  }
0x5b: {  	_ =	shalt  }
0x5c: {  	_ =	shalt  }
0x5d: {  	_ =	shalt  }
0x5e: {  	_ =	shalt  }
0x5f: {  	_ =	shalt  }
0x60: {  	_ =	shalt  }
0x61: {  	_ =	shalt  }
0x62: {  	_ =	shalt  }
0x63: {  	_ =	shalt  }
0x64: {  	_ =	shalt  }
0x65: {  	_ =	shalt  }
0x66: {  	_ =	shalt  }
0x67: {  	_ =	shalt  }
0x68: {  	_ =	shalt  }
0x69: {  	_ =	shalt  }
0x6a: {  	_ =	shalt  }
0x6b: {  	_ =	shalt  }
0x6c: {  	_ =	shalt  }
0x6d: {  	_ =	shalt  }
0x6e: {  	_ =	shalt  }
0x6f: {  	_ =	shalt  }
0x70: {  	_ =	shalt  }
0x71: {  	_ =	shalt  }
0x72: {  	_ =	shalt  }
0x73: {  	_ =	shalt  }
0x74: {  	_ =	shalt  }
0x75: {  	_ =	shalt  }
0x76: {  	_ =	shalt  }
0x77: {  	_ =	shalt  }
0x78: {  	_ =	shalt  }
0x79: {  	_ =	shalt  }
0x7a: {  	_ =	shalt  }
0x7b: {  	_ =	shalt  }
0x7c: {  	_ =	shalt  }
0x7d: {  	_ =	shalt  }
0x7e: {  	_ =	shalt  }
0x7f: {  	_ =	shalt  }
0x80: {  	_ =	shalt  }
0x81: {  	_ =	shalt  }
0x82: {  	_ =	shalt  }
0x83: {  	_ =	shalt  }
0x84: {  	_ =	shalt  }
0x85: {  	_ =	shalt  }
0x86: {  	_ =	shalt  }
0x87: {  	_ =	shalt  }
.Lfunc_end0:
.L_simem_size_0:
called_computation_lowered:
.L_overlay_start_0:
0x88: {  	s2 =	sld [smem:$0x3FD9]  }
0x89: {  	s3 =	sld [smem:$0x3FFE];
	_ =	sdelay $0x1  }
0x8a: {  	s1 =	srdreg.scid  }
0x8b: {  	s0 =	sand.u32 $0x1, s1  }
0x8c: {  	s16 =	sshll.u32 s0, $0xA;
	s2 =	sadd.s32 s3, s2  }
0x8d: {  	s2 =	sadd.s32 s2, s16  }
0x8e: {  	[smem:$0x3FC2] =	sst s2  }
0x8f: {  	_ = 	snop  }
0x90: {  	(tm) =	ssettm $0x1  }
0x91: {  	s17 =	sld [smem:$0x3FFB];
	_ =	sdelay $0x3  }
0x92: {  	_ =	strace s17  }
0x93: {  	s2 =	sld [smem:$0x3FFC];
	_ =	sdelay $0x3  }
0x94: {  	_ =	strace s2  }
0x95: {  	s2 =	sld [smem:$0x3FFD];
	_ =	sdelay $0x3  }
0x96: {  	_ =	strace s2  }
0x97: {  	_ =	strace $0x8FFFFFFF  }
0x98: {  	s18 =	sld [smem:$0x3FDB];
	_ =	sdelay $0x1  }
0x99: {  	s19 =	simm.s32 $_scs_section_size  }
0x9a: {  	s4 =	simm.s32 $_size__tile_overlayer_lowered;
	s5 =	simm.s32 $_tile_overlayer_lowered  }
0x9b: {  	s22 =	simm.s32 $0x1BFF;
	s21 =	sshll.u32 s5, $0x1;
	s2 =	sadd.s32 s19, s18  }
0x9c: {  	s6 =	simm.s32 $0x0;
	s20 =	sshll.u32 s4, $0x1;
	s4 =	sadd.s32 s21, s2  }
0x9d: {  	[timem:s6], [sflag:s22] =	dma.local [hbm:s4], s20  }
0x9e: {  	_ =	swait.ge [sflag:s22], s20  }
0x9f: {  	s3 =	ssub.s32 $0x0, s20;
	[sflag:s22] =	ssyncset.done $0x0  }
0xa0: {  	[sflag:s22] =	ssyncadd.s32 s3;
	_ =	sdelay $0x1  }
0xa1: {  	s23 =	simm.s32 $0x1B8B  }
0xa2: {  	_ =	swait.ge [sflag:s23], $0x1  }
0xa3: {  	[sflag:s23] =	ssyncset.done $0x0  }
0xa4: {  	s25 =	simm.s32 $0x1B8E;
	s24 =	sld [smem:$0x3FFE];
	[sflag:s23] =	ssyncadd.s32 $0xFFFFFFFF  }
0xa5: {  	s26 =	simm.s32 $execute0_lowered;
	[smem:$0x3FD2] =	sst s25  }
0xa6: {  	s4 =	sshll.u32 s26, $0x1;
	_ =	strace $0x80000046;
	[dreg:$0x1] =	wrdreg $0xFFFFFFFF  }
0xa7: {  	s28 =	simm.s32 $_size_execute0_lowered;
	s2 =	sadd.s32 s2, s4;
	[dreg:$0x0] =	wrdreg $0x0  }
0xa8: {  	s4 =	sshll.u32 s28, $0x1;
	[dreg:$0x2] =	wrdreg s2  }
0xa9: {  	[dreg:$0x3] =	wrdreg s4  }
0xaa: {  	[dreg:$0x4] =	wrdreg $0xC0  }
0xab: {  	_ =	task [dreg:s6], $0x5FFFF  }
0xac: {  	[dreg:$0x1] =	wrdreg $0xFFFFFFFF  }
0xad: {  	[dreg:$0x0] =	wrdreg $0x60  }
0xae: {  	[dreg:$0x2] =	wrdreg s24  }
0xaf: {  	[dreg:$0x3] =	wrdreg $0x9  }
0xb0: {  	_ =	task.clear_ibuf [dreg:s6], $0x4FFFF;
	_ =	strace $0x90000046  }
0xb1: {  	s29 =	simm.s32 $0x9;
	_ =	strace $0x80000048  }
0xb2: {  	_ =	swait.ge [sflag:s29], $0x1  }
0xb3: {  	[sflag:s29] =	ssyncadd.s32 $0xFFFFFFFF  }
0xb4: {  	_ =	strace $0x90000048  }
0xb5: {  	_ =	sfence  }
0xb6: {  	s30 =	sld [smem:$0x0];
	_ =	sdelay $0x2  }
0xb7: {  	s31 =	sshll.u32 s1, $0xD;
	s1 =	sshrl.u32 s1, $0x2  }
0xb8: {  	s3 =	sand.u32 $0x4000, s31;
	s1 =	sadd.s32 s1, s30  }
0xb9: {  	s0 =	sor.u32 s3, s0;
	s1 =	sshll.u32 s1, $0x11  }
0xba: {  	s0 =	sor.u32 s1, s0  }
0xbb: {  	s0 =	sadd.s32 $0x8F2B, s0  }
0xbc: {  	[sflag:s0] =	ssyncadd.remote.s32 $0x1  }
0xbd: {  	_ =	sfence.sel $0xFFFF  }
0xbe: {  	[dreg:$0x0] =	wrdreg $0xFFFFFFFF;
	(pc) =	sbr.abs _section_cstart, $3  }
0xbf: {  	[dreg:$0x1] =	wrdreg $0xFFFFFFFF  }
0xc0: {  	_ =	task.clear_ibuf [dreg:s6], $0x2FFFF;
	_ =	strace $0x9FFFFFFF  }
0xc1: {  	(tm) =	ssettm $0x7FFFFFFF  }
tec
execute0_lowered:
.L_overlay_start_1:
0x0: {  	(tag) =	ssettag $0x1  }
0x1: {  	s5 =	rddreg [dreg:$0x0];
	s2 =	srdreg.scid  }
0x2: {  	s1 =	stileid.u32;
	s0 =	rddreg [dreg:$0x1];
	s10 =	simm.s32 $0x1  }
0x3: {  	s11 =	simm.s32 $0xC400;
	s12 =	simm.s32 $0x80;
	s13 =	simm.s32 $0x400  }
0x4: {  	s14 =	simm.s32 $0x0;
	s4 =	sand.u32 $0x1, s2;
	s3 =	sshll.u32 s1, $0x1  }
0x5: {  	s2 =	simm.s32 $0x0;
	s29 =	sshrl.u32 s1, $0x2;
	s6 =	sor.u32 s4, s3  }
0x6: {  	[smem:$0x7FF] =	sst s2;
	s7 =	smul.u32 $0x62000, s29;
	s30 =	sshll.u32 s6, $0x7  }
0x7: {  	s3 =	sadd.s32 $0x19C00, s5;
	s31 =	ssub.s32 $0x2, s4;
	s8 =	sand.u32 $0x380, s30  }
0x8: {  	s4 =	sadd.s32 $0x1400, s5;
	s9 =	sshrl.u32 s31, $0x1;
	s7 =	sor.u32 s7, s8  }
0x9: {  	_ =	strace $0x80000047;
	s8 =	ssub.s32 s31, s9;
	s7 =	sshrl.u32 s7, $0x3  }
0xa: {  	s9 =	simm.s32 $0x18800;
	s8 =	smax.u32 s8, $0x1;
	s7 =	sadd.s32 s7, s5  }
0xb: {  	v0 =	vimm.f32 $0.0e+00;
	v1 =	vimm.f32 $1.000000000e+00;
	vm0 =	vcmask $0x3F20;
	s5 =	smul.u32 $0x61A8, s6;
	s6 =	sadd.s32 $0x32400, s7;
	s7 =	sadd.s32 $0x63400, s7  }
.LBB2_1:
0xc: {  	s16 =	simm.s32 $0x40  }
0xd: {  	s15 =	simm.s32 $0xC440;
	[tilespmem:s16+$0xFFFFFFC0] =	vst v0  }
0xe: {  	[tilespmem:s15+$0xFFFFFFC0] =	vst v0  }
0xf: {  	[tilespmem:s16+$0xFFFFFFD0] =	vst v0  }
0x10: {  	[tilespmem:s15+$0xFFFFFFD0] =	vst v0  }
0x11: {  	[tilespmem:s16+$0xFFFFFFE0] =	vst v0  }
0x12: {  	[tilespmem:s15+$0xFFFFFFE0] =	vst v0  }
0x13: {  	[tilespmem:s16+$0xFFFFFFF0] =	vst v0  }
0x14: {  	[tilespmem:s15+$0xFFFFFFF0] =	vst v0  }
0x15: {  	[tilespmem:s16+$0x0] =	vst v0  }
0x16: {  	[tilespmem:s15+$0x0] =	vst v0  }
0x17: {  	[tilespmem:s16+$0x10] =	vst v0  }
0x18: {  	[tilespmem:s15+$0x10] =	vst v0  }
0x19: {  	[tilespmem:s16+$0x20] =	vst v0  }
0x1a: {  	[tilespmem:s15+$0x20] =	vst v0  }
0x1b: {  	[tilespmem:s16+$0x30] =	vst v0  }
0x1c: {  	s17 =	simm.s32 $0x0;
	s18 =	simm.s32 $0xC0;
	[tilespmem:s15+$0x30] =	vst v0  }
.LBB2_2:
0x1d: {  	[tilespmem:s18+$0xFFFFFFC0] =	vst v0;
	s15 =	sadd.s32 $0x80, s15  }
0x1e: {  	[tilespmem:s15+$0xFFFFFFC0] =	vst v0  }
0x1f: {  	[tilespmem:s18+$0xFFFFFFD0] =	vst v0  }
0x20: {  	[tilespmem:s15+$0xFFFFFFD0] =	vst v0  }
0x21: {  	[tilespmem:s18+$0xFFFFFFE0] =	vst v0  }
0x22: {  	[tilespmem:s15+$0xFFFFFFE0] =	vst v0  }
0x23: {  	[tilespmem:s18+$0xFFFFFFF0] =	vst v0  }
0x24: {  	[tilespmem:s15+$0xFFFFFFF0] =	vst v0  }
0x25: {  	[tilespmem:s18+$0x0] =	vst v0  }
0x26: {  	s17 =	sadd.s32 $0x8, s17;
	[tilespmem:s15+$0x0] =	vst v0  }
0x27: {  	p0 =	slt.u32 s17, $0xC38;
	[tilespmem:s18+$0x10] =	vst v0  }
.Ltmp0:
0x28: {  	[tilespmem:s15+$0x10] =	vst v0;
	(pc) =	sbr.rel @p0 .LBB2_2-.Ltmp0, $4  }
0x29: {  	[tilespmem:s18+$0x20] =	vst v0  }
0x2a: {  	[tilespmem:s15+$0x20] =	vst v0  }
0x2b: {  	[tilespmem:s18+$0x30] =	vst v0  }
0x2c: {  	s16 =	simm.s32 $0x0;
	s18 =	sadd.s32 $0x80, s18;
	[tilespmem:s15+$0x30] =	vst v0  }
.LBB2_3:
0x2d: {  	s15 =	smul.u32 $0x1388, s16;
	_ =	sdelay $0x1  }
0x2e: {  	s15 =	sadd.s32 s5, s15  }
0x2f: {  	s15 =	sshrl.u32 s15, $0x3  }
0x30: {  	s15 =	sadd.s32 s3, s15  }
0x31: {  	[tilespmem:s9], [sflag:$0x1] =	stream.linear.gather [hbm4b:s15+s2], $0x1388, $0x38;
	[tilespmem:$0x19C00] =	vst v63  }
0x32: {  	_ =	swait.ge [sflag:s10], $0x1388  }
0x33: {  	[sflag:s10] =	ssyncset.done $0x0  }
0x34: {  	s17 =	simm.s32 $0x18840;
	s15 =	simm.s32 $0xFFFFFFF8;
	[sflag:s10] =	ssyncadd.s32 $0xFFFFEC78  }
.LBB2_4:
0x35: {  	v2 =	vld [tilespmem:s17+$0xFFFFFFC0];
	_ =	sdelay $0x7  }
0x36: {  	[tilespmem:v2+s2+$0x0] =	vst.idx.add.f32.msk $0xffff, v1  }
0x37: {  	v2 =	vld [tilespmem:s17+$0xFFFFFFD0];
	_ =	sdelay $0x7  }
0x38: {  	[tilespmem:v2+s2+$0x0] =	vst.idx.add.f32.msk $0xffff, v1  }
0x39: {  	v2 =	vld [tilespmem:s17+$0xFFFFFFE0];
	_ =	sdelay $0x7  }
0x3a: {  	[tilespmem:v2+s2+$0x0] =	vst.idx.add.f32.msk $0xffff, v1  }
0x3b: {  	v2 =	vld [tilespmem:s17+$0xFFFFFFF0];
	_ =	sdelay $0x7  }
0x3c: {  	[tilespmem:v2+s2+$0x0] =	vst.idx.add.f32.msk $0xffff, v1  }
0x3d: {  	v2 =	vld [tilespmem:s17+$0x0];
	_ =	sdelay $0x7  }
0x3e: {  	[tilespmem:v2+s2+$0x0] =	vst.idx.add.f32.msk $0xffff, v1  }
0x3f: {  	v2 =	vld [tilespmem:s17+$0x10];
	_ =	sdelay $0x7  }
0x40: {  	[tilespmem:v2+s2+$0x0] =	vst.idx.add.f32.msk $0xffff, v1  }
0x41: {  	v2 =	vld [tilespmem:s17+$0x20];
	_ =	sdelay $0x7  }
0x42: {  	[tilespmem:v2+s2+$0x0] =	vst.idx.add.f32.msk $0xffff, v1  }
0x43: {  	v2 =	vld [tilespmem:s17+$0x30];
	_ =	sdelay $0x1  }
0x44: {  	s15 =	sadd.s32 $0x8, s15  }
0x45: {  	p0 =	slt.u32 s15, $0x130  }
.Ltmp1:
0x46: {  	_ = 	snop;
	(pc) =	sbr.rel @p0 .LBB2_4-.Ltmp1, $2  }
0x47: {  	_ =	sdelay $0x2  }
0x48: {  	s17 =	sadd.s32 $0x80, s17;
	[tilespmem:v2+s2+$0x0] =	vst.idx.add.f32.msk $0xffff, v1  }
0x49: {  	v2 =	vld [tilespmem:$0x19B78];
	_ =	sdelay $0x1  }
0x4a: {  	s16 =	sadd.s32 $0x1, s16  }
0x4b: {  	p0 =	sne.s32 s16, $0x5  }
.Ltmp2:
0x4c: {  	_ = 	snop;
	(pc) =	sbr.rel @p0 .LBB2_3-.Ltmp2, $3  }
0x4d: {  	_ =	sdelay $0x1  }
0x4e: {  	s15 =	simm.s32 $0x0  }
0x4f: {  	[tilespmem:v2+s15+$0x0] =	vst.idx.add.f32.msk vm0, v1  }
.LBB2_6:
0x50: {  	s16 =	smul.u32 $0x1388, s15;
	_ =	sdelay $0x1  }
0x51: {  	s16 =	sadd.s32 s5, s16  }
0x52: {  	s16 =	sshrl.u32 s16, $0x3  }
0x53: {  	s16 =	sadd.s32 s4, s16  }
0x54: {  	[tilespmem:s9], [sflag:$0x1] =	stream.linear.gather [hbm4b:s16+s2], $0x1388, $0x38;
	[tilespmem:$0x19C00] =	vst v63  }
0x55: {  	_ =	swait.ge [sflag:s10], $0x1388  }
0x56: {  	[sflag:s10] =	ssyncset.done $0x0  }
0x57: {  	s17 =	simm.s32 $0x18840;
	s16 =	simm.s32 $0xFFFFFFF8;
	[sflag:s10] =	ssyncadd.s32 $0xFFFFEC78  }
.LBB2_7:
0x58: {  	v2 =	vld [tilespmem:s17+$0xFFFFFFC0];
	_ =	sdelay $0x7  }
0x59: {  	[tilespmem:v2+s11+$0x0] =	vst.idx.add.f32.msk $0xffff, v1  }
0x5a: {  	v2 =	vld [tilespmem:s17+$0xFFFFFFD0];
	_ =	sdelay $0x7  }
0x5b: {  	[tilespmem:v2+s11+$0x0] =	vst.idx.add.f32.msk $0xffff, v1  }
0x5c: {  	v2 =	vld [tilespmem:s17+$0xFFFFFFE0];
	_ =	sdelay $0x7  }
0x5d: {  	[tilespmem:v2+s11+$0x0] =	vst.idx.add.f32.msk $0xffff, v1  }
0x5e: {  	v2 =	vld [tilespmem:s17+$0xFFFFFFF0];
	_ =	sdelay $0x7  }
0x5f: {  	[tilespmem:v2+s11+$0x0] =	vst.idx.add.f32.msk $0xffff, v1  }
0x60: {  	v2 =	vld [tilespmem:s17+$0x0];
	_ =	sdelay $0x7  }
0x61: {  	[tilespmem:v2+s11+$0x0] =	vst.idx.add.f32.msk $0xffff, v1  }
0x62: {  	v2 =	vld [tilespmem:s17+$0x10];
	_ =	sdelay $0x7  }
0x63: {  	[tilespmem:v2+s11+$0x0] =	vst.idx.add.f32.msk $0xffff, v1  }
0x64: {  	v2 =	vld [tilespmem:s17+$0x20];
	_ =	sdelay $0x7  }
0x65: {  	[tilespmem:v2+s11+$0x0] =	vst.idx.add.f32.msk $0xffff, v1  }
0x66: {  	v2 =	vld [tilespmem:s17+$0x30];
	_ =	sdelay $0x1  }
0x67: {  	s16 =	sadd.s32 $0x8, s16  }
0x68: {  	p0 =	slt.u32 s16, $0x130  }
.Ltmp3:
0x69: {  	_ = 	snop;
	(pc) =	sbr.rel @p0 .LBB2_7-.Ltmp3, $2  }
0x6a: {  	_ =	sdelay $0x2  }
0x6b: {  	s17 =	sadd.s32 $0x80, s17;
	[tilespmem:v2+s11+$0x0] =	vst.idx.add.f32.msk $0xffff, v1  }
0x6c: {  	v2 =	vld [tilespmem:$0x19B78];
	_ =	sdelay $0x1  }
0x6d: {  	s15 =	sadd.s32 $0x1, s15  }
0x6e: {  	p0 =	sne.s32 s15, $0x5  }
.Ltmp4:
0x6f: {  	_ = 	snop;
	(pc) =	sbr.rel @p0 .LBB2_6-.Ltmp4, $2  }
0x70: {  	_ =	sdelay $0x2  }
0x71: {  	[tilespmem:v2+s11+$0x0] =	vst.idx.add.f32.msk vm0, v1  }
0x72: {  	[hbm4b:s6+s12] =	stream.strided.scatter [tilespmem:s2], [sflag:$0x1], $0xC400, s13, s12, $0x38;
	[tilespmem:$0x19C00] =	vst v63  }
0x73: {  	s14 =	sadd.s32 $0x1, s14;
	_ =	swait.ge [sflag:s10], $0xC400  }
0x74: {  	p0 =	sne.s32 s14, s8;
	[sflag:s10] =	ssyncset.done $0x0  }
.Ltmp5:
0x75: {  	[sflag:s10] =	ssyncadd.s32 $0xFFFF3C00;
	(pc) =	sbr.rel @p0 .LBB2_1-.Ltmp5, $4  }
0x76: {  	[hbm4b:s7+s12] =	stream.strided.scatter [tilespmem:s11], [sflag:$0x1], $0xC400, s13, s12, $0x38;
	[tilespmem:$0x19C00] =	vst v63  }
0x77: {  	_ =	swait.ge [sflag:s10], $0xC400  }
0x78: {  	[sflag:s10] =	ssyncset.done $0x0  }
0x79: {  	[sflag:s10] =	ssyncadd.s32 $0xFFFF3C00  }
0x7a: {  	_ =	sfence.sel $0x180000  }
0x7b: {  	[bflag:$0x0] =	sbarrier.arrive $0xFFFF  }
0x7c: {  	p0 =	sne.s32 s1, $0x0;
	_ =	strace $0x90000047  }
0x7d: {  	s0 =	sadd.s32 @!p0 $0x100000, s0;
	[bflag:$0x2] =	sbarrier.arrive $0xFFFF  }
0x7e: {  	[sflag:s0] =	ssyncadd.tile.s32 @!p0 $0x1;
	_ =	shalt  }
.Lfunc_end2:
_tile_overlayer_lowered:
.L_overlay_start_2:
0x7f: {  	(tag) =	ssettag $0x2  }
0x80: {  	s0 =	rddreg [dreg:$0x0];
	s2 =	stileid.u32  }
0x81: {  	s1 =	rddreg [dreg:$0x1];
	p0 =	sne.s32 s2, $0x0  }
0x82: {  	s3 =	rddreg [dreg:$0x2];
	[bflag:$0x3] =	sbarrier.arrive $0xFFFF;
	s2 =	simm.s32 @!p0 $0x1C01  }
0x83: {  	[timem:s3], [sflag:s2] =	dma.local @!p0 [hbm:s0], s1  }
0x84: {  	s0 =	simm.s32 @!p0 $0x1  }
0x85: {  	_ =	swait.ge @!p0 [sflag:s0], s1  }
0x86: {  	s1 =	ssub.s32 @!p0 $0x0, s1;
	[sflag:s0] =	ssyncset.done @!p0 $0x0  }
0x87: {  	[sflag:s0] =	ssyncadd.s32 @!p0 s1  }
0x88: {  	[bflag:$0x3] =	sbarrier.arrive $0xFFFF  }
0x89: {  	_ =	shalt  }

</sc_bundles>
